<compile_context>
chip_gen: v7x
topology: tpu7x:2x2x1
jax: 0.10.2.dev20260603
libtpu: 0.0.44.dev20260713+nightly
codegen_flags: <defaults>
</compile_context>

<pallas_src>
import functools

import jax
import jax.numpy as jnp
from jax import lax
from jax.experimental import pallas as pl
from jax.experimental.pallas import tpu as pltpu
from jax.experimental.pallas import tpu_sc as plsc

DIM = 32
GROUP = 128 // DIM
NW = 32
LANES = 16
BQ = 256
HIST = 50
NCH = (16384 // NW // BQ) * HIST


@jax.jit
def _sc_gather(ids_flat, table4):
    mesh = plsc.VectorSubcoreMesh(core_axis_name="c", subcore_axis_name="s")

    @functools.partial(
        pl.kernel,
        mesh=mesh,
        out_type=jax.ShapeDtypeStruct((HIST, DIM, 16384), jnp.float32),
        scratch_types=[
            pltpu.VMEM((BQ,), jnp.int32),
            pltpu.VMEM((BQ,), jnp.int32),
            pltpu.VMEM((BQ,), jnp.int32),
            pltpu.VMEM((BQ,), jnp.int32),
            pltpu.VMEM((BQ, 128), jnp.float32),
            pltpu.VMEM((BQ, 128), jnp.float32),
            pltpu.VMEM((DIM, BQ), jnp.float32),
            pltpu.VMEM((DIM, BQ), jnp.float32),
            pltpu.SemaphoreType.DMA,
            pltpu.SemaphoreType.DMA,
            pltpu.SemaphoreType.DMA,
            pltpu.SemaphoreType.DMA,
            pltpu.SemaphoreType.DMA,
            pltpu.SemaphoreType.DMA,
        ],
        compiler_params=pltpu.CompilerParams(
            use_tc_tiling_on_sc=False, needs_layout_passes=False),
    )
    def k(ids_hbm, table_hbm, out_hbm, idx0, idx1, grp0, grp1, row0, row1,
          col0, col1, i0, i1, g0, g1, w0, w1):
        idxs = (idx0, idx1)
        grps = (grp0, grp1)
        rows = (row0, row1)
        colb = (col0, col1)
        isem = (i0, i1)
        gsem = (g0, g1)
        wsem = (w0, w1)
        wid = lax.axis_index("s") * 2 + lax.axis_index("c")
        b0 = wid * (16384 // NW)
        iota = lax.iota(jnp.int32, LANES)
        diag = [
            ((iota + d0) & (LANES - 1)) + LANES * dhi
            for dhi in range(DIM // LANES)
            for d0 in range(LANES)
        ]

        def src_off(c):
            l = c // 2
            return l * 16384 + b0 + (c % 2) * BQ

        def idx_start(c, p):
            pltpu.async_copy(
                ids_hbm.at[pl.ds(src_off(c), BQ)], idxs[p], isem[p])

        def idx_wait(p):
            pltpu.make_async_copy(
                ids_hbm.at[pl.ds(b0, BQ)], idxs[p], isem[p]).wait()

        def grp_compute(p):
            def gbody(j, gcarry):
                v = idxs[p][pl.ds(j * LANES, LANES)]
                grps[p][pl.ds(j * LANES, LANES)] = v >> 2
                return gcarry

            lax.fori_loop(0, BQ // LANES, gbody, 0)

        def gather_start(p):
            pltpu.async_copy(table_hbm.at[grps[p]], rows[p], gsem[p])

        def gather_wait(p):
            pltpu.make_async_copy(
                table_hbm.at[grps[p]], rows[p], gsem[p]).wait()

        def write_start(c, p):
            l = c // 2
            boff = b0 + (c % 2) * BQ
            pltpu.async_copy(
                colb[p], out_hbm.at[l, :, pl.ds(boff, BQ)], wsem[p])

        def write_wait(p):
            pltpu.make_async_copy(
                colb[p], out_hbm.at[0, :, pl.ds(b0, BQ)], wsem[p]).wait()

        def transpose(p):
            def tbody(bb, tcarry):
                ridx = iota + bb * LANES
                sub = (idxs[p][pl.ds(bb * LANES, LANES)] & 3) << 5
                for cidx in diag:
                    v = plsc.load_gather(rows[p], [ridx, sub + cidx])
                    plsc.store_scatter(colb[p], [cidx, ridx], v)
                return tcarry

            lax.fori_loop(0, BQ // LANES, tbody, 0)

        idx_start(0, 0)
        idx_wait(0)
        grp_compute(0)
        gather_start(0)
        idx_start(1, 1)
        for c in (0, 1):
            p, q = c % 2, 1 - c % 2
            idx_wait(q)
            grp_compute(q)
            gather_start(q)
            gather_wait(p)
            transpose(p)
            write_start(c, p)
            idx_start(c + 2, p)

        def pair_body(pr, carry):
            for sub in range(2):
                c = 2 * pr + sub
                p, q = sub, 1 - sub
                idx_wait(q)
                grp_compute(q)
                gather_start(q)
                gather_wait(p)
                write_wait(p)
                transpose(p)
                write_start(c, p)
                idx_start(c + 2, p)
            return carry

        lax.fori_loop(1, NCH // 2 - 1, pair_body, 0)

        idx_wait(1)
        grp_compute(1)
        gather_start(1)
        gather_wait(0)
        write_wait(0)
        transpose(0)
        write_start(NCH - 2, 0)
        gather_wait(1)
        write_wait(1)
        transpose(1)
        write_start(NCH - 1, 1)
        write_wait(0)
        write_wait(1)

    return k(ids_flat, table4)


def kernel(ids, table):
    ids_flat = jnp.transpose(ids).reshape(-1).astype(jnp.int32)
    table4 = table.reshape(250000, 128)
    out_rm = _sc_gather(ids_flat, table4)
    return jnp.transpose(out_rm, (2, 0, 1))

# --- scband reference (transcript-rebuilt; emitter-appended) ---
"""Pipeline reference for scband-embedding-table-41497974014107 (READ-ONLY COPY).

The authoritative reference and input builder live on the scoring server;
editing this copy changes nothing except your own understanding.
"""

import jax, jax.numpy as jnp
import numpy as np

VOCAB = 1000000
DIM = 32
BATCH = 16384
HIST = 50

def setup_inputs(seed: int = 0) -> dict:
    key = jax.random.key(seed)
    k_ids, k_tab = jax.random.split(key)
    ids = jax.random.randint(k_ids, (BATCH, HIST), 0, VOCAB, dtype=jnp.int64 if jax.config.jax_enable_x64 else jnp.int32)
    table = jax.random.normal(k_tab, (VOCAB, DIM), dtype=jnp.float32) * 0.01
    return {"ids": ids, "table": table}

def reference(ids, table):
    # EmbeddingTable.forward_tensor: out = self.table(ids) -> plain embedding lookup
    # (no combiner configured, so output keeps [B, L, D] shape)
    out = jnp.take(table, ids, axis=0)
    return out

if __name__ == "__main__":
    import jax
    _d = setup_inputs()
    print(jax.jit(kernel)(*tuple(_d.values())))

</pallas_src>

<mosaic_0001>
#map = affine_map<(d0, d1) -> (0)>
#map1 = affine_map<(d0, d1) -> (0, 0)>
#map2 = affine_map<(d0, d1) -> (0, 0, 0)>
module attributes {stable_mosaic.version = 14 : i64} {
  func.func @k(%arg0: i32, %arg1: i32, %arg2: memref<819200xi32, #tpu.memory_space<hbm>>, %arg3: memref<250000x128xf32, #tpu.memory_space<hbm>>, %arg4: memref<50x32x16384xf32, #tpu.memory_space<hbm>>, %arg5: memref<256xi32, #tpu.memory_space<vmem>>, %arg6: memref<256xi32, #tpu.memory_space<vmem>>, %arg7: memref<256xi32, #tpu.memory_space<vmem>>, %arg8: memref<256xi32, #tpu.memory_space<vmem>>, %arg9: memref<256x128xf32, #tpu.memory_space<vmem>>, %arg10: memref<256x128xf32, #tpu.memory_space<vmem>>, %arg11: memref<32x256xf32, #tpu.memory_space<vmem>>, %arg12: memref<32x256xf32, #tpu.memory_space<vmem>>, %arg13: memref<!tpu.dma_semaphore, #tpu.memory_space<semaphore_mem>>, %arg14: memref<!tpu.dma_semaphore, #tpu.memory_space<semaphore_mem>>, %arg15: memref<!tpu.dma_semaphore, #tpu.memory_space<semaphore_mem>>, %arg16: memref<!tpu.dma_semaphore, #tpu.memory_space<semaphore_mem>>, %arg17: memref<!tpu.dma_semaphore, #tpu.memory_space<semaphore_mem>>, %arg18: memref<!tpu.dma_semaphore, #tpu.memory_space<semaphore_mem>>) attributes {dimension_semantics = [#tpu.dimension_semantics<core_parallel>, #tpu.dimension_semantics<subcore_parallel>], iteration_bounds = array<i64: 2, 16>, scalar_prefetch = 0 : i64, scratch_operands = 14 : i64, tpu.core_type = #tpu.core_type<sc_vector_subcore>, window_params = [{transform_indices = #map}, {transform_indices = #map1}, {transform_indices = #map2}]} {
    %mul3A = arith.constant 2 : i32
    %mul3A_0 = arith.muli %arg1, %mul3A : i32
    %add3A = arith.addi %mul3A_0, %arg0 : i32
    %mul3A_1 = arith.constant 512 : i32
    %mul3A_2 = arith.muli %add3A, %mul3A_1 : i32
    %iota3A = tpu.iota {dimensions = array<i32: 0>} : vector<16xi32>
    %add3A_3 = arith.constant 0 : i32
    %add3A_4 = vector.broadcast %add3A_3 : i32 to vector<16xi32>
    %add3A_5 = arith.addi %iota3A, %add3A_4 : vector<16xi32>
    %and3A = arith.constant 15 : i32
    %and3A_6 = vector.broadcast %and3A : i32 to vector<16xi32>
    %and3A_7 = arith.andi %add3A_5, %and3A_6 : vector<16xi32>
    %add3A_8 = arith.constant 0 : i32
    %add3A_9 = vector.broadcast %add3A_8 : i32 to vector<16xi32>
    %add3A_10 = arith.addi %and3A_7, %add3A_9 : vector<16xi32>
    %add3A_11 = arith.constant 1 : i32
    %add3A_12 = vector.broadcast %add3A_11 : i32 to vector<16xi32>
    %add3A_13 = arith.addi %iota3A, %add3A_12 : vector<16xi32>
    %and3A_14 = arith.constant 15 : i32
    %and3A_15 = vector.broadcast %and3A_14 : i32 to vector<16xi32>
    %and3A_16 = arith.andi %add3A_13, %and3A_15 : vector<16xi32>
    %add3A_17 = arith.constant 0 : i32
    %add3A_18 = vector.broadcast %add3A_17 : i32 to vector<16xi32>
    %add3A_19 = arith.addi %and3A_16, %add3A_18 : vector<16xi32>
    %add3A_20 = arith.constant 2 : i32
    %add3A_21 = vector.broadcast %add3A_20 : i32 to vector<16xi32>
    %add3A_22 = arith.addi %iota3A, %add3A_21 : vector<16xi32>
    %and3A_23 = arith.constant 15 : i32
    %and3A_24 = vector.broadcast %and3A_23 : i32 to vector<16xi32>
    %and3A_25 = arith.andi %add3A_22, %and3A_24 : vector<16xi32>
    %add3A_26 = arith.constant 0 : i32
    %add3A_27 = vector.broadcast %add3A_26 : i32 to vector<16xi32>
    %add3A_28 = arith.addi %and3A_25, %add3A_27 : vector<16xi32>
    %add3A_29 = arith.constant 3 : i32
    %add3A_30 = vector.broadcast %add3A_29 : i32 to vector<16xi32>
    %add3A_31 = arith.addi %iota3A, %add3A_30 : vector<16xi32>
    %and3A_32 = arith.constant 15 : i32
    %and3A_33 = vector.broadcast %and3A_32 : i32 to vector<16xi32>
    %and3A_34 = arith.andi %add3A_31, %and3A_33 : vector<16xi32>
    %add3A_35 = arith.constant 0 : i32
    %add3A_36 = vector.broadcast %add3A_35 : i32 to vector<16xi32>
    %add3A_37 = arith.addi %and3A_34, %add3A_36 : vector<16xi32>
    %add3A_38 = arith.constant 4 : i32
    %add3A_39 = vector.broadcast %add3A_38 : i32 to vector<16xi32>
    %add3A_40 = arith.addi %iota3A, %add3A_39 : vector<16xi32>
    %and3A_41 = arith.constant 15 : i32
    %and3A_42 = vector.broadcast %and3A_41 : i32 to vector<16xi32>
    %and3A_43 = arith.andi %add3A_40, %and3A_42 : vector<16xi32>
    %add3A_44 = arith.constant 0 : i32
    %add3A_45 = vector.broadcast %add3A_44 : i32 to vector<16xi32>
    %add3A_46 = arith.addi %and3A_43, %add3A_45 : vector<16xi32>
    %add3A_47 = arith.constant 5 : i32
    %add3A_48 = vector.broadcast %add3A_47 : i32 to vector<16xi32>
    %add3A_49 = arith.addi %iota3A, %add3A_48 : vector<16xi32>
    %and3A_50 = arith.constant 15 : i32
    %and3A_51 = vector.broadcast %and3A_50 : i32 to vector<16xi32>
    %and3A_52 = arith.andi %add3A_49, %and3A_51 : vector<16xi32>
    %add3A_53 = arith.constant 0 : i32
    %add3A_54 = vector.broadcast %add3A_53 : i32 to vector<16xi32>
    %add3A_55 = arith.addi %and3A_52, %add3A_54 : vector<16xi32>
    %add3A_56 = arith.constant 6 : i32
    %add3A_57 = vector.broadcast %add3A_56 : i32 to vector<16xi32>
    %add3A_58 = arith.addi %iota3A, %add3A_57 : vector<16xi32>
    %and3A_59 = arith.constant 15 : i32
    %and3A_60 = vector.broadcast %and3A_59 : i32 to vector<16xi32>
    %and3A_61 = arith.andi %add3A_58, %and3A_60 : vector<16xi32>
    %add3A_62 = arith.constant 0 : i32
    %add3A_63 = vector.broadcast %add3A_62 : i32 to vector<16xi32>
    %add3A_64 = arith.addi %and3A_61, %add3A_63 : vector<16xi32>
    %add3A_65 = arith.constant 7 : i32
    %add3A_66 = vector.broadcast %add3A_65 : i32 to vector<16xi32>
    %add3A_67 = arith.addi %iota3A, %add3A_66 : vector<16xi32>
    %and3A_68 = arith.constant 15 : i32
    %and3A_69 = vector.broadcast %and3A_68 : i32 to vector<16xi32>
    %and3A_70 = arith.andi %add3A_67, %and3A_69 : vector<16xi32>
    %add3A_71 = arith.constant 0 : i32
    %add3A_72 = vector.broadcast %add3A_71 : i32 to vector<16xi32>
    %add3A_73 = arith.addi %and3A_70, %add3A_72 : vector<16xi32>
    %add3A_74 = arith.constant 8 : i32
    %add3A_75 = vector.broadcast %add3A_74 : i32 to vector<16xi32>
    %add3A_76 = arith.addi %iota3A, %add3A_75 : vector<16xi32>
    %and3A_77 = arith.constant 15 : i32
    %and3A_78 = vector.broadcast %and3A_77 : i32 to vector<16xi32>
    %and3A_79 = arith.andi %add3A_76, %and3A_78 : vector<16xi32>
    %add3A_80 = arith.constant 0 : i32
    %add3A_81 = vector.broadcast %add3A_80 : i32 to vector<16xi32>
    %add3A_82 = arith.addi %and3A_79, %add3A_81 : vector<16xi32>
    %add3A_83 = arith.constant 9 : i32
    %add3A_84 = vector.broadcast %add3A_83 : i32 to vector<16xi32>
    %add3A_85 = arith.addi %iota3A, %add3A_84 : vector<16xi32>
    %and3A_86 = arith.constant 15 : i32
    %and3A_87 = vector.broadcast %and3A_86 : i32 to vector<16xi32>
    %and3A_88 = arith.andi %add3A_85, %and3A_87 : vector<16xi32>
    %add3A_89 = arith.constant 0 : i32
    %add3A_90 = vector.broadcast %add3A_89 : i32 to vector<16xi32>
    %add3A_91 = arith.addi %and3A_88, %add3A_90 : vector<16xi32>
    %add3A_92 = arith.constant 10 : i32
    %add3A_93 = vector.broadcast %add3A_92 : i32 to vector<16xi32>
    %add3A_94 = arith.addi %iota3A, %add3A_93 : vector<16xi32>
    %and3A_95 = arith.constant 15 : i32
    %and3A_96 = vector.broadcast %and3A_95 : i32 to vector<16xi32>
    %and3A_97 = arith.andi %add3A_94, %and3A_96 : vector<16xi32>
    %add3A_98 = arith.constant 0 : i32
    %add3A_99 = vector.broadcast %add3A_98 : i32 to vector<16xi32>
    %add3A_100 = arith.addi %and3A_97, %add3A_99 : vector<16xi32>
    %add3A_101 = arith.constant 11 : i32
    %add3A_102 = vector.broadcast %add3A_101 : i32 to vector<16xi32>
    %add3A_103 = arith.addi %iota3A, %add3A_102 : vector<16xi32>
    %and3A_104 = arith.constant 15 : i32
    %and3A_105 = vector.broadcast %and3A_104 : i32 to vector<16xi32>
    %and3A_106 = arith.andi %add3A_103, %and3A_105 : vector<16xi32>
    %add3A_107 = arith.constant 0 : i32
    %add3A_108 = vector.broadcast %add3A_107 : i32 to vector<16xi32>
    %add3A_109 = arith.addi %and3A_106, %add3A_108 : vector<16xi32>
    %add3A_110 = arith.constant 12 : i32
    %add3A_111 = vector.broadcast %add3A_110 : i32 to vector<16xi32>
    %add3A_112 = arith.addi %iota3A, %add3A_111 : vector<16xi32>
    %and3A_113 = arith.constant 15 : i32
    %and3A_114 = vector.broadcast %and3A_113 : i32 to vector<16xi32>
    %and3A_115 = arith.andi %add3A_112, %and3A_114 : vector<16xi32>
    %add3A_116 = arith.constant 0 : i32
    %add3A_117 = vector.broadcast %add3A_116 : i32 to vector<16xi32>
    %add3A_118 = arith.addi %and3A_115, %add3A_117 : vector<16xi32>
    %add3A_119 = arith.constant 13 : i32
    %add3A_120 = vector.broadcast %add3A_119 : i32 to vector<16xi32>
    %add3A_121 = arith.addi %iota3A, %add3A_120 : vector<16xi32>
    %and3A_122 = arith.constant 15 : i32
    %and3A_123 = vector.broadcast %and3A_122 : i32 to vector<16xi32>
    %and3A_124 = arith.andi %add3A_121, %and3A_123 : vector<16xi32>
    %add3A_125 = arith.constant 0 : i32
    %add3A_126 = vector.broadcast %add3A_125 : i32 to vector<16xi32>
    %add3A_127 = arith.addi %and3A_124, %add3A_126 : vector<16xi32>
    %add3A_128 = arith.constant 14 : i32
    %add3A_129 = vector.broadcast %add3A_128 : i32 to vector<16xi32>
    %add3A_130 = arith.addi %iota3A, %add3A_129 : vector<16xi32>
    %and3A_131 = arith.constant 15 : i32
    %and3A_132 = vector.broadcast %and3A_131 : i32 to vector<16xi32>
    %and3A_133 = arith.andi %add3A_130, %and3A_132 : vector<16xi32>
    %add3A_134 = arith.constant 0 : i32
    %add3A_135 = vector.broadcast %add3A_134 : i32 to vector<16xi32>
    %add3A_136 = arith.addi %and3A_133, %add3A_135 : vector<16xi32>
    %add3A_137 = arith.constant 15 : i32
    %add3A_138 = vector.broadcast %add3A_137 : i32 to vector<16xi32>
    %add3A_139 = arith.addi %iota3A, %add3A_138 : vector<16xi32>
    %and3A_140 = arith.constant 15 : i32
    %and3A_141 = vector.broadcast %and3A_140 : i32 to vector<16xi32>
    %and3A_142 = arith.andi %add3A_139, %and3A_141 : vector<16xi32>
    %add3A_143 = arith.constant 0 : i32
    %add3A_144 = vector.broadcast %add3A_143 : i32 to vector<16xi32>
    %add3A_145 = arith.addi %and3A_142, %add3A_144 : vector<16xi32>
    %add3A_146 = arith.constant 0 : i32
    %add3A_147 = vector.broadcast %add3A_146 : i32 to vector<16xi32>
    %add3A_148 = arith.addi %iota3A, %add3A_147 : vector<16xi32>
    %and3A_149 = arith.constant 15 : i32
    %and3A_150 = vector.broadcast %and3A_149 : i32 to vector<16xi32>
    %and3A_151 = arith.andi %add3A_148, %and3A_150 : vector<16xi32>
    %add3A_152 = arith.constant 16 : i32
    %add3A_153 = vector.broadcast %add3A_152 : i32 to vector<16xi32>
    %add3A_154 = arith.addi %and3A_151, %add3A_153 : vector<16xi32>
    %add3A_155 = arith.constant 1 : i32
    %add3A_156 = vector.broadcast %add3A_155 : i32 to vector<16xi32>
    %add3A_157 = arith.addi %iota3A, %add3A_156 : vector<16xi32>
    %and3A_158 = arith.constant 15 : i32
    %and3A_159 = vector.broadcast %and3A_158 : i32 to vector<16xi32>
    %and3A_160 = arith.andi %add3A_157, %and3A_159 : vector<16xi32>
    %add3A_161 = arith.constant 16 : i32
    %add3A_162 = vector.broadcast %add3A_161 : i32 to vector<16xi32>
    %add3A_163 = arith.addi %and3A_160, %add3A_162 : vector<16xi32>
    %add3A_164 = arith.constant 2 : i32
    %add3A_165 = vector.broadcast %add3A_164 : i32 to vector<16xi32>
    %add3A_166 = arith.addi %iota3A, %add3A_165 : vector<16xi32>
    %and3A_167 = arith.constant 15 : i32
    %and3A_168 = vector.broadcast %and3A_167 : i32 to vector<16xi32>
    %and3A_169 = arith.andi %add3A_166, %and3A_168 : vector<16xi32>
    %add3A_170 = arith.constant 16 : i32
    %add3A_171 = vector.broadcast %add3A_170 : i32 to vector<16xi32>
    %add3A_172 = arith.addi %and3A_169, %add3A_171 : vector<16xi32>
    %add3A_173 = arith.constant 3 : i32
    %add3A_174 = vector.broadcast %add3A_173 : i32 to vector<16xi32>
    %add3A_175 = arith.addi %iota3A, %add3A_174 : vector<16xi32>
    %and3A_176 = arith.constant 15 : i32
    %and3A_177 = vector.broadcast %and3A_176 : i32 to vector<16xi32>
    %and3A_178 = arith.andi %add3A_175, %and3A_177 : vector<16xi32>
    %add3A_179 = arith.constant 16 : i32
    %add3A_180 = vector.broadcast %add3A_179 : i32 to vector<16xi32>
    %add3A_181 = arith.addi %and3A_178, %add3A_180 : vector<16xi32>
    %add3A_182 = arith.constant 4 : i32
    %add3A_183 = vector.broadcast %add3A_182 : i32 to vector<16xi32>
    %add3A_184 = arith.addi %iota3A, %add3A_183 : vector<16xi32>
    %and3A_185 = arith.constant 15 : i32
    %and3A_186 = vector.broadcast %and3A_185 : i32 to vector<16xi32>
    %and3A_187 = arith.andi %add3A_184, %and3A_186 : vector<16xi32>
    %add3A_188 = arith.constant 16 : i32
    %add3A_189 = vector.broadcast %add3A_188 : i32 to vector<16xi32>
    %add3A_190 = arith.addi %and3A_187, %add3A_189 : vector<16xi32>
    %add3A_191 = arith.constant 5 : i32
    %add3A_192 = vector.broadcast %add3A_191 : i32 to vector<16xi32>
    %add3A_193 = arith.addi %iota3A, %add3A_192 : vector<16xi32>
    %and3A_194 = arith.constant 15 : i32
    %and3A_195 = vector.broadcast %and3A_194 : i32 to vector<16xi32>
    %and3A_196 = arith.andi %add3A_193, %and3A_195 : vector<16xi32>
    %add3A_197 = arith.constant 16 : i32
    %add3A_198 = vector.broadcast %add3A_197 : i32 to vector<16xi32>
    %add3A_199 = arith.addi %and3A_196, %add3A_198 : vector<16xi32>
    %add3A_200 = arith.constant 6 : i32
    %add3A_201 = vector.broadcast %add3A_200 : i32 to vector<16xi32>
    %add3A_202 = arith.addi %iota3A, %add3A_201 : vector<16xi32>
    %and3A_203 = arith.constant 15 : i32
    %and3A_204 = vector.broadcast %and3A_203 : i32 to vector<16xi32>
    %and3A_205 = arith.andi %add3A_202, %and3A_204 : vector<16xi32>
    %add3A_206 = arith.constant 16 : i32
    %add3A_207 = vector.broadcast %add3A_206 : i32 to vector<16xi32>
    %add3A_208 = arith.addi %and3A_205, %add3A_207 : vector<16xi32>
    %add3A_209 = arith.constant 7 : i32
    %add3A_210 = vector.broadcast %add3A_209 : i32 to vector<16xi32>
    %add3A_211 = arith.addi %iota3A, %add3A_210 : vector<16xi32>
    %and3A_212 = arith.constant 15 : i32
    %and3A_213 = vector.broadcast %and3A_212 : i32 to vector<16xi32>
    %and3A_214 = arith.andi %add3A_211, %and3A_213 : vector<16xi32>
    %add3A_215 = arith.constant 16 : i32
    %add3A_216 = vector.broadcast %add3A_215 : i32 to vector<16xi32>
    %add3A_217 = arith.addi %and3A_214, %add3A_216 : vector<16xi32>
    %add3A_218 = arith.constant 8 : i32
    %add3A_219 = vector.broadcast %add3A_218 : i32 to vector<16xi32>
    %add3A_220 = arith.addi %iota3A, %add3A_219 : vector<16xi32>
    %and3A_221 = arith.constant 15 : i32
    %and3A_222 = vector.broadcast %and3A_221 : i32 to vector<16xi32>
    %and3A_223 = arith.andi %add3A_220, %and3A_222 : vector<16xi32>
    %add3A_224 = arith.constant 16 : i32
    %add3A_225 = vector.broadcast %add3A_224 : i32 to vector<16xi32>
    %add3A_226 = arith.addi %and3A_223, %add3A_225 : vector<16xi32>
    %add3A_227 = arith.constant 9 : i32
    %add3A_228 = vector.broadcast %add3A_227 : i32 to vector<16xi32>
    %add3A_229 = arith.addi %iota3A, %add3A_228 : vector<16xi32>
    %and3A_230 = arith.constant 15 : i32
    %and3A_231 = vector.broadcast %and3A_230 : i32 to vector<16xi32>
    %and3A_232 = arith.andi %add3A_229, %and3A_231 : vector<16xi32>
    %add3A_233 = arith.constant 16 : i32
    %add3A_234 = vector.broadcast %add3A_233 : i32 to vector<16xi32>
    %add3A_235 = arith.addi %and3A_232, %add3A_234 : vector<16xi32>
    %add3A_236 = arith.constant 10 : i32
    %add3A_237 = vector.broadcast %add3A_236 : i32 to vector<16xi32>
    %add3A_238 = arith.addi %iota3A, %add3A_237 : vector<16xi32>
    %and3A_239 = arith.constant 15 : i32
    %and3A_240 = vector.broadcast %and3A_239 : i32 to vector<16xi32>
    %and3A_241 = arith.andi %add3A_238, %and3A_240 : vector<16xi32>
    %add3A_242 = arith.constant 16 : i32
    %add3A_243 = vector.broadcast %add3A_242 : i32 to vector<16xi32>
    %add3A_244 = arith.addi %and3A_241, %add3A_243 : vector<16xi32>
    %add3A_245 = arith.constant 11 : i32
    %add3A_246 = vector.broadcast %add3A_245 : i32 to vector<16xi32>
    %add3A_247 = arith.addi %iota3A, %add3A_246 : vector<16xi32>
    %and3A_248 = arith.constant 15 : i32
    %and3A_249 = vector.broadcast %and3A_248 : i32 to vector<16xi32>
    %and3A_250 = arith.andi %add3A_247, %and3A_249 : vector<16xi32>
    %add3A_251 = arith.constant 16 : i32
    %add3A_252 = vector.broadcast %add3A_251 : i32 to vector<16xi32>
    %add3A_253 = arith.addi %and3A_250, %add3A_252 : vector<16xi32>
    %add3A_254 = arith.constant 12 : i32
    %add3A_255 = vector.broadcast %add3A_254 : i32 to vector<16xi32>
    %add3A_256 = arith.addi %iota3A, %add3A_255 : vector<16xi32>
    %and3A_257 = arith.constant 15 : i32
    %and3A_258 = vector.broadcast %and3A_257 : i32 to vector<16xi32>
    %and3A_259 = arith.andi %add3A_256, %and3A_258 : vector<16xi32>
    %add3A_260 = arith.constant 16 : i32
    %add3A_261 = vector.broadcast %add3A_260 : i32 to vector<16xi32>
    %add3A_262 = arith.addi %and3A_259, %add3A_261 : vector<16xi32>
    %add3A_263 = arith.constant 13 : i32
    %add3A_264 = vector.broadcast %add3A_263 : i32 to vector<16xi32>
    %add3A_265 = arith.addi %iota3A, %add3A_264 : vector<16xi32>
    %and3A_266 = arith.constant 15 : i32
    %and3A_267 = vector.broadcast %and3A_266 : i32 to vector<16xi32>
    %and3A_268 = arith.andi %add3A_265, %and3A_267 : vector<16xi32>
    %add3A_269 = arith.constant 16 : i32
    %add3A_270 = vector.broadcast %add3A_269 : i32 to vector<16xi32>
    %add3A_271 = arith.addi %and3A_268, %add3A_270 : vector<16xi32>
    %add3A_272 = arith.constant 14 : i32
    %add3A_273 = vector.broadcast %add3A_272 : i32 to vector<16xi32>
    %add3A_274 = arith.addi %iota3A, %add3A_273 : vector<16xi32>
    %and3A_275 = arith.constant 15 : i32
    %and3A_276 = vector.broadcast %and3A_275 : i32 to vector<16xi32>
    %and3A_277 = arith.andi %add3A_274, %and3A_276 : vector<16xi32>
    %add3A_278 = arith.constant 16 : i32
    %add3A_279 = vector.broadcast %add3A_278 : i32 to vector<16xi32>
    %add3A_280 = arith.addi %and3A_277, %add3A_279 : vector<16xi32>
    %add3A_281 = arith.constant 15 : i32
    %add3A_282 = vector.broadcast %add3A_281 : i32 to vector<16xi32>
    %add3A_283 = arith.addi %iota3A, %add3A_282 : vector<16xi32>
    %and3A_284 = arith.constant 15 : i32
    %and3A_285 = vector.broadcast %and3A_284 : i32 to vector<16xi32>
    %and3A_286 = arith.andi %add3A_283, %and3A_285 : vector<16xi32>
    %add3A_287 = arith.constant 16 : i32
    %add3A_288 = vector.broadcast %add3A_287 : i32 to vector<16xi32>
    %add3A_289 = arith.addi %and3A_286, %add3A_288 : vector<16xi32>
    %add3A_290 = arith.constant 0 : i32
    %add3A_291 = arith.addi %add3A_290, %mul3A_2 : i32
    %add3A_292 = arith.constant 0 : i32
    %add3A_293 = arith.addi %add3A_291, %add3A_292 : i32
    %dma_start3A = tpu.memref_slice %arg2[%add3A_293] : memref<819200xi32, #tpu.memory_space<hbm>> -> memref<256xi32, #tpu.memory_space<hbm>>
    %dma_start3A_294 = tpu.memref_slice %arg2[%add3A_293] : memref<819200xi32, #tpu.memory_space<hbm>> -> memref<256xi32, #tpu.memory_space<hbm>>
    tpu.enqueue_dma source(%dma_start3A_294 : memref<256xi32, #tpu.memory_space<hbm>>) target(%arg5 : memref<256xi32, #tpu.memory_space<vmem>>) target_semaphore(%arg13 : memref<!tpu.dma_semaphore, #tpu.memory_space<semaphore_mem>>)
    %dma_wait3A = tpu.memref_slice %arg2[%mul3A_2] : memref<819200xi32, #tpu.memory_space<hbm>> -> memref<256xi32, #tpu.memory_space<hbm>>
    %dma_wait3A_295 = tpu.memref_slice %arg2[%mul3A_2] : memref<819200xi32, #tpu.memory_space<hbm>> -> memref<256xi32, #tpu.memory_space<hbm>>
    tpu.wait_dma2 semaphore(%arg13 : memref<!tpu.dma_semaphore, #tpu.memory_space<semaphore_mem>>) src(%dma_wait3A_295 : memref<256xi32, #tpu.memory_space<hbm>>) dst(%arg5 : memref<256xi32, #tpu.memory_space<vmem>>)
    %scan3A = arith.constant 0 : i32
    %scan3A_296 = arith.constant 0 : i32
    %scan3A_297 = arith.constant 16 : i32
    %scan3A_298 = arith.addi %scan3A_296, %scan3A_297 : i32
    %scan3A_299 = arith.constant 1 : i32
    scf.for %scan3A_461 = %scan3A_296 to %scan3A_298 step %scan3A_299  : i32 {
      %mul3A_462 = arith.constant 16 : i32
      %mul3A_463 = arith.muli %scan3A_461, %mul3A_462 : i32
      %get3A = arith.index_cast %mul3A_463 : i32 to index
      %get3A_464 = tpu.vector_load %arg5[%get3A] {strides = array<i32>} : memref<256xi32, #tpu.memory_space<vmem>>, vector<16xi32>,
      %shift_right_arithmetic3A = arith.constant 2 : i32
      %shift_right_arithmetic3A_465 = vector.broadcast %shift_right_arithmetic3A : i32 to vector<16xi32>
      %shift_right_arithmetic3A_466 = arith.shrsi %get3A_464, %shift_right_arithmetic3A_465 : vector<16xi32>
      %mul3A_467 = arith.constant 16 : i32
      %mul3A_468 = arith.muli %scan3A_461, %mul3A_467 : i32
      %swap3A = arith.index_cast %mul3A_468 : i32 to index
      %swap3A_469 = tpu.vector_load %arg7[%swap3A] {strides = array<i32>} : memref<256xi32, #tpu.memory_space<vmem>>, vector<16xi32>,
      tpu.vector_store %arg7[%swap3A], %shift_right_arithmetic3A_466 {strides = array<i32>} : memref<256xi32, #tpu.memory_space<vmem>>, vector<16xi32>,
    }
    %scan3A_300 = arith.constant 16 : i32
    %dma_start3A_301 = arith.constant 0 : i32
    %dma_start3A_302 = arith.constant 0 : i32
    %dma_start3A_303 = tpu.memref_slice %arg3[%dma_start3A_301, %dma_start3A_302] : memref<250000x128xf32, #tpu.memory_space<hbm>> -> memref<250000x128xf32, #tpu.memory_space<hbm>>
    tpu.enqueue_indirect_dma source(%dma_start3A_303 : memref<250000x128xf32, #tpu.memory_space<hbm>>) target(%arg9 : memref<256x128xf32, #tpu.memory_space<vmem>>) offsets(%arg7 : memref<256xi32, #tpu.memory_space<vmem>>) semaphore(%arg15 : memref<!tpu.dma_semaphore, #tpu.memory_space<semaphore_mem>>)
    %add3A_304 = arith.constant 0 : i32
    %add3A_305 = arith.addi %add3A_304, %mul3A_2 : i32
    %add3A_306 = arith.constant 256 : i32
    %add3A_307 = arith.addi %add3A_305, %add3A_306 : i32
    %dma_start3A_308 = tpu.memref_slice %arg2[%add3A_307] : memref<819200xi32, #tpu.memory_space<hbm>> -> memref<256xi32, #tpu.memory_space<hbm>>
    %dma_start3A_309 = tpu.memref_slice %arg2[%add3A_307] : memref<819200xi32, #tpu.memory_space<hbm>> -> memref<256xi32, #tpu.memory_space<hbm>>
    tpu.enqueue_dma source(%dma_start3A_309 : memref<256xi32, #tpu.memory_space<hbm>>) target(%arg6 : memref<256xi32, #tpu.memory_space<vmem>>) target_semaphore(%arg14 : memref<!tpu.dma_semaphore, #tpu.memory_space<semaphore_mem>>)
    %dma_wait3A_310 = tpu.memref_slice %arg2[%mul3A_2] : memref<819200xi32, #tpu.memory_space<hbm>> -> memref<256xi32, #tpu.memory_space<hbm>>
    %dma_wait3A_311 = tpu.memref_slice %arg2[%mul3A_2] : memref<819200xi32, #tpu.memory_space<hbm>> -> memref<256xi32, #tpu.memory_space<hbm>>
    tpu.wait_dma2 semaphore(%arg14 : memref<!tpu.dma_semaphore, #tpu.memory_space<semaphore_mem>>) src(%dma_wait3A_311 : memref<256xi32, #tpu.memory_space<hbm>>) dst(%arg6 : memref<256xi32, #tpu.memory_space<vmem>>)
    %scan3A_312 = arith.constant 0 : i32
    %scan3A_313 = arith.constant 0 : i32
    %scan3A_314 = arith.constant 16 : i32
    %scan3A_315 = arith.addi %scan3A_313, %scan3A_314 : i32
    %scan3A_316 = arith.constant 1 : i32
    scf.for %scan3A_461 = %scan3A_313 to %scan3A_315 step %scan3A_316  : i32 {
      %mul3A_462 = arith.constant 16 : i32
      %mul3A_463 = arith.muli %scan3A_461, %mul3A_462 : i32
      %get3A = arith.index_cast %mul3A_463 : i32 to index
      %get3A_464 = tpu.vector_load %arg6[%get3A] {strides = array<i32>} : memref<256xi32, #tpu.memory_space<vmem>>, vector<16xi32>,
      %shift_right_arithmetic3A = arith.constant 2 : i32
      %shift_right_arithmetic3A_465 = vector.broadcast %shift_right_arithmetic3A : i32 to vector<16xi32>
      %shift_right_arithmetic3A_466 = arith.shrsi %get3A_464, %shift_right_arithmetic3A_465 : vector<16xi32>
      %mul3A_467 = arith.constant 16 : i32
      %mul3A_468 = arith.muli %scan3A_461, %mul3A_467 : i32
      %swap3A = arith.index_cast %mul3A_468 : i32 to index
      %swap3A_469 = tpu.vector_load %arg8[%swap3A] {strides = array<i32>} : memref<256xi32, #tpu.memory_space<vmem>>, vector<16xi32>,
      tpu.vector_store %arg8[%swap3A], %shift_right_arithmetic3A_466 {strides = array<i32>} : memref<256xi32, #tpu.memory_space<vmem>>, vector<16xi32>,
    }
    %scan3A_317 = arith.constant 16 : i32
    %dma_start3A_318 = arith.constant 0 : i32
    %dma_start3A_319 = arith.constant 0 : i32
    %dma_start3A_320 = tpu.memref_slice %arg3[%dma_start3A_318, %dma_start3A_319] : memref<250000x128xf32, #tpu.memory_space<hbm>> -> memref<250000x128xf32, #tpu.memory_space<hbm>>
    tpu.enqueue_indirect_dma source(%dma_start3A_320 : memref<250000x128xf32, #tpu.memory_space<hbm>>) target(%arg10 : memref<256x128xf32, #tpu.memory_space<vmem>>) offsets(%arg8 : memref<256xi32, #tpu.memory_space<vmem>>) semaphore(%arg16 : memref<!tpu.dma_semaphore, #tpu.memory_space<semaphore_mem>>)
    %dma_wait3A_321 = arith.constant 0 : i32
    %dma_wait3A_322 = arith.constant 0 : i32
    %dma_wait3A_323 = tpu.memref_slice %arg3[%dma_wait3A_321, %dma_wait3A_322] : memref<250000x128xf32, #tpu.memory_space<hbm>> -> memref<250000x128xf32, #tpu.memory_space<hbm>>
    tpu.wait_indirect_dma semaphore(%arg15 : memref<!tpu.dma_semaphore, #tpu.memory_space<semaphore_mem>>) src(%dma_wait3A_323 : memref<250000x128xf32, #tpu.memory_space<hbm>>) dst(%arg9 : memref<256x128xf32, #tpu.memory_space<vmem>>)
    %scan3A_324 = arith.constant 0 : i32
    %scan3A_325 = arith.constant 0 : i32
    %scan3A_326 = arith.constant 16 : i32
    %scan3A_327 = arith.addi %scan3A_325, %scan3A_326 : i32
    %scan3A_328 = arith.constant 1 : i32
    scf.for %scan3A_461 = %scan3A_325 to %scan3A_327 step %scan3A_328  : i32 {
      %mul3A_462 = arith.constant 16 : i32
      %mul3A_463 = arith.muli %scan3A_461, %mul3A_462 : i32
      %add3A_464 = vector.broadcast %mul3A_463 : i32 to vector<16xi32>
      %add3A_465 = arith.addi %iota3A, %add3A_464 : vector<16xi32>
      %mul3A_466 = arith.constant 16 : i32
      %mul3A_467 = arith.muli %scan3A_461, %mul3A_466 : i32
      %get3A = arith.index_cast %mul3A_467 : i32 to index
      %get3A_468 = tpu.vector_load %arg5[%get3A] {strides = array<i32>} : memref<256xi32, #tpu.memory_space<vmem>>, vector<16xi32>,
      %and3A_469 = arith.constant 3 : i32
      %and3A_470 = vector.broadcast %and3A_469 : i32 to vector<16xi32>
      %and3A_471 = arith.andi %get3A_468, %and3A_470 : vector<16xi32>
      %shift_left3A = arith.constant 5 : i32
      %shift_left3A_472 = vector.broadcast %shift_left3A : i32 to vector<16xi32>
      %shift_left3A_473 = arith.shli %and3A_471, %shift_left3A_472 : vector<16xi32>
      %add3A_474 = arith.addi %shift_left3A_473, %add3A_10 : vector<16xi32>
      %gather3A = tpu.vector_load_idx %arg9[%add3A_465, %add3A_474] : memref<256x128xf32, #tpu.memory_space<vmem>>[vector<16xi32>, vector<16xi32>], vector<16xf32>,
      tpu.vector_store_idx %arg11[%add3A_10, %add3A_465], %gather3A : memref<32x256xf32, #tpu.memory_space<vmem>>[vector<16xi32>, vector<16xi32>], vector<16xf32>,
      %add3A_475 = arith.addi %shift_left3A_473, %add3A_19 : vector<16xi32>
      %gather3A_476 = tpu.vector_load_idx %arg9[%add3A_465, %add3A_475] : memref<256x128xf32, #tpu.memory_space<vmem>>[vector<16xi32>, vector<16xi32>], vector<16xf32>,
      tpu.vector_store_idx %arg11[%add3A_19, %add3A_465], %gather3A_476 : memref<32x256xf32, #tpu.memory_space<vmem>>[vector<16xi32>, vector<16xi32>], vector<16xf32>,
      %add3A_477 = arith.addi %shift_left3A_473, %add3A_28 : vector<16xi32>
      %gather3A_478 = tpu.vector_load_idx %arg9[%add3A_465, %add3A_477] : memref<256x128xf32, #tpu.memory_space<vmem>>[vector<16xi32>, vector<16xi32>], vector<16xf32>,
      tpu.vector_store_idx %arg11[%add3A_28, %add3A_465], %gather3A_478 : memref<32x256xf32, #tpu.memory_space<vmem>>[vector<16xi32>, vector<16xi32>], vector<16xf32>,
      %add3A_479 = arith.addi %shift_left3A_473, %add3A_37 : vector<16xi32>
      %gather3A_480 = tpu.vector_load_idx %arg9[%add3A_465, %add3A_479] : memref<256x128xf32, #tpu.memory_space<vmem>>[vector<16xi32>, vector<16xi32>], vector<16xf32>,
      tpu.vector_store_idx %arg11[%add3A_37, %add3A_465], %gather3A_480 : memref<32x256xf32, #tpu.memory_space<vmem>>[vector<16xi32>, vector<16xi32>], vector<16xf32>,
      %add3A_481 = arith.addi %shift_left3A_473, %add3A_46 : vector<16xi32>
      %gather3A_482 = tpu.vector_load_idx %arg9[%add3A_465, %add3A_481] : memref<256x128xf32, #tpu.memory_space<vmem>>[vector<16xi32>, vector<16xi32>], vector<16xf32>,
      tpu.vector_store_idx %arg11[%add3A_46, %add3A_465], %gather3A_482 : memref<32x256xf32, #tpu.memory_space<vmem>>[vector<16xi32>, vector<16xi32>], vector<16xf32>,
      %add3A_483 = arith.addi %shift_left3A_473, %add3A_55 : vector<16xi32>
      %gather3A_484 = tpu.vector_load_idx %arg9[%add3A_465, %add3A_483] : memref<256x128xf32, #tpu.memory_space<vmem>>[vector<16xi32>, vector<16xi32>], vector<16xf32>,
      tpu.vector_store_idx %arg11[%add3A_55, %add3A_465], %gather3A_484 : memref<32x256xf32, #tpu.memory_space<vmem>>[vector<16xi32>, vector<16xi32>], vector<16xf32>,
      %add3A_485 = arith.addi %shift_left3A_473, %add3A_64 : vector<16xi32>
      %gather3A_486 = tpu.vector_load_idx %arg9[%add3A_465, %add3A_485] : memref<256x128xf32, #tpu.memory_space<vmem>>[vector<16xi32>, vector<16xi32>], vector<16xf32>,
      tpu.vector_store_idx %arg11[%add3A_64, %add3A_465], %gather3A_486 : memref<32x256xf32, #tpu.memory_space<vmem>>[vector<16xi32>, vector<16xi32>], vector<16xf32>,
      %add3A_487 = arith.addi %shift_left3A_473, %add3A_73 : vector<16xi32>
      %gather3A_488 = tpu.vector_load_idx %arg9[%add3A_465, %add3A_487] : memref<256x128xf32, #tpu.memory_space<vmem>>[vector<16xi32>, vector<16xi32>], vector<16xf32>,
      tpu.vector_store_idx %arg11[%add3A_73, %add3A_465], %gather3A_488 : memref<32x256xf32, #tpu.memory_space<vmem>>[vector<16xi32>, vector<16xi32>], vector<16xf32>,
      %add3A_489 = arith.addi %shift_left3A_473, %add3A_82 : vector<16xi32>
      %gather3A_490 = tpu.vector_load_idx %arg9[%add3A_465, %add3A_489] : memref<256x128xf32, #tpu.memory_space<vmem>>[vector<16xi32>, vector<16xi32>], vector<16xf32>,
      tpu.vector_store_idx %arg11[%add3A_82, %add3A_465], %gather3A_490 : memref<32x256xf32, #tpu.memory_space<vmem>>[vector<16xi32>, vector<16xi32>], vector<16xf32>,
      %add3A_491 = arith.addi %shift_left3A_473, %add3A_91 : vector<16xi32>
      %gather3A_492 = tpu.vector_load_idx %arg9[%add3A_465, %add3A_491] : memref<256x128xf32, #tpu.memory_space<vmem>>[vector<16xi32>, vector<16xi32>], vector<16xf32>,
      tpu.vector_store_idx %arg11[%add3A_91, %add3A_465], %gather3A_492 : memref<32x256xf32, #tpu.memory_space<vmem>>[vector<16xi32>, vector<16xi32>], vector<16xf32>,
      %add3A_493 = arith.addi %shift_left3A_473, %add3A_100 : vector<16xi32>
      %gather3A_494 = tpu.vector_load_idx %arg9[%add3A_465, %add3A_493] : memref<256x128xf32, #tpu.memory_space<vmem>>[vector<16xi32>, vector<16xi32>], vector<16xf32>,
      tpu.vector_store_idx %arg11[%add3A_100, %add3A_465], %gather3A_494 : memref<32x256xf32, #tpu.memory_space<vmem>>[vector<16xi32>, vector<16xi32>], vector<16xf32>,
      %add3A_495 = arith.addi %shift_left3A_473, %add3A_109 : vector<16xi32>
      %gather3A_496 = tpu.vector_load_idx %arg9[%add3A_465, %add3A_495] : memref<256x128xf32, #tpu.memory_space<vmem>>[vector<16xi32>, vector<16xi32>], vector<16xf32>,
      tpu.vector_store_idx %arg11[%add3A_109, %add3A_465], %gather3A_496 : memref<32x256xf32, #tpu.memory_space<vmem>>[vector<16xi32>, vector<16xi32>], vector<16xf32>,
      %add3A_497 = arith.addi %shift_left3A_473, %add3A_118 : vector<16xi32>
      %gather3A_498 = tpu.vector_load_idx %arg9[%add3A_465, %add3A_497] : memref<256x128xf32, #tpu.memory_space<vmem>>[vector<16xi32>, vector<16xi32>], vector<16xf32>,
      tpu.vector_store_idx %arg11[%add3A_118, %add3A_465], %gather3A_498 : memref<32x256xf32, #tpu.memory_space<vmem>>[vector<16xi32>, vector<16xi32>], vector<16xf32>,
      %add3A_499 = arith.addi %shift_left3A_473, %add3A_127 : vector<16xi32>
      %gather3A_500 = tpu.vector_load_idx %arg9[%add3A_465, %add3A_499] : memref<256x128xf32, #tpu.memory_space<vmem>>[vector<16xi32>, vector<16xi32>], vector<16xf32>,
      tpu.vector_store_idx %arg11[%add3A_127, %add3A_465], %gather3A_500 : memref<32x256xf32, #tpu.memory_space<vmem>>[vector<16xi32>, vector<16xi32>], vector<16xf32>,
      %add3A_501 = arith.addi %shift_left3A_473, %add3A_136 : vector<16xi32>
      %gather3A_502 = tpu.vector_load_idx %arg9[%add3A_465, %add3A_501] : memref<256x128xf32, #tpu.memory_space<vmem>>[vector<16xi32>, vector<16xi32>], vector<16xf32>,
      tpu.vector_store_idx %arg11[%add3A_136, %add3A_465], %gather3A_502 : memref<32x256xf32, #tpu.memory_space<vmem>>[vector<16xi32>, vector<16xi32>], vector<16xf32>,
      %add3A_503 = arith.addi %shift_left3A_473, %add3A_145 : vector<16xi32>
      %gather3A_504 = tpu.vector_load_idx %arg9[%add3A_465, %add3A_503] : memref<256x128xf32, #tpu.memory_space<vmem>>[vector<16xi32>, vector<16xi32>], vector<16xf32>,
      tpu.vector_store_idx %arg11[%add3A_145, %add3A_465], %gather3A_504 : memref<32x256xf32, #tpu.memory_space<vmem>>[vector<16xi32>, vector<16xi32>], vector<16xf32>,
      %add3A_505 = arith.addi %shift_left3A_473, %add3A_154 : vector<16xi32>
      %gather3A_506 = tpu.vector_load_idx %arg9[%add3A_465, %add3A_505] : memref<256x128xf32, #tpu.memory_space<vmem>>[vector<16xi32>, vector<16xi32>], vector<16xf32>,
      tpu.vector_store_idx %arg11[%add3A_154, %add3A_465], %gather3A_506 : memref<32x256xf32, #tpu.memory_space<vmem>>[vector<16xi32>, vector<16xi32>], vector<16xf32>,
      %add3A_507 = arith.addi %shift_left3A_473, %add3A_163 : vector<16xi32>
      %gather3A_508 = tpu.vector_load_idx %arg9[%add3A_465, %add3A_507] : memref<256x128xf32, #tpu.memory_space<vmem>>[vector<16xi32>, vector<16xi32>], vector<16xf32>,
      tpu.vector_store_idx %arg11[%add3A_163, %add3A_465], %gather3A_508 : memref<32x256xf32, #tpu.memory_space<vmem>>[vector<16xi32>, vector<16xi32>], vector<16xf32>,
      %add3A_509 = arith.addi %shift_left3A_473, %add3A_172 : vector<16xi32>
      %gather3A_510 = tpu.vector_load_idx %arg9[%add3A_465, %add3A_509] : memref<256x128xf32, #tpu.memory_space<vmem>>[vector<16xi32>, vector<16xi32>], vector<16xf32>,
      tpu.vector_store_idx %arg11[%add3A_172, %add3A_465], %gather3A_510 : memref<32x256xf32, #tpu.memory_space<vmem>>[vector<16xi32>, vector<16xi32>], vector<16xf32>,
      %add3A_511 = arith.addi %shift_left3A_473, %add3A_181 : vector<16xi32>
      %gather3A_512 = tpu.vector_load_idx %arg9[%add3A_465, %add3A_511] : memref<256x128xf32, #tpu.memory_space<vmem>>[vector<16xi32>, vector<16xi32>], vector<16xf32>,
      tpu.vector_store_idx %arg11[%add3A_181, %add3A_465], %gather3A_512 : memref<32x256xf32, #tpu.memory_space<vmem>>[vector<16xi32>, vector<16xi32>], vector<16xf32>,
      %add3A_513 = arith.addi %shift_left3A_473, %add3A_190 : vector<16xi32>
      %gather3A_514 = tpu.vector_load_idx %arg9[%add3A_465, %add3A_513] : memref<256x128xf32, #tpu.memory_space<vmem>>[vector<16xi32>, vector<16xi32>], vector<16xf32>,
      tpu.vector_store_idx %arg11[%add3A_190, %add3A_465], %gather3A_514 : memref<32x256xf32, #tpu.memory_space<vmem>>[vector<16xi32>, vector<16xi32>], vector<16xf32>,
      %add3A_515 = arith.addi %shift_left3A_473, %add3A_199 : vector<16xi32>
      %gather3A_516 = tpu.vector_load_idx %arg9[%add3A_465, %add3A_515] : memref<256x128xf32, #tpu.memory_space<vmem>>[vector<16xi32>, vector<16xi32>], vector<16xf32>,
      tpu.vector_store_idx %arg11[%add3A_199, %add3A_465], %gather3A_516 : memref<32x256xf32, #tpu.memory_space<vmem>>[vector<16xi32>, vector<16xi32>], vector<16xf32>,
      %add3A_517 = arith.addi %shift_left3A_473, %add3A_208 : vector<16xi32>
      %gather3A_518 = tpu.vector_load_idx %arg9[%add3A_465, %add3A_517] : memref<256x128xf32, #tpu.memory_space<vmem>>[vector<16xi32>, vector<16xi32>], vector<16xf32>,
      tpu.vector_store_idx %arg11[%add3A_208, %add3A_465], %gather3A_518 : memref<32x256xf32, #tpu.memory_space<vmem>>[vector<16xi32>, vector<16xi32>], vector<16xf32>,
      %add3A_519 = arith.addi %shift_left3A_473, %add3A_217 : vector<16xi32>
      %gather3A_520 = tpu.vector_load_idx %arg9[%add3A_465, %add3A_519] : memref<256x128xf32, #tpu.memory_space<vmem>>[vector<16xi32>, vector<16xi32>], vector<16xf32>,
      tpu.vector_store_idx %arg11[%add3A_217, %add3A_465], %gather3A_520 : memref<32x256xf32, #tpu.memory_space<vmem>>[vector<16xi32>, vector<16xi32>], vector<16xf32>,
      %add3A_521 = arith.addi %shift_left3A_473, %add3A_226 : vector<16xi32>
      %gather3A_522 = tpu.vector_load_idx %arg9[%add3A_465, %add3A_521] : memref<256x128xf32, #tpu.memory_space<vmem>>[vector<16xi32>, vector<16xi32>], vector<16xf32>,
      tpu.vector_store_idx %arg11[%add3A_226, %add3A_465], %gather3A_522 : memref<32x256xf32, #tpu.memory_space<vmem>>[vector<16xi32>, vector<16xi32>], vector<16xf32>,
      %add3A_523 = arith.addi %shift_left3A_473, %add3A_235 : vector<16xi32>
      %gather3A_524 = tpu.vector_load_idx %arg9[%add3A_465, %add3A_523] : memref<256x128xf32, #tpu.memory_space<vmem>>[vector<16xi32>, vector<16xi32>], vector<16xf32>,
      tpu.vector_store_idx %arg11[%add3A_235, %add3A_465], %gather3A_524 : memref<32x256xf32, #tpu.memory_space<vmem>>[vector<16xi32>, vector<16xi32>], vector<16xf32>,
      %add3A_525 = arith.addi %shift_left3A_473, %add3A_244 : vector<16xi32>
      %gather3A_526 = tpu.vector_load_idx %arg9[%add3A_465, %add3A_525] : memref<256x128xf32, #tpu.memory_space<vmem>>[vector<16xi32>, vector<16xi32>], vector<16xf32>,
      tpu.vector_store_idx %arg11[%add3A_244, %add3A_465], %gather3A_526 : memref<32x256xf32, #tpu.memory_space<vmem>>[vector<16xi32>, vector<16xi32>], vector<16xf32>,
      %add3A_527 = arith.addi %shift_left3A_473, %add3A_253 : vector<16xi32>
      %gather3A_528 = tpu.vector_load_idx %arg9[%add3A_465, %add3A_527] : memref<256x128xf32, #tpu.memory_space<vmem>>[vector<16xi32>, vector<16xi32>], vector<16xf32>,
      tpu.vector_store_idx %arg11[%add3A_253, %add3A_465], %gather3A_528 : memref<32x256xf32, #tpu.memory_space<vmem>>[vector<16xi32>, vector<16xi32>], vector<16xf32>,
      %add3A_529 = arith.addi %shift_left3A_473, %add3A_262 : vector<16xi32>
      %gather3A_530 = tpu.vector_load_idx %arg9[%add3A_465, %add3A_529] : memref<256x128xf32, #tpu.memory_space<vmem>>[vector<16xi32>, vector<16xi32>], vector<16xf32>,
      tpu.vector_store_idx %arg11[%add3A_262, %add3A_465], %gather3A_530 : memref<32x256xf32, #tpu.memory_space<vmem>>[vector<16xi32>, vector<16xi32>], vector<16xf32>,
      %add3A_531 = arith.addi %shift_left3A_473, %add3A_271 : vector<16xi32>
      %gather3A_532 = tpu.vector_load_idx %arg9[%add3A_465, %add3A_531] : memref<256x128xf32, #tpu.memory_space<vmem>>[vector<16xi32>, vector<16xi32>], vector<16xf32>,
      tpu.vector_store_idx %arg11[%add3A_271, %add3A_465], %gather3A_532 : memref<32x256xf32, #tpu.memory_space<vmem>>[vector<16xi32>, vector<16xi32>], vector<16xf32>,
      %add3A_533 = arith.addi %shift_left3A_473, %add3A_280 : vector<16xi32>
      %gather3A_534 = tpu.vector_load_idx %arg9[%add3A_465, %add3A_533] : memref<256x128xf32, #tpu.memory_space<vmem>>[vector<16xi32>, vector<16xi32>], vector<16xf32>,
      tpu.vector_store_idx %arg11[%add3A_280, %add3A_465], %gather3A_534 : memref<32x256xf32, #tpu.memory_space<vmem>>[vector<16xi32>, vector<16xi32>], vector<16xf32>,
      %add3A_535 = arith.addi %shift_left3A_473, %add3A_289 : vector<16xi32>
      %gather3A_536 = tpu.vector_load_idx %arg9[%add3A_465, %add3A_535] : memref<256x128xf32, #tpu.memory_space<vmem>>[vector<16xi32>, vector<16xi32>], vector<16xf32>,
      tpu.vector_store_idx %arg11[%add3A_289, %add3A_465], %gather3A_536 : memref<32x256xf32, #tpu.memory_space<vmem>>[vector<16xi32>, vector<16xi32>], vector<16xf32>,
    }
    %scan3A_329 = arith.constant 16 : i32
    %add3A_330 = arith.constant 0 : i32
    %add3A_331 = arith.addi %mul3A_2, %add3A_330 : i32
    %dma_start3A_332 = arith.constant 0 : i32
    %dma_start3A_333 = arith.constant 0 : i32
    %dma_start3A_334 = tpu.memref_slice %arg4[%dma_start3A_332, %dma_start3A_333, %add3A_331] : memref<50x32x16384xf32, #tpu.memory_space<hbm>> -> memref<1x32x256xf32, #tpu.memory_space<hbm>>
    %dma_start3A_335 = tpu.memref_squeeze %dma_start3A_334 : memref<1x32x256xf32, #tpu.memory_space<hbm>> -> memref<32x256xf32, #tpu.memory_space<hbm>>
    %dma_start3A_336 = arith.constant 0 : i32
    %dma_start3A_337 = tpu.memref_slice %arg4[%dma_start3A_332, %dma_start3A_336, %add3A_331] : memref<50x32x16384xf32, #tpu.memory_space<hbm>> -> memref<1x32x256xf32, #tpu.memory_space<hbm>>
    %dma_start3A_338 = tpu.memref_squeeze %dma_start3A_337 : memref<1x32x256xf32, #tpu.memory_space<hbm>> -> memref<32x256xf32, #tpu.memory_space<hbm>>
    tpu.enqueue_dma source(%arg11 : memref<32x256xf32, #tpu.memory_space<vmem>>) target(%dma_start3A_338 : memref<32x256xf32, #tpu.memory_space<hbm>>) target_semaphore(%arg17 : memref<!tpu.dma_semaphore, #tpu.memory_space<semaphore_mem>>)
    %add3A_339 = arith.constant 16384 : i32
    %add3A_340 = arith.addi %add3A_339, %mul3A_2 : i32
    %add3A_341 = arith.constant 0 : i32
    %add3A_342 = arith.addi %add3A_340, %add3A_341 : i32
    %dma_start3A_343 = tpu.memref_slice %arg2[%add3A_342] : memref<819200xi32, #tpu.memory_space<hbm>> -> memref<256xi32, #tpu.memory_space<hbm>>
    %dma_start3A_344 = tpu.memref_slice %arg2[%add3A_342] : memref<819200xi32, #tpu.memory_space<hbm>> -> memref<256xi32, #tpu.memory_space<hbm>>
    tpu.enqueue_dma source(%dma_start3A_344 : memref<256xi32, #tpu.memory_space<hbm>>) target(%arg5 : memref<256xi32, #tpu.memory_space<vmem>>) target_semaphore(%arg13 : memref<!tpu.dma_semaphore, #tpu.memory_space<semaphore_mem>>)
    %dma_wait3A_345 = tpu.memref_slice %arg2[%mul3A_2] : memref<819200xi32, #tpu.memory_space<hbm>> -> memref<256xi32, #tpu.memory_space<hbm>>
    %dma_wait3A_346 = tpu.memref_slice %arg2[%mul3A_2] : memref<819200xi32, #tpu.memory_space<hbm>> -> memref<256xi32, #tpu.memory_space<hbm>>
    tpu.wait_dma2 semaphore(%arg13 : memref<!tpu.dma_semaphore, #tpu.memory_space<semaphore_mem>>) src(%dma_wait3A_346 : memref<256xi32, #tpu.memory_space<hbm>>) dst(%arg5 : memref<256xi32, #tpu.memory_space<vmem>>)
    %scan3A_347 = arith.constant 0 : i32
    %scan3A_348 = arith.constant 0 : i32
    %scan3A_349 = arith.constant 16 : i32
    %scan3A_350 = arith.addi %scan3A_348, %scan3A_349 : i32
    %scan3A_351 = arith.constant 1 : i32
    scf.for %scan3A_461 = %scan3A_348 to %scan3A_350 step %scan3A_351  : i32 {
      %mul3A_462 = arith.constant 16 : i32
      %mul3A_463 = arith.muli %scan3A_461, %mul3A_462 : i32
      %get3A = arith.index_cast %mul3A_463 : i32 to index
      %get3A_464 = tpu.vector_load %arg5[%get3A] {strides = array<i32>} : memref<256xi32, #tpu.memory_space<vmem>>, vector<16xi32>,
      %shift_right_arithmetic3A = arith.constant 2 : i32
      %shift_right_arithmetic3A_465 = vector.broadcast %shift_right_arithmetic3A : i32 to vector<16xi32>
      %shift_right_arithmetic3A_466 = arith.shrsi %get3A_464, %shift_right_arithmetic3A_465 : vector<16xi32>
      %mul3A_467 = arith.constant 16 : i32
      %mul3A_468 = arith.muli %scan3A_461, %mul3A_467 : i32
      %swap3A = arith.index_cast %mul3A_468 : i32 to index
      %swap3A_469 = tpu.vector_load %arg7[%swap3A] {strides = array<i32>} : memref<256xi32, #tpu.memory_space<vmem>>, vector<16xi32>,
      tpu.vector_store %arg7[%swap3A], %shift_right_arithmetic3A_466 {strides = array<i32>} : memref<256xi32, #tpu.memory_space<vmem>>, vector<16xi32>,
    }
    %scan3A_352 = arith.constant 16 : i32
    %dma_start3A_353 = arith.constant 0 : i32
    %dma_start3A_354 = arith.constant 0 : i32
    %dma_start3A_355 = tpu.memref_slice %arg3[%dma_start3A_353, %dma_start3A_354] : memref<250000x128xf32, #tpu.memory_space<hbm>> -> memref<250000x128xf32, #tpu.memory_space<hbm>>
    tpu.enqueue_indirect_dma source(%dma_start3A_355 : memref<250000x128xf32, #tpu.memory_space<hbm>>) target(%arg9 : memref<256x128xf32, #tpu.memory_space<vmem>>) offsets(%arg7 : memref<256xi32, #tpu.memory_space<vmem>>) semaphore(%arg15 : memref<!tpu.dma_semaphore, #tpu.memory_space<semaphore_mem>>)
    %dma_wait3A_356 = arith.constant 0 : i32
    %dma_wait3A_357 = arith.constant 0 : i32
    %dma_wait3A_358 = tpu.memref_slice %arg3[%dma_wait3A_356, %dma_wait3A_357] : memref<250000x128xf32, #tpu.memory_space<hbm>> -> memref<250000x128xf32, #tpu.memory_space<hbm>>
    tpu.wait_indirect_dma semaphore(%arg16 : memref<!tpu.dma_semaphore, #tpu.memory_space<semaphore_mem>>) src(%dma_wait3A_358 : memref<250000x128xf32, #tpu.memory_space<hbm>>) dst(%arg10 : memref<256x128xf32, #tpu.memory_space<vmem>>)
    %scan3A_359 = arith.constant 0 : i32
    %scan3A_360 = arith.constant 0 : i32
    %scan3A_361 = arith.constant 16 : i32
    %scan3A_362 = arith.addi %scan3A_360, %scan3A_361 : i32
    %scan3A_363 = arith.constant 1 : i32
    scf.for %scan3A_461 = %scan3A_360 to %scan3A_362 step %scan3A_363  : i32 {
      %mul3A_462 = arith.constant 16 : i32
      %mul3A_463 = arith.muli %scan3A_461, %mul3A_462 : i32
      %add3A_464 = vector.broadcast %mul3A_463 : i32 to vector<16xi32>
      %add3A_465 = arith.addi %iota3A, %add3A_464 : vector<16xi32>
      %mul3A_466 = arith.constant 16 : i32
      %mul3A_467 = arith.muli %scan3A_461, %mul3A_466 : i32
      %get3A = arith.index_cast %mul3A_467 : i32 to index
      %get3A_468 = tpu.vector_load %arg6[%get3A] {strides = array<i32>} : memref<256xi32, #tpu.memory_space<vmem>>, vector<16xi32>,
      %and3A_469 = arith.constant 3 : i32
      %and3A_470 = vector.broadcast %and3A_469 : i32 to vector<16xi32>
      %and3A_471 = arith.andi %get3A_468, %and3A_470 : vector<16xi32>
      %shift_left3A = arith.constant 5 : i32
      %shift_left3A_472 = vector.broadcast %shift_left3A : i32 to vector<16xi32>
      %shift_left3A_473 = arith.shli %and3A_471, %shift_left3A_472 : vector<16xi32>
      %add3A_474 = arith.addi %shift_left3A_473, %add3A_10 : vector<16xi32>
      %gather3A = tpu.vector_load_idx %arg10[%add3A_465, %add3A_474] : memref<256x128xf32, #tpu.memory_space<vmem>>[vector<16xi32>, vector<16xi32>], vector<16xf32>,
      tpu.vector_store_idx %arg12[%add3A_10, %add3A_465], %gather3A : memref<32x256xf32, #tpu.memory_space<vmem>>[vector<16xi32>, vector<16xi32>], vector<16xf32>,
      %add3A_475 = arith.addi %shift_left3A_473, %add3A_19 : vector<16xi32>
      %gather3A_476 = tpu.vector_load_idx %arg10[%add3A_465, %add3A_475] : memref<256x128xf32, #tpu.memory_space<vmem>>[vector<16xi32>, vector<16xi32>], vector<16xf32>,
      tpu.vector_store_idx %arg12[%add3A_19, %add3A_465], %gather3A_476 : memref<32x256xf32, #tpu.memory_space<vmem>>[vector<16xi32>, vector<16xi32>], vector<16xf32>,
      %add3A_477 = arith.addi %shift_left3A_473, %add3A_28 : vector<16xi32>
      %gather3A_478 = tpu.vector_load_idx %arg10[%add3A_465, %add3A_477] : memref<256x128xf32, #tpu.memory_space<vmem>>[vector<16xi32>, vector<16xi32>], vector<16xf32>,
      tpu.vector_store_idx %arg12[%add3A_28, %add3A_465], %gather3A_478 : memref<32x256xf32, #tpu.memory_space<vmem>>[vector<16xi32>, vector<16xi32>], vector<16xf32>,
      %add3A_479 = arith.addi %shift_left3A_473, %add3A_37 : vector<16xi32>
      %gather3A_480 = tpu.vector_load_idx %arg10[%add3A_465, %add3A_479] : memref<256x128xf32, #tpu.memory_space<vmem>>[vector<16xi32>, vector<16xi32>], vector<16xf32>,
      tpu.vector_store_idx %arg12[%add3A_37, %add3A_465], %gather3A_480 : memref<32x256xf32, #tpu.memory_space<vmem>>[vector<16xi32>, vector<16xi32>], vector<16xf32>,
      %add3A_481 = arith.addi %shift_left3A_473, %add3A_46 : vector<16xi32>
      %gather3A_482 = tpu.vector_load_idx %arg10[%add3A_465, %add3A_481] : memref<256x128xf32, #tpu.memory_space<vmem>>[vector<16xi32>, vector<16xi32>], vector<16xf32>,
      tpu.vector_store_idx %arg12[%add3A_46, %add3A_465], %gather3A_482 : memref<32x256xf32, #tpu.memory_space<vmem>>[vector<16xi32>, vector<16xi32>], vector<16xf32>,
      %add3A_483 = arith.addi %shift_left3A_473, %add3A_55 : vector<16xi32>
      %gather3A_484 = tpu.vector_load_idx %arg10[%add3A_465, %add3A_483] : memref<256x128xf32, #tpu.memory_space<vmem>>[vector<16xi32>, vector<16xi32>], vector<16xf32>,
      tpu.vector_store_idx %arg12[%add3A_55, %add3A_465], %gather3A_484 : memref<32x256xf32, #tpu.memory_space<vmem>>[vector<16xi32>, vector<16xi32>], vector<16xf32>,
      %add3A_485 = arith.addi %shift_left3A_473, %add3A_64 : vector<16xi32>
      %gather3A_486 = tpu.vector_load_idx %arg10[%add3A_465, %add3A_485] : memref<256x128xf32, #tpu.memory_space<vmem>>[vector<16xi32>, vector<16xi32>], vector<16xf32>,
      tpu.vector_store_idx %arg12[%add3A_64, %add3A_465], %gather3A_486 : memref<32x256xf32, #tpu.memory_space<vmem>>[vector<16xi32>, vector<16xi32>], vector<16xf32>,
      %add3A_487 = arith.addi %shift_left3A_473, %add3A_73 : vector<16xi32>
      %gather3A_488 = tpu.vector_load_idx %arg10[%add3A_465, %add3A_487] : memref<256x128xf32, #tpu.memory_space<vmem>>[vector<16xi32>, vector<16xi32>], vector<16xf32>,
      tpu.vector_store_idx %arg12[%add3A_73, %add3A_465], %gather3A_488 : memref<32x256xf32, #tpu.memory_space<vmem>>[vector<16xi32>, vector<16xi32>], vector<16xf32>,
      %add3A_489 = arith.addi %shift_left3A_473, %add3A_82 : vector<16xi32>
      %gather3A_490 = tpu.vector_load_idx %arg10[%add3A_465, %add3A_489] : memref<256x128xf32, #tpu.memory_space<vmem>>[vector<16xi32>, vector<16xi32>], vector<16xf32>,
      tpu.vector_store_idx %arg12[%add3A_82, %add3A_465], %gather3A_490 : memref<32x256xf32, #tpu.memory_space<vmem>>[vector<16xi32>, vector<16xi32>], vector<16xf32>,
      %add3A_491 = arith.addi %shift_left3A_473, %add3A_91 : vector<16xi32>
      %gather3A_492 = tpu.vector_load_idx %arg10[%add3A_465, %add3A_491] : memref<256x128xf32, #tpu.memory_space<vmem>>[vector<16xi32>, vector<16xi32>], vector<16xf32>,
      tpu.vector_store_idx %arg12[%add3A_91, %add3A_465], %gather3A_492 : memref<32x256xf32, #tpu.memory_space<vmem>>[vector<16xi32>, vector<16xi32>], vector<16xf32>,
      %add3A_493 = arith.addi %shift_left3A_473, %add3A_100 : vector<16xi32>
      %gather3A_494 = tpu.vector_load_idx %arg10[%add3A_465, %add3A_493] : memref<256x128xf32, #tpu.memory_space<vmem>>[vector<16xi32>, vector<16xi32>], vector<16xf32>,
      tpu.vector_store_idx %arg12[%add3A_100, %add3A_465], %gather3A_494 : memref<32x256xf32, #tpu.memory_space<vmem>>[vector<16xi32>, vector<16xi32>], vector<16xf32>,
      %add3A_495 = arith.addi %shift_left3A_473, %add3A_109 : vector<16xi32>
      %gather3A_496 = tpu.vector_load_idx %arg10[%add3A_465, %add3A_495] : memref<256x128xf32, #tpu.memory_space<vmem>>[vector<16xi32>, vector<16xi32>], vector<16xf32>,
      tpu.vector_store_idx %arg12[%add3A_109, %add3A_465], %gather3A_496 : memref<32x256xf32, #tpu.memory_space<vmem>>[vector<16xi32>, vector<16xi32>], vector<16xf32>,
      %add3A_497 = arith.addi %shift_left3A_473, %add3A_118 : vector<16xi32>
      %gather3A_498 = tpu.vector_load_idx %arg10[%add3A_465, %add3A_497] : memref<256x128xf32, #tpu.memory_space<vmem>>[vector<16xi32>, vector<16xi32>], vector<16xf32>,
      tpu.vector_store_idx %arg12[%add3A_118, %add3A_465], %gather3A_498 : memref<32x256xf32, #tpu.memory_space<vmem>>[vector<16xi32>, vector<16xi32>], vector<16xf32>,
      %add3A_499 = arith.addi %shift_left3A_473, %add3A_127 : vector<16xi32>
      %gather3A_500 = tpu.vector_load_idx %arg10[%add3A_465, %add3A_499] : memref<256x128xf32, #tpu.memory_space<vmem>>[vector<16xi32>, vector<16xi32>], vector<16xf32>,
      tpu.vector_store_idx %arg12[%add3A_127, %add3A_465], %gather3A_500 : memref<32x256xf32, #tpu.memory_space<vmem>>[vector<16xi32>, vector<16xi32>], vector<16xf32>,
      %add3A_501 = arith.addi %shift_left3A_473, %add3A_136 : vector<16xi32>
      %gather3A_502 = tpu.vector_load_idx %arg10[%add3A_465, %add3A_501] : memref<256x128xf32, #tpu.memory_space<vmem>>[vector<16xi32>, vector<16xi32>], vector<16xf32>,
      tpu.vector_store_idx %arg12[%add3A_136, %add3A_465], %gather3A_502 : memref<32x256xf32, #tpu.memory_space<vmem>>[vector<16xi32>, vector<16xi32>], vector<16xf32>,
      %add3A_503 = arith.addi %shift_left3A_473, %add3A_145 : vector<16xi32>
      %gather3A_504 = tpu.vector_load_idx %arg10[%add3A_465, %add3A_503] : memref<256x128xf32, #tpu.memory_space<vmem>>[vector<16xi32>, vector<16xi32>], vector<16xf32>,
      tpu.vector_store_idx %arg12[%add3A_145, %add3A_465], %gather3A_504 : memref<32x256xf32, #tpu.memory_space<vmem>>[vector<16xi32>, vector<16xi32>], vector<16xf32>,
      %add3A_505 = arith.addi %shift_left3A_473, %add3A_154 : vector<16xi32>
      %gather3A_506 = tpu.vector_load_idx %arg10[%add3A_465, %add3A_505] : memref<256x128xf32, #tpu.memory_space<vmem>>[vector<16xi32>, vector<16xi32>], vector<16xf32>,
      tpu.vector_store_idx %arg12[%add3A_154, %add3A_465], %gather3A_506 : memref<32x256xf32, #tpu.memory_space<vmem>>[vector<16xi32>, vector<16xi32>], vector<16xf32>,
      %add3A_507 = arith.addi %shift_left3A_473, %add3A_163 : vector<16xi32>
      %gather3A_508 = tpu.vector_load_idx %arg10[%add3A_465, %add3A_507] : memref<256x128xf32, #tpu.memory_space<vmem>>[vector<16xi32>, vector<16xi32>], vector<16xf32>,
      tpu.vector_store_idx %arg12[%add3A_163, %add3A_465], %gather3A_508 : memref<32x256xf32, #tpu.memory_space<vmem>>[vector<16xi32>, vector<16xi32>], vector<16xf32>,
      %add3A_509 = arith.addi %shift_left3A_473, %add3A_172 : vector<16xi32>
      %gather3A_510 = tpu.vector_load_idx %arg10[%add3A_465, %add3A_509] : memref<256x128xf32, #tpu.memory_space<vmem>>[vector<16xi32>, vector<16xi32>], vector<16xf32>,
      tpu.vector_store_idx %arg12[%add3A_172, %add3A_465], %gather3A_510 : memref<32x256xf32, #tpu.memory_space<vmem>>[vector<16xi32>, vector<16xi32>], vector<16xf32>,
      %add3A_511 = arith.addi %shift_left3A_473, %add3A_181 : vector<16xi32>
      %gather3A_512 = tpu.vector_load_idx %arg10[%add3A_465, %add3A_511] : memref<256x128xf32, #tpu.memory_space<vmem>>[vector<16xi32>, vector<16xi32>], vector<16xf32>,
      tpu.vector_store_idx %arg12[%add3A_181, %add3A_465], %gather3A_512 : memref<32x256xf32, #tpu.memory_space<vmem>>[vector<16xi32>, vector<16xi32>], vector<16xf32>,
      %add3A_513 = arith.addi %shift_left3A_473, %add3A_190 : vector<16xi32>
      %gather3A_514 = tpu.vector_load_idx %arg10[%add3A_465, %add3A_513] : memref<256x128xf32, #tpu.memory_space<vmem>>[vector<16xi32>, vector<16xi32>], vector<16xf32>,
      tpu.vector_store_idx %arg12[%add3A_190, %add3A_465], %gather3A_514 : memref<32x256xf32, #tpu.memory_space<vmem>>[vector<16xi32>, vector<16xi32>], vector<16xf32>,
      %add3A_515 = arith.addi %shift_left3A_473, %add3A_199 : vector<16xi32>
      %gather3A_516 = tpu.vector_load_idx %arg10[%add3A_465, %add3A_515] : memref<256x128xf32, #tpu.memory_space<vmem>>[vector<16xi32>, vector<16xi32>], vector<16xf32>,
      tpu.vector_store_idx %arg12[%add3A_199, %add3A_465], %gather3A_516 : memref<32x256xf32, #tpu.memory_space<vmem>>[vector<16xi32>, vector<16xi32>], vector<16xf32>,
      %add3A_517 = arith.addi %shift_left3A_473, %add3A_208 : vector<16xi32>
      %gather3A_518 = tpu.vector_load_idx %arg10[%add3A_465, %add3A_517] : memref<256x128xf32, #tpu.memory_space<vmem>>[vector<16xi32>, vector<16xi32>], vector<16xf32>,
      tpu.vector_store_idx %arg12[%add3A_208, %add3A_465], %gather3A_518 : memref<32x256xf32, #tpu.memory_space<vmem>>[vector<16xi32>, vector<16xi32>], vector<16xf32>,
      %add3A_519 = arith.addi %shift_left3A_473, %add3A_217 : vector<16xi32>
      %gather3A_520 = tpu.vector_load_idx %arg10[%add3A_465, %add3A_519] : memref<256x128xf32, #tpu.memory_space<vmem>>[vector<16xi32>, vector<16xi32>], vector<16xf32>,
      tpu.vector_store_idx %arg12[%add3A_217, %add3A_465], %gather3A_520 : memref<32x256xf32, #tpu.memory_space<vmem>>[vector<16xi32>, vector<16xi32>], vector<16xf32>,
      %add3A_521 = arith.addi %shift_left3A_473, %add3A_226 : vector<16xi32>
      %gather3A_522 = tpu.vector_load_idx %arg10[%add3A_465, %add3A_521] : memref<256x128xf32, #tpu.memory_space<vmem>>[vector<16xi32>, vector<16xi32>], vector<16xf32>,
      tpu.vector_store_idx %arg12[%add3A_226, %add3A_465], %gather3A_522 : memref<32x256xf32, #tpu.memory_space<vmem>>[vector<16xi32>, vector<16xi32>], vector<16xf32>,
      %add3A_523 = arith.addi %shift_left3A_473, %add3A_235 : vector<16xi32>
      %gather3A_524 = tpu.vector_load_idx %arg10[%add3A_465, %add3A_523] : memref<256x128xf32, #tpu.memory_space<vmem>>[vector<16xi32>, vector<16xi32>], vector<16xf32>,
      tpu.vector_store_idx %arg12[%add3A_235, %add3A_465], %gather3A_524 : memref<32x256xf32, #tpu.memory_space<vmem>>[vector<16xi32>, vector<16xi32>], vector<16xf32>,
      %add3A_525 = arith.addi %shift_left3A_473, %add3A_244 : vector<16xi32>
      %gather3A_526 = tpu.vector_load_idx %arg10[%add3A_465, %add3A_525] : memref<256x128xf32, #tpu.memory_space<vmem>>[vector<16xi32>, vector<16xi32>], vector<16xf32>,
      tpu.vector_store_idx %arg12[%add3A_244, %add3A_465], %gather3A_526 : memref<32x256xf32, #tpu.memory_space<vmem>>[vector<16xi32>, vector<16xi32>], vector<16xf32>,
      %add3A_527 = arith.addi %shift_left3A_473, %add3A_253 : vector<16xi32>
      %gather3A_528 = tpu.vector_load_idx %arg10[%add3A_465, %add3A_527] : memref<256x128xf32, #tpu.memory_space<vmem>>[vector<16xi32>, vector<16xi32>], vector<16xf32>,
      tpu.vector_store_idx %arg12[%add3A_253, %add3A_465], %gather3A_528 : memref<32x256xf32, #tpu.memory_space<vmem>>[vector<16xi32>, vector<16xi32>], vector<16xf32>,
      %add3A_529 = arith.addi %shift_left3A_473, %add3A_262 : vector<16xi32>
      %gather3A_530 = tpu.vector_load_idx %arg10[%add3A_465, %add3A_529] : memref<256x128xf32, #tpu.memory_space<vmem>>[vector<16xi32>, vector<16xi32>], vector<16xf32>,
      tpu.vector_store_idx %arg12[%add3A_262, %add3A_465], %gather3A_530 : memref<32x256xf32, #tpu.memory_space<vmem>>[vector<16xi32>, vector<16xi32>], vector<16xf32>,
      %add3A_531 = arith.addi %shift_left3A_473, %add3A_271 : vector<16xi32>
      %gather3A_532 = tpu.vector_load_idx %arg10[%add3A_465, %add3A_531] : memref<256x128xf32, #tpu.memory_space<vmem>>[vector<16xi32>, vector<16xi32>], vector<16xf32>,
      tpu.vector_store_idx %arg12[%add3A_271, %add3A_465], %gather3A_532 : memref<32x256xf32, #tpu.memory_space<vmem>>[vector<16xi32>, vector<16xi32>], vector<16xf32>,
      %add3A_533 = arith.addi %shift_left3A_473, %add3A_280 : vector<16xi32>
      %gather3A_534 = tpu.vector_load_idx %arg10[%add3A_465, %add3A_533] : memref<256x128xf32, #tpu.memory_space<vmem>>[vector<16xi32>, vector<16xi32>], vector<16xf32>,
      tpu.vector_store_idx %arg12[%add3A_280, %add3A_465], %gather3A_534 : memref<32x256xf32, #tpu.memory_space<vmem>>[vector<16xi32>, vector<16xi32>], vector<16xf32>,
      %add3A_535 = arith.addi %shift_left3A_473, %add3A_289 : vector<16xi32>
      %gather3A_536 = tpu.vector_load_idx %arg10[%add3A_465, %add3A_535] : memref<256x128xf32, #tpu.memory_space<vmem>>[vector<16xi32>, vector<16xi32>], vector<16xf32>,
      tpu.vector_store_idx %arg12[%add3A_289, %add3A_465], %gather3A_536 : memref<32x256xf32, #tpu.memory_space<vmem>>[vector<16xi32>, vector<16xi32>], vector<16xf32>,
    }
    %scan3A_364 = arith.constant 16 : i32
    %add3A_365 = arith.constant 256 : i32
    %add3A_366 = arith.addi %mul3A_2, %add3A_365 : i32
    %dma_start3A_367 = arith.constant 0 : i32
    %dma_start3A_368 = arith.constant 0 : i32
    %dma_start3A_369 = tpu.memref_slice %arg4[%dma_start3A_367, %dma_start3A_368, %add3A_366] : memref<50x32x16384xf32, #tpu.memory_space<hbm>> -> memref<1x32x256xf32, #tpu.memory_space<hbm>>
    %dma_start3A_370 = tpu.memref_squeeze %dma_start3A_369 : memref<1x32x256xf32, #tpu.memory_space<hbm>> -> memref<32x256xf32, #tpu.memory_space<hbm>>
    %dma_start3A_371 = arith.constant 0 : i32
    %dma_start3A_372 = tpu.memref_slice %arg4[%dma_start3A_367, %dma_start3A_371, %add3A_366] : memref<50x32x16384xf32, #tpu.memory_space<hbm>> -> memref<1x32x256xf32, #tpu.memory_space<hbm>>
    %dma_start3A_373 = tpu.memref_squeeze %dma_start3A_372 : memref<1x32x256xf32, #tpu.memory_space<hbm>> -> memref<32x256xf32, #tpu.memory_space<hbm>>
    tpu.enqueue_dma source(%arg12 : memref<32x256xf32, #tpu.memory_space<vmem>>) target(%dma_start3A_373 : memref<32x256xf32, #tpu.memory_space<hbm>>) target_semaphore(%arg18 : memref<!tpu.dma_semaphore, #tpu.memory_space<semaphore_mem>>)
    %add3A_374 = arith.constant 16384 : i32
    %add3A_375 = arith.addi %add3A_374, %mul3A_2 : i32
    %add3A_376 = arith.constant 256 : i32
    %add3A_377 = arith.addi %add3A_375, %add3A_376 : i32
    %dma_start3A_378 = tpu.memref_slice %arg2[%add3A_377] : memref<819200xi32, #tpu.memory_space<hbm>> -> memref<256xi32, #tpu.memory_space<hbm>>
    %dma_start3A_379 = tpu.memref_slice %arg2[%add3A_377] : memref<819200xi32, #tpu.memory_space<hbm>> -> memref<256xi32, #tpu.memory_space<hbm>>
    tpu.enqueue_dma source(%dma_start3A_379 : memref<256xi32, #tpu.memory_space<hbm>>) target(%arg6 : memref<256xi32, #tpu.memory_space<vmem>>) target_semaphore(%arg14 : memref<!tpu.dma_semaphore, #tpu.memory_space<semaphore_mem>>)
    %scan3A_380 = arith.constant 0 : i32
    %scan3A_381 = arith.constant 1 : i32
    %scan3A_382 = arith.constant 48 : i32
    %scan3A_383 = arith.addi %scan3A_381, %scan3A_382 : i32
    %scan3A_384 = arith.constant 1 : i32
    scf.for %scan3A_461 = %scan3A_381 to %scan3A_383 step %scan3A_384  : i32 {
      %mul3A_462 = arith.constant 2 : i32
      %mul3A_463 = arith.muli %mul3A_462, %scan3A_461 : i32
      %add3A_464 = arith.constant 0 : i32
      %add3A_465 = arith.addi %mul3A_463, %add3A_464 : i32
      %dma_wait3A_466 = tpu.memref_slice %arg2[%mul3A_2] : memref<819200xi32, #tpu.memory_space<hbm>> -> memref<256xi32, #tpu.memory_space<hbm>>
      %dma_wait3A_467 = tpu.memref_slice %arg2[%mul3A_2] : memref<819200xi32, #tpu.memory_space<hbm>> -> memref<256xi32, #tpu.memory_space<hbm>>
      tpu.wait_dma2 semaphore(%arg14 : memref<!tpu.dma_semaphore, #tpu.memory_space<semaphore_mem>>) src(%dma_wait3A_467 : memref<256xi32, #tpu.memory_space<hbm>>) dst(%arg6 : memref<256xi32, #tpu.memory_space<vmem>>)
      %scan3A_468 = arith.constant 0 : i32
      %scan3A_469 = arith.constant 0 : i32
      %scan3A_470 = arith.constant 16 : i32
      %scan3A_471 = arith.addi %scan3A_469, %scan3A_470 : i32
      %scan3A_472 = arith.constant 1 : i32
      scf.for %scan3A_713 = %scan3A_469 to %scan3A_471 step %scan3A_472  : i32 {
        %mul3A_714 = arith.constant 16 : i32
        %mul3A_715 = arith.muli %scan3A_713, %mul3A_714 : i32
        %get3A = arith.index_cast %mul3A_715 : i32 to index
        %get3A_716 = tpu.vector_load %arg6[%get3A] {strides = array<i32>} : memref<256xi32, #tpu.memory_space<vmem>>, vector<16xi32>,
        %shift_right_arithmetic3A = arith.constant 2 : i32
        %shift_right_arithmetic3A_717 = vector.broadcast %shift_right_arithmetic3A : i32 to vector<16xi32>
        %shift_right_arithmetic3A_718 = arith.shrsi %get3A_716, %shift_right_arithmetic3A_717 : vector<16xi32>
        %mul3A_719 = arith.constant 16 : i32
        %mul3A_720 = arith.muli %scan3A_713, %mul3A_719 : i32
        %swap3A = arith.index_cast %mul3A_720 : i32 to index
        %swap3A_721 = tpu.vector_load %arg8[%swap3A] {strides = array<i32>} : memref<256xi32, #tpu.memory_space<vmem>>, vector<16xi32>,
        tpu.vector_store %arg8[%swap3A], %shift_right_arithmetic3A_718 {strides = array<i32>} : memref<256xi32, #tpu.memory_space<vmem>>, vector<16xi32>,
      }
      %scan3A_473 = arith.constant 16 : i32
      %dma_start3A_474 = arith.constant 0 : i32
      %dma_start3A_475 = arith.constant 0 : i32
      %dma_start3A_476 = tpu.memref_slice %arg3[%dma_start3A_474, %dma_start3A_475] : memref<250000x128xf32, #tpu.memory_space<hbm>> -> memref<250000x128xf32, #tpu.memory_space<hbm>>
      tpu.enqueue_indirect_dma source(%dma_start3A_476 : memref<250000x128xf32, #tpu.memory_space<hbm>>) target(%arg10 : memref<256x128xf32, #tpu.memory_space<vmem>>) offsets(%arg8 : memref<256xi32, #tpu.memory_space<vmem>>) semaphore(%arg16 : memref<!tpu.dma_semaphore, #tpu.memory_space<semaphore_mem>>)
      %dma_wait3A_477 = arith.constant 0 : i32
      %dma_wait3A_478 = arith.constant 0 : i32
      %dma_wait3A_479 = tpu.memref_slice %arg3[%dma_wait3A_477, %dma_wait3A_478] : memref<250000x128xf32, #tpu.memory_space<hbm>> -> memref<250000x128xf32, #tpu.memory_space<hbm>>
      tpu.wait_indirect_dma semaphore(%arg15 : memref<!tpu.dma_semaphore, #tpu.memory_space<semaphore_mem>>) src(%dma_wait3A_479 : memref<250000x128xf32, #tpu.memory_space<hbm>>) dst(%arg9 : memref<256x128xf32, #tpu.memory_space<vmem>>)
      %dma_wait3A_480 = arith.constant 0 : i32
      %dma_wait3A_481 = arith.constant 0 : i32
      %dma_wait3A_482 = tpu.memref_slice %arg4[%dma_wait3A_480, %dma_wait3A_481, %mul3A_2] : memref<50x32x16384xf32, #tpu.memory_space<hbm>> -> memref<1x32x256xf32, #tpu.memory_space<hbm>>
      %dma_wait3A_483 = tpu.memref_squeeze %dma_wait3A_482 : memref<1x32x256xf32, #tpu.memory_space<hbm>> -> memref<32x256xf32, #tpu.memory_space<hbm>>
      %dma_wait3A_484 = arith.constant 0 : i32
      %dma_wait3A_485 = tpu.memref_slice %arg4[%dma_wait3A_480, %dma_wait3A_484, %mul3A_2] : memref<50x32x16384xf32, #tpu.memory_space<hbm>> -> memref<1x32x256xf32, #tpu.memory_space<hbm>>
      %dma_wait3A_486 = tpu.memref_squeeze %dma_wait3A_485 : memref<1x32x256xf32, #tpu.memory_space<hbm>> -> memref<32x256xf32, #tpu.memory_space<hbm>>
      tpu.wait_dma2 semaphore(%arg17 : memref<!tpu.dma_semaphore, #tpu.memory_space<semaphore_mem>>) src(%arg11 : memref<32x256xf32, #tpu.memory_space<vmem>>) dst(%dma_wait3A_486 : memref<32x256xf32, #tpu.memory_space<hbm>>)
      %scan3A_487 = arith.constant 0 : i32
      %scan3A_488 = arith.constant 0 : i32
      %scan3A_489 = arith.constant 16 : i32
      %scan3A_490 = arith.addi %scan3A_488, %scan3A_489 : i32
      %scan3A_491 = arith.constant 1 : i32
      scf.for %scan3A_713 = %scan3A_488 to %scan3A_490 step %scan3A_491  : i32 {
        %mul3A_714 = arith.constant 16 : i32
        %mul3A_715 = arith.muli %scan3A_713, %mul3A_714 : i32
        %add3A_716 = vector.broadcast %mul3A_715 : i32 to vector<16xi32>
        %add3A_717 = arith.addi %iota3A, %add3A_716 : vector<16xi32>
        %mul3A_718 = arith.constant 16 : i32
        %mul3A_719 = arith.muli %scan3A_713, %mul3A_718 : i32
        %get3A = arith.index_cast %mul3A_719 : i32 to index
        %get3A_720 = tpu.vector_load %arg5[%get3A] {strides = array<i32>} : memref<256xi32, #tpu.memory_space<vmem>>, vector<16xi32>,
        %and3A_721 = arith.constant 3 : i32
        %and3A_722 = vector.broadcast %and3A_721 : i32 to vector<16xi32>
        %and3A_723 = arith.andi %get3A_720, %and3A_722 : vector<16xi32>
        %shift_left3A = arith.constant 5 : i32
        %shift_left3A_724 = vector.broadcast %shift_left3A : i32 to vector<16xi32>
        %shift_left3A_725 = arith.shli %and3A_723, %shift_left3A_724 : vector<16xi32>
        %add3A_726 = arith.addi %shift_left3A_725, %add3A_10 : vector<16xi32>
        %gather3A = tpu.vector_load_idx %arg9[%add3A_717, %add3A_726] : memref<256x128xf32, #tpu.memory_space<vmem>>[vector<16xi32>, vector<16xi32>], vector<16xf32>,
        tpu.vector_store_idx %arg11[%add3A_10, %add3A_717], %gather3A : memref<32x256xf32, #tpu.memory_space<vmem>>[vector<16xi32>, vector<16xi32>], vector<16xf32>,
        %add3A_727 = arith.addi %shift_left3A_725, %add3A_19 : vector<16xi32>
        %gather3A_728 = tpu.vector_load_idx %arg9[%add3A_717, %add3A_727] : memref<256x128xf32, #tpu.memory_space<vmem>>[vector<16xi32>, vector<16xi32>], vector<16xf32>,
        tpu.vector_store_idx %arg11[%add3A_19, %add3A_717], %gather3A_728 : memref<32x256xf32, #tpu.memory_space<vmem>>[vector<16xi32>, vector<16xi32>], vector<16xf32>,
        %add3A_729 = arith.addi %shift_left3A_725, %add3A_28 : vector<16xi32>
        %gather3A_730 = tpu.vector_load_idx %arg9[%add3A_717, %add3A_729] : memref<256x128xf32, #tpu.memory_space<vmem>>[vector<16xi32>, vector<16xi32>], vector<16xf32>,
        tpu.vector_store_idx %arg11[%add3A_28, %add3A_717], %gather3A_730 : memref<32x256xf32, #tpu.memory_space<vmem>>[vector<16xi32>, vector<16xi32>], vector<16xf32>,
        %add3A_731 = arith.addi %shift_left3A_725, %add3A_37 : vector<16xi32>
        %gather3A_732 = tpu.vector_load_idx %arg9[%add3A_717, %add3A_731] : memref<256x128xf32, #tpu.memory_space<vmem>>[vector<16xi32>, vector<16xi32>], vector<16xf32>,
        tpu.vector_store_idx %arg11[%add3A_37, %add3A_717], %gather3A_732 : memref<32x256xf32, #tpu.memory_space<vmem>>[vector<16xi32>, vector<16xi32>], vector<16xf32>,
        %add3A_733 = arith.addi %shift_left3A_725, %add3A_46 : vector<16xi32>
        %gather3A_734 = tpu.vector_load_idx %arg9[%add3A_717, %add3A_733] : memref<256x128xf32, #tpu.memory_space<vmem>>[vector<16xi32>, vector<16xi32>], vector<16xf32>,
        tpu.vector_store_idx %arg11[%add3A_46, %add3A_717], %gather3A_734 : memref<32x256xf32, #tpu.memory_space<vmem>>[vector<16xi32>, vector<16xi32>], vector<16xf32>,
        %add3A_735 = arith.addi %shift_left3A_725, %add3A_55 : vector<16xi32>
        %gather3A_736 = tpu.vector_load_idx %arg9[%add3A_717, %add3A_735] : memref<256x128xf32, #tpu.memory_space<vmem>>[vector<16xi32>, vector<16xi32>], vector<16xf32>,
        tpu.vector_store_idx %arg11[%add3A_55, %add3A_717], %gather3A_736 : memref<32x256xf32, #tpu.memory_space<vmem>>[vector<16xi32>, vector<16xi32>], vector<16xf32>,
        %add3A_737 = arith.addi %shift_left3A_725, %add3A_64 : vector<16xi32>
        %gather3A_738 = tpu.vector_load_idx %arg9[%add3A_717, %add3A_737] : memref<256x128xf32, #tpu.memory_space<vmem>>[vector<16xi32>, vector<16xi32>], vector<16xf32>,
        tpu.vector_store_idx %arg11[%add3A_64, %add3A_717], %gather3A_738 : memref<32x256xf32, #tpu.memory_space<vmem>>[vector<16xi32>, vector<16xi32>], vector<16xf32>,
        %add3A_739 = arith.addi %shift_left3A_725, %add3A_73 : vector<16xi32>
        %gather3A_740 = tpu.vector_load_idx %arg9[%add3A_717, %add3A_739] : memref<256x128xf32, #tpu.memory_space<vmem>>[vector<16xi32>, vector<16xi32>], vector<16xf32>,
        tpu.vector_store_idx %arg11[%add3A_73, %add3A_717], %gather3A_740 : memref<32x256xf32, #tpu.memory_space<vmem>>[vector<16xi32>, vector<16xi32>], vector<16xf32>,
        %add3A_741 = arith.addi %shift_left3A_725, %add3A_82 : vector<16xi32>
        %gather3A_742 = tpu.vector_load_idx %arg9[%add3A_717, %add3A_741] : memref<256x128xf32, #tpu.memory_space<vmem>>[vector<16xi32>, vector<16xi32>], vector<16xf32>,
        tpu.vector_store_idx %arg11[%add3A_82, %add3A_717], %gather3A_742 : memref<32x256xf32, #tpu.memory_space<vmem>>[vector<16xi32>, vector<16xi32>], vector<16xf32>,
        %add3A_743 = arith.addi %shift_left3A_725, %add3A_91 : vector<16xi32>
        %gather3A_744 = tpu.vector_load_idx %arg9[%add3A_717, %add3A_743] : memref<256x128xf32, #tpu.memory_space<vmem>>[vector<16xi32>, vector<16xi32>], vector<16xf32>,
        tpu.vector_store_idx %arg11[%add3A_91, %add3A_717], %gather3A_744 : memref<32x256xf32, #tpu.memory_space<vmem>>[vector<16xi32>, vector<16xi32>], vector<16xf32>,
        %add3A_745 = arith.addi %shift_left3A_725, %add3A_100 : vector<16xi32>
        %gather3A_746 = tpu.vector_load_idx %arg9[%add3A_717, %add3A_745] : memref<256x128xf32, #tpu.memory_space<vmem>>[vector<16xi32>, vector<16xi32>], vector<16xf32>,
        tpu.vector_store_idx %arg11[%add3A_100, %add3A_717], %gather3A_746 : memref<32x256xf32, #tpu.memory_space<vmem>>[vector<16xi32>, vector<16xi32>], vector<16xf32>,
        %add3A_747 = arith.addi %shift_left3A_725, %add3A_109 : vector<16xi32>
        %gather3A_748 = tpu.vector_load_idx %arg9[%add3A_717, %add3A_747] : memref<256x128xf32, #tpu.memory_space<vmem>>[vector<16xi32>, vector<16xi32>], vector<16xf32>,
        tpu.vector_store_idx %arg11[%add3A_109, %add3A_717], %gather3A_748 : memref<32x256xf32, #tpu.memory_space<vmem>>[vector<16xi32>, vector<16xi32>], vector<16xf32>,
        %add3A_749 = arith.addi %shift_left3A_725, %add3A_118 : vector<16xi32>
        %gather3A_750 = tpu.vector_load_idx %arg9[%add3A_717, %add3A_749] : memref<256x128xf32, #tpu.memory_space<vmem>>[vector<16xi32>, vector<16xi32>], vector<16xf32>,
        tpu.vector_store_idx %arg11[%add3A_118, %add3A_717], %gather3A_750 : memref<32x256xf32, #tpu.memory_space<vmem>>[vector<16xi32>, vector<16xi32>], vector<16xf32>,
        %add3A_751 = arith.addi %shift_left3A_725, %add3A_127 : vector<16xi32>
        %gather3A_752 = tpu.vector_load_idx %arg9[%add3A_717, %add3A_751] : memref<256x128xf32, #tpu.memory_space<vmem>>[vector<16xi32>, vector<16xi32>], vector<16xf32>,
        tpu.vector_store_idx %arg11[%add3A_127, %add3A_717], %gather3A_752 : memref<32x256xf32, #tpu.memory_space<vmem>>[vector<16xi32>, vector<16xi32>], vector<16xf32>,
        %add3A_753 = arith.addi %shift_left3A_725, %add3A_136 : vector<16xi32>
        %gather3A_754 = tpu.vector_load_idx %arg9[%add3A_717, %add3A_753] : memref<256x128xf32, #tpu.memory_space<vmem>>[vector<16xi32>, vector<16xi32>], vector<16xf32>,
        tpu.vector_store_idx %arg11[%add3A_136, %add3A_717], %gather3A_754 : memref<32x256xf32, #tpu.memory_space<vmem>>[vector<16xi32>, vector<16xi32>], vector<16xf32>,
        %add3A_755 = arith.addi %shift_left3A_725, %add3A_145 : vector<16xi32>
        %gather3A_756 = tpu.vector_load_idx %arg9[%add3A_717, %add3A_755] : memref<256x128xf32, #tpu.memory_space<vmem>>[vector<16xi32>, vector<16xi32>], vector<16xf32>,
        tpu.vector_store_idx %arg11[%add3A_145, %add3A_717], %gather3A_756 : memref<32x256xf32, #tpu.memory_space<vmem>>[vector<16xi32>, vector<16xi32>], vector<16xf32>,
        %add3A_757 = arith.addi %shift_left3A_725, %add3A_154 : vector<16xi32>
        %gather3A_758 = tpu.vector_load_idx %arg9[%add3A_717, %add3A_757] : memref<256x128xf32, #tpu.memory_space<vmem>>[vector<16xi32>, vector<16xi32>], vector<16xf32>,
        tpu.vector_store_idx %arg11[%add3A_154, %add3A_717], %gather3A_758 : memref<32x256xf32, #tpu.memory_space<vmem>>[vector<16xi32>, vector<16xi32>], vector<16xf32>,
        %add3A_759 = arith.addi %shift_left3A_725, %add3A_163 : vector<16xi32>
        %gather3A_760 = tpu.vector_load_idx %arg9[%add3A_717, %add3A_759] : memref<256x128xf32, #tpu.memory_space<vmem>>[vector<16xi32>, vector<16xi32>], vector<16xf32>,
        tpu.vector_store_idx %arg11[%add3A_163, %add3A_717], %gather3A_760 : memref<32x256xf32, #tpu.memory_space<vmem>>[vector<16xi32>, vector<16xi32>], vector<16xf32>,
        %add3A_761 = arith.addi %shift_left3A_725, %add3A_172 : vector<16xi32>
        %gather3A_762 = tpu.vector_load_idx %arg9[%add3A_717, %add3A_761] : memref<256x128xf32, #tpu.memory_space<vmem>>[vector<16xi32>, vector<16xi32>], vector<16xf32>,
        tpu.vector_store_idx %arg11[%add3A_172, %add3A_717], %gather3A_762 : memref<32x256xf32, #tpu.memory_space<vmem>>[vector<16xi32>, vector<16xi32>], vector<16xf32>,
        %add3A_763 = arith.addi %shift_left3A_725, %add3A_181 : vector<16xi32>
        %gather3A_764 = tpu.vector_load_idx %arg9[%add3A_717, %add3A_763] : memref<256x128xf32, #tpu.memory_space<vmem>>[vector<16xi32>, vector<16xi32>], vector<16xf32>,
        tpu.vector_store_idx %arg11[%add3A_181, %add3A_717], %gather3A_764 : memref<32x256xf32, #tpu.memory_space<vmem>>[vector<16xi32>, vector<16xi32>], vector<16xf32>,
        %add3A_765 = arith.addi %shift_left3A_725, %add3A_190 : vector<16xi32>
        %gather3A_766 = tpu.vector_load_idx %arg9[%add3A_717, %add3A_765] : memref<256x128xf32, #tpu.memory_space<vmem>>[vector<16xi32>, vector<16xi32>], vector<16xf32>,
        tpu.vector_store_idx %arg11[%add3A_190, %add3A_717], %gather3A_766 : memref<32x256xf32, #tpu.memory_space<vmem>>[vector<16xi32>, vector<16xi32>], vector<16xf32>,
        %add3A_767 = arith.addi %shift_left3A_725, %add3A_199 : vector<16xi32>
        %gather3A_768 = tpu.vector_load_idx %arg9[%add3A_717, %add3A_767] : memref<256x128xf32, #tpu.memory_space<vmem>>[vector<16xi32>, vector<16xi32>], vector<16xf32>,
        tpu.vector_store_idx %arg11[%add3A_199, %add3A_717], %gather3A_768 : memref<32x256xf32, #tpu.memory_space<vmem>>[vector<16xi32>, vector<16xi32>], vector<16xf32>,
        %add3A_769 = arith.addi %shift_left3A_725, %add3A_208 : vector<16xi32>
        %gather3A_770 = tpu.vector_load_idx %arg9[%add3A_717, %add3A_769] : memref<256x128xf32, #tpu.memory_space<vmem>>[vector<16xi32>, vector<16xi32>], vector<16xf32>,
        tpu.vector_store_idx %arg11[%add3A_208, %add3A_717], %gather3A_770 : memref<32x256xf32, #tpu.memory_space<vmem>>[vector<16xi32>, vector<16xi32>], vector<16xf32>,
        %add3A_771 = arith.addi %shift_left3A_725, %add3A_217 : vector<16xi32>
        %gather3A_772 = tpu.vector_load_idx %arg9[%add3A_717, %add3A_771] : memref<256x128xf32, #tpu.memory_space<vmem>>[vector<16xi32>, vector<16xi32>], vector<16xf32>,
        tpu.vector_store_idx %arg11[%add3A_217, %add3A_717], %gather3A_772 : memref<32x256xf32, #tpu.memory_space<vmem>>[vector<16xi32>, vector<16xi32>], vector<16xf32>,
        %add3A_773 = arith.addi %shift_left3A_725, %add3A_226 : vector<16xi32>
        %gather3A_774 = tpu.vector_load_idx %arg9[%add3A_717, %add3A_773] : memref<256x128xf32, #tpu.memory_space<vmem>>[vector<16xi32>, vector<16xi32>], vector<16xf32>,
        tpu.vector_store_idx %arg11[%add3A_226, %add3A_717], %gather3A_774 : memref<32x256xf32, #tpu.memory_space<vmem>>[vector<16xi32>, vector<16xi32>], vector<16xf32>,
        %add3A_775 = arith.addi %shift_left3A_725, %add3A_235 : vector<16xi32>
        %gather3A_776 = tpu.vector_load_idx %arg9[%add3A_717, %add3A_775] : memref<256x128xf32, #tpu.memory_space<vmem>>[vector<16xi32>, vector<16xi32>], vector<16xf32>,
        tpu.vector_store_idx %arg11[%add3A_235, %add3A_717], %gather3A_776 : memref<32x256xf32, #tpu.memory_space<vmem>>[vector<16xi32>, vector<16xi32>], vector<16xf32>,
        %add3A_777 = arith.addi %shift_left3A_725, %add3A_244 : vector<16xi32>
        %gather3A_778 = tpu.vector_load_idx %arg9[%add3A_717, %add3A_777] : memref<256x128xf32, #tpu.memory_space<vmem>>[vector<16xi32>, vector<16xi32>], vector<16xf32>,
        tpu.vector_store_idx %arg11[%add3A_244, %add3A_717], %gather3A_778 : memref<32x256xf32, #tpu.memory_space<vmem>>[vector<16xi32>, vector<16xi32>], vector<16xf32>,
        %add3A_779 = arith.addi %shift_left3A_725, %add3A_253 : vector<16xi32>
        %gather3A_780 = tpu.vector_load_idx %arg9[%add3A_717, %add3A_779] : memref<256x128xf32, #tpu.memory_space<vmem>>[vector<16xi32>, vector<16xi32>], vector<16xf32>,
        tpu.vector_store_idx %arg11[%add3A_253, %add3A_717], %gather3A_780 : memref<32x256xf32, #tpu.memory_space<vmem>>[vector<16xi32>, vector<16xi32>], vector<16xf32>,
        %add3A_781 = arith.addi %shift_left3A_725, %add3A_262 : vector<16xi32>
        %gather3A_782 = tpu.vector_load_idx %arg9[%add3A_717, %add3A_781] : memref<256x128xf32, #tpu.memory_space<vmem>>[vector<16xi32>, vector<16xi32>], vector<16xf32>,
        tpu.vector_store_idx %arg11[%add3A_262, %add3A_717], %gather3A_782 : memref<32x256xf32, #tpu.memory_space<vmem>>[vector<16xi32>, vector<16xi32>], vector<16xf32>,
        %add3A_783 = arith.addi %shift_left3A_725, %add3A_271 : vector<16xi32>
        %gather3A_784 = tpu.vector_load_idx %arg9[%add3A_717, %add3A_783] : memref<256x128xf32, #tpu.memory_space<vmem>>[vector<16xi32>, vector<16xi32>], vector<16xf32>,
        tpu.vector_store_idx %arg11[%add3A_271, %add3A_717], %gather3A_784 : memref<32x256xf32, #tpu.memory_space<vmem>>[vector<16xi32>, vector<16xi32>], vector<16xf32>,
        %add3A_785 = arith.addi %shift_left3A_725, %add3A_280 : vector<16xi32>
        %gather3A_786 = tpu.vector_load_idx %arg9[%add3A_717, %add3A_785] : memref<256x128xf32, #tpu.memory_space<vmem>>[vector<16xi32>, vector<16xi32>], vector<16xf32>,
        tpu.vector_store_idx %arg11[%add3A_280, %add3A_717], %gather3A_786 : memref<32x256xf32, #tpu.memory_space<vmem>>[vector<16xi32>, vector<16xi32>], vector<16xf32>,
        %add3A_787 = arith.addi %shift_left3A_725, %add3A_289 : vector<16xi32>
        %gather3A_788 = tpu.vector_load_idx %arg9[%add3A_717, %add3A_787] : memref<256x128xf32, #tpu.memory_space<vmem>>[vector<16xi32>, vector<16xi32>], vector<16xf32>,
        tpu.vector_store_idx %arg11[%add3A_289, %add3A_717], %gather3A_788 : memref<32x256xf32, #tpu.memory_space<vmem>>[vector<16xi32>, vector<16xi32>], vector<16xf32>,
      }
      %scan3A_492 = arith.constant 16 : i32
      %jit3A = arith.constant 2 : i32
      %div3A = arith.divsi %add3A_465, %jit3A : i32
      %sign3A = arith.constant 0 : i32
      %sign3A_493 = arith.cmpi sgt, %add3A_465, %sign3A : i32
      %sign3A_494 = arith.extui %sign3A_493 : i1 to i32
      %sign3A_495 = arith.constant 0 : i32
      %sign3A_496 = arith.cmpi slt, %add3A_465, %sign3A_495 : i32
      %sign3A_497 = arith.extui %sign3A_496 : i1 to i32
      %sign3A_498 = arith.subi %sign3A_494, %sign3A_497 : i32
      %sign3A_499 = arith.constant 0 : i32
      %sign3A_500 = arith.cmpi sgt, %jit3A, %sign3A_499 : i32
      %sign3A_501 = arith.extui %sign3A_500 : i1 to i32
      %sign3A_502 = arith.constant 0 : i32
      %sign3A_503 = arith.cmpi slt, %jit3A, %sign3A_502 : i32
      %sign3A_504 = arith.extui %sign3A_503 : i1 to i32
      %sign3A_505 = arith.subi %sign3A_501, %sign3A_504 : i32
      %ne3A = arith.cmpi ne, %sign3A_498, %sign3A_505 : i32
      %rem3A = arith.remsi %add3A_465, %jit3A : i32
      %ne3A_506 = arith.constant 0 : i32
      %ne3A_507 = arith.cmpi ne, %rem3A, %ne3A_506 : i32
      %and3A_508 = arith.andi %ne3A, %ne3A_507 : i1
      %sub3A = arith.constant 1 : i32
      %sub3A_509 = arith.subi %div3A, %sub3A : i32
      %select_n3A = arith.select %and3A_508, %sub3A_509, %div3A : i32
      %jit3A_510 = arith.constant 2 : i32
      %eq3A = arith.constant 0 : i32
      %eq3A_511 = arith.cmpi eq, %jit3A_510, %eq3A : i32
      %jit3A_512 = arith.constant 1 : i32
      %select_n3A_513 = arith.select %eq3A_511, %jit3A_512, %jit3A_510 : i32
      %rem3A_514 = arith.remsi %add3A_465, %select_n3A_513 : i32
      %ne3A_515 = arith.constant 0 : i32
      %ne3A_516 = arith.cmpi ne, %rem3A_514, %ne3A_515 : i32
      %lt3A = arith.constant 0 : i32
      %lt3A_517 = arith.cmpi slt, %rem3A_514, %lt3A : i32
      %lt3A_518 = arith.constant 0 : i32
      %lt3A_519 = arith.cmpi slt, %select_n3A_513, %lt3A_518 : i32
      %ne3A_520 = arith.xori %lt3A_517, %lt3A_519 : i1
      %and3A_521 = arith.andi %ne3A_520, %ne3A_516 : i1
      %add3A_522 = arith.addi %rem3A_514, %select_n3A_513 : i32
      %select_n3A_523 = arith.select %and3A_521, %add3A_522, %rem3A_514 : i32
      %mul3A_524 = arith.constant 256 : i32
      %mul3A_525 = arith.muli %select_n3A_523, %mul3A_524 : i32
      %add3A_526 = arith.addi %mul3A_2, %mul3A_525 : i32
      %dma_start3A_527 = arith.constant 0 : i32
      %dma_start3A_528 = tpu.memref_slice %arg4[%select_n3A, %dma_start3A_527, %add3A_526] : memref<50x32x16384xf32, #tpu.memory_space<hbm>> -> memref<1x32x256xf32, #tpu.memory_space<hbm>>
      %dma_start3A_529 = tpu.memref_squeeze %dma_start3A_528 : memref<1x32x256xf32, #tpu.memory_space<hbm>> -> memref<32x256xf32, #tpu.memory_space<hbm>>
      %dma_start3A_530 = arith.constant 0 : i32
      %dma_start3A_531 = tpu.memref_slice %arg4[%select_n3A, %dma_start3A_530, %add3A_526] : memref<50x32x16384xf32, #tpu.memory_space<hbm>> -> memref<1x32x256xf32, #tpu.memory_space<hbm>>
      %dma_start3A_532 = tpu.memref_squeeze %dma_start3A_531 : memref<1x32x256xf32, #tpu.memory_space<hbm>> -> memref<32x256xf32, #tpu.memory_space<hbm>>
      tpu.enqueue_dma source(%arg11 : memref<32x256xf32, #tpu.memory_space<vmem>>) target(%dma_start3A_532 : memref<32x256xf32, #tpu.memory_space<hbm>>) target_semaphore(%arg17 : memref<!tpu.dma_semaphore, #tpu.memory_space<semaphore_mem>>)
      %add3A_533 = arith.constant 2 : i32
      %add3A_534 = arith.addi %add3A_465, %add3A_533 : i32
      %jit3A_535 = arith.constant 2 : i32
      %div3A_536 = arith.divsi %add3A_534, %jit3A_535 : i32
      %sign3A_537 = arith.constant 0 : i32
      %sign3A_538 = arith.cmpi sgt, %add3A_534, %sign3A_537 : i32
      %sign3A_539 = arith.extui %sign3A_538 : i1 to i32
      %sign3A_540 = arith.constant 0 : i32
      %sign3A_541 = arith.cmpi slt, %add3A_534, %sign3A_540 : i32
      %sign3A_542 = arith.extui %sign3A_541 : i1 to i32
      %sign3A_543 = arith.subi %sign3A_539, %sign3A_542 : i32
      %sign3A_544 = arith.constant 0 : i32
      %sign3A_545 = arith.cmpi sgt, %jit3A_535, %sign3A_544 : i32
      %sign3A_546 = arith.extui %sign3A_545 : i1 to i32
      %sign3A_547 = arith.constant 0 : i32
      %sign3A_548 = arith.cmpi slt, %jit3A_535, %sign3A_547 : i32
      %sign3A_549 = arith.extui %sign3A_548 : i1 to i32
      %sign3A_550 = arith.subi %sign3A_546, %sign3A_549 : i32
      %ne3A_551 = arith.cmpi ne, %sign3A_543, %sign3A_550 : i32
      %rem3A_552 = arith.remsi %add3A_534, %jit3A_535 : i32
      %ne3A_553 = arith.constant 0 : i32
      %ne3A_554 = arith.cmpi ne, %rem3A_552, %ne3A_553 : i32
      %and3A_555 = arith.andi %ne3A_551, %ne3A_554 : i1
      %sub3A_556 = arith.constant 1 : i32
      %sub3A_557 = arith.subi %div3A_536, %sub3A_556 : i32
      %select_n3A_558 = arith.select %and3A_555, %sub3A_557, %div3A_536 : i32
      %mul3A_559 = arith.constant 16384 : i32
      %mul3A_560 = arith.muli %select_n3A_558, %mul3A_559 : i32
      %add3A_561 = arith.addi %mul3A_560, %mul3A_2 : i32
      %jit3A_562 = arith.constant 2 : i32
      %eq3A_563 = arith.constant 0 : i32
      %eq3A_564 = arith.cmpi eq, %jit3A_562, %eq3A_563 : i32
      %jit3A_565 = arith.constant 1 : i32
      %select_n3A_566 = arith.select %eq3A_564, %jit3A_565, %jit3A_562 : i32
      %rem3A_567 = arith.remsi %add3A_534, %select_n3A_566 : i32
      %ne3A_568 = arith.constant 0 : i32
      %ne3A_569 = arith.cmpi ne, %rem3A_567, %ne3A_568 : i32
      %lt3A_570 = arith.constant 0 : i32
      %lt3A_571 = arith.cmpi slt, %rem3A_567, %lt3A_570 : i32
      %lt3A_572 = arith.constant 0 : i32
      %lt3A_573 = arith.cmpi slt, %select_n3A_566, %lt3A_572 : i32
      %ne3A_574 = arith.xori %lt3A_571, %lt3A_573 : i1
      %and3A_575 = arith.andi %ne3A_574, %ne3A_569 : i1
      %add3A_576 = arith.addi %rem3A_567, %select_n3A_566 : i32
      %select_n3A_577 = arith.select %and3A_575, %add3A_576, %rem3A_567 : i32
      %mul3A_578 = arith.constant 256 : i32
      %mul3A_579 = arith.muli %select_n3A_577, %mul3A_578 : i32
      %add3A_580 = arith.addi %add3A_561, %mul3A_579 : i32
      %dma_start3A_581 = tpu.memref_slice %arg2[%add3A_580] : memref<819200xi32, #tpu.memory_space<hbm>> -> memref<256xi32, #tpu.memory_space<hbm>>
      %dma_start3A_582 = tpu.memref_slice %arg2[%add3A_580] : memref<819200xi32, #tpu.memory_space<hbm>> -> memref<256xi32, #tpu.memory_space<hbm>>
      tpu.enqueue_dma source(%dma_start3A_582 : memref<256xi32, #tpu.memory_space<hbm>>) target(%arg5 : memref<256xi32, #tpu.memory_space<vmem>>) target_semaphore(%arg13 : memref<!tpu.dma_semaphore, #tpu.memory_space<semaphore_mem>>)
      %mul3A_583 = arith.constant 2 : i32
      %mul3A_584 = arith.muli %mul3A_583, %scan3A_461 : i32
      %add3A_585 = arith.constant 1 : i32
      %add3A_586 = arith.addi %mul3A_584, %add3A_585 : i32
      %dma_wait3A_587 = tpu.memref_slice %arg2[%mul3A_2] : memref<819200xi32, #tpu.memory_space<hbm>> -> memref<256xi32, #tpu.memory_space<hbm>>
      %dma_wait3A_588 = tpu.memref_slice %arg2[%mul3A_2] : memref<819200xi32, #tpu.memory_space<hbm>> -> memref<256xi32, #tpu.memory_space<hbm>>
      tpu.wait_dma2 semaphore(%arg13 : memref<!tpu.dma_semaphore, #tpu.memory_space<semaphore_mem>>) src(%dma_wait3A_588 : memref<256xi32, #tpu.memory_space<hbm>>) dst(%arg5 : memref<256xi32, #tpu.memory_space<vmem>>)
      %scan3A_589 = arith.constant 0 : i32
      %scan3A_590 = arith.constant 0 : i32
      %scan3A_591 = arith.constant 16 : i32
      %scan3A_592 = arith.addi %scan3A_590, %scan3A_591 : i32
      %scan3A_593 = arith.constant 1 : i32
      scf.for %scan3A_713 = %scan3A_590 to %scan3A_592 step %scan3A_593  : i32 {
        %mul3A_714 = arith.constant 16 : i32
        %mul3A_715 = arith.muli %scan3A_713, %mul3A_714 : i32
        %get3A = arith.index_cast %mul3A_715 : i32 to index
        %get3A_716 = tpu.vector_load %arg5[%get3A] {strides = array<i32>} : memref<256xi32, #tpu.memory_space<vmem>>, vector<16xi32>,
        %shift_right_arithmetic3A = arith.constant 2 : i32
        %shift_right_arithmetic3A_717 = vector.broadcast %shift_right_arithmetic3A : i32 to vector<16xi32>
        %shift_right_arithmetic3A_718 = arith.shrsi %get3A_716, %shift_right_arithmetic3A_717 : vector<16xi32>
        %mul3A_719 = arith.constant 16 : i32
        %mul3A_720 = arith.muli %scan3A_713, %mul3A_719 : i32
        %swap3A = arith.index_cast %mul3A_720 : i32 to index
        %swap3A_721 = tpu.vector_load %arg7[%swap3A] {strides = array<i32>} : memref<256xi32, #tpu.memory_space<vmem>>, vector<16xi32>,
        tpu.vector_store %arg7[%swap3A], %shift_right_arithmetic3A_718 {strides = array<i32>} : memref<256xi32, #tpu.memory_space<vmem>>, vector<16xi32>,
      }
      %scan3A_594 = arith.constant 16 : i32
      %dma_start3A_595 = arith.constant 0 : i32
      %dma_start3A_596 = arith.constant 0 : i32
      %dma_start3A_597 = tpu.memref_slice %arg3[%dma_start3A_595, %dma_start3A_596] : memref<250000x128xf32, #tpu.memory_space<hbm>> -> memref<250000x128xf32, #tpu.memory_space<hbm>>
      tpu.enqueue_indirect_dma source(%dma_start3A_597 : memref<250000x128xf32, #tpu.memory_space<hbm>>) target(%arg9 : memref<256x128xf32, #tpu.memory_space<vmem>>) offsets(%arg7 : memref<256xi32, #tpu.memory_space<vmem>>) semaphore(%arg15 : memref<!tpu.dma_semaphore, #tpu.memory_space<semaphore_mem>>)
      %dma_wait3A_598 = arith.constant 0 : i32
      %dma_wait3A_599 = arith.constant 0 : i32
      %dma_wait3A_600 = tpu.memref_slice %arg3[%dma_wait3A_598, %dma_wait3A_599] : memref<250000x128xf32, #tpu.memory_space<hbm>> -> memref<250000x128xf32, #tpu.memory_space<hbm>>
      tpu.wait_indirect_dma semaphore(%arg16 : memref<!tpu.dma_semaphore, #tpu.memory_space<semaphore_mem>>) src(%dma_wait3A_600 : memref<250000x128xf32, #tpu.memory_space<hbm>>) dst(%arg10 : memref<256x128xf32, #tpu.memory_space<vmem>>)
      %dma_wait3A_601 = arith.constant 0 : i32
      %dma_wait3A_602 = arith.constant 0 : i32
      %dma_wait3A_603 = tpu.memref_slice %arg4[%dma_wait3A_601, %dma_wait3A_602, %mul3A_2] : memref<50x32x16384xf32, #tpu.memory_space<hbm>> -> memref<1x32x256xf32, #tpu.memory_space<hbm>>
      %dma_wait3A_604 = tpu.memref_squeeze %dma_wait3A_603 : memref<1x32x256xf32, #tpu.memory_space<hbm>> -> memref<32x256xf32, #tpu.memory_space<hbm>>
      %dma_wait3A_605 = arith.constant 0 : i32
      %dma_wait3A_606 = tpu.memref_slice %arg4[%dma_wait3A_601, %dma_wait3A_605, %mul3A_2] : memref<50x32x16384xf32, #tpu.memory_space<hbm>> -> memref<1x32x256xf32, #tpu.memory_space<hbm>>
      %dma_wait3A_607 = tpu.memref_squeeze %dma_wait3A_606 : memref<1x32x256xf32, #tpu.memory_space<hbm>> -> memref<32x256xf32, #tpu.memory_space<hbm>>
      tpu.wait_dma2 semaphore(%arg18 : memref<!tpu.dma_semaphore, #tpu.memory_space<semaphore_mem>>) src(%arg12 : memref<32x256xf32, #tpu.memory_space<vmem>>) dst(%dma_wait3A_607 : memref<32x256xf32, #tpu.memory_space<hbm>>)
      %scan3A_608 = arith.constant 0 : i32
      %scan3A_609 = arith.constant 0 : i32
      %scan3A_610 = arith.constant 16 : i32
      %scan3A_611 = arith.addi %scan3A_609, %scan3A_610 : i32
      %scan3A_612 = arith.constant 1 : i32
      scf.for %scan3A_713 = %scan3A_609 to %scan3A_611 step %scan3A_612  : i32 {
        %mul3A_714 = arith.constant 16 : i32
        %mul3A_715 = arith.muli %scan3A_713, %mul3A_714 : i32
        %add3A_716 = vector.broadcast %mul3A_715 : i32 to vector<16xi32>
        %add3A_717 = arith.addi %iota3A, %add3A_716 : vector<16xi32>
        %mul3A_718 = arith.constant 16 : i32
        %mul3A_719 = arith.muli %scan3A_713, %mul3A_718 : i32
        %get3A = arith.index_cast %mul3A_719 : i32 to index
        %get3A_720 = tpu.vector_load %arg6[%get3A] {strides = array<i32>} : memref<256xi32, #tpu.memory_space<vmem>>, vector<16xi32>,
        %and3A_721 = arith.constant 3 : i32
        %and3A_722 = vector.broadcast %and3A_721 : i32 to vector<16xi32>
        %and3A_723 = arith.andi %get3A_720, %and3A_722 : vector<16xi32>
        %shift_left3A = arith.constant 5 : i32
        %shift_left3A_724 = vector.broadcast %shift_left3A : i32 to vector<16xi32>
        %shift_left3A_725 = arith.shli %and3A_723, %shift_left3A_724 : vector<16xi32>
        %add3A_726 = arith.addi %shift_left3A_725, %add3A_10 : vector<16xi32>
        %gather3A = tpu.vector_load_idx %arg10[%add3A_717, %add3A_726] : memref<256x128xf32, #tpu.memory_space<vmem>>[vector<16xi32>, vector<16xi32>], vector<16xf32>,
        tpu.vector_store_idx %arg12[%add3A_10, %add3A_717], %gather3A : memref<32x256xf32, #tpu.memory_space<vmem>>[vector<16xi32>, vector<16xi32>], vector<16xf32>,
        %add3A_727 = arith.addi %shift_left3A_725, %add3A_19 : vector<16xi32>
        %gather3A_728 = tpu.vector_load_idx %arg10[%add3A_717, %add3A_727] : memref<256x128xf32, #tpu.memory_space<vmem>>[vector<16xi32>, vector<16xi32>], vector<16xf32>,
        tpu.vector_store_idx %arg12[%add3A_19, %add3A_717], %gather3A_728 : memref<32x256xf32, #tpu.memory_space<vmem>>[vector<16xi32>, vector<16xi32>], vector<16xf32>,
        %add3A_729 = arith.addi %shift_left3A_725, %add3A_28 : vector<16xi32>
        %gather3A_730 = tpu.vector_load_idx %arg10[%add3A_717, %add3A_729] : memref<256x128xf32, #tpu.memory_space<vmem>>[vector<16xi32>, vector<16xi32>], vector<16xf32>,
        tpu.vector_store_idx %arg12[%add3A_28, %add3A_717], %gather3A_730 : memref<32x256xf32, #tpu.memory_space<vmem>>[vector<16xi32>, vector<16xi32>], vector<16xf32>,
        %add3A_731 = arith.addi %shift_left3A_725, %add3A_37 : vector<16xi32>
        %gather3A_732 = tpu.vector_load_idx %arg10[%add3A_717, %add3A_731] : memref<256x128xf32, #tpu.memory_space<vmem>>[vector<16xi32>, vector<16xi32>], vector<16xf32>,
        tpu.vector_store_idx %arg12[%add3A_37, %add3A_717], %gather3A_732 : memref<32x256xf32, #tpu.memory_space<vmem>>[vector<16xi32>, vector<16xi32>], vector<16xf32>,
        %add3A_733 = arith.addi %shift_left3A_725, %add3A_46 : vector<16xi32>
        %gather3A_734 = tpu.vector_load_idx %arg10[%add3A_717, %add3A_733] : memref<256x128xf32, #tpu.memory_space<vmem>>[vector<16xi32>, vector<16xi32>], vector<16xf32>,
        tpu.vector_store_idx %arg12[%add3A_46, %add3A_717], %gather3A_734 : memref<32x256xf32, #tpu.memory_space<vmem>>[vector<16xi32>, vector<16xi32>], vector<16xf32>,
        %add3A_735 = arith.addi %shift_left3A_725, %add3A_55 : vector<16xi32>
        %gather3A_736 = tpu.vector_load_idx %arg10[%add3A_717, %add3A_735] : memref<256x128xf32, #tpu.memory_space<vmem>>[vector<16xi32>, vector<16xi32>], vector<16xf32>,
        tpu.vector_store_idx %arg12[%add3A_55, %add3A_717], %gather3A_736 : memref<32x256xf32, #tpu.memory_space<vmem>>[vector<16xi32>, vector<16xi32>], vector<16xf32>,
        %add3A_737 = arith.addi %shift_left3A_725, %add3A_64 : vector<16xi32>
        %gather3A_738 = tpu.vector_load_idx %arg10[%add3A_717, %add3A_737] : memref<256x128xf32, #tpu.memory_space<vmem>>[vector<16xi32>, vector<16xi32>], vector<16xf32>,
        tpu.vector_store_idx %arg12[%add3A_64, %add3A_717], %gather3A_738 : memref<32x256xf32, #tpu.memory_space<vmem>>[vector<16xi32>, vector<16xi32>], vector<16xf32>,
        %add3A_739 = arith.addi %shift_left3A_725, %add3A_73 : vector<16xi32>
        %gather3A_740 = tpu.vector_load_idx %arg10[%add3A_717, %add3A_739] : memref<256x128xf32, #tpu.memory_space<vmem>>[vector<16xi32>, vector<16xi32>], vector<16xf32>,
        tpu.vector_store_idx %arg12[%add3A_73, %add3A_717], %gather3A_740 : memref<32x256xf32, #tpu.memory_space<vmem>>[vector<16xi32>, vector<16xi32>], vector<16xf32>,
        %add3A_741 = arith.addi %shift_left3A_725, %add3A_82 : vector<16xi32>
        %gather3A_742 = tpu.vector_load_idx %arg10[%add3A_717, %add3A_741] : memref<256x128xf32, #tpu.memory_space<vmem>>[vector<16xi32>, vector<16xi32>], vector<16xf32>,
        tpu.vector_store_idx %arg12[%add3A_82, %add3A_717], %gather3A_742 : memref<32x256xf32, #tpu.memory_space<vmem>>[vector<16xi32>, vector<16xi32>], vector<16xf32>,
        %add3A_743 = arith.addi %shift_left3A_725, %add3A_91 : vector<16xi32>
        %gather3A_744 = tpu.vector_load_idx %arg10[%add3A_717, %add3A_743] : memref<256x128xf32, #tpu.memory_space<vmem>>[vector<16xi32>, vector<16xi32>], vector<16xf32>,
        tpu.vector_store_idx %arg12[%add3A_91, %add3A_717], %gather3A_744 : memref<32x256xf32, #tpu.memory_space<vmem>>[vector<16xi32>, vector<16xi32>], vector<16xf32>,
        %add3A_745 = arith.addi %shift_left3A_725, %add3A_100 : vector<16xi32>
        %gather3A_746 = tpu.vector_load_idx %arg10[%add3A_717, %add3A_745] : memref<256x128xf32, #tpu.memory_space<vmem>>[vector<16xi32>, vector<16xi32>], vector<16xf32>,
        tpu.vector_store_idx %arg12[%add3A_100, %add3A_717], %gather3A_746 : memref<32x256xf32, #tpu.memory_space<vmem>>[vector<16xi32>, vector<16xi32>], vector<16xf32>,
        %add3A_747 = arith.addi %shift_left3A_725, %add3A_109 : vector<16xi32>
        %gather3A_748 = tpu.vector_load_idx %arg10[%add3A_717, %add3A_747] : memref<256x128xf32, #tpu.memory_space<vmem>>[vector<16xi32>, vector<16xi32>], vector<16xf32>,
        tpu.vector_store_idx %arg12[%add3A_109, %add3A_717], %gather3A_748 : memref<32x256xf32, #tpu.memory_space<vmem>>[vector<16xi32>, vector<16xi32>], vector<16xf32>,
        %add3A_749 = arith.addi %shift_left3A_725, %add3A_118 : vector<16xi32>
        %gather3A_750 = tpu.vector_load_idx %arg10[%add3A_717, %add3A_749] : memref<256x128xf32, #tpu.memory_space<vmem>>[vector<16xi32>, vector<16xi32>], vector<16xf32>,
        tpu.vector_store_idx %arg12[%add3A_118, %add3A_717], %gather3A_750 : memref<32x256xf32, #tpu.memory_space<vmem>>[vector<16xi32>, vector<16xi32>], vector<16xf32>,
        %add3A_751 = arith.addi %shift_left3A_725, %add3A_127 : vector<16xi32>
        %gather3A_752 = tpu.vector_load_idx %arg10[%add3A_717, %add3A_751] : memref<256x128xf32, #tpu.memory_space<vmem>>[vector<16xi32>, vector<16xi32>], vector<16xf32>,
        tpu.vector_store_idx %arg12[%add3A_127, %add3A_717], %gather3A_752 : memref<32x256xf32, #tpu.memory_space<vmem>>[vector<16xi32>, vector<16xi32>], vector<16xf32>,
        %add3A_753 = arith.addi %shift_left3A_725, %add3A_136 : vector<16xi32>
        %gather3A_754 = tpu.vector_load_idx %arg10[%add3A_717, %add3A_753] : memref<256x128xf32, #tpu.memory_space<vmem>>[vector<16xi32>, vector<16xi32>], vector<16xf32>,
        tpu.vector_store_idx %arg12[%add3A_136, %add3A_717], %gather3A_754 : memref<32x256xf32, #tpu.memory_space<vmem>>[vector<16xi32>, vector<16xi32>], vector<16xf32>,
        %add3A_755 = arith.addi %shift_left3A_725, %add3A_145 : vector<16xi32>
        %gather3A_756 = tpu.vector_load_idx %arg10[%add3A_717, %add3A_755] : memref<256x128xf32, #tpu.memory_space<vmem>>[vector<16xi32>, vector<16xi32>], vector<16xf32>,
        tpu.vector_store_idx %arg12[%add3A_145, %add3A_717], %gather3A_756 : memref<32x256xf32, #tpu.memory_space<vmem>>[vector<16xi32>, vector<16xi32>], vector<16xf32>,
        %add3A_757 = arith.addi %shift_left3A_725, %add3A_154 : vector<16xi32>
        %gather3A_758 = tpu.vector_load_idx %arg10[%add3A_717, %add3A_757] : memref<256x128xf32, #tpu.memory_space<vmem>>[vector<16xi32>, vector<16xi32>], vector<16xf32>,
        tpu.vector_store_idx %arg12[%add3A_154, %add3A_717], %gather3A_758 : memref<32x256xf32, #tpu.memory_space<vmem>>[vector<16xi32>, vector<16xi32>], vector<16xf32>,
        %add3A_759 = arith.addi %shift_left3A_725, %add3A_163 : vector<16xi32>
        %gather3A_760 = tpu.vector_load_idx %arg10[%add3A_717, %add3A_759] : memref<256x128xf32, #tpu.memory_space<vmem>>[vector<16xi32>, vector<16xi32>], vector<16xf32>,
        tpu.vector_store_idx %arg12[%add3A_163, %add3A_717], %gather3A_760 : memref<32x256xf32, #tpu.memory_space<vmem>>[vector<16xi32>, vector<16xi32>], vector<16xf32>,
        %add3A_761 = arith.addi %shift_left3A_725, %add3A_172 : vector<16xi32>
        %gather3A_762 = tpu.vector_load_idx %arg10[%add3A_717, %add3A_761] : memref<256x128xf32, #tpu.memory_space<vmem>>[vector<16xi32>, vector<16xi32>], vector<16xf32>,
        tpu.vector_store_idx %arg12[%add3A_172, %add3A_717], %gather3A_762 : memref<32x256xf32, #tpu.memory_space<vmem>>[vector<16xi32>, vector<16xi32>], vector<16xf32>,
        %add3A_763 = arith.addi %shift_left3A_725, %add3A_181 : vector<16xi32>
        %gather3A_764 = tpu.vector_load_idx %arg10[%add3A_717, %add3A_763] : memref<256x128xf32, #tpu.memory_space<vmem>>[vector<16xi32>, vector<16xi32>], vector<16xf32>,
        tpu.vector_store_idx %arg12[%add3A_181, %add3A_717], %gather3A_764 : memref<32x256xf32, #tpu.memory_space<vmem>>[vector<16xi32>, vector<16xi32>], vector<16xf32>,
        %add3A_765 = arith.addi %shift_left3A_725, %add3A_190 : vector<16xi32>
        %gather3A_766 = tpu.vector_load_idx %arg10[%add3A_717, %add3A_765] : memref<256x128xf32, #tpu.memory_space<vmem>>[vector<16xi32>, vector<16xi32>], vector<16xf32>,
        tpu.vector_store_idx %arg12[%add3A_190, %add3A_717], %gather3A_766 : memref<32x256xf32, #tpu.memory_space<vmem>>[vector<16xi32>, vector<16xi32>], vector<16xf32>,
        %add3A_767 = arith.addi %shift_left3A_725, %add3A_199 : vector<16xi32>
        %gather3A_768 = tpu.vector_load_idx %arg10[%add3A_717, %add3A_767] : memref<256x128xf32, #tpu.memory_space<vmem>>[vector<16xi32>, vector<16xi32>], vector<16xf32>,
        tpu.vector_store_idx %arg12[%add3A_199, %add3A_717], %gather3A_768 : memref<32x256xf32, #tpu.memory_space<vmem>>[vector<16xi32>, vector<16xi32>], vector<16xf32>,
        %add3A_769 = arith.addi %shift_left3A_725, %add3A_208 : vector<16xi32>
        %gather3A_770 = tpu.vector_load_idx %arg10[%add3A_717, %add3A_769] : memref<256x128xf32, #tpu.memory_space<vmem>>[vector<16xi32>, vector<16xi32>], vector<16xf32>,
        tpu.vector_store_idx %arg12[%add3A_208, %add3A_717], %gather3A_770 : memref<32x256xf32, #tpu.memory_space<vmem>>[vector<16xi32>, vector<16xi32>], vector<16xf32>,
        %add3A_771 = arith.addi %shift_left3A_725, %add3A_217 : vector<16xi32>
        %gather3A_772 = tpu.vector_load_idx %arg10[%add3A_717, %add3A_771] : memref<256x128xf32, #tpu.memory_space<vmem>>[vector<16xi32>, vector<16xi32>], vector<16xf32>,
        tpu.vector_store_idx %arg12[%add3A_217, %add3A_717], %gather3A_772 : memref<32x256xf32, #tpu.memory_space<vmem>>[vector<16xi32>, vector<16xi32>], vector<16xf32>,
        %add3A_773 = arith.addi %shift_left3A_725, %add3A_226 : vector<16xi32>
        %gather3A_774 = tpu.vector_load_idx %arg10[%add3A_717, %add3A_773] : memref<256x128xf32, #tpu.memory_space<vmem>>[vector<16xi32>, vector<16xi32>], vector<16xf32>,
        tpu.vector_store_idx %arg12[%add3A_226, %add3A_717], %gather3A_774 : memref<32x256xf32, #tpu.memory_space<vmem>>[vector<16xi32>, vector<16xi32>], vector<16xf32>,
        %add3A_775 = arith.addi %shift_left3A_725, %add3A_235 : vector<16xi32>
        %gather3A_776 = tpu.vector_load_idx %arg10[%add3A_717, %add3A_775] : memref<256x128xf32, #tpu.memory_space<vmem>>[vector<16xi32>, vector<16xi32>], vector<16xf32>,
        tpu.vector_store_idx %arg12[%add3A_235, %add3A_717], %gather3A_776 : memref<32x256xf32, #tpu.memory_space<vmem>>[vector<16xi32>, vector<16xi32>], vector<16xf32>,
        %add3A_777 = arith.addi %shift_left3A_725, %add3A_244 : vector<16xi32>
        %gather3A_778 = tpu.vector_load_idx %arg10[%add3A_717, %add3A_777] : memref<256x128xf32, #tpu.memory_space<vmem>>[vector<16xi32>, vector<16xi32>], vector<16xf32>,
        tpu.vector_store_idx %arg12[%add3A_244, %add3A_717], %gather3A_778 : memref<32x256xf32, #tpu.memory_space<vmem>>[vector<16xi32>, vector<16xi32>], vector<16xf32>,
        %add3A_779 = arith.addi %shift_left3A_725, %add3A_253 : vector<16xi32>
        %gather3A_780 = tpu.vector_load_idx %arg10[%add3A_717, %add3A_779] : memref<256x128xf32, #tpu.memory_space<vmem>>[vector<16xi32>, vector<16xi32>], vector<16xf32>,
        tpu.vector_store_idx %arg12[%add3A_253, %add3A_717], %gather3A_780 : memref<32x256xf32, #tpu.memory_space<vmem>>[vector<16xi32>, vector<16xi32>], vector<16xf32>,
        %add3A_781 = arith.addi %shift_left3A_725, %add3A_262 : vector<16xi32>
        %gather3A_782 = tpu.vector_load_idx %arg10[%add3A_717, %add3A_781] : memref<256x128xf32, #tpu.memory_space<vmem>>[vector<16xi32>, vector<16xi32>], vector<16xf32>,
        tpu.vector_store_idx %arg12[%add3A_262, %add3A_717], %gather3A_782 : memref<32x256xf32, #tpu.memory_space<vmem>>[vector<16xi32>, vector<16xi32>], vector<16xf32>,
        %add3A_783 = arith.addi %shift_left3A_725, %add3A_271 : vector<16xi32>
        %gather3A_784 = tpu.vector_load_idx %arg10[%add3A_717, %add3A_783] : memref<256x128xf32, #tpu.memory_space<vmem>>[vector<16xi32>, vector<16xi32>], vector<16xf32>,
        tpu.vector_store_idx %arg12[%add3A_271, %add3A_717], %gather3A_784 : memref<32x256xf32, #tpu.memory_space<vmem>>[vector<16xi32>, vector<16xi32>], vector<16xf32>,
        %add3A_785 = arith.addi %shift_left3A_725, %add3A_280 : vector<16xi32>
        %gather3A_786 = tpu.vector_load_idx %arg10[%add3A_717, %add3A_785] : memref<256x128xf32, #tpu.memory_space<vmem>>[vector<16xi32>, vector<16xi32>], vector<16xf32>,
        tpu.vector_store_idx %arg12[%add3A_280, %add3A_717], %gather3A_786 : memref<32x256xf32, #tpu.memory_space<vmem>>[vector<16xi32>, vector<16xi32>], vector<16xf32>,
        %add3A_787 = arith.addi %shift_left3A_725, %add3A_289 : vector<16xi32>
        %gather3A_788 = tpu.vector_load_idx %arg10[%add3A_717, %add3A_787] : memref<256x128xf32, #tpu.memory_space<vmem>>[vector<16xi32>, vector<16xi32>], vector<16xf32>,
        tpu.vector_store_idx %arg12[%add3A_289, %add3A_717], %gather3A_788 : memref<32x256xf32, #tpu.memory_space<vmem>>[vector<16xi32>, vector<16xi32>], vector<16xf32>,
      }
      %scan3A_613 = arith.constant 16 : i32
      %jit3A_614 = arith.constant 2 : i32
      %div3A_615 = arith.divsi %add3A_586, %jit3A_614 : i32
      %sign3A_616 = arith.constant 0 : i32
      %sign3A_617 = arith.cmpi sgt, %add3A_586, %sign3A_616 : i32
      %sign3A_618 = arith.extui %sign3A_617 : i1 to i32
      %sign3A_619 = arith.constant 0 : i32
      %sign3A_620 = arith.cmpi slt, %add3A_586, %sign3A_619 : i32
      %sign3A_621 = arith.extui %sign3A_620 : i1 to i32
      %sign3A_622 = arith.subi %sign3A_618, %sign3A_621 : i32
      %sign3A_623 = arith.constant 0 : i32
      %sign3A_624 = arith.cmpi sgt, %jit3A_614, %sign3A_623 : i32
      %sign3A_625 = arith.extui %sign3A_624 : i1 to i32
      %sign3A_626 = arith.constant 0 : i32
      %sign3A_627 = arith.cmpi slt, %jit3A_614, %sign3A_626 : i32
      %sign3A_628 = arith.extui %sign3A_627 : i1 to i32
      %sign3A_629 = arith.subi %sign3A_625, %sign3A_628 : i32
      %ne3A_630 = arith.cmpi ne, %sign3A_622, %sign3A_629 : i32
      %rem3A_631 = arith.remsi %add3A_586, %jit3A_614 : i32
      %ne3A_632 = arith.constant 0 : i32
      %ne3A_633 = arith.cmpi ne, %rem3A_631, %ne3A_632 : i32
      %and3A_634 = arith.andi %ne3A_630, %ne3A_633 : i1
      %sub3A_635 = arith.constant 1 : i32
      %sub3A_636 = arith.subi %div3A_615, %sub3A_635 : i32
      %select_n3A_637 = arith.select %and3A_634, %sub3A_636, %div3A_615 : i32
      %jit3A_638 = arith.constant 2 : i32
      %eq3A_639 = arith.constant 0 : i32
      %eq3A_640 = arith.cmpi eq, %jit3A_638, %eq3A_639 : i32
      %jit3A_641 = arith.constant 1 : i32
      %select_n3A_642 = arith.select %eq3A_640, %jit3A_641, %jit3A_638 : i32
      %rem3A_643 = arith.remsi %add3A_586, %select_n3A_642 : i32
      %ne3A_644 = arith.constant 0 : i32
      %ne3A_645 = arith.cmpi ne, %rem3A_643, %ne3A_644 : i32
      %lt3A_646 = arith.constant 0 : i32
      %lt3A_647 = arith.cmpi slt, %rem3A_643, %lt3A_646 : i32
      %lt3A_648 = arith.constant 0 : i32
      %lt3A_649 = arith.cmpi slt, %select_n3A_642, %lt3A_648 : i32
      %ne3A_650 = arith.xori %lt3A_647, %lt3A_649 : i1
      %and3A_651 = arith.andi %ne3A_650, %ne3A_645 : i1
      %add3A_652 = arith.addi %rem3A_643, %select_n3A_642 : i32
      %select_n3A_653 = arith.select %and3A_651, %add3A_652, %rem3A_643 : i32
      %mul3A_654 = arith.constant 256 : i32
      %mul3A_655 = arith.muli %select_n3A_653, %mul3A_654 : i32
      %add3A_656 = arith.addi %mul3A_2, %mul3A_655 : i32
      %dma_start3A_657 = arith.constant 0 : i32
      %dma_start3A_658 = tpu.memref_slice %arg4[%select_n3A_637, %dma_start3A_657, %add3A_656] : memref<50x32x16384xf32, #tpu.memory_space<hbm>> -> memref<1x32x256xf32, #tpu.memory_space<hbm>>
      %dma_start3A_659 = tpu.memref_squeeze %dma_start3A_658 : memref<1x32x256xf32, #tpu.memory_space<hbm>> -> memref<32x256xf32, #tpu.memory_space<hbm>>
      %dma_start3A_660 = arith.constant 0 : i32
      %dma_start3A_661 = tpu.memref_slice %arg4[%select_n3A_637, %dma_start3A_660, %add3A_656] : memref<50x32x16384xf32, #tpu.memory_space<hbm>> -> memref<1x32x256xf32, #tpu.memory_space<hbm>>
      %dma_start3A_662 = tpu.memref_squeeze %dma_start3A_661 : memref<1x32x256xf32, #tpu.memory_space<hbm>> -> memref<32x256xf32, #tpu.memory_space<hbm>>
      tpu.enqueue_dma source(%arg12 : memref<32x256xf32, #tpu.memory_space<vmem>>) target(%dma_start3A_662 : memref<32x256xf32, #tpu.memory_space<hbm>>) target_semaphore(%arg18 : memref<!tpu.dma_semaphore, #tpu.memory_space<semaphore_mem>>)
      %add3A_663 = arith.constant 2 : i32
      %add3A_664 = arith.addi %add3A_586, %add3A_663 : i32
      %jit3A_665 = arith.constant 2 : i32
      %div3A_666 = arith.divsi %add3A_664, %jit3A_665 : i32
      %sign3A_667 = arith.constant 0 : i32
      %sign3A_668 = arith.cmpi sgt, %add3A_664, %sign3A_667 : i32
      %sign3A_669 = arith.extui %sign3A_668 : i1 to i32
      %sign3A_670 = arith.constant 0 : i32
      %sign3A_671 = arith.cmpi slt, %add3A_664, %sign3A_670 : i32
      %sign3A_672 = arith.extui %sign3A_671 : i1 to i32
      %sign3A_673 = arith.subi %sign3A_669, %sign3A_672 : i32
      %sign3A_674 = arith.constant 0 : i32
      %sign3A_675 = arith.cmpi sgt, %jit3A_665, %sign3A_674 : i32
      %sign3A_676 = arith.extui %sign3A_675 : i1 to i32
      %sign3A_677 = arith.constant 0 : i32
      %sign3A_678 = arith.cmpi slt, %jit3A_665, %sign3A_677 : i32
      %sign3A_679 = arith.extui %sign3A_678 : i1 to i32
      %sign3A_680 = arith.subi %sign3A_676, %sign3A_679 : i32
      %ne3A_681 = arith.cmpi ne, %sign3A_673, %sign3A_680 : i32
      %rem3A_682 = arith.remsi %add3A_664, %jit3A_665 : i32
      %ne3A_683 = arith.constant 0 : i32
      %ne3A_684 = arith.cmpi ne, %rem3A_682, %ne3A_683 : i32
      %and3A_685 = arith.andi %ne3A_681, %ne3A_684 : i1
      %sub3A_686 = arith.constant 1 : i32
      %sub3A_687 = arith.subi %div3A_666, %sub3A_686 : i32
      %select_n3A_688 = arith.select %and3A_685, %sub3A_687, %div3A_666 : i32
      %mul3A_689 = arith.constant 16384 : i32
      %mul3A_690 = arith.muli %select_n3A_688, %mul3A_689 : i32
      %add3A_691 = arith.addi %mul3A_690, %mul3A_2 : i32
      %jit3A_692 = arith.constant 2 : i32
      %eq3A_693 = arith.constant 0 : i32
      %eq3A_694 = arith.cmpi eq, %jit3A_692, %eq3A_693 : i32
      %jit3A_695 = arith.constant 1 : i32
      %select_n3A_696 = arith.select %eq3A_694, %jit3A_695, %jit3A_692 : i32
      %rem3A_697 = arith.remsi %add3A_664, %select_n3A_696 : i32
      %ne3A_698 = arith.constant 0 : i32
      %ne3A_699 = arith.cmpi ne, %rem3A_697, %ne3A_698 : i32
      %lt3A_700 = arith.constant 0 : i32
      %lt3A_701 = arith.cmpi slt, %rem3A_697, %lt3A_700 : i32
      %lt3A_702 = arith.constant 0 : i32
      %lt3A_703 = arith.cmpi slt, %select_n3A_696, %lt3A_702 : i32
      %ne3A_704 = arith.xori %lt3A_701, %lt3A_703 : i1
      %and3A_705 = arith.andi %ne3A_704, %ne3A_699 : i1
      %add3A_706 = arith.addi %rem3A_697, %select_n3A_696 : i32
      %select_n3A_707 = arith.select %and3A_705, %add3A_706, %rem3A_697 : i32
      %mul3A_708 = arith.constant 256 : i32
      %mul3A_709 = arith.muli %select_n3A_707, %mul3A_708 : i32
      %add3A_710 = arith.addi %add3A_691, %mul3A_709 : i32
      %dma_start3A_711 = tpu.memref_slice %arg2[%add3A_710] : memref<819200xi32, #tpu.memory_space<hbm>> -> memref<256xi32, #tpu.memory_space<hbm>>
      %dma_start3A_712 = tpu.memref_slice %arg2[%add3A_710] : memref<819200xi32, #tpu.memory_space<hbm>> -> memref<256xi32, #tpu.memory_space<hbm>>
      tpu.enqueue_dma source(%dma_start3A_712 : memref<256xi32, #tpu.memory_space<hbm>>) target(%arg6 : memref<256xi32, #tpu.memory_space<vmem>>) target_semaphore(%arg14 : memref<!tpu.dma_semaphore, #tpu.memory_space<semaphore_mem>>)
    }
    %scan3A_385 = arith.constant 48 : i32
    %dma_wait3A_386 = tpu.memref_slice %arg2[%mul3A_2] : memref<819200xi32, #tpu.memory_space<hbm>> -> memref<256xi32, #tpu.memory_space<hbm>>
    %dma_wait3A_387 = tpu.memref_slice %arg2[%mul3A_2] : memref<819200xi32, #tpu.memory_space<hbm>> -> memref<256xi32, #tpu.memory_space<hbm>>
    tpu.wait_dma2 semaphore(%arg14 : memref<!tpu.dma_semaphore, #tpu.memory_space<semaphore_mem>>) src(%dma_wait3A_387 : memref<256xi32, #tpu.memory_space<hbm>>) dst(%arg6 : memref<256xi32, #tpu.memory_space<vmem>>)
    %scan3A_388 = arith.constant 0 : i32
    %scan3A_389 = arith.constant 0 : i32
    %scan3A_390 = arith.constant 16 : i32
    %scan3A_391 = arith.addi %scan3A_389, %scan3A_390 : i32
    %scan3A_392 = arith.constant 1 : i32
    scf.for %scan3A_461 = %scan3A_389 to %scan3A_391 step %scan3A_392  : i32 {
      %mul3A_462 = arith.constant 16 : i32
      %mul3A_463 = arith.muli %scan3A_461, %mul3A_462 : i32
      %get3A = arith.index_cast %mul3A_463 : i32 to index
      %get3A_464 = tpu.vector_load %arg6[%get3A] {strides = array<i32>} : memref<256xi32, #tpu.memory_space<vmem>>, vector<16xi32>,
      %shift_right_arithmetic3A = arith.constant 2 : i32
      %shift_right_arithmetic3A_465 = vector.broadcast %shift_right_arithmetic3A : i32 to vector<16xi32>
      %shift_right_arithmetic3A_466 = arith.shrsi %get3A_464, %shift_right_arithmetic3A_465 : vector<16xi32>
      %mul3A_467 = arith.constant 16 : i32
      %mul3A_468 = arith.muli %scan3A_461, %mul3A_467 : i32
      %swap3A = arith.index_cast %mul3A_468 : i32 to index
      %swap3A_469 = tpu.vector_load %arg8[%swap3A] {strides = array<i32>} : memref<256xi32, #tpu.memory_space<vmem>>, vector<16xi32>,
      tpu.vector_store %arg8[%swap3A], %shift_right_arithmetic3A_466 {strides = array<i32>} : memref<256xi32, #tpu.memory_space<vmem>>, vector<16xi32>,
    }
    %scan3A_393 = arith.constant 16 : i32
    %dma_start3A_394 = arith.constant 0 : i32
    %dma_start3A_395 = arith.constant 0 : i32
    %dma_start3A_396 = tpu.memref_slice %arg3[%dma_start3A_394, %dma_start3A_395] : memref<250000x128xf32, #tpu.memory_space<hbm>> -> memref<250000x128xf32, #tpu.memory_space<hbm>>
    tpu.enqueue_indirect_dma source(%dma_start3A_396 : memref<250000x128xf32, #tpu.memory_space<hbm>>) target(%arg10 : memref<256x128xf32, #tpu.memory_space<vmem>>) offsets(%arg8 : memref<256xi32, #tpu.memory_space<vmem>>) semaphore(%arg16 : memref<!tpu.dma_semaphore, #tpu.memory_space<semaphore_mem>>)
    %dma_wait3A_397 = arith.constant 0 : i32
    %dma_wait3A_398 = arith.constant 0 : i32
    %dma_wait3A_399 = tpu.memref_slice %arg3[%dma_wait3A_397, %dma_wait3A_398] : memref<250000x128xf32, #tpu.memory_space<hbm>> -> memref<250000x128xf32, #tpu.memory_space<hbm>>
    tpu.wait_indirect_dma semaphore(%arg15 : memref<!tpu.dma_semaphore, #tpu.memory_space<semaphore_mem>>) src(%dma_wait3A_399 : memref<250000x128xf32, #tpu.memory_space<hbm>>) dst(%arg9 : memref<256x128xf32, #tpu.memory_space<vmem>>)
    %dma_wait3A_400 = arith.constant 0 : i32
    %dma_wait3A_401 = arith.constant 0 : i32
    %dma_wait3A_402 = tpu.memref_slice %arg4[%dma_wait3A_400, %dma_wait3A_401, %mul3A_2] : memref<50x32x16384xf32, #tpu.memory_space<hbm>> -> memref<1x32x256xf32, #tpu.memory_space<hbm>>
    %dma_wait3A_403 = tpu.memref_squeeze %dma_wait3A_402 : memref<1x32x256xf32, #tpu.memory_space<hbm>> -> memref<32x256xf32, #tpu.memory_space<hbm>>
    %dma_wait3A_404 = arith.constant 0 : i32
    %dma_wait3A_405 = tpu.memref_slice %arg4[%dma_wait3A_400, %dma_wait3A_404, %mul3A_2] : memref<50x32x16384xf32, #tpu.memory_space<hbm>> -> memref<1x32x256xf32, #tpu.memory_space<hbm>>
    %dma_wait3A_406 = tpu.memref_squeeze %dma_wait3A_405 : memref<1x32x256xf32, #tpu.memory_space<hbm>> -> memref<32x256xf32, #tpu.memory_space<hbm>>
    tpu.wait_dma2 semaphore(%arg17 : memref<!tpu.dma_semaphore, #tpu.memory_space<semaphore_mem>>) src(%arg11 : memref<32x256xf32, #tpu.memory_space<vmem>>) dst(%dma_wait3A_406 : memref<32x256xf32, #tpu.memory_space<hbm>>)
    %scan3A_407 = arith.constant 0 : i32
    %scan3A_408 = arith.constant 0 : i32
    %scan3A_409 = arith.constant 16 : i32
    %scan3A_410 = arith.addi %scan3A_408, %scan3A_409 : i32
    %scan3A_411 = arith.constant 1 : i32
    scf.for %scan3A_461 = %scan3A_408 to %scan3A_410 step %scan3A_411  : i32 {
      %mul3A_462 = arith.constant 16 : i32
      %mul3A_463 = arith.muli %scan3A_461, %mul3A_462 : i32
      %add3A_464 = vector.broadcast %mul3A_463 : i32 to vector<16xi32>
      %add3A_465 = arith.addi %iota3A, %add3A_464 : vector<16xi32>
      %mul3A_466 = arith.constant 16 : i32
      %mul3A_467 = arith.muli %scan3A_461, %mul3A_466 : i32
      %get3A = arith.index_cast %mul3A_467 : i32 to index
      %get3A_468 = tpu.vector_load %arg5[%get3A] {strides = array<i32>} : memref<256xi32, #tpu.memory_space<vmem>>, vector<16xi32>,
      %and3A_469 = arith.constant 3 : i32
      %and3A_470 = vector.broadcast %and3A_469 : i32 to vector<16xi32>
      %and3A_471 = arith.andi %get3A_468, %and3A_470 : vector<16xi32>
      %shift_left3A = arith.constant 5 : i32
      %shift_left3A_472 = vector.broadcast %shift_left3A : i32 to vector<16xi32>
      %shift_left3A_473 = arith.shli %and3A_471, %shift_left3A_472 : vector<16xi32>
      %add3A_474 = arith.addi %shift_left3A_473, %add3A_10 : vector<16xi32>
      %gather3A = tpu.vector_load_idx %arg9[%add3A_465, %add3A_474] : memref<256x128xf32, #tpu.memory_space<vmem>>[vector<16xi32>, vector<16xi32>], vector<16xf32>,
      tpu.vector_store_idx %arg11[%add3A_10, %add3A_465], %gather3A : memref<32x256xf32, #tpu.memory_space<vmem>>[vector<16xi32>, vector<16xi32>], vector<16xf32>,
      %add3A_475 = arith.addi %shift_left3A_473, %add3A_19 : vector<16xi32>
      %gather3A_476 = tpu.vector_load_idx %arg9[%add3A_465, %add3A_475] : memref<256x128xf32, #tpu.memory_space<vmem>>[vector<16xi32>, vector<16xi32>], vector<16xf32>,
      tpu.vector_store_idx %arg11[%add3A_19, %add3A_465], %gather3A_476 : memref<32x256xf32, #tpu.memory_space<vmem>>[vector<16xi32>, vector<16xi32>], vector<16xf32>,
      %add3A_477 = arith.addi %shift_left3A_473, %add3A_28 : vector<16xi32>
      %gather3A_478 = tpu.vector_load_idx %arg9[%add3A_465, %add3A_477] : memref<256x128xf32, #tpu.memory_space<vmem>>[vector<16xi32>, vector<16xi32>], vector<16xf32>,
      tpu.vector_store_idx %arg11[%add3A_28, %add3A_465], %gather3A_478 : memref<32x256xf32, #tpu.memory_space<vmem>>[vector<16xi32>, vector<16xi32>], vector<16xf32>,
      %add3A_479 = arith.addi %shift_left3A_473, %add3A_37 : vector<16xi32>
      %gather3A_480 = tpu.vector_load_idx %arg9[%add3A_465, %add3A_479] : memref<256x128xf32, #tpu.memory_space<vmem>>[vector<16xi32>, vector<16xi32>], vector<16xf32>,
      tpu.vector_store_idx %arg11[%add3A_37, %add3A_465], %gather3A_480 : memref<32x256xf32, #tpu.memory_space<vmem>>[vector<16xi32>, vector<16xi32>], vector<16xf32>,
      %add3A_481 = arith.addi %shift_left3A_473, %add3A_46 : vector<16xi32>
      %gather3A_482 = tpu.vector_load_idx %arg9[%add3A_465, %add3A_481] : memref<256x128xf32, #tpu.memory_space<vmem>>[vector<16xi32>, vector<16xi32>], vector<16xf32>,
      tpu.vector_store_idx %arg11[%add3A_46, %add3A_465], %gather3A_482 : memref<32x256xf32, #tpu.memory_space<vmem>>[vector<16xi32>, vector<16xi32>], vector<16xf32>,
      %add3A_483 = arith.addi %shift_left3A_473, %add3A_55 : vector<16xi32>
      %gather3A_484 = tpu.vector_load_idx %arg9[%add3A_465, %add3A_483] : memref<256x128xf32, #tpu.memory_space<vmem>>[vector<16xi32>, vector<16xi32>], vector<16xf32>,
      tpu.vector_store_idx %arg11[%add3A_55, %add3A_465], %gather3A_484 : memref<32x256xf32, #tpu.memory_space<vmem>>[vector<16xi32>, vector<16xi32>], vector<16xf32>,
      %add3A_485 = arith.addi %shift_left3A_473, %add3A_64 : vector<16xi32>
      %gather3A_486 = tpu.vector_load_idx %arg9[%add3A_465, %add3A_485] : memref<256x128xf32, #tpu.memory_space<vmem>>[vector<16xi32>, vector<16xi32>], vector<16xf32>,
      tpu.vector_store_idx %arg11[%add3A_64, %add3A_465], %gather3A_486 : memref<32x256xf32, #tpu.memory_space<vmem>>[vector<16xi32>, vector<16xi32>], vector<16xf32>,
      %add3A_487 = arith.addi %shift_left3A_473, %add3A_73 : vector<16xi32>
      %gather3A_488 = tpu.vector_load_idx %arg9[%add3A_465, %add3A_487] : memref<256x128xf32, #tpu.memory_space<vmem>>[vector<16xi32>, vector<16xi32>], vector<16xf32>,
      tpu.vector_store_idx %arg11[%add3A_73, %add3A_465], %gather3A_488 : memref<32x256xf32, #tpu.memory_space<vmem>>[vector<16xi32>, vector<16xi32>], vector<16xf32>,
      %add3A_489 = arith.addi %shift_left3A_473, %add3A_82 : vector<16xi32>
      %gather3A_490 = tpu.vector_load_idx %arg9[%add3A_465, %add3A_489] : memref<256x128xf32, #tpu.memory_space<vmem>>[vector<16xi32>, vector<16xi32>], vector<16xf32>,
      tpu.vector_store_idx %arg11[%add3A_82, %add3A_465], %gather3A_490 : memref<32x256xf32, #tpu.memory_space<vmem>>[vector<16xi32>, vector<16xi32>], vector<16xf32>,
      %add3A_491 = arith.addi %shift_left3A_473, %add3A_91 : vector<16xi32>
      %gather3A_492 = tpu.vector_load_idx %arg9[%add3A_465, %add3A_491] : memref<256x128xf32, #tpu.memory_space<vmem>>[vector<16xi32>, vector<16xi32>], vector<16xf32>,
      tpu.vector_store_idx %arg11[%add3A_91, %add3A_465], %gather3A_492 : memref<32x256xf32, #tpu.memory_space<vmem>>[vector<16xi32>, vector<16xi32>], vector<16xf32>,
      %add3A_493 = arith.addi %shift_left3A_473, %add3A_100 : vector<16xi32>
      %gather3A_494 = tpu.vector_load_idx %arg9[%add3A_465, %add3A_493] : memref<256x128xf32, #tpu.memory_space<vmem>>[vector<16xi32>, vector<16xi32>], vector<16xf32>,
      tpu.vector_store_idx %arg11[%add3A_100, %add3A_465], %gather3A_494 : memref<32x256xf32, #tpu.memory_space<vmem>>[vector<16xi32>, vector<16xi32>], vector<16xf32>,
      %add3A_495 = arith.addi %shift_left3A_473, %add3A_109 : vector<16xi32>
      %gather3A_496 = tpu.vector_load_idx %arg9[%add3A_465, %add3A_495] : memref<256x128xf32, #tpu.memory_space<vmem>>[vector<16xi32>, vector<16xi32>], vector<16xf32>,
      tpu.vector_store_idx %arg11[%add3A_109, %add3A_465], %gather3A_496 : memref<32x256xf32, #tpu.memory_space<vmem>>[vector<16xi32>, vector<16xi32>], vector<16xf32>,
      %add3A_497 = arith.addi %shift_left3A_473, %add3A_118 : vector<16xi32>
      %gather3A_498 = tpu.vector_load_idx %arg9[%add3A_465, %add3A_497] : memref<256x128xf32, #tpu.memory_space<vmem>>[vector<16xi32>, vector<16xi32>], vector<16xf32>,
      tpu.vector_store_idx %arg11[%add3A_118, %add3A_465], %gather3A_498 : memref<32x256xf32, #tpu.memory_space<vmem>>[vector<16xi32>, vector<16xi32>], vector<16xf32>,
      %add3A_499 = arith.addi %shift_left3A_473, %add3A_127 : vector<16xi32>
      %gather3A_500 = tpu.vector_load_idx %arg9[%add3A_465, %add3A_499] : memref<256x128xf32, #tpu.memory_space<vmem>>[vector<16xi32>, vector<16xi32>], vector<16xf32>,
      tpu.vector_store_idx %arg11[%add3A_127, %add3A_465], %gather3A_500 : memref<32x256xf32, #tpu.memory_space<vmem>>[vector<16xi32>, vector<16xi32>], vector<16xf32>,
      %add3A_501 = arith.addi %shift_left3A_473, %add3A_136 : vector<16xi32>
      %gather3A_502 = tpu.vector_load_idx %arg9[%add3A_465, %add3A_501] : memref<256x128xf32, #tpu.memory_space<vmem>>[vector<16xi32>, vector<16xi32>], vector<16xf32>,
      tpu.vector_store_idx %arg11[%add3A_136, %add3A_465], %gather3A_502 : memref<32x256xf32, #tpu.memory_space<vmem>>[vector<16xi32>, vector<16xi32>], vector<16xf32>,
      %add3A_503 = arith.addi %shift_left3A_473, %add3A_145 : vector<16xi32>
      %gather3A_504 = tpu.vector_load_idx %arg9[%add3A_465, %add3A_503] : memref<256x128xf32, #tpu.memory_space<vmem>>[vector<16xi32>, vector<16xi32>], vector<16xf32>,
      tpu.vector_store_idx %arg11[%add3A_145, %add3A_465], %gather3A_504 : memref<32x256xf32, #tpu.memory_space<vmem>>[vector<16xi32>, vector<16xi32>], vector<16xf32>,
      %add3A_505 = arith.addi %shift_left3A_473, %add3A_154 : vector<16xi32>
      %gather3A_506 = tpu.vector_load_idx %arg9[%add3A_465, %add3A_505] : memref<256x128xf32, #tpu.memory_space<vmem>>[vector<16xi32>, vector<16xi32>], vector<16xf32>,
      tpu.vector_store_idx %arg11[%add3A_154, %add3A_465], %gather3A_506 : memref<32x256xf32, #tpu.memory_space<vmem>>[vector<16xi32>, vector<16xi32>], vector<16xf32>,
      %add3A_507 = arith.addi %shift_left3A_473, %add3A_163 : vector<16xi32>
      %gather3A_508 = tpu.vector_load_idx %arg9[%add3A_465, %add3A_507] : memref<256x128xf32, #tpu.memory_space<vmem>>[vector<16xi32>, vector<16xi32>], vector<16xf32>,
      tpu.vector_store_idx %arg11[%add3A_163, %add3A_465], %gather3A_508 : memref<32x256xf32, #tpu.memory_space<vmem>>[vector<16xi32>, vector<16xi32>], vector<16xf32>,
      %add3A_509 = arith.addi %shift_left3A_473, %add3A_172 : vector<16xi32>
      %gather3A_510 = tpu.vector_load_idx %arg9[%add3A_465, %add3A_509] : memref<256x128xf32, #tpu.memory_space<vmem>>[vector<16xi32>, vector<16xi32>], vector<16xf32>,
      tpu.vector_store_idx %arg11[%add3A_172, %add3A_465], %gather3A_510 : memref<32x256xf32, #tpu.memory_space<vmem>>[vector<16xi32>, vector<16xi32>], vector<16xf32>,
      %add3A_511 = arith.addi %shift_left3A_473, %add3A_181 : vector<16xi32>
      %gather3A_512 = tpu.vector_load_idx %arg9[%add3A_465, %add3A_511] : memref<256x128xf32, #tpu.memory_space<vmem>>[vector<16xi32>, vector<16xi32>], vector<16xf32>,
      tpu.vector_store_idx %arg11[%add3A_181, %add3A_465], %gather3A_512 : memref<32x256xf32, #tpu.memory_space<vmem>>[vector<16xi32>, vector<16xi32>], vector<16xf32>,
      %add3A_513 = arith.addi %shift_left3A_473, %add3A_190 : vector<16xi32>
      %gather3A_514 = tpu.vector_load_idx %arg9[%add3A_465, %add3A_513] : memref<256x128xf32, #tpu.memory_space<vmem>>[vector<16xi32>, vector<16xi32>], vector<16xf32>,
      tpu.vector_store_idx %arg11[%add3A_190, %add3A_465], %gather3A_514 : memref<32x256xf32, #tpu.memory_space<vmem>>[vector<16xi32>, vector<16xi32>], vector<16xf32>,
      %add3A_515 = arith.addi %shift_left3A_473, %add3A_199 : vector<16xi32>
      %gather3A_516 = tpu.vector_load_idx %arg9[%add3A_465, %add3A_515] : memref<256x128xf32, #tpu.memory_space<vmem>>[vector<16xi32>, vector<16xi32>], vector<16xf32>,
      tpu.vector_store_idx %arg11[%add3A_199, %add3A_465], %gather3A_516 : memref<32x256xf32, #tpu.memory_space<vmem>>[vector<16xi32>, vector<16xi32>], vector<16xf32>,
      %add3A_517 = arith.addi %shift_left3A_473, %add3A_208 : vector<16xi32>
      %gather3A_518 = tpu.vector_load_idx %arg9[%add3A_465, %add3A_517] : memref<256x128xf32, #tpu.memory_space<vmem>>[vector<16xi32>, vector<16xi32>], vector<16xf32>,
      tpu.vector_store_idx %arg11[%add3A_208, %add3A_465], %gather3A_518 : memref<32x256xf32, #tpu.memory_space<vmem>>[vector<16xi32>, vector<16xi32>], vector<16xf32>,
      %add3A_519 = arith.addi %shift_left3A_473, %add3A_217 : vector<16xi32>
      %gather3A_520 = tpu.vector_load_idx %arg9[%add3A_465, %add3A_519] : memref<256x128xf32, #tpu.memory_space<vmem>>[vector<16xi32>, vector<16xi32>], vector<16xf32>,
      tpu.vector_store_idx %arg11[%add3A_217, %add3A_465], %gather3A_520 : memref<32x256xf32, #tpu.memory_space<vmem>>[vector<16xi32>, vector<16xi32>], vector<16xf32>,
      %add3A_521 = arith.addi %shift_left3A_473, %add3A_226 : vector<16xi32>
      %gather3A_522 = tpu.vector_load_idx %arg9[%add3A_465, %add3A_521] : memref<256x128xf32, #tpu.memory_space<vmem>>[vector<16xi32>, vector<16xi32>], vector<16xf32>,
      tpu.vector_store_idx %arg11[%add3A_226, %add3A_465], %gather3A_522 : memref<32x256xf32, #tpu.memory_space<vmem>>[vector<16xi32>, vector<16xi32>], vector<16xf32>,
      %add3A_523 = arith.addi %shift_left3A_473, %add3A_235 : vector<16xi32>
      %gather3A_524 = tpu.vector_load_idx %arg9[%add3A_465, %add3A_523] : memref<256x128xf32, #tpu.memory_space<vmem>>[vector<16xi32>, vector<16xi32>], vector<16xf32>,
      tpu.vector_store_idx %arg11[%add3A_235, %add3A_465], %gather3A_524 : memref<32x256xf32, #tpu.memory_space<vmem>>[vector<16xi32>, vector<16xi32>], vector<16xf32>,
      %add3A_525 = arith.addi %shift_left3A_473, %add3A_244 : vector<16xi32>
      %gather3A_526 = tpu.vector_load_idx %arg9[%add3A_465, %add3A_525] : memref<256x128xf32, #tpu.memory_space<vmem>>[vector<16xi32>, vector<16xi32>], vector<16xf32>,
      tpu.vector_store_idx %arg11[%add3A_244, %add3A_465], %gather3A_526 : memref<32x256xf32, #tpu.memory_space<vmem>>[vector<16xi32>, vector<16xi32>], vector<16xf32>,
      %add3A_527 = arith.addi %shift_left3A_473, %add3A_253 : vector<16xi32>
      %gather3A_528 = tpu.vector_load_idx %arg9[%add3A_465, %add3A_527] : memref<256x128xf32, #tpu.memory_space<vmem>>[vector<16xi32>, vector<16xi32>], vector<16xf32>,
      tpu.vector_store_idx %arg11[%add3A_253, %add3A_465], %gather3A_528 : memref<32x256xf32, #tpu.memory_space<vmem>>[vector<16xi32>, vector<16xi32>], vector<16xf32>,
      %add3A_529 = arith.addi %shift_left3A_473, %add3A_262 : vector<16xi32>
      %gather3A_530 = tpu.vector_load_idx %arg9[%add3A_465, %add3A_529] : memref<256x128xf32, #tpu.memory_space<vmem>>[vector<16xi32>, vector<16xi32>], vector<16xf32>,
      tpu.vector_store_idx %arg11[%add3A_262, %add3A_465], %gather3A_530 : memref<32x256xf32, #tpu.memory_space<vmem>>[vector<16xi32>, vector<16xi32>], vector<16xf32>,
      %add3A_531 = arith.addi %shift_left3A_473, %add3A_271 : vector<16xi32>
      %gather3A_532 = tpu.vector_load_idx %arg9[%add3A_465, %add3A_531] : memref<256x128xf32, #tpu.memory_space<vmem>>[vector<16xi32>, vector<16xi32>], vector<16xf32>,
      tpu.vector_store_idx %arg11[%add3A_271, %add3A_465], %gather3A_532 : memref<32x256xf32, #tpu.memory_space<vmem>>[vector<16xi32>, vector<16xi32>], vector<16xf32>,
      %add3A_533 = arith.addi %shift_left3A_473, %add3A_280 : vector<16xi32>
      %gather3A_534 = tpu.vector_load_idx %arg9[%add3A_465, %add3A_533] : memref<256x128xf32, #tpu.memory_space<vmem>>[vector<16xi32>, vector<16xi32>], vector<16xf32>,
      tpu.vector_store_idx %arg11[%add3A_280, %add3A_465], %gather3A_534 : memref<32x256xf32, #tpu.memory_space<vmem>>[vector<16xi32>, vector<16xi32>], vector<16xf32>,
      %add3A_535 = arith.addi %shift_left3A_473, %add3A_289 : vector<16xi32>
      %gather3A_536 = tpu.vector_load_idx %arg9[%add3A_465, %add3A_535] : memref<256x128xf32, #tpu.memory_space<vmem>>[vector<16xi32>, vector<16xi32>], vector<16xf32>,
      tpu.vector_store_idx %arg11[%add3A_289, %add3A_465], %gather3A_536 : memref<32x256xf32, #tpu.memory_space<vmem>>[vector<16xi32>, vector<16xi32>], vector<16xf32>,
    }
    %scan3A_412 = arith.constant 16 : i32
    %add3A_413 = arith.constant 0 : i32
    %add3A_414 = arith.addi %mul3A_2, %add3A_413 : i32
    %dma_start3A_415 = arith.constant 49 : i32
    %dma_start3A_416 = arith.constant 0 : i32
    %dma_start3A_417 = tpu.memref_slice %arg4[%dma_start3A_415, %dma_start3A_416, %add3A_414] : memref<50x32x16384xf32, #tpu.memory_space<hbm>> -> memref<1x32x256xf32, #tpu.memory_space<hbm>>
    %dma_start3A_418 = tpu.memref_squeeze %dma_start3A_417 : memref<1x32x256xf32, #tpu.memory_space<hbm>> -> memref<32x256xf32, #tpu.memory_space<hbm>>
    %dma_start3A_419 = arith.constant 0 : i32
    %dma_start3A_420 = tpu.memref_slice %arg4[%dma_start3A_415, %dma_start3A_419, %add3A_414] : memref<50x32x16384xf32, #tpu.memory_space<hbm>> -> memref<1x32x256xf32, #tpu.memory_space<hbm>>
    %dma_start3A_421 = tpu.memref_squeeze %dma_start3A_420 : memref<1x32x256xf32, #tpu.memory_space<hbm>> -> memref<32x256xf32, #tpu.memory_space<hbm>>
    tpu.enqueue_dma source(%arg11 : memref<32x256xf32, #tpu.memory_space<vmem>>) target(%dma_start3A_421 : memref<32x256xf32, #tpu.memory_space<hbm>>) target_semaphore(%arg17 : memref<!tpu.dma_semaphore, #tpu.memory_space<semaphore_mem>>)
    %dma_wait3A_422 = arith.constant 0 : i32
    %dma_wait3A_423 = arith.constant 0 : i32
    %dma_wait3A_424 = tpu.memref_slice %arg3[%dma_wait3A_422, %dma_wait3A_423] : memref<250000x128xf32, #tpu.memory_space<hbm>> -> memref<250000x128xf32, #tpu.memory_space<hbm>>
    tpu.wait_indirect_dma semaphore(%arg16 : memref<!tpu.dma_semaphore, #tpu.memory_space<semaphore_mem>>) src(%dma_wait3A_424 : memref<250000x128xf32, #tpu.memory_space<hbm>>) dst(%arg10 : memref<256x128xf32, #tpu.memory_space<vmem>>)
    %dma_wait3A_425 = arith.constant 0 : i32
    %dma_wait3A_426 = arith.constant 0 : i32
    %dma_wait3A_427 = tpu.memref_slice %arg4[%dma_wait3A_425, %dma_wait3A_426, %mul3A_2] : memref<50x32x16384xf32, #tpu.memory_space<hbm>> -> memref<1x32x256xf32, #tpu.memory_space<hbm>>
    %dma_wait3A_428 = tpu.memref_squeeze %dma_wait3A_427 : memref<1x32x256xf32, #tpu.memory_space<hbm>> -> memref<32x256xf32, #tpu.memory_space<hbm>>
    %dma_wait3A_429 = arith.constant 0 : i32
    %dma_wait3A_430 = tpu.memref_slice %arg4[%dma_wait3A_425, %dma_wait3A_429, %mul3A_2] : memref<50x32x16384xf32, #tpu.memory_space<hbm>> -> memref<1x32x256xf32, #tpu.memory_space<hbm>>
    %dma_wait3A_431 = tpu.memref_squeeze %dma_wait3A_430 : memref<1x32x256xf32, #tpu.memory_space<hbm>> -> memref<32x256xf32, #tpu.memory_space<hbm>>
    tpu.wait_dma2 semaphore(%arg18 : memref<!tpu.dma_semaphore, #tpu.memory_space<semaphore_mem>>) src(%arg12 : memref<32x256xf32, #tpu.memory_space<vmem>>) dst(%dma_wait3A_431 : memref<32x256xf32, #tpu.memory_space<hbm>>)
    %scan3A_432 = arith.constant 0 : i32
    %scan3A_433 = arith.constant 0 : i32
    %scan3A_434 = arith.constant 16 : i32
    %scan3A_435 = arith.addi %scan3A_433, %scan3A_434 : i32
    %scan3A_436 = arith.constant 1 : i32
    scf.for %scan3A_461 = %scan3A_433 to %scan3A_435 step %scan3A_436  : i32 {
      %mul3A_462 = arith.constant 16 : i32
      %mul3A_463 = arith.muli %scan3A_461, %mul3A_462 : i32
      %add3A_464 = vector.broadcast %mul3A_463 : i32 to vector<16xi32>
      %add3A_465 = arith.addi %iota3A, %add3A_464 : vector<16xi32>
      %mul3A_466 = arith.constant 16 : i32
      %mul3A_467 = arith.muli %scan3A_461, %mul3A_466 : i32
      %get3A = arith.index_cast %mul3A_467 : i32 to index
      %get3A_468 = tpu.vector_load %arg6[%get3A] {strides = array<i32>} : memref<256xi32, #tpu.memory_space<vmem>>, vector<16xi32>,
      %and3A_469 = arith.constant 3 : i32
      %and3A_470 = vector.broadcast %and3A_469 : i32 to vector<16xi32>
      %and3A_471 = arith.andi %get3A_468, %and3A_470 : vector<16xi32>
      %shift_left3A = arith.constant 5 : i32
      %shift_left3A_472 = vector.broadcast %shift_left3A : i32 to vector<16xi32>
      %shift_left3A_473 = arith.shli %and3A_471, %shift_left3A_472 : vector<16xi32>
      %add3A_474 = arith.addi %shift_left3A_473, %add3A_10 : vector<16xi32>
      %gather3A = tpu.vector_load_idx %arg10[%add3A_465, %add3A_474] : memref<256x128xf32, #tpu.memory_space<vmem>>[vector<16xi32>, vector<16xi32>], vector<16xf32>,
      tpu.vector_store_idx %arg12[%add3A_10, %add3A_465], %gather3A : memref<32x256xf32, #tpu.memory_space<vmem>>[vector<16xi32>, vector<16xi32>], vector<16xf32>,
      %add3A_475 = arith.addi %shift_left3A_473, %add3A_19 : vector<16xi32>
      %gather3A_476 = tpu.vector_load_idx %arg10[%add3A_465, %add3A_475] : memref<256x128xf32, #tpu.memory_space<vmem>>[vector<16xi32>, vector<16xi32>], vector<16xf32>,
      tpu.vector_store_idx %arg12[%add3A_19, %add3A_465], %gather3A_476 : memref<32x256xf32, #tpu.memory_space<vmem>>[vector<16xi32>, vector<16xi32>], vector<16xf32>,
      %add3A_477 = arith.addi %shift_left3A_473, %add3A_28 : vector<16xi32>
      %gather3A_478 = tpu.vector_load_idx %arg10[%add3A_465, %add3A_477] : memref<256x128xf32, #tpu.memory_space<vmem>>[vector<16xi32>, vector<16xi32>], vector<16xf32>,
      tpu.vector_store_idx %arg12[%add3A_28, %add3A_465], %gather3A_478 : memref<32x256xf32, #tpu.memory_space<vmem>>[vector<16xi32>, vector<16xi32>], vector<16xf32>,
      %add3A_479 = arith.addi %shift_left3A_473, %add3A_37 : vector<16xi32>
      %gather3A_480 = tpu.vector_load_idx %arg10[%add3A_465, %add3A_479] : memref<256x128xf32, #tpu.memory_space<vmem>>[vector<16xi32>, vector<16xi32>], vector<16xf32>,
      tpu.vector_store_idx %arg12[%add3A_37, %add3A_465], %gather3A_480 : memref<32x256xf32, #tpu.memory_space<vmem>>[vector<16xi32>, vector<16xi32>], vector<16xf32>,
      %add3A_481 = arith.addi %shift_left3A_473, %add3A_46 : vector<16xi32>
      %gather3A_482 = tpu.vector_load_idx %arg10[%add3A_465, %add3A_481] : memref<256x128xf32, #tpu.memory_space<vmem>>[vector<16xi32>, vector<16xi32>], vector<16xf32>,
      tpu.vector_store_idx %arg12[%add3A_46, %add3A_465], %gather3A_482 : memref<32x256xf32, #tpu.memory_space<vmem>>[vector<16xi32>, vector<16xi32>], vector<16xf32>,
      %add3A_483 = arith.addi %shift_left3A_473, %add3A_55 : vector<16xi32>
      %gather3A_484 = tpu.vector_load_idx %arg10[%add3A_465, %add3A_483] : memref<256x128xf32, #tpu.memory_space<vmem>>[vector<16xi32>, vector<16xi32>], vector<16xf32>,
      tpu.vector_store_idx %arg12[%add3A_55, %add3A_465], %gather3A_484 : memref<32x256xf32, #tpu.memory_space<vmem>>[vector<16xi32>, vector<16xi32>], vector<16xf32>,
      %add3A_485 = arith.addi %shift_left3A_473, %add3A_64 : vector<16xi32>
      %gather3A_486 = tpu.vector_load_idx %arg10[%add3A_465, %add3A_485] : memref<256x128xf32, #tpu.memory_space<vmem>>[vector<16xi32>, vector<16xi32>], vector<16xf32>,
      tpu.vector_store_idx %arg12[%add3A_64, %add3A_465], %gather3A_486 : memref<32x256xf32, #tpu.memory_space<vmem>>[vector<16xi32>, vector<16xi32>], vector<16xf32>,
      %add3A_487 = arith.addi %shift_left3A_473, %add3A_73 : vector<16xi32>
      %gather3A_488 = tpu.vector_load_idx %arg10[%add3A_465, %add3A_487] : memref<256x128xf32, #tpu.memory_space<vmem>>[vector<16xi32>, vector<16xi32>], vector<16xf32>,
      tpu.vector_store_idx %arg12[%add3A_73, %add3A_465], %gather3A_488 : memref<32x256xf32, #tpu.memory_space<vmem>>[vector<16xi32>, vector<16xi32>], vector<16xf32>,
      %add3A_489 = arith.addi %shift_left3A_473, %add3A_82 : vector<16xi32>
      %gather3A_490 = tpu.vector_load_idx %arg10[%add3A_465, %add3A_489] : memref<256x128xf32, #tpu.memory_space<vmem>>[vector<16xi32>, vector<16xi32>], vector<16xf32>,
      tpu.vector_store_idx %arg12[%add3A_82, %add3A_465], %gather3A_490 : memref<32x256xf32, #tpu.memory_space<vmem>>[vector<16xi32>, vector<16xi32>], vector<16xf32>,
      %add3A_491 = arith.addi %shift_left3A_473, %add3A_91 : vector<16xi32>
      %gather3A_492 = tpu.vector_load_idx %arg10[%add3A_465, %add3A_491] : memref<256x128xf32, #tpu.memory_space<vmem>>[vector<16xi32>, vector<16xi32>], vector<16xf32>,
      tpu.vector_store_idx %arg12[%add3A_91, %add3A_465], %gather3A_492 : memref<32x256xf32, #tpu.memory_space<vmem>>[vector<16xi32>, vector<16xi32>], vector<16xf32>,
      %add3A_493 = arith.addi %shift_left3A_473, %add3A_100 : vector<16xi32>
      %gather3A_494 = tpu.vector_load_idx %arg10[%add3A_465, %add3A_493] : memref<256x128xf32, #tpu.memory_space<vmem>>[vector<16xi32>, vector<16xi32>], vector<16xf32>,
      tpu.vector_store_idx %arg12[%add3A_100, %add3A_465], %gather3A_494 : memref<32x256xf32, #tpu.memory_space<vmem>>[vector<16xi32>, vector<16xi32>], vector<16xf32>,
      %add3A_495 = arith.addi %shift_left3A_473, %add3A_109 : vector<16xi32>
      %gather3A_496 = tpu.vector_load_idx %arg10[%add3A_465, %add3A_495] : memref<256x128xf32, #tpu.memory_space<vmem>>[vector<16xi32>, vector<16xi32>], vector<16xf32>,
      tpu.vector_store_idx %arg12[%add3A_109, %add3A_465], %gather3A_496 : memref<32x256xf32, #tpu.memory_space<vmem>>[vector<16xi32>, vector<16xi32>], vector<16xf32>,
      %add3A_497 = arith.addi %shift_left3A_473, %add3A_118 : vector<16xi32>
      %gather3A_498 = tpu.vector_load_idx %arg10[%add3A_465, %add3A_497] : memref<256x128xf32, #tpu.memory_space<vmem>>[vector<16xi32>, vector<16xi32>], vector<16xf32>,
      tpu.vector_store_idx %arg12[%add3A_118, %add3A_465], %gather3A_498 : memref<32x256xf32, #tpu.memory_space<vmem>>[vector<16xi32>, vector<16xi32>], vector<16xf32>,
      %add3A_499 = arith.addi %shift_left3A_473, %add3A_127 : vector<16xi32>
      %gather3A_500 = tpu.vector_load_idx %arg10[%add3A_465, %add3A_499] : memref<256x128xf32, #tpu.memory_space<vmem>>[vector<16xi32>, vector<16xi32>], vector<16xf32>,
      tpu.vector_store_idx %arg12[%add3A_127, %add3A_465], %gather3A_500 : memref<32x256xf32, #tpu.memory_space<vmem>>[vector<16xi32>, vector<16xi32>], vector<16xf32>,
      %add3A_501 = arith.addi %shift_left3A_473, %add3A_136 : vector<16xi32>
      %gather3A_502 = tpu.vector_load_idx %arg10[%add3A_465, %add3A_501] : memref<256x128xf32, #tpu.memory_space<vmem>>[vector<16xi32>, vector<16xi32>], vector<16xf32>,
      tpu.vector_store_idx %arg12[%add3A_136, %add3A_465], %gather3A_502 : memref<32x256xf32, #tpu.memory_space<vmem>>[vector<16xi32>, vector<16xi32>], vector<16xf32>,
      %add3A_503 = arith.addi %shift_left3A_473, %add3A_145 : vector<16xi32>
      %gather3A_504 = tpu.vector_load_idx %arg10[%add3A_465, %add3A_503] : memref<256x128xf32, #tpu.memory_space<vmem>>[vector<16xi32>, vector<16xi32>], vector<16xf32>,
      tpu.vector_store_idx %arg12[%add3A_145, %add3A_465], %gather3A_504 : memref<32x256xf32, #tpu.memory_space<vmem>>[vector<16xi32>, vector<16xi32>], vector<16xf32>,
      %add3A_505 = arith.addi %shift_left3A_473, %add3A_154 : vector<16xi32>
      %gather3A_506 = tpu.vector_load_idx %arg10[%add3A_465, %add3A_505] : memref<256x128xf32, #tpu.memory_space<vmem>>[vector<16xi32>, vector<16xi32>], vector<16xf32>,
      tpu.vector_store_idx %arg12[%add3A_154, %add3A_465], %gather3A_506 : memref<32x256xf32, #tpu.memory_space<vmem>>[vector<16xi32>, vector<16xi32>], vector<16xf32>,
      %add3A_507 = arith.addi %shift_left3A_473, %add3A_163 : vector<16xi32>
      %gather3A_508 = tpu.vector_load_idx %arg10[%add3A_465, %add3A_507] : memref<256x128xf32, #tpu.memory_space<vmem>>[vector<16xi32>, vector<16xi32>], vector<16xf32>,
      tpu.vector_store_idx %arg12[%add3A_163, %add3A_465], %gather3A_508 : memref<32x256xf32, #tpu.memory_space<vmem>>[vector<16xi32>, vector<16xi32>], vector<16xf32>,
      %add3A_509 = arith.addi %shift_left3A_473, %add3A_172 : vector<16xi32>
      %gather3A_510 = tpu.vector_load_idx %arg10[%add3A_465, %add3A_509] : memref<256x128xf32, #tpu.memory_space<vmem>>[vector<16xi32>, vector<16xi32>], vector<16xf32>,
      tpu.vector_store_idx %arg12[%add3A_172, %add3A_465], %gather3A_510 : memref<32x256xf32, #tpu.memory_space<vmem>>[vector<16xi32>, vector<16xi32>], vector<16xf32>,
      %add3A_511 = arith.addi %shift_left3A_473, %add3A_181 : vector<16xi32>
      %gather3A_512 = tpu.vector_load_idx %arg10[%add3A_465, %add3A_511] : memref<256x128xf32, #tpu.memory_space<vmem>>[vector<16xi32>, vector<16xi32>], vector<16xf32>,
      tpu.vector_store_idx %arg12[%add3A_181, %add3A_465], %gather3A_512 : memref<32x256xf32, #tpu.memory_space<vmem>>[vector<16xi32>, vector<16xi32>], vector<16xf32>,
      %add3A_513 = arith.addi %shift_left3A_473, %add3A_190 : vector<16xi32>
      %gather3A_514 = tpu.vector_load_idx %arg10[%add3A_465, %add3A_513] : memref<256x128xf32, #tpu.memory_space<vmem>>[vector<16xi32>, vector<16xi32>], vector<16xf32>,
      tpu.vector_store_idx %arg12[%add3A_190, %add3A_465], %gather3A_514 : memref<32x256xf32, #tpu.memory_space<vmem>>[vector<16xi32>, vector<16xi32>], vector<16xf32>,
      %add3A_515 = arith.addi %shift_left3A_473, %add3A_199 : vector<16xi32>
      %gather3A_516 = tpu.vector_load_idx %arg10[%add3A_465, %add3A_515] : memref<256x128xf32, #tpu.memory_space<vmem>>[vector<16xi32>, vector<16xi32>], vector<16xf32>,
      tpu.vector_store_idx %arg12[%add3A_199, %add3A_465], %gather3A_516 : memref<32x256xf32, #tpu.memory_space<vmem>>[vector<16xi32>, vector<16xi32>], vector<16xf32>,
      %add3A_517 = arith.addi %shift_left3A_473, %add3A_208 : vector<16xi32>
      %gather3A_518 = tpu.vector_load_idx %arg10[%add3A_465, %add3A_517] : memref<256x128xf32, #tpu.memory_space<vmem>>[vector<16xi32>, vector<16xi32>], vector<16xf32>,
      tpu.vector_store_idx %arg12[%add3A_208, %add3A_465], %gather3A_518 : memref<32x256xf32, #tpu.memory_space<vmem>>[vector<16xi32>, vector<16xi32>], vector<16xf32>,
      %add3A_519 = arith.addi %shift_left3A_473, %add3A_217 : vector<16xi32>
      %gather3A_520 = tpu.vector_load_idx %arg10[%add3A_465, %add3A_519] : memref<256x128xf32, #tpu.memory_space<vmem>>[vector<16xi32>, vector<16xi32>], vector<16xf32>,
      tpu.vector_store_idx %arg12[%add3A_217, %add3A_465], %gather3A_520 : memref<32x256xf32, #tpu.memory_space<vmem>>[vector<16xi32>, vector<16xi32>], vector<16xf32>,
      %add3A_521 = arith.addi %shift_left3A_473, %add3A_226 : vector<16xi32>
      %gather3A_522 = tpu.vector_load_idx %arg10[%add3A_465, %add3A_521] : memref<256x128xf32, #tpu.memory_space<vmem>>[vector<16xi32>, vector<16xi32>], vector<16xf32>,
      tpu.vector_store_idx %arg12[%add3A_226, %add3A_465], %gather3A_522 : memref<32x256xf32, #tpu.memory_space<vmem>>[vector<16xi32>, vector<16xi32>], vector<16xf32>,
      %add3A_523 = arith.addi %shift_left3A_473, %add3A_235 : vector<16xi32>
      %gather3A_524 = tpu.vector_load_idx %arg10[%add3A_465, %add3A_523] : memref<256x128xf32, #tpu.memory_space<vmem>>[vector<16xi32>, vector<16xi32>], vector<16xf32>,
      tpu.vector_store_idx %arg12[%add3A_235, %add3A_465], %gather3A_524 : memref<32x256xf32, #tpu.memory_space<vmem>>[vector<16xi32>, vector<16xi32>], vector<16xf32>,
      %add3A_525 = arith.addi %shift_left3A_473, %add3A_244 : vector<16xi32>
      %gather3A_526 = tpu.vector_load_idx %arg10[%add3A_465, %add3A_525] : memref<256x128xf32, #tpu.memory_space<vmem>>[vector<16xi32>, vector<16xi32>], vector<16xf32>,
      tpu.vector_store_idx %arg12[%add3A_244, %add3A_465], %gather3A_526 : memref<32x256xf32, #tpu.memory_space<vmem>>[vector<16xi32>, vector<16xi32>], vector<16xf32>,
      %add3A_527 = arith.addi %shift_left3A_473, %add3A_253 : vector<16xi32>
      %gather3A_528 = tpu.vector_load_idx %arg10[%add3A_465, %add3A_527] : memref<256x128xf32, #tpu.memory_space<vmem>>[vector<16xi32>, vector<16xi32>], vector<16xf32>,
      tpu.vector_store_idx %arg12[%add3A_253, %add3A_465], %gather3A_528 : memref<32x256xf32, #tpu.memory_space<vmem>>[vector<16xi32>, vector<16xi32>], vector<16xf32>,
      %add3A_529 = arith.addi %shift_left3A_473, %add3A_262 : vector<16xi32>
      %gather3A_530 = tpu.vector_load_idx %arg10[%add3A_465, %add3A_529] : memref<256x128xf32, #tpu.memory_space<vmem>>[vector<16xi32>, vector<16xi32>], vector<16xf32>,
      tpu.vector_store_idx %arg12[%add3A_262, %add3A_465], %gather3A_530 : memref<32x256xf32, #tpu.memory_space<vmem>>[vector<16xi32>, vector<16xi32>], vector<16xf32>,
      %add3A_531 = arith.addi %shift_left3A_473, %add3A_271 : vector<16xi32>
      %gather3A_532 = tpu.vector_load_idx %arg10[%add3A_465, %add3A_531] : memref<256x128xf32, #tpu.memory_space<vmem>>[vector<16xi32>, vector<16xi32>], vector<16xf32>,
      tpu.vector_store_idx %arg12[%add3A_271, %add3A_465], %gather3A_532 : memref<32x256xf32, #tpu.memory_space<vmem>>[vector<16xi32>, vector<16xi32>], vector<16xf32>,
      %add3A_533 = arith.addi %shift_left3A_473, %add3A_280 : vector<16xi32>
      %gather3A_534 = tpu.vector_load_idx %arg10[%add3A_465, %add3A_533] : memref<256x128xf32, #tpu.memory_space<vmem>>[vector<16xi32>, vector<16xi32>], vector<16xf32>,
      tpu.vector_store_idx %arg12[%add3A_280, %add3A_465], %gather3A_534 : memref<32x256xf32, #tpu.memory_space<vmem>>[vector<16xi32>, vector<16xi32>], vector<16xf32>,
      %add3A_535 = arith.addi %shift_left3A_473, %add3A_289 : vector<16xi32>
      %gather3A_536 = tpu.vector_load_idx %arg10[%add3A_465, %add3A_535] : memref<256x128xf32, #tpu.memory_space<vmem>>[vector<16xi32>, vector<16xi32>], vector<16xf32>,
      tpu.vector_store_idx %arg12[%add3A_289, %add3A_465], %gather3A_536 : memref<32x256xf32, #tpu.memory_space<vmem>>[vector<16xi32>, vector<16xi32>], vector<16xf32>,
    }
    %scan3A_437 = arith.constant 16 : i32
    %add3A_438 = arith.constant 256 : i32
    %add3A_439 = arith.addi %mul3A_2, %add3A_438 : i32
    %dma_start3A_440 = arith.constant 49 : i32
    %dma_start3A_441 = arith.constant 0 : i32
    %dma_start3A_442 = tpu.memref_slice %arg4[%dma_start3A_440, %dma_start3A_441, %add3A_439] : memref<50x32x16384xf32, #tpu.memory_space<hbm>> -> memref<1x32x256xf32, #tpu.memory_space<hbm>>
    %dma_start3A_443 = tpu.memref_squeeze %dma_start3A_442 : memref<1x32x256xf32, #tpu.memory_space<hbm>> -> memref<32x256xf32, #tpu.memory_space<hbm>>
    %dma_start3A_444 = arith.constant 0 : i32
    %dma_start3A_445 = tpu.memref_slice %arg4[%dma_start3A_440, %dma_start3A_444, %add3A_439] : memref<50x32x16384xf32, #tpu.memory_space<hbm>> -> memref<1x32x256xf32, #tpu.memory_space<hbm>>
    %dma_start3A_446 = tpu.memref_squeeze %dma_start3A_445 : memref<1x32x256xf32, #tpu.memory_space<hbm>> -> memref<32x256xf32, #tpu.memory_space<hbm>>
    tpu.enqueue_dma source(%arg12 : memref<32x256xf32, #tpu.memory_space<vmem>>) target(%dma_start3A_446 : memref<32x256xf32, #tpu.memory_space<hbm>>) target_semaphore(%arg18 : memref<!tpu.dma_semaphore, #tpu.memory_space<semaphore_mem>>)
    %dma_wait3A_447 = arith.constant 0 : i32
    %dma_wait3A_448 = arith.constant 0 : i32
    %dma_wait3A_449 = tpu.memref_slice %arg4[%dma_wait3A_447, %dma_wait3A_448, %mul3A_2] : memref<50x32x16384xf32, #tpu.memory_space<hbm>> -> memref<1x32x256xf32, #tpu.memory_space<hbm>>
    %dma_wait3A_450 = tpu.memref_squeeze %dma_wait3A_449 : memref<1x32x256xf32, #tpu.memory_space<hbm>> -> memref<32x256xf32, #tpu.memory_space<hbm>>
    %dma_wait3A_451 = arith.constant 0 : i32
    %dma_wait3A_452 = tpu.memref_slice %arg4[%dma_wait3A_447, %dma_wait3A_451, %mul3A_2] : memref<50x32x16384xf32, #tpu.memory_space<hbm>> -> memref<1x32x256xf32, #tpu.memory_space<hbm>>
    %dma_wait3A_453 = tpu.memref_squeeze %dma_wait3A_452 : memref<1x32x256xf32, #tpu.memory_space<hbm>> -> memref<32x256xf32, #tpu.memory_space<hbm>>
    tpu.wait_dma2 semaphore(%arg17 : memref<!tpu.dma_semaphore, #tpu.memory_space<semaphore_mem>>) src(%arg11 : memref<32x256xf32, #tpu.memory_space<vmem>>) dst(%dma_wait3A_453 : memref<32x256xf32, #tpu.memory_space<hbm>>)
    %dma_wait3A_454 = arith.constant 0 : i32
    %dma_wait3A_455 = arith.constant 0 : i32
    %dma_wait3A_456 = tpu.memref_slice %arg4[%dma_wait3A_454, %dma_wait3A_455, %mul3A_2] : memref<50x32x16384xf32, #tpu.memory_space<hbm>> -> memref<1x32x256xf32, #tpu.memory_space<hbm>>
    %dma_wait3A_457 = tpu.memref_squeeze %dma_wait3A_456 : memref<1x32x256xf32, #tpu.memory_space<hbm>> -> memref<32x256xf32, #tpu.memory_space<hbm>>
    %dma_wait3A_458 = arith.constant 0 : i32
    %dma_wait3A_459 = tpu.memref_slice %arg4[%dma_wait3A_454, %dma_wait3A_458, %mul3A_2] : memref<50x32x16384xf32, #tpu.memory_space<hbm>> -> memref<1x32x256xf32, #tpu.memory_space<hbm>>
    %dma_wait3A_460 = tpu.memref_squeeze %dma_wait3A_459 : memref<1x32x256xf32, #tpu.memory_space<hbm>> -> memref<32x256xf32, #tpu.memory_space<hbm>>
    tpu.wait_dma2 semaphore(%arg18 : memref<!tpu.dma_semaphore, #tpu.memory_space<semaphore_mem>>) src(%arg12 : memref<32x256xf32, #tpu.memory_space<vmem>>) dst(%dma_wait3A_460 : memref<32x256xf32, #tpu.memory_space<hbm>>)
    return
  }
}

</mosaic_0001>

<sc_bundles>
// kernel: _sc_gather.3.cloned.1.call-start
scs
__scs_entry_jumppad:
0x0: {  	(pc) =	sbr.rel $0x88, $3  }
0x1: {  	(tag) =	ssettag $0x0;
	lr =	simm.s32 $0x1  }
0x2: {  	[smem:$0x3F9F] =	sst lr;
	_ =	strace $0xD0000000  }
0x3: {  	_ = 	snop  }
0x4: {  	_ = 	snop  }
0x5: {  	_ = 	snop  }
0x6: {  	_ = 	snop  }
0x7: {  	_ = 	snop  }
__scs_overlays_trampoline_lowered:
0x8: {  	[smem:$0x3FAE] =	sst s0  }
0x9: {  	[smem:$0x3FAF] =	sst s1  }
0xa: {  	[smem:$0x3FB0] =	sst s2  }
0xb: {  	[smem:$0x3FB1] =	sst s3  }
0xc: {  	[smem:$0x3FB2] =	sst s4  }
0xd: {  	[smem:$0x3FB3] =	sst s5  }
0xe: {  	[smem:$0x3FB4] =	sst s6  }
0xf: {  	[smem:$0x3FB5] =	sst s7  }
0x10: {  	[smem:$0x3FB6] =	sst s8  }
0x11: {  	[smem:$0x3FB7] =	sst s9;
	s0 =	simm.s32 @!p0 $0x0  }
0x12: {  	s1 =	sld [smem:$0x3F9D];
	s0 =	simm.s32 @p0 $0x1  }
0x13: {  	[smem:$0x3FB8] =	sst s0;
	s0 =	simm.s32 @!p1 $0x0  }
0x14: {  	s2 =	sld [smem:$0x3F9C];
	s0 =	simm.s32 @p1 $0x1  }
0x15: {  	[smem:$0x3FB9] =	sst s0;
	s0 =	simm.s32 @!p2 $0x0  }
0x16: {  	s3 =	sld [smem:$0x3FDB];
	s0 =	simm.s32 @p2 $0x1  }
0x17: {  	s4 =	simm.s32 $0x1BF5;
	[smem:$0x3FBB] =	sst s0  }
0x18: {  	s0 =	sld [smem:$0x3F9E];
	_ =	swait.ge [sflag:s4], $0x0  }
0x19: {  	s7 =	sld [smem:$0x3F9F]  }
0x1a: {  	s8 =	sadd.s32 $0xFFFFE003, lr  }
0x1b: {  	s9 =	sadd.s32 $0xFFFFFEF7, lr;
	s5 =	simm.s32 $0xFFFFFFFF;
	p2 =	slt.u32 s8, $0xFFFFF086  }
0x1c: {  	p1 =	slt.u32 s9, $0xF7A;
	s5 =	simm.s32 @!p2 $0x0  }
0x1d: {  	s5 =	simm.s32 @p1 $0x1;
	p0 =	seq.s32 s7, s2  }
0x1e: {  	s7 =	smul.u32 @!p0 $0xF7A, s2;
	p2 =	seq.s32 @!p0 s5, $0x0  }
0x1f: {  	s9 =	smul.u32 $0xF7A, s1;
	s8 =	simm.s32 @!p0 $0x1BF5;
	p2 =	por !p2, p0  }
0x20: {  	[sflag:s8] =	ssyncset.s32 @!p0 $0xFFFFF086;
	s6 =	sadd.s32 @!p0 s3, s7;
	s7 =	simm.s32 @!p0 $0x108  }
0x21: {  	s3 =	sadd.s32 s3, s9;
	s6 =	sadd.s32 @!p0 $0x88, s6;
	s7 =	simm.s32 @p2 $0x1082  }
0x22: {  	[simem:s7], [sflag:s8] =	dma.local @!p0 [hbm:s6], $0xF7A  }
0x23: {  	s9 =	sor.u32 $0xD0000000, s2;
	s6 =	simm.s32 $0x108;
	_ =	swait.ge @!p0 [sflag:s8], $0x0  }
0x24: {  	s3 =	sadd.s32 $0x88, s3;
	s6 =	simm.s32 @!p1 $0x1082;
	[sflag:s4] =	ssyncset.s32 $0xFFFFF086  }
0x25: {  	[simem:s6], [sflag:s4] =	dma.local [hbm:s3], $0xF7A  }
0x26: {  	[smem:$0x3F9F] =	sst s1;
	(tag) =	ssettag s2;
	_ =	strace s9  }
0x27: {  	s1 =	sld [smem:$0x3FAF]  }
0x28: {  	s2 =	sld [smem:$0x3FB0]  }
0x29: {  	s4 =	sld [smem:$0x3FB2]  }
0x2a: {  	p0 =	seq.s32 s5, $0x0;
	s5 =	sld [smem:$0x3FB3]  }
0x2b: {  	s6 =	sld [smem:$0x3FB4]  }
0x2c: {  	s7 =	sld [smem:$0x3FB5]  }
0x2d: {  	s3 =	simm.s32 $0x108;
	s8 =	sld [smem:$0x3FB6]  }
0x2e: {  	s3 =	simm.s32 @!p0 $0x1082;
	s9 =	sld [smem:$0x3FB7]  }
0x2f: {  	lr =	sadd.s32 s0, s3;
	s0 =	sld [smem:$0x3FAE]  }
0x30: {  	s3 =	sld [smem:$0x3FB1]  }
0x31: {  	[smem:$0x3FBA] =	sst s10  }
0x32: {  	s10 =	sld [smem:$0x3FB8];
	_ =	sdelay $0x3  }
0x33: {  	p0 =	seq.s32 s10, $0x1;
	s10 =	sld [smem:$0x3FBA];
	_ =	sdelay $0x3  }
0x34: {  	[smem:$0x3FBA] =	sst s10  }
0x35: {  	s10 =	sld [smem:$0x3FB9];
	_ =	sdelay $0x3  }
0x36: {  	p1 =	seq.s32 s10, $0x1;
	s10 =	sld [smem:$0x3FBA];
	_ =	sdelay $0x3  }
0x37: {  	[smem:$0x3FBA] =	sst s10  }
0x38: {  	s10 =	sld [smem:$0x3FBB]  }
0x39: {  	_ = 	snop;
	(pc) =	sbr.ind lr, $3  }
0x3a: {  	_ = 	snop  }
0x3b: {  	_ = 	snop  }
0x3c: {  	p2 =	seq.s32 s10, $0x1;
	s10 =	sld [smem:$0x3FBA]  }
0x3d: {  	_ =	shalt  }
0x3e: {  	_ =	shalt  }
0x3f: {  	_ =	shalt  }
0x40: {  	_ =	shalt  }
0x41: {  	_ =	shalt  }
0x42: {  	_ =	shalt  }
0x43: {  	_ =	shalt  }
0x44: {  	_ =	shalt  }
0x45: {  	_ =	shalt  }
0x46: {  	_ =	shalt  }
0x47: {  	_ =	shalt  }
0x48: {  	_ =	shalt  }
0x49: {  	_ =	shalt  }
0x4a: {  	_ =	shalt  }
0x4b: {  	_ =	shalt  }
0x4c: {  	_ =	shalt  }
0x4d: {  	_ =	shalt  }
0x4e: {  	_ =	shalt  }
0x4f: {  	_ =	shalt  }
0x50: {  	_ =	shalt  }
0x51: {  	_ =	shalt  }
0x52: {  	_ =	shalt  }
0x53: {  	_ =	shalt  }
0x54: {  	_ =	shalt  }
0x55: {  	_ =	shalt  }
0x56: {  	_ =	shalt  }
0x57: {  	_ =	shalt  }
0x58: {  	_ =	shalt  }
0x59: {  	_ =	shalt  }
0x5a: {  	_ =	shalt  }
0x5b: {  	_ =	shalt  }
0x5c: {  	_ =	shalt  }
0x5d: {  	_ =	shalt  }
0x5e: {  	_ =	shalt  }
0x5f: {  	_ =	shalt  }
0x60: {  	_ =	shalt  }
0x61: {  	_ =	shalt  }
0x62: {  	_ =	shalt  }
0x63: {  	_ =	shalt  }
0x64: {  	_ =	shalt  }
0x65: {  	_ =	shalt  }
0x66: {  	_ =	shalt  }
0x67: {  	_ =	shalt  }
0x68: {  	_ =	shalt  }
0x69: {  	_ =	shalt  }
0x6a: {  	_ =	shalt  }
0x6b: {  	_ =	shalt  }
0x6c: {  	_ =	shalt  }
0x6d: {  	_ =	shalt  }
0x6e: {  	_ =	shalt  }
0x6f: {  	_ =	shalt  }
0x70: {  	_ =	shalt  }
0x71: {  	_ =	shalt  }
0x72: {  	_ =	shalt  }
0x73: {  	_ =	shalt  }
0x74: {  	_ =	shalt  }
0x75: {  	_ =	shalt  }
0x76: {  	_ =	shalt  }
0x77: {  	_ =	shalt  }
0x78: {  	_ =	shalt  }
0x79: {  	_ =	shalt  }
0x7a: {  	_ =	shalt  }
0x7b: {  	_ =	shalt  }
0x7c: {  	_ =	shalt  }
0x7d: {  	_ =	shalt  }
0x7e: {  	_ =	shalt  }
0x7f: {  	_ =	shalt  }
0x80: {  	_ =	shalt  }
0x81: {  	_ =	shalt  }
0x82: {  	_ =	shalt  }
0x83: {  	_ =	shalt  }
0x84: {  	_ =	shalt  }
0x85: {  	_ =	shalt  }
0x86: {  	_ =	shalt  }
0x87: {  	_ =	shalt  }
.Lfunc_end0:
.L_simem_size_0:
called_computation_lowered:
.L_overlay_start_0:
0x88: {  	s2 =	sld [smem:$0x3FD9]  }
0x89: {  	s3 =	sld [smem:$0x3FFE];
	_ =	sdelay $0x1  }
0x8a: {  	s1 =	srdreg.scid  }
0x8b: {  	s0 =	sand.u32 $0x1, s1  }
0x8c: {  	s17 =	sshll.u32 s0, $0xA;
	s2 =	sadd.s32 s3, s2  }
0x8d: {  	s2 =	sadd.s32 s2, s17  }
0x8e: {  	[smem:$0x3FC6] =	sst s2  }
0x8f: {  	_ = 	snop  }
0x90: {  	s2 =	sld [smem:$0x3FC9]  }
0x91: {  	s18 =	sld [smem:$0x3FC8];
	(tm) =	ssettm $0x1  }
0x92: {  	s4 =	sld [smem:$0x3FFB];
	_ =	sdelay $0x3  }
0x93: {  	_ =	strace s4  }
0x94: {  	s4 =	sld [smem:$0x3FFC];
	_ =	sdelay $0x3  }
0x95: {  	_ =	strace s4  }
0x96: {  	s4 =	sld [smem:$0x3FFD];
	_ =	sdelay $0x3  }
0x97: {  	_ =	strace s4  }
0x98: {  	_ =	strace $0x8FFFFFFF  }
0x99: {  	s19 =	sld [smem:$0x3FDB];
	_ =	sdelay $0x1  }
0x9a: {  	s5 =	simm.s32 $_scs_section_size  }
0x9b: {  	s6 =	simm.s32 $_size__tile_overlayer_lowered;
	s7 =	simm.s32 $_tile_overlayer_lowered  }
0x9c: {  	s22 =	simm.s32 $0x1BFF;
	s21 =	sshll.u32 s7, $0x1;
	s4 =	sadd.s32 s5, s19  }
0x9d: {  	s8 =	simm.s32 $0x0;
	s20 =	sshll.u32 s6, $0x1;
	s6 =	sadd.s32 s21, s4  }
0x9e: {  	[timem:s8], [sflag:s22] =	dma.local [hbm:s6], s20  }
0x9f: {  	_ =	swait.ge [sflag:s22], s20  }
0xa0: {  	s5 =	ssub.s32 $0x0, s20;
	[sflag:s22] =	ssyncset.done $0x0  }
0xa1: {  	[sflag:s22] =	ssyncadd.s32 s5;
	_ =	sdelay $0x1  }
0xa2: {  	s23 =	simm.s32 $0x1B8B  }
0xa3: {  	_ =	swait.ge [sflag:s23], $0x1  }
0xa4: {  	[sflag:s23] =	ssyncset.done $0x0  }
0xa5: {  	s25 =	simm.s32 $0x1B8E;
	s24 =	sld [smem:$0x3FFE];
	[sflag:s23] =	ssyncadd.s32 $0xFFFFFFFF  }
0xa6: {  	s26 =	simm.s32 $execute0_lowered;
	[smem:$0x3FD2] =	sst s25  }
0xa7: {  	s6 =	sshll.u32 s26, $0x1;
	_ =	strace $0x80000046;
	[dreg:$0x1] =	wrdreg $0xFFFFFFFF  }
0xa8: {  	s28 =	simm.s32 $_size_execute0_lowered;
	s4 =	sadd.s32 s4, s6;
	[dreg:$0x0] =	wrdreg $0x0  }
0xa9: {  	s6 =	sshll.u32 s28, $0x1;
	[dreg:$0x2] =	wrdreg s4  }
0xaa: {  	[dreg:$0x3] =	wrdreg s6  }
0xab: {  	[dreg:$0x4] =	wrdreg $0xC0  }
0xac: {  	_ =	task [dreg:s8], $0x5FFFF  }
0xad: {  	[dreg:$0x1] =	wrdreg $0xFFFFFFFF  }
0xae: {  	[dreg:$0x0] =	wrdreg $0x60  }
0xaf: {  	[dreg:$0x2] =	wrdreg s2  }
0xb0: {  	[dreg:$0x3] =	wrdreg s18  }
0xb1: {  	[dreg:$0x4] =	wrdreg s24  }
0xb2: {  	[dreg:$0x5] =	wrdreg $0x9  }
0xb3: {  	_ =	task.clear_ibuf [dreg:s8], $0x6FFFF;
	_ =	strace $0x90000046  }
0xb4: {  	s29 =	simm.s32 $0x9;
	_ =	strace $0x80000048  }
0xb5: {  	_ =	swait.ge [sflag:s29], $0x1  }
0xb6: {  	[sflag:s29] =	ssyncadd.s32 $0xFFFFFFFF  }
0xb7: {  	_ =	strace $0x90000048  }
0xb8: {  	_ =	sfence  }
0xb9: {  	s30 =	sld [smem:$0x0];
	_ =	sdelay $0x2  }
0xba: {  	s31 =	sshll.u32 s1, $0xD;
	s1 =	sshrl.u32 s1, $0x2  }
0xbb: {  	s3 =	sand.u32 $0x4000, s31;
	s1 =	sadd.s32 s1, s30  }
0xbc: {  	s0 =	sor.u32 s3, s0;
	s1 =	sshll.u32 s1, $0x11  }
0xbd: {  	s0 =	sor.u32 s1, s0  }
0xbe: {  	s0 =	sadd.s32 $0x8F2B, s0  }
0xbf: {  	[sflag:s0] =	ssyncadd.remote.s32 $0x1  }
0xc0: {  	_ =	sfence.sel $0xFFFF  }
0xc1: {  	[dreg:$0x0] =	wrdreg $0xFFFFFFFF;
	(pc) =	sbr.abs _section_cstart, $3  }
0xc2: {  	[dreg:$0x1] =	wrdreg $0xFFFFFFFF  }
0xc3: {  	_ =	task.clear_ibuf [dreg:s8], $0x2FFFF;
	_ =	strace $0x9FFFFFFF  }
0xc4: {  	(tm) =	ssettm $0x7FFFFFFF  }
0xc5: {  	_ =	shalt  }
tec
execute0_lowered:
.L_overlay_start_1:
0x0: {  	(tag) =	ssettag $0x1  }
0x1: {  	vm15 =	vcmask $0x300;
	v0 =	vimm.s32 $0xF07;
	vm14 =	vcmask $0x704  }
0x2: {  	vm13 =	vcmask $0xB08;
	vm12 =	vcmask $0xF0C;
	vm11 =	vcmask $0x1310  }
0x3: {  	vm10 =	vcmask $0x1714;
	vm9 =	vcmask $0x1B18;
	vm8 =	vcmask $0x1F1C  }
0x4: {  	vm7 =	vcmask $0x2320;
	vm6 =	vcmask $0x2724;
	vm5 =	vcmask $0x2B28  }
0x5: {  	v1 =	vimm.s32 $0x7;
	vm2 =	vcmask $0x2F2C;
	vm1 =	vcmask $0x3330  }
0x6: {  	v2 =	vimm.s32 $0xFEDCBA9;
	v3 =	vimm.s32 $0x87654321;
	vm3 =	vcmask $0x3734  }
0x7: {  	vm4 =	vcmask $0x3B38;
	v6 =	vimm.s32 $0x98765432;
	v28 =	vimm.s32 $0x307  }
0x8: {  	v29 =	vimm.s32 $0x3210FEDC;
	v30 =	vimm.s32 $0xBA987654;
	v33 =	vimm.s32 $0x407  }
0x9: {  	v34 =	vimm.s32 $0x32107654;
	v35 =	vimm.s32 $0x43210FED;
	v36 =	vimm.s32 $0xCBA98765  }
0xa: {  	v39 =	vimm.s32 $0x507;
	v42 =	vimm.s32 $0x43210765;
	v43 =	vimm.s32 $0x543210FE  }
0xb: {  	v44 =	vimm.s32 $0xDCBA9876;
	v48 =	vimm.s32 $0x607;
	v49 =	vimm.s32 $0x54321076  }
0xc: {  	v51 =	vimm.s32 $0x6543210F;
	v52 =	vimm.s32 $0xEDCBA987;
	v0 =	vsel vm15, $0x0, v0  }
0xd: {  	v24 =	vimm.s32 $0x65432107;
	v1 =	vsel vm15, $0x100, v1;
	v0 =	vsel vm14, $0x101, v0  }
0xe: {  	v19 =	vimm.s32 $0xE07;
	v1 =	vsel vm14, $0x201, v1;
	v0 =	vsel vm13, $0x202, v0  }
0xf: {  	vm0 =	vcmask $0x1F10;
	v1 =	vsel vm13, $0x302, v1;
	v0 =	vsel vm12, $0x303, v0  }
0x10: {  	v2 =	vunpack.c.l.s4.s8 v2;
	v1 =	vsel vm12, $0x403, v1;
	v0 =	vsel vm11, $0x404, v0  }
0x11: {  	v3 =	vunpack.c.l.s4.s8 v3;
	v5 =	vsel vm11, $0x504, v1;
	v0 =	vsel vm10, $0x505, v0  }
0x12: {  	v25 =	vsel vm10, $0x605, v5;
	v5 =	vimm.s32 $0x107;
	v0 =	vsel vm9, $0x606, v0  }
0x13: {  	v6 =	vunpack.c.l.s4.s8 v6;
	v27 =	vsel vm15, $0x200, v5;
	v0 =	vsel vm8, $0x707, v0  }
0x14: {  	v1 =	vunpack.c.0.s8.s32 v3;
	v3 =	vsel vm14, $0x301, v27;
	v0 =	vsel vm7, $0x800, v0  }
0x15: {  	v41 =	vsel vm15, $0x600, v39;
	v3 =	vsel vm13, $0x402, v3;
	v0 =	vsel vm6, $0x901, v0  }
0x16: {  	v5 =	vimm.s32 $0x10FEDCBA;
	v3 =	vsel vm12, $0x503, v3;
	v0 =	vsel vm5, $0xA02, v0  }
0x17: {  	v5 =	vunpack.c.l.s4.s8 v5;
	v3 =	vsel vm11, $0x604, v3;
	v0 =	vsel vm2, $0xB03, v0  }
0x18: {  	v4 =	vsel vm1, $0xC04, v0;
	v0 =	vunpack.c.0.s8.s32 v2;
	v2 =	vsel vm9, $0x706, v25  }
0x19: {  	v8 =	vsel vm10, $0x705, v3;
	v3 =	vunpack.c.0.s8.s32 v6;
	v2 =	vsel vm8, $0x807, v2  }
0x1a: {  	v26 =	vsel vm3, $0xD05, v4;
	v4 =	vcombine.low v1, v0;
	v2 =	vsel vm7, $0x900, v2  }
0x1b: {  	v25 =	vimm.s32 $0x707;
	v58 =	vsel vm4, $0xE06, v26;
	v2 =	vsel vm6, $0xA01, v2  }
0x1c: {  	v59 =	vand.u32 $0xF, v4;
	v4 =	vimm.s32 $0x7654321;
	v2 =	vsel vm5, $0xB02, v2  }
0x1d: {  	v0 =	vcombine.low v0, v1;
	v4 =	vunpack.c.l.s4.s8 v4;
	v7 =	vsel vm2, $0xC03, v2  }
0x1e: {  	v2 =	vunpack.c.0.s8.s32 v5;
	v5 =	vsel vm9, $0x806, v8;
	v8 =	vimm.s32 $0xA9876543  }
0x1f: {  	v0 =	vand.u32 $0xF, v0;
	v5 =	vsel vm8, $0x907, v5;
	v8 =	vunpack.c.l.s4.s8 v8  }
0x20: {  	v60 =	vunpack.c.0.s8.s32 v4;
	v4 =	vsel vm1, $0xD04, v7;
	v6 =	vcombine.low v3, v2  }
0x21: {  	v5 =	vsel vm7, $0xA00, v5;
	v7 =	vimm.s32 $0x210FEDCB;
	v4 =	vsel vm3, $0xE05, v4  }
0x22: {  	v61 =	vsel vm4, $0xF06, v4;
	v4 =	vsel vm6, $0xB01, v5;
	v5 =	vimm.s32 $0x207  }
0x23: {  	v2 =	vcombine.low v2, v3;
	v7 =	vunpack.c.l.s4.s8 v7;
	v5 =	vsel vm15, $0x300, v5  }
0x24: {  	v62 =	vand.u32 $0xF, v6;
	v6 =	vimm.s32 $0x10765432;
	v5 =	vsel vm14, $0x401, v5  }
0x25: {  	v4 =	vsel vm5, $0xC02, v4;
	v6 =	vunpack.c.l.s4.s8 v6;
	v5 =	vsel vm13, $0x502, v5  }
0x26: {  	v2 =	vand.u32 $0xF, v2;
	v4 =	vsel vm2, $0xD03, v4;
	v5 =	vsel vm12, $0x603, v5  }
0x27: {  	v9 =	vsel vm1, $0xE04, v4;
	v6 =	vunpack.c.0.s8.s32 v6;
	v10 =	vsel vm11, $0x704, v5  }
0x28: {  	v4 =	vunpack.c.0.s8.s32 v7;
	v5 =	vunpack.c.0.s8.s32 v8;
	v7 =	vsel vm10, $0x805, v10  }
0x29: {  	[tilespmem:$0x1FBE0] =	vst v6;
	v6 =	vsel vm3, $0xF05, v9;
	v9 =	vunpack.c.l.s4.s8 v29;
	v7 =	vsel vm9, $0x906, v7  }
0x2a: {  	v6 =	vsel vm4, $0x6, v6;
	v8 =	vcombine.low v5, v4;
	v7 =	vsel vm8, $0xA07, v7  }
0x2b: {  	v29 =	vimm.s32 $0x76543210;
	v10 =	vunpack.c.l.s4.s8 v30;
	[tilespmem:$0x1FBF0] =	vst v6;
	v6 =	vsel vm7, $0xB00, v7  }
0x2c: {  	v7 =	vsel vm15, $0x400, v28;
	v21 =	vand.u32 $0xF, v8;
	v8 =	vimm.s32 $0x21076543  }
0x2d: {  	v28 =	vimm.s32 $0xFEDCBA98;
	v6 =	vsel vm6, $0xC01, v6;
	v7 =	vsel vm14, $0x501, v7  }
0x2e: {  	v11 =	vunpack.c.l.s4.s8 v8;
	v6 =	vsel vm5, $0xD02, v6;
	v7 =	vsel vm13, $0x602, v7  }
0x2f: {  	v8 =	vunpack.c.0.s8.s32 v10;
	v7 =	vsel vm12, $0x703, v7;
	v12 =	vsel vm2, $0xE03, v6  }
0x30: {  	v6 =	vunpack.c.0.s8.s32 v9;
	v31 =	vunpack.c.0.s8.s32 v11;
	v11 =	vunpack.c.l.s4.s8 v35  }
0x31: {  	v35 =	vimm.s32 $0x907;
	v7 =	vsel vm11, $0x804, v7;
	v32 =	vsel vm1, $0xF04, v12  }
0x32: {  	v7 =	vsel vm10, $0x905, v7;
	v9 =	vsel vm3, $0x5, v32;
	v10 =	vcombine.low v8, v6  }
0x33: {  	v12 =	vunpack.c.l.s4.s8 v36;
	v7 =	vsel vm9, $0xA06, v7;
	v9 =	vsel vm4, $0x106, v9  }
0x34: {  	v7 =	vsel vm8, $0xB07, v7;
	[tilespmem:$0x1FC10] =	vst v9;
	v50 =	vand.u32 $0xF, v10;
	v9 =	vsel vm15, $0x500, v33  }
0x35: {  	v10 =	vunpack.c.l.s4.s8 v34;
	v7 =	vsel vm7, $0xC00, v7;
	v9 =	vsel vm14, $0x601, v9  }
0x36: {  	v32 =	vimm.s32 $0x807;
	v7 =	vsel vm6, $0xD01, v7;
	v9 =	vsel vm13, $0x702, v9  }
0x37: {  	v10 =	vunpack.c.0.s8.s32 v10;
	v7 =	vsel vm5, $0xE02, v7;
	v9 =	vsel vm12, $0x803, v9  }
0x38: {  	v7 =	vsel vm2, $0xF03, v7;
	v14 =	vsel vm11, $0x904, v9;
	v9 =	vunpack.c.0.s8.s32 v12  }
0x39: {  	v13 =	vsel vm1, $0x4, v7;
	v7 =	vunpack.c.0.s8.s32 v11;
	v37 =	vsel vm10, $0xA05, v14  }
0x3a: {  	v14 =	vunpack.c.l.s4.s8 v44;
	v38 =	vsel vm3, $0x105, v13;
	v11 =	vsel vm9, $0xB06, v37  }
0x3b: {  	v13 =	vunpack.c.l.s4.s8 v43;
	v12 =	vcombine.low v9, v7;
	v11 =	vsel vm8, $0xC07, v11  }
0x3c: {  	[tilespmem:$0x1FC20] =	vst v10;
	v10 =	vsel vm4, $0x206, v38;
	v40 =	vsel vm7, $0xD00, v11;
	v11 =	vsel vm14, $0x701, v41  }
0x3d: {  	[tilespmem:$0x1FC30] =	vst v10;
	v63 =	vand.u32 $0xF, v12;
	v10 =	vsel vm6, $0xE01, v40;
	v11 =	vsel vm13, $0x802, v11  }
0x3e: {  	v12 =	vunpack.c.l.s4.s8 v42;
	v10 =	vsel vm5, $0xF02, v10;
	v11 =	vsel vm12, $0x903, v11  }
0x3f: {  	v43 =	vimm.s32 $0xA07;
	v11 =	vsel vm11, $0xA04, v11;
	v15 =	vsel vm2, $0x3, v10  }
0x40: {  	v10 =	vunpack.c.0.s8.s32 v13;
	v42 =	vunpack.c.0.s8.s32 v12;
	v16 =	vsel vm10, $0xB05, v11  }
0x41: {  	v11 =	vunpack.c.0.s8.s32 v14;
	v46 =	vsel vm1, $0x104, v15;
	v45 =	vsel vm9, $0xC06, v16  }
0x42: {  	v15 =	vunpack.c.l.s4.s8 v51;
	v12 =	vsel vm3, $0x205, v46;
	v13 =	vsel vm8, $0xD07, v45  }
0x43: {  	v16 =	vunpack.c.l.s4.s8 v52;
	v14 =	vcombine.low v11, v10;
	v13 =	vsel vm7, $0xE00, v13  }
0x44: {  	v52 =	vimm.s32 $0xC07;
	v12 =	vsel vm4, $0x306, v12;
	v47 =	vsel vm6, $0xF01, v13  }
0x45: {  	v41 =	vand.u32 $0xF, v14;
	v13 =	vsel vm15, $0x700, v48;
	v14 =	vunpack.c.l.s4.s8 v49  }
0x46: {  	[tilespmem:$0x1FC40] =	vst v12;
	v48 =	vimm.s32 $0xB07;
	v12 =	vsel vm5, $0x2, v47;
	v13 =	vsel vm14, $0x801, v13  }
0x47: {  	v47 =	vcombine.low v4, v5;
	v51 =	vsel vm15, $0xC00, v48;
	v13 =	vsel vm13, $0x902, v13  }
0x48: {  	v12 =	vsel vm2, $0x103, v12;
	v56 =	vunpack.c.0.s8.s32 v14;
	v13 =	vsel vm12, $0xA03, v13  }
0x49: {  	[tilespmem:$0x1FCD0] =	vst v2;
	v17 =	vsel vm1, $0x204, v12;
	v12 =	vunpack.c.0.s8.s32 v15;
	v2 =	vand.u32 $0xF, v47  }
0x4a: {  	v47 =	vimm.s32 $0x15141312;
	v18 =	vsel vm11, $0xB04, v13;
	v13 =	vunpack.c.0.s8.s32 v16  }
0x4b: {  	v55 =	vsel vm3, $0x305, v17;
	v16 =	vunpack.c.l.s4.s8 v24;
	v17 =	vsel vm15, $0x800, v25  }
0x4c: {  	[tilespmem:$0x1FCF0] =	vst v2;
	v2 =	vsel vm15, $0xD00, v52;
	v24 =	vimm.s32 $0x1F07;
	v52 =	vimm.s32 $0x19181716  }
0x4d: {  	v53 =	vsel vm10, $0xC05, v18;
	v14 =	vsel vm4, $0x406, v55;
	v27 =	vsel vm14, $0x901, v17  }
0x4e: {  	v17 =	vunpack.c.l.s4.s8 v29;
	v2 =	vsel vm14, $0xE01, v2;
	v29 =	vimm.s32 $0x1007  }
0x4f: {  	v15 =	vsel vm9, $0xD06, v53;
	v57 =	vcombine.low v13, v12;
	v16 =	vunpack.c.0.s8.s32 v16  }
0x50: {  	v2 =	vsel vm13, $0xF02, v2;
	v53 =	vcombine.low v6, v8;
	v25 =	vcombine.low v12, v13  }
0x51: {  	[tilespmem:$0x1FC00] =	vst v31;
	v12 =	vimm.s32 $0x1A191817;
	v13 =	vimm.s32 $0x1F1E1D1C;
	v15 =	vsel vm8, $0xE07, v15  }
0x52: {  	[tilespmem:$0x1FC50] =	vst v14;
	v31 =	vunpack.c.0.s8.s32 v17;
	v17 =	vsel vm15, $0x900, v32;
	v2 =	vsel vm12, $0x3, v2  }
0x53: {  	v15 =	vsel vm7, $0xF00, v15;
	v14 =	vand.u32 $0xF, v57;
	[tilespmem:$0x1FC70] =	vst v16;
	v16 =	vunpack.c.l.s4.s8 v28  }
0x54: {  	v34 =	vsel vm14, $0xA01, v17;
	v55 =	vsel vm11, $0x104, v2;
	v57 =	vimm.s32 $0xD07  }
0x55: {  	v17 =	vcombine.low v10, v11;
	v28 =	vand.u32 $0xF, v25;
	v10 =	vimm.s32 $0x16151413  }
0x56: {  	v25 =	vimm.s32 $0x1407;
	v15 =	vsel vm6, $0x1, v15;
	v2 =	vsel vm15, $0xE00, v57  }
0x57: {  	v11 =	vunpack.c.0.s8.s32 v10;
	v26 =	vsel vm5, $0x102, v15;
	v15 =	vsel vm13, $0xA02, v27  }
0x58: {  	v30 =	vunpack.c.0.s8.s32 v16;
	v16 =	vsel vm15, $0xA00, v35;
	v2 =	vsel vm14, $0xF01, v2  }
0x59: {  	[tilespmem:$0x1FC60] =	vst v14;
	v35 =	vimm.s32 $0x14131211;
	v14 =	vsel vm2, $0x203, v26;
	v15 =	vsel vm12, $0xB03, v15  }
0x5a: {  	v16 =	vsel vm14, $0xB01, v16;
	v2 =	vsel vm13, $0x2, v2;
	v5 =	vunpack.c.0.s8.s32 v35  }
0x5b: {  	v35 =	vimm.s32 $0x1A07;
	v14 =	vsel vm1, $0x304, v14;
	v15 =	vsel vm11, $0xC04, v15  }
0x5c: {  	v16 =	vsel vm13, $0xC02, v16;
	v2 =	vsel vm12, $0x103, v2;
	v14 =	vsel vm3, $0x405, v14  }
0x5d: {  	v15 =	vsel vm10, $0xD05, v15;
	v37 =	vsel vm12, $0xD03, v16;
	v16 =	vcombine.low v7, v9  }
0x5e: {  	v9 =	vimm.s32 $0x1211101F;
	v7 =	vlaneseq.u32;
	v15 =	vsel vm9, $0xE06, v15  }
0x5f: {  	v14 =	vsel vm4, $0x506, v14;
	v38 =	vsel vm11, $0xE04, v37;
	v15 =	vsel vm8, $0xF07, v15  }
0x60: {  	[tilespmem:$0x1FC80] =	vst v14;
	v14 =	vand.u32 $0xF, v30;
	v40 =	vsel vm10, $0xF05, v38;
	v48 =	vand.u32 $0xF, v16  }
0x61: {  	v38 =	vimm.s32 $0x18171615;
	v15 =	vsel vm7, $0x0, v15;
	v14 =	vcombine.low v14, v31  }
0x62: {  	v16 =	vimm.s32 $0x17161514;
	v33 =	vsel vm6, $0x101, v15;
	v15 =	vsel vm13, $0xB02, v34  }
0x63: {  	v6 =	vunpack.c.0.s8.s32 v38;
	[tilespmem:$0x1FC90] =	vst v14;
	v14 =	vsel vm5, $0x202, v33;
	v15 =	vsel vm12, $0xC03, v15  }
0x64: {  	v34 =	vimm.s32 $0x101F1E1D;
	v14 =	vsel vm2, $0x303, v14;
	v15 =	vsel vm11, $0xD04, v15  }
0x65: {  	v33 =	vimm.s32 $0x1C1B1A19;
	v14 =	vsel vm1, $0x404, v14;
	v15 =	vsel vm10, $0xE05, v15  }
0x66: {  	v4 =	vunpack.c.0.s8.s32 v34;
	v14 =	vsel vm3, $0x505, v14;
	v36 =	vsel vm9, $0xF06, v15  }
0x67: {  	v34 =	vimm.s32 $0x1907;
	v14 =	vsel vm4, $0x606, v14;
	v1 =	vsel vm8, $0x7, v36  }
0x68: {  	[tilespmem:$0x1FCA0] =	vst v14;
	v39 =	vsel vm7, $0x100, v1;
	v1 =	vsel vm9, $0x6, v40;
	v14 =	vsel vm15, $0xB00, v43  }
0x69: {  	[tilespmem:$0x1FCB0] =	vst v0;
	v0 =	vsel vm6, $0x201, v39;
	v1 =	vsel vm8, $0x107, v1;
	v14 =	vsel vm14, $0xC01, v14  }
0x6a: {  	v0 =	vsel vm5, $0x302, v0;
	v1 =	vsel vm7, $0x200, v1;
	v14 =	vsel vm13, $0xD02, v14  }
0x6b: {  	v0 =	vsel vm2, $0x403, v0;
	v1 =	vsel vm6, $0x301, v1;
	v14 =	vsel vm12, $0xE03, v14  }
0x6c: {  	v0 =	vsel vm1, $0x504, v0;
	v1 =	vsel vm5, $0x402, v1;
	v44 =	vsel vm11, $0xF04, v14  }
0x6d: {  	v0 =	vsel vm3, $0x605, v0;
	v1 =	vsel vm2, $0x503, v1;
	v46 =	vsel vm10, $0x5, v44  }
0x6e: {  	v0 =	vsel vm4, $0x706, v0;
	v45 =	vsel vm1, $0x604, v1;
	v1 =	vsel vm9, $0x106, v46  }
0x6f: {  	v3 =	vunpack.c.0.s8.s32 v33;
	[tilespmem:$0x1FCC0] =	vst v0;
	v0 =	vsel vm3, $0x705, v45;
	v1 =	vsel vm8, $0x207, v1  }
0x70: {  	v0 =	vsel vm4, $0x806, v0;
	v49 =	vsel vm7, $0x300, v1;
	v1 =	vsel vm14, $0xD01, v51  }
0x71: {  	v15 =	vsel vm11, $0x204, v2;
	[tilespmem:$0x1FCE0] =	vst v0;
	v0 =	vsel vm6, $0x401, v49;
	v1 =	vsel vm13, $0xE02, v1  }
0x72: {  	v2 =	vsel vm15, $0x1000, v24;
	v0 =	vsel vm5, $0x502, v0;
	v1 =	vsel vm12, $0xF03, v1  }
0x73: {  	v24 =	vimm.s32 $0x1307;
	v0 =	vsel vm2, $0x603, v0;
	v1 =	vsel vm11, $0x4, v1  }
0x74: {  	v2 =	vsel vm14, $0x1101, v2;
	v0 =	vsel vm1, $0x704, v0;
	v1 =	vsel vm10, $0x105, v1  }
0x75: {  	v36 =	vimm.s32 $0x1107;
	v0 =	vsel vm3, $0x805, v0;
	v1 =	vsel vm9, $0x206, v1  }
0x76: {  	v43 =	vand.u32 $0xF, v53;
	v0 =	vsel vm4, $0x906, v0;
	v54 =	vsel vm8, $0x307, v1  }
0x77: {  	v2 =	vsel vm13, $0x1202, v2;
	v1 =	vsel vm10, $0x205, v55;
	[tilespmem:$0x1FD00] =	vst v0;
	v0 =	vsel vm7, $0x400, v54  }
0x78: {  	v37 =	vsel vm15, $0x1200, v36;
	v1 =	vsel vm9, $0x306, v1;
	v0 =	vsel vm6, $0x501, v0  }
0x79: {  	v36 =	vimm.s32 $0x1B07;
	v1 =	vsel vm8, $0x407, v1;
	v0 =	vsel vm5, $0x602, v0  }
0x7a: {  	v2 =	vsel vm12, $0x1303, v2;
	v1 =	vsel vm7, $0x500, v1;
	v0 =	vsel vm2, $0x703, v0  }
0x7b: {  	v39 =	vimm.s32 $0x1207;
	v1 =	vsel vm6, $0x601, v1;
	v0 =	vsel vm1, $0x804, v0  }
0x7c: {  	v2 =	vsel vm11, $0x1404, v2;
	v1 =	vsel vm5, $0x702, v1;
	v0 =	vsel vm3, $0x905, v0  }
0x7d: {  	v14 =	vsel vm2, $0x803, v1;
	v1 =	vsel vm10, $0x305, v15;
	v0 =	vsel vm4, $0xA06, v0  }
0x7e: {  	v27 =	vsel vm10, $0x1505, v2;
	v1 =	vsel vm9, $0x406, v1;
	[tilespmem:$0x1FD10] =	vst v0;
	v0 =	vsel vm1, $0x904, v14  }
0x7f: {  	v18 =	vsel vm8, $0x507, v1;
	v1 =	vsel vm15, $0xF00, v19;
	v0 =	vsel vm3, $0xA05, v0  }
0x80: {  	v1 =	vsel vm14, $0x1, v1;
	v53 =	vsel vm4, $0xB06, v0;
	v0 =	vsel vm7, $0x600, v18  }
0x81: {  	v2 =	vsel vm15, $0x1100, v29;
	v1 =	vsel vm13, $0x102, v1;
	v0 =	vsel vm6, $0x701, v0  }
0x82: {  	v2 =	vsel vm14, $0x1201, v2;
	v1 =	vsel vm12, $0x203, v1;
	v0 =	vsel vm5, $0x802, v0  }
0x83: {  	v2 =	vsel vm13, $0x1302, v2;
	v1 =	vsel vm11, $0x304, v1;
	v0 =	vsel vm2, $0x903, v0  }
0x84: {  	v2 =	vsel vm12, $0x1403, v2;
	v1 =	vsel vm10, $0x405, v1;
	v0 =	vsel vm1, $0xA04, v0  }
0x85: {  	v2 =	vsel vm11, $0x1504, v2;
	v26 =	vsel vm9, $0x506, v1;
	v0 =	vsel vm3, $0xB05, v0  }
0x86: {  	v1 =	vsel vm9, $0x1606, v27;
	v51 =	vsel vm4, $0xC06, v0;
	v0 =	vsel vm8, $0x607, v26  }
0x87: {  	v45 =	vimm.s32 $0x1D1C1B1A;
	v1 =	vsel vm8, $0x1707, v1;
	v0 =	vsel vm7, $0x700, v0  }
0x88: {  	v31 =	vsel vm10, $0x1605, v2;
	v1 =	vsel vm7, $0x1800, v1;
	v0 =	vsel vm6, $0x801, v0  }
0x89: {  	v2 =	vunpack.c.0.s8.s32 v45;
	v1 =	vsel vm6, $0x1901, v1;
	v0 =	vsel vm5, $0x902, v0  }
0x8a: {  	v46 =	vimm.s32 $0x11101F1E;
	v1 =	vsel vm5, $0x1A02, v1;
	v0 =	vsel vm2, $0xA03, v0  }
0x8b: {  	[tilespmem:$0x1FD60] =	vst v2;
	v2 =	vunpack.c.0.s8.s32 v46;
	v1 =	vsel vm2, $0x1B03, v1;
	v0 =	vsel vm1, $0xB04, v0  }
0x8c: {  	v29 =	vimm.s32 $0x1607;
	v1 =	vsel vm1, $0x1C04, v1;
	v0 =	vsel vm3, $0xC05, v0  }
0x8d: {  	v44 =	vsel vm15, $0x1300, v39;
	[tilespmem:$0x1FD70] =	vst v2;
	v30 =	vsel vm3, $0x1D05, v1;
	v0 =	vsel vm4, $0xD06, v0  }
0x8e: {  	v49 =	vand.u32 $0xF, v17;
	v32 =	vsel vm9, $0x1706, v31;
	[tilespmem:$0x1FD30] =	vst v0;
	v0 =	vsel vm4, $0x1E06, v30  }
0x8f: {  	v17 =	vimm.s32 $0x1B1A1918;
	v2 =	vunpack.c.0.s8.s32 v47;
	[tilespmem:$0x1FD40] =	vst v0;
	v0 =	vsel vm8, $0x1807, v32  }
0x90: {  	v31 =	vimm.s32 $0x1807;
	v54 =	vimm.s32 $0x1E1D1C1B;
	v0 =	vsel vm7, $0x1900, v0  }
0x91: {  	[tilespmem:$0x1FD80] =	vst v2;
	v2 =	vunpack.c.0.s8.s32 v52;
	v55 =	vunpack.c.0.s8.s32 v54;
	v0 =	vsel vm6, $0x1A01, v0  }
0x92: {  	v15 =	vimm.s32 $0x13121110;
	v26 =	vimm.s32 $0x1507;
	v0 =	vsel vm5, $0x1B02, v0  }
0x93: {  	[tilespmem:$0x1FD90] =	vst v2;
	v2 =	vsel vm15, $0x1600, v26;
	v1 =	vsel vm14, $0x1301, v37;
	v0 =	vsel vm2, $0x1C03, v0  }
0x94: {  	v2 =	vsel vm14, $0x1701, v2;
	v1 =	vsel vm13, $0x1402, v1;
	v0 =	vsel vm1, $0x1D04, v0  }
0x95: {  	v2 =	vsel vm13, $0x1802, v2;
	v1 =	vsel vm12, $0x1503, v1;
	v0 =	vsel vm3, $0x1E05, v0  }
0x96: {  	v2 =	vsel vm12, $0x1903, v2;
	v40 =	vsel vm11, $0x1604, v1;
	v0 =	vsel vm4, $0x1F06, v0  }
0x97: {  	v2 =	vsel vm11, $0x1A04, v2;
	v1 =	vsel vm14, $0x1401, v44;
	[tilespmem:$0x1FD50] =	vst v0;
	v0 =	vsel vm10, $0x1705, v40  }
0x98: {  	v2 =	vsel vm10, $0x1B05, v2;
	v1 =	vsel vm13, $0x1502, v1;
	v0 =	vsel vm9, $0x1806, v0  }
0x99: {  	v2 =	vsel vm9, $0x1C06, v2;
	v1 =	vsel vm12, $0x1603, v1;
	v0 =	vsel vm8, $0x1907, v0  }
0x9a: {  	v2 =	vsel vm8, $0x1D07, v2;
	v1 =	vsel vm11, $0x1704, v1;
	v0 =	vsel vm7, $0x1A00, v0  }
0x9b: {  	v2 =	vsel vm7, $0x1E00, v2;
	v1 =	vsel vm10, $0x1805, v1;
	v0 =	vsel vm6, $0x1B01, v0  }
0x9c: {  	v2 =	vsel vm6, $0x1F01, v2;
	v1 =	vsel vm9, $0x1906, v1;
	v0 =	vsel vm5, $0x1C02, v0  }
0x9d: {  	v2 =	vsel vm5, $0x1002, v2;
	v1 =	vsel vm8, $0x1A07, v1;
	v0 =	vsel vm2, $0x1D03, v0  }
0x9e: {  	v2 =	vsel vm2, $0x1103, v2;
	v1 =	vsel vm7, $0x1B00, v1;
	v0 =	vsel vm1, $0x1E04, v0  }
0x9f: {  	v2 =	vsel vm1, $0x1204, v2;
	v1 =	vsel vm6, $0x1C01, v1;
	v0 =	vsel vm3, $0x1F05, v0  }
0xa0: {  	[tilespmem:$0x1FD20] =	vst v28;
	v2 =	vsel vm3, $0x1305, v2;
	v57 =	vsel vm5, $0x1D02, v1;
	v0 =	vsel vm4, $0x1006, v0  }
0xa1: {  	v14 =	vunpack.c.0.s8.s32 v13;
	v28 =	vsel vm4, $0x1406, v2;
	[tilespmem:$0x1FDA0] =	vst v0;
	v0 =	vsel vm2, $0x1E03, v57  }
0xa2: {  	v2 =	vsel vm15, $0x1900, v31;
	v1 =	vunpack.c.0.s8.s32 v9;
	v0 =	vsel vm1, $0x1F04, v0  }
0xa3: {  	v19 =	vunpack.c.0.s8.s32 v17;
	v2 =	vsel vm14, $0x1A01, v2;
	v0 =	vsel vm3, $0x1005, v0  }
0xa4: {  	v2 =	vsel vm13, $0x1B02, v2;
	[tilespmem:$0x1FDC0] =	vst v1;
	v1 =	vunpack.c.0.s8.s32 v12;
	v0 =	vsel vm4, $0x1106, v0  }
0xa5: {  	v18 =	vunpack.c.0.s8.s32 v16;
	v2 =	vsel vm12, $0x1C03, v2;
	[tilespmem:$0x1FDF0] =	vst v0;
	v0 =	vunpack.c.0.s8.s32 v15  }
0xa6: {  	v30 =	vimm.s32 $0x1707;
	v44 =	vimm.s32 $0x1E07;
	v2 =	vsel vm11, $0x1D04, v2;
	[tilespmem:$0x1FDE0] =	vst v1  }
0xa7: {  	v2 =	vsel vm10, $0x1E05, v2;
	v1 =	vsel vm15, $0x1500, v25;
	[tilespmem:$0x1FE10] =	vst v0;
	v0 =	vsel vm15, $0x1400, v24  }
0xa8: {  	v2 =	vsel vm9, $0x1F06, v2;
	v1 =	vsel vm14, $0x1601, v1;
	v0 =	vsel vm14, $0x1501, v0  }
0xa9: {  	v2 =	vsel vm8, $0x1007, v2;
	v1 =	vsel vm13, $0x1702, v1;
	v0 =	vsel vm13, $0x1602, v0  }
0xaa: {  	v2 =	vsel vm7, $0x1100, v2;
	v1 =	vsel vm12, $0x1803, v1;
	v0 =	vsel vm12, $0x1703, v0  }
0xab: {  	v2 =	vsel vm6, $0x1201, v2;
	v1 =	vsel vm11, $0x1904, v1;
	v0 =	vsel vm11, $0x1804, v0  }
0xac: {  	v2 =	vsel vm5, $0x1302, v2;
	v1 =	vsel vm10, $0x1A05, v1;
	v0 =	vsel vm10, $0x1905, v0  }
0xad: {  	v2 =	vsel vm2, $0x1403, v2;
	v1 =	vsel vm9, $0x1B06, v1;
	v0 =	vsel vm9, $0x1A06, v0  }
0xae: {  	v2 =	vsel vm1, $0x1504, v2;
	v1 =	vsel vm8, $0x1C07, v1;
	v0 =	vsel vm8, $0x1B07, v0  }
0xaf: {  	v2 =	vsel vm3, $0x1605, v2;
	v1 =	vsel vm7, $0x1D00, v1;
	v0 =	vsel vm7, $0x1C00, v0  }
0xb0: {  	v33 =	vsel vm4, $0x1706, v2;
	v2 =	vsel vm15, $0x1C00, v36;
	v0 =	vsel vm6, $0x1D01, v0  }
0xb1: {  	v1 =	vsel vm6, $0x1E01, v1;
	v2 =	vsel vm14, $0x1D01, v2;
	v0 =	vsel vm5, $0x1E02, v0  }
0xb2: {  	v1 =	vsel vm5, $0x1F02, v1;
	v2 =	vsel vm13, $0x1E02, v2;
	v0 =	vsel vm2, $0x1F03, v0  }
0xb3: {  	v1 =	vsel vm2, $0x1003, v1;
	v2 =	vsel vm12, $0x1F03, v2;
	v0 =	vsel vm1, $0x1004, v0  }
0xb4: {  	v1 =	vsel vm1, $0x1104, v1;
	v2 =	vsel vm11, $0x1004, v2;
	v0 =	vsel vm3, $0x1105, v0  }
0xb5: {  	v1 =	vsel vm3, $0x1205, v1;
	v2 =	vsel vm10, $0x1105, v2;
	v0 =	vsel vm4, $0x1206, v0  }
0xb6: {  	v27 =	vsel vm4, $0x1306, v1;
	v1 =	vsel vm15, $0x1800, v30;
	[tilespmem:$0x1FE40] =	vst v0;
	v0 =	vsel vm15, $0x1700, v29  }
0xb7: {  	v2 =	vsel vm9, $0x1206, v2;
	v1 =	vsel vm14, $0x1901, v1;
	v0 =	vsel vm14, $0x1801, v0  }
0xb8: {  	v2 =	vsel vm8, $0x1307, v2;
	v1 =	vsel vm13, $0x1A02, v1;
	v0 =	vsel vm13, $0x1902, v0  }
0xb9: {  	v2 =	vsel vm7, $0x1400, v2;
	v1 =	vsel vm12, $0x1B03, v1;
	v0 =	vsel vm12, $0x1A03, v0  }
0xba: {  	v2 =	vsel vm6, $0x1501, v2;
	v1 =	vsel vm11, $0x1C04, v1;
	v0 =	vsel vm11, $0x1B04, v0  }
0xbb: {  	v2 =	vsel vm5, $0x1602, v2;
	v1 =	vsel vm10, $0x1D05, v1;
	v0 =	vsel vm10, $0x1C05, v0  }
0xbc: {  	v2 =	vsel vm2, $0x1703, v2;
	v1 =	vsel vm9, $0x1E06, v1;
	v0 =	vsel vm9, $0x1D06, v0  }
0xbd: {  	v2 =	vsel vm1, $0x1804, v2;
	v1 =	vsel vm8, $0x1F07, v1;
	v0 =	vsel vm8, $0x1E07, v0  }
0xbe: {  	v2 =	vsel vm3, $0x1905, v2;
	v1 =	vsel vm7, $0x1000, v1;
	v0 =	vsel vm7, $0x1F00, v0  }
0xbf: {  	v37 =	vsel vm4, $0x1A06, v2;
	v1 =	vsel vm6, $0x1101, v1;
	v0 =	vsel vm6, $0x1001, v0  }
0xc0: {  	v2 =	vsel vm15, $0x1F00, v44;
	v1 =	vsel vm5, $0x1202, v1;
	v0 =	vsel vm5, $0x1102, v0  }
0xc1: {  	v2 =	vsel vm14, $0x1001, v2;
	v1 =	vsel vm2, $0x1303, v1;
	v0 =	vsel vm2, $0x1203, v0  }
0xc2: {  	v2 =	vsel vm13, $0x1102, v2;
	v1 =	vsel vm1, $0x1404, v1;
	v0 =	vsel vm1, $0x1304, v0  }
0xc3: {  	v2 =	vsel vm12, $0x1203, v2;
	v1 =	vsel vm3, $0x1505, v1;
	v0 =	vsel vm3, $0x1405, v0  }
0xc4: {  	v32 =	vsel vm4, $0x1606, v1;
	v1 =	vsel vm15, $0x1B00, v35;
	v0 =	vsel vm4, $0x1506, v0  }
0xc5: {  	v2 =	vsel vm11, $0x1304, v2;
	v1 =	vsel vm14, $0x1C01, v1;
	[tilespmem:$0x1FE70] =	vst v0;
	v0 =	vsel vm15, $0x1A00, v34  }
0xc6: {  	[tilespmem:$0x1FDD0] =	vst v11;
	v2 =	vsel vm10, $0x1405, v2;
	v1 =	vsel vm13, $0x1D02, v1;
	v0 =	vsel vm14, $0x1B01, v0  }
0xc7: {  	[tilespmem:$0x1FDB0] =	vst v55;
	v2 =	vsel vm9, $0x1506, v2;
	v1 =	vsel vm12, $0x1E03, v1;
	v0 =	vsel vm13, $0x1C02, v0  }
0xc8: {  	[tilespmem:$0x1FE00] =	vst v14;
	v2 =	vsel vm8, $0x1607, v2;
	v1 =	vsel vm11, $0x1F04, v1;
	v0 =	vsel vm12, $0x1D03, v0  }
0xc9: {  	[tilespmem:$0x1FE30] =	vst v19;
	v2 =	vsel vm7, $0x1700, v2;
	v1 =	vsel vm10, $0x1005, v1;
	v0 =	vsel vm11, $0x1E04, v0  }
0xca: {  	[tilespmem:$0x1FE20] =	vst v18;
	v2 =	vsel vm6, $0x1801, v2;
	v1 =	vsel vm9, $0x1106, v1;
	v0 =	vsel vm10, $0x1F05, v0  }
0xcb: {  	[tilespmem:$0x1FE60] =	vst v28;
	v2 =	vsel vm5, $0x1902, v2;
	v1 =	vsel vm8, $0x1207, v1;
	v0 =	vsel vm9, $0x1006, v0  }
0xcc: {  	[tilespmem:$0x1FE90] =	vst v33;
	v2 =	vsel vm2, $0x1A03, v2;
	v1 =	vsel vm7, $0x1300, v1;
	v0 =	vsel vm8, $0x1107, v0  }
0xcd: {  	s0 =	rddreg [dreg:$0x0];
	[tilespmem:$0x1FE50] =	vst v27;
	v2 =	vsel vm1, $0x1B04, v2;
	v1 =	vsel vm6, $0x1401, v1;
	v0 =	vsel vm7, $0x1200, v0  }
0xce: {  	s1 =	rddreg [dreg:$0x1];
	s4 =	simm.s32 $0x0;
	[tilespmem:$0x1FEA0] =	vst v37;
	v2 =	vsel vm3, $0x1C05, v2;
	v1 =	vsel vm5, $0x1502, v1;
	v0 =	vsel vm6, $0x1301, v0  }
0xcf: {  	[smem:$0x7FF] =	sst s4;
	[tilespmem:$0x1FE80] =	vst v32;
	v46 =	vsel vm4, $0x1D06, v2;
	v1 =	vsel vm2, $0x1603, v1;
	v0 =	vsel vm5, $0x1402, v0  }
0xd0: {  	s2 =	rddreg [dreg:$0x2];
	v38 =	vimm.s32 $0x1C07;
	v1 =	vsel vm1, $0x1704, v1;
	_ =	strace $0x80000047;
	[tilespmem:$0x1FED0] =	vst v46;
	v0 =	vsel vm2, $0x1503, v0  }
0xd1: {  	v39 =	vimm.s32 $0x1D07;
	v1 =	vsel vm3, $0x1805, v1;
	[tilespmem:$0x1FEE0] =	vst v3;
	v0 =	vsel vm1, $0x1604, v0  }
0xd2: {  	v54 =	vsel vm4, $0x1906, v1;
	v1 =	vsel vm15, $0x1E00, v39;
	[tilespmem:$0x1FEF0] =	vst v4;
	v0 =	vsel vm3, $0x1705, v0  }
0xd3: {  	v1 =	vsel vm14, $0x1F01, v1;
	[tilespmem:$0x1FF00] =	vst v5;
	v40 =	vsel vm4, $0x1806, v0;
	v0 =	vsel vm15, $0x1D00, v38  }
0xd4: {  	v55 =	vand.u32 $0x7, v7;
	[tilespmem:$0x1FF10] =	vst v6;
	v1 =	vsel vm13, $0x1002, v1;
	v0 =	vsel vm14, $0x1E01, v0  }
0xd5: {  	v57 =	vor.u32 $0x10, v7;
	[tilespmem:$0x1FF20] =	vst v55;
	v1 =	vsel vm12, $0x1103, v1;
	v0 =	vsel vm13, $0x1F02, v0  }
0xd6: {  	s3 =	srdreg.scid;
	s5 =	stileid.u32;
	v47 =	vsel vm0, v4, v3;
	[tilespmem:$0x1FF30] =	vst v57;
	v1 =	vsel vm11, $0x1204, v1;
	v0 =	vsel vm12, $0x1003, v0  }
0xd7: {  	s18 =	simm.s32 $0x1;
	s19 =	simm.s32 $0x100;
	s3 =	sand.u32 $0x1, s3;
	v52 =	vsel vm0, v6, v5;
	[tilespmem:$0x1FF40] =	vst v47;
	v1 =	vsel vm10, $0x1305, v1;
	v0 =	vsel vm11, $0x1104, v0  }
0xd8: {  	s28 =	simm.s32 $0x4000;
	s5 =	sshll.u32 s5, $0xA;
	s6 =	sshll.u32 s3, $0x9;
	[tilespmem:$0x1FF50] =	vst v52;
	v1 =	vsel vm9, $0x1406, v1;
	v0 =	vsel vm10, $0x1205, v0  }
0xd9: {  	s29 =	simm.s32 $0x4;
	s30 =	simm.s32 $0x12400;
	s5 =	sor.u32 s6, s5;
	[tilespmem:$0x1FF70] =	vst v53;
	v1 =	vsel vm8, $0x1507, v1;
	v0 =	vsel vm9, $0x1306, v0  }
0xda: {  	s31 =	simm.s32 $0x5;
	s14 =	sadd.s32 $0x20, s0;
	s8 =	sshrl.u32 s5, $0x3;
	[tilespmem:$0x1FF90] =	vst v54;
	v1 =	vsel vm7, $0x1600, v1;
	v0 =	vsel vm8, $0x1407, v0  }
0xdb: {  	s3 =	ssub.s32 $0x2, s3;
	s6 =	sadd.s32 $0x400, s2;
	s10 =	sor.u32 $0x20, s8;
	[tilespmem:$0x1FFA0] =	vst v21;
	v1 =	vsel vm6, $0x1701, v1;
	v0 =	vsel vm7, $0x1500, v0  }
0xdc: {  	s20 =	sshrl.u32 s3, $0x1;
	s7 =	sadd.s32 s0, s8;
	s21 =	sadd.s32 s0, s10;
	[tilespmem:$0x1FFB0] =	vst v50;
	v1 =	vsel vm5, $0x1802, v1;
	v0 =	vsel vm6, $0x1601, v0  }
0xdd: {  	s2 =	ssub.s32 s3, s20;
	s22 =	sadd.s32 $0x800, s7;
	[dreg:$0x4] =	wrdreg s21;
	[tilespmem:$0x1FFC0] =	vst v42;
	v1 =	vsel vm2, $0x1903, v1;
	v0 =	vsel vm5, $0x1702, v0  }
0xde: {  	s13 =	sor.u32 $0x4000, s5;
	s23 =	sadd.s32 s6, s10;
	[dreg:$0x5] =	wrdreg s22;
	[tilespmem:$0x1FFD0] =	vst v63;
	v1 =	vsel vm1, $0x1A04, v1;
	v0 =	vsel vm2, $0x1803, v0  }
0xdf: {  	s9 =	sadd.s32 s6, s8;
	s24 =	sadd.s32 $0x820, s7;
	[dreg:$0x6] =	wrdreg s23;
	[tilespmem:$0x1FFE0] =	vst v41;
	v1 =	vsel vm3, $0x1B05, v1;
	v0 =	vsel vm1, $0x1904, v0  }
0xe0: {  	s20 =	simm.s32 $0x200;
	s25 =	sadd.s32 $0x310000, s9;
	[dreg:$0x7] =	wrdreg s24;
	[tilespmem:$0x1FFF0] =	vst v56;
	v45 =	vsel vm4, $0x1C06, v1;
	v0 =	vsel vm3, $0x1A05, v0  }
0xe1: {  	s3 =	simm.s32 $0x0;
	s26 =	sadd.s32 $0x310020, s9;
	[dreg:$0x8] =	wrdreg s25;
	[tilespmem:$0x1FEC0] =	vst v45;
	v0 =	vsel vm4, $0x1B06, v0  }
0xe2: {  	s17 =	smax.u32 s2, $0x1;
	s2 =	simm.s32 $0x6;
	[dreg:$0x9] =	wrdreg s26;
	[tilespmem:$0x1FEB0] =	vst v0;
	v0 =	vcombine.low v52, v47  }
0xe3: {  	s21 =	simm.s32 $0x400;
	s22 =	simm.s32 $0x2;
	s23 =	simm.s32 $0x300;
	[tilespmem:$0x1FF80] =	vst v40  }
0xe4: {  	s24 =	simm.s32 $0x8400;
	s25 =	simm.s32 $0x3;
	s26 =	simm.s32 $0x10400;
	[tilespmem:$0x1FF60] =	vst v0  }
.LBB2_1:
0xe5: {  	[tilespmem:s4], [sflag:$0x1] =	stream.linear.gather [hbm4b:s7+s4], $0x100, $0x38;
	[tilespmem:$0x14400] =	vst v63  }
0xe6: {  	_ =	swait.ge [sflag:s18], $0x100  }
0xe7: {  	[sflag:s18] =	ssyncset.done $0x0  }
0xe8: {  	[sflag:s18] =	ssyncadd.s32 $0xFFFFFF00  }
0xe9: {  	v0 =	vld [tilespmem:$0x0]  }
0xea: {  	v1 =	vld [tilespmem:$0x10]  }
0xeb: {  	v2 =	vld [tilespmem:$0x20]  }
0xec: {  	v3 =	vld [tilespmem:$0x30]  }
0xed: {  	v4 =	vld [tilespmem:$0x40]  }
0xee: {  	v5 =	vld [tilespmem:$0x50];
	v0 =	vshra.s32 v0, $0x2  }
0xef: {  	[tilespmem:$0x200] =	vst v0;
	v0 =	vshra.s32 v1, $0x2;
	v1 =	vld [tilespmem:$0x60]  }
0xf0: {  	[tilespmem:$0x210] =	vst v0;
	v0 =	vshra.s32 v2, $0x2;
	v2 =	vld [tilespmem:$0x70]  }
0xf1: {  	[tilespmem:$0x220] =	vst v0;
	v0 =	vshra.s32 v3, $0x2;
	v3 =	vld [tilespmem:$0x80]  }
0xf2: {  	[tilespmem:$0x230] =	vst v0;
	v0 =	vshra.s32 v4, $0x2;
	v4 =	vld [tilespmem:$0x90]  }
0xf3: {  	[tilespmem:$0x240] =	vst v0;
	v0 =	vshra.s32 v5, $0x2;
	v5 =	vld [tilespmem:$0xA0]  }
0xf4: {  	[tilespmem:$0x250] =	vst v0;
	v0 =	vshra.s32 v1, $0x2;
	v1 =	vld [tilespmem:$0xB0]  }
0xf5: {  	[tilespmem:$0x260] =	vst v0;
	v0 =	vshra.s32 v2, $0x2;
	v2 =	vld [tilespmem:$0xC0]  }
0xf6: {  	[tilespmem:$0x270] =	vst v0;
	v0 =	vshra.s32 v3, $0x2;
	v3 =	vld [tilespmem:$0xD0]  }
0xf7: {  	[tilespmem:$0x280] =	vst v0;
	v0 =	vshra.s32 v4, $0x2;
	v4 =	vld [tilespmem:$0xE0]  }
0xf8: {  	[tilespmem:$0x290] =	vst v0;
	v0 =	vshra.s32 v5, $0x2;
	v5 =	vld [tilespmem:$0xF0]  }
0xf9: {  	[tilespmem:$0x2A0] =	vst v0;
	v0 =	vshra.s32 v1, $0x2  }
0xfa: {  	[tilespmem:$0x2B0] =	vst v0;
	v0 =	vshra.s32 v2, $0x2  }
0xfb: {  	[tilespmem:$0x2C0] =	vst v0;
	v0 =	vshra.s32 v3, $0x2  }
0xfc: {  	[tilespmem:$0x2D0] =	vst v0;
	v0 =	vshra.s32 v4, $0x2  }
0xfd: {  	[tilespmem:$0x2E0] =	vst v0;
	v0 =	vshra.s32 v5, $0x2  }
0xfe: {  	[tilespmem:$0x2F0] =	vst v0  }
0xff: {  	[tilespmem:s21], [sflag:$0x3] =	stream.indirect.gather [hbm4b:s1+s19], $0x80, s20, s19, $0xb8;
	[tilespmem:$0x14400] =	vst v63  }
0x100: {  	s8 =	rddreg [dreg:$0x4]  }
0x101: {  	[tilespmem:s19], [sflag:$0x2] =	stream.linear.gather [hbm4b:s8+s4], $0x100, $0x38;
	[tilespmem:$0x14400] =	vst v63  }
0x102: {  	_ =	swait.ge [sflag:s22], $0x100  }
0x103: {  	[sflag:s22] =	ssyncset.done $0x0  }
0x104: {  	[sflag:s22] =	ssyncadd.s32 $0xFFFFFF00  }
0x105: {  	v0 =	vld [tilespmem:$0x100]  }
0x106: {  	v1 =	vld [tilespmem:$0x110]  }
0x107: {  	v2 =	vld [tilespmem:$0x120]  }
0x108: {  	v3 =	vld [tilespmem:$0x130]  }
0x109: {  	v4 =	vld [tilespmem:$0x140]  }
0x10a: {  	v5 =	vld [tilespmem:$0x150];
	v0 =	vshra.s32 v0, $0x2  }
0x10b: {  	[tilespmem:$0x300] =	vst v0;
	v0 =	vshra.s32 v1, $0x2;
	v1 =	vld [tilespmem:$0x160]  }
0x10c: {  	[tilespmem:$0x310] =	vst v0;
	v0 =	vshra.s32 v2, $0x2;
	v2 =	vld [tilespmem:$0x170]  }
0x10d: {  	[tilespmem:$0x320] =	vst v0;
	v0 =	vshra.s32 v3, $0x2;
	v3 =	vld [tilespmem:$0x180]  }
0x10e: {  	[tilespmem:$0x330] =	vst v0;
	v0 =	vshra.s32 v4, $0x2;
	v4 =	vld [tilespmem:$0x190]  }
0x10f: {  	[tilespmem:$0x340] =	vst v0;
	v0 =	vshra.s32 v5, $0x2;
	v5 =	vld [tilespmem:$0x1A0]  }
0x110: {  	[tilespmem:$0x350] =	vst v0;
	v0 =	vshra.s32 v1, $0x2;
	v1 =	vld [tilespmem:$0x1B0]  }
0x111: {  	[tilespmem:$0x360] =	vst v0;
	v0 =	vshra.s32 v2, $0x2;
	v2 =	vld [tilespmem:$0x1C0]  }
0x112: {  	[tilespmem:$0x370] =	vst v0;
	v0 =	vshra.s32 v3, $0x2;
	v3 =	vld [tilespmem:$0x1D0]  }
0x113: {  	[tilespmem:$0x380] =	vst v0;
	v0 =	vshra.s32 v4, $0x2;
	v4 =	vld [tilespmem:$0x1E0]  }
0x114: {  	[tilespmem:$0x390] =	vst v0;
	v0 =	vshra.s32 v5, $0x2;
	v5 =	vld [tilespmem:$0x1F0]  }
0x115: {  	[tilespmem:$0x3A0] =	vst v0;
	v0 =	vshra.s32 v1, $0x2  }
0x116: {  	[tilespmem:$0x3B0] =	vst v0;
	v0 =	vshra.s32 v2, $0x2  }
0x117: {  	[tilespmem:$0x3C0] =	vst v0;
	v0 =	vshra.s32 v3, $0x2  }
0x118: {  	[tilespmem:$0x3D0] =	vst v0;
	v0 =	vshra.s32 v4, $0x2  }
0x119: {  	[tilespmem:$0x3E0] =	vst v0;
	v0 =	vshra.s32 v5, $0x2  }
0x11a: {  	[tilespmem:$0x3F0] =	vst v0  }
0x11b: {  	[tilespmem:s24], [sflag:$0x4] =	stream.indirect.gather [hbm4b:s1+s19], $0x80, s23, s19, $0xb8;
	[tilespmem:$0x14400] =	vst v63  }
0x11c: {  	_ =	swait.ge [sflag:s25], $0x8000  }
0x11d: {  	[sflag:s25] =	ssyncset.done $0x0  }
0x11e: {  	[sflag:s25] =	ssyncadd.s32 $0xFFFF8000  }
0x11f: {  	v0 =	vld [tilespmem:s4+$0x0];
	_ =	sdelay $0x1  }
0x120: {  	v31 =	vld [tilespmem:$0x1FF20];
	_ =	sdelay $0x2  }
0x121: {  	v2 =	vor.u32 s4, v7;
	v9 =	vshll.u32 v0, $0x5  }
0x122: {  	v0 =	vshll.u32 v2, $0x7;
	v3 =	vor.u32 v7, v9  }
0x123: {  	v28 =	vor.u32 v31, v0;
	v3 =	vand.u32 $0x68, v3  }
0x124: {  	v3 =	vor.u32 v3, v28;
	_ =	sdelay $0x3  }
0x125: {  	v8 =	vand.u32 $0xF8, v2;
	v1 =	vld [tilespmem:$0x1FBE0];
	v4 =	vor.u32 v59, v9  }
0x126: {  	v5 =	vor.u32 v58, v8;
	v2 =	vor.u32 v60, v0;
	v4 =	vand.u32 $0x68, v4;
	v3 =	vld.idx.msk [tilespmem:v3+s21+$0x0], $0xffff  }
0x127: {  	v4 =	vor.u32 v4, v2;
	_ =	sdelay $0x3  }
0x128: {  	v6 =	vor.u32 v62, v9;
	v27 =	vor.u32 v1, v0;
	v1 =	vld [tilespmem:$0x1FBF0];
	[tilespmem:v5+s26+$0x0] =	vst.idx.msk $0xffff, v3  }
0x129: {  	v5 =	vand.u32 $0x68, v6;
	v6 =	vor.u32 v61, v8;
	v4 =	vld.idx.msk [tilespmem:v4+s21+$0x0], $0xffff;
	_ =	sdelay $0x3  }
0x12a: {  	v7 =	vor.u32 v21, v9;
	v5 =	vor.u32 v5, v27  }
0x12b: {  	[tilespmem:v6+s26+$0x0] =	vst.idx.msk $0xffff, v4;
	v6 =	vand.u32 $0x68, v7;
	v7 =	vor.u32 v1, v8;
	v1 =	vld [tilespmem:$0x1FC00];
	_ =	sdelay $0x3  }
0x12c: {  	v5 =	vld.idx.msk [tilespmem:v5+s21+$0x0], $0xffff  }
0x12d: {  	v4 =	vor.u32 v1, v0;
	v1 =	vld [tilespmem:$0x1FC10];
	_ =	sdelay $0x3  }
0x12e: {  	v6 =	vor.u32 v6, v4  }
0x12f: {  	[tilespmem:v7+s26+$0x0] =	vst.idx.msk $0xffff, v5;
	v7 =	vor.u32 v1, v8;
	v1 =	vld [tilespmem:$0x1FC20];
	_ =	sdelay $0x3  }
0x130: {  	v10 =	vor.u32 v50, v9;
	v6 =	vld.idx.msk [tilespmem:v6+s21+$0x0], $0xffff  }
0x131: {  	v10 =	vand.u32 $0x68, v10;
	v5 =	vor.u32 v1, v0;
	v1 =	vld [tilespmem:$0x1FC30]  }
0x132: {  	v10 =	vor.u32 v10, v5;
	_ =	sdelay $0x2  }
0x133: {  	v11 =	vor.u32 v63, v9  }
0x134: {  	[tilespmem:v7+s26+$0x0] =	vst.idx.msk $0xffff, v6;
	v7 =	vand.u32 $0x68, v11;
	v11 =	vor.u32 v1, v8;
	v1 =	vld [tilespmem:$0x1FC40]  }
0x135: {  	v29 =	vor.u32 v42, v0;
	v10 =	vld.idx.msk [tilespmem:v10+s21+$0x0], $0xffff  }
0x136: {  	v7 =	vor.u32 v7, v29;
	_ =	sdelay $0x3  }
0x137: {  	v39 =	vor.u32 v1, v8;
	v1 =	vld [tilespmem:$0x1FC60];
	[tilespmem:v11+s26+$0x0] =	vst.idx.msk $0xffff, v10  }
0x138: {  	v11 =	vld.idx.msk [tilespmem:v7+s21+$0x0], $0xffff;
	_ =	sdelay $0x4  }
0x139: {  	[tilespmem:v39+s26+$0x0] =	vst.idx.msk $0xffff, v11;
	v11 =	vor.u32 v1, v9;
	v1 =	vld [tilespmem:$0x1FC50];
	_ =	sdelay $0x2  }
0x13a: {  	v12 =	vor.u32 v41, v9  }
0x13b: {  	v10 =	vand.u32 $0x68, v12;
	v7 =	vor.u32 v56, v0  }
0x13c: {  	v10 =	vor.u32 v10, v7;
	v13 =	vor.u32 v1, v8;
	v1 =	vld [tilespmem:$0x1FC70];
	_ =	sdelay $0x4  }
0x13d: {  	v12 =	vld.idx.msk [tilespmem:v10+s21+$0x0], $0xffff;
	v11 =	vand.u32 $0x68, v11;
	v10 =	vor.u32 v1, v0  }
0x13e: {  	v1 =	vld [tilespmem:$0x1FC80];
	v0 =	vor.u32 v11, v10;
	_ =	sdelay $0x3  }
0x13f: {  	v33 =	vld [tilespmem:$0x1FC90];
	[tilespmem:v13+s26+$0x0] =	vst.idx.msk $0xffff, v12  }
0x140: {  	v44 =	vor.u32 v1, v8;
	v0 =	vld.idx.msk [tilespmem:v0+s21+$0x0], $0xffff;
	_ =	sdelay $0x1  }
0x141: {  	v1 =	vld [tilespmem:$0x1FCA0];
	_ =	sdelay $0x1  }
0x142: {  	v11 =	vor.u32 v33, v9  }
0x143: {  	v11 =	vand.u32 $0x68, v11;
	[tilespmem:v44+s26+$0x0] =	vst.idx.msk $0xffff, v0;
	v44 =	vld [tilespmem:$0x1FCB0]  }
0x144: {  	v11 =	vor.u32 v11, v28  }
0x145: {  	v45 =	vor.u32 v1, v8;
	v1 =	vld [tilespmem:$0x1FCD0];
	_ =	sdelay $0x2  }
0x146: {  	v0 =	vor.u32 v44, v9  }
0x147: {  	v11 =	vld.idx.msk [tilespmem:v11+s21+$0x0], $0xffff;
	v0 =	vand.u32 $0x68, v0  }
0x148: {  	v46 =	vor.u32 v1, v9;
	v1 =	vld [tilespmem:$0x1FCC0];
	v0 =	vor.u32 v0, v2;
	_ =	sdelay $0x3  }
0x149: {  	[tilespmem:v45+s26+$0x0] =	vst.idx.msk $0xffff, v11  }
0x14a: {  	v11 =	vor.u32 v1, v8;
	v0 =	vld.idx.msk [tilespmem:v0+s21+$0x0], $0xffff;
	_ =	sdelay $0x4  }
0x14b: {  	v47 =	vand.u32 $0x68, v46;
	[tilespmem:v11+s26+$0x0] =	vst.idx.msk $0xffff, v0;
	v0 =	vld [tilespmem:$0x1FCF0]  }
0x14c: {  	v12 =	vor.u32 v47, v27;
	v1 =	vld [tilespmem:$0x1FCE0];
	_ =	sdelay $0x3  }
0x14d: {  	v0 =	vor.u32 v0, v9  }
0x14e: {  	v52 =	vor.u32 v1, v8;
	v11 =	vld.idx.msk [tilespmem:v12+s21+$0x0], $0xffff;
	v0 =	vand.u32 $0x68, v0  }
0x14f: {  	v1 =	vld [tilespmem:$0x1FD00];
	v0 =	vor.u32 v0, v4;
	_ =	sdelay $0x3  }
0x150: {  	v55 =	vor.u32 v43, v9;
	[tilespmem:v52+s26+$0x0] =	vst.idx.msk $0xffff, v11  }
0x151: {  	v57 =	vand.u32 $0x68, v55;
	v11 =	vor.u32 v1, v8;
	v0 =	vld.idx.msk [tilespmem:v0+s21+$0x0], $0xffff  }
0x152: {  	v12 =	vor.u32 v57, v5;
	v1 =	vld [tilespmem:$0x1FD10];
	_ =	sdelay $0x3  }
0x153: {  	[tilespmem:v11+s26+$0x0] =	vst.idx.msk $0xffff, v0;
	v0 =	vor.u32 v48, v9  }
0x154: {  	v16 =	vor.u32 v1, v8;
	v11 =	vld.idx.msk [tilespmem:v12+s21+$0x0], $0xffff;
	v0 =	vand.u32 $0x68, v0  }
0x155: {  	v0 =	vor.u32 v0, v29;
	_ =	sdelay $0x3  }
0x156: {  	v17 =	vor.u32 v49, v9;
	v1 =	vld [tilespmem:$0x1FD20];
	[tilespmem:v16+s26+$0x0] =	vst.idx.msk $0xffff, v11  }
0x157: {  	v18 =	vand.u32 $0x68, v17;
	v11 =	vor.u32 v53, v8;
	v0 =	vld.idx.msk [tilespmem:v0+s21+$0x0], $0xffff  }
0x158: {  	v12 =	vor.u32 v18, v7;
	_ =	sdelay $0x3  }
0x159: {  	v6 =	vld [tilespmem:$0x1FF60];
	v19 =	vor.u32 v1, v9;
	[tilespmem:v11+s26+$0x0] =	vst.idx.msk $0xffff, v0  }
0x15a: {  	v20 =	vand.u32 $0x68, v19;
	v11 =	vor.u32 v51, v8;
	v0 =	vld.idx.msk [tilespmem:v12+s21+$0x0], $0xffff  }
0x15b: {  	v1 =	vld [tilespmem:$0x1FD30];
	v12 =	vor.u32 v20, v10  }
0x15c: {  	v3 =	vld [tilespmem:$0x1FF30];
	_ =	sdelay $0x2  }
0x15d: {  	[tilespmem:v11+s26+$0x0] =	vst.idx.msk $0xffff, v0  }
0x15e: {  	v24 =	vor.u32 v6, v9;
	v23 =	vor.u32 v1, v8;
	v11 =	vld.idx.msk [tilespmem:v12+s21+$0x0], $0xffff  }
0x15f: {  	v22 =	vor.u32 v3, v9;
	v25 =	vand.u32 $0x78, v24;
	v24 =	vld [tilespmem:$0x1FD80]  }
0x160: {  	v1 =	vld [tilespmem:$0x1FD40];
	v0 =	vand.u32 $0x78, v22  }
0x161: {  	v22 =	vld [tilespmem:$0x1FD60];
	v0 =	vor.u32 v0, v28  }
0x162: {  	v12 =	vor.u32 v25, v2;
	v25 =	vld [tilespmem:$0x1FD90]  }
0x163: {  	[tilespmem:v23+s26+$0x0] =	vst.idx.msk $0xffff, v11;
	v23 =	vld [tilespmem:$0x1FD70];
	_ =	sdelay $0x1  }
0x164: {  	v11 =	vor.u32 v1, v8;
	v1 =	vld [tilespmem:$0x1FD50]  }
0x165: {  	v0 =	vld.idx.msk [tilespmem:v0+s21+$0x0], $0xffff;
	_ =	sdelay $0x1  }
0x166: {  	v35 =	vld [tilespmem:$0x1FDC0];
	v13 =	vsel vm0, v25, v24;
	v14 =	vsel vm0, v23, v22  }
0x167: {  	v36 =	vld [tilespmem:$0x1FDD0];
	v30 =	vcombine.low v13, v14  }
0x168: {  	v37 =	vld [tilespmem:$0x1FDE0]  }
0x169: {  	[tilespmem:v11+s26+$0x0] =	vst.idx.msk $0xffff, v0;
	v11 =	vor.u32 v1, v8;
	v1 =	vld [tilespmem:$0x1FDA0];
	v15 =	vor.u32 v30, v9  }
0x16a: {  	v0 =	vld.idx.msk [tilespmem:v12+s21+$0x0], $0xffff;
	v26 =	vand.u32 $0x78, v15  }
0x16b: {  	v12 =	vor.u32 v26, v27;
	v26 =	vld [tilespmem:$0x1FDB0];
	_ =	sdelay $0x1  }
0x16c: {  	v38 =	vld [tilespmem:$0x1FE00]  }
0x16d: {  	v45 =	vld [tilespmem:$0x1FE10]  }
0x16e: {  	v57 =	vld [tilespmem:$0x1FE20];
	[tilespmem:v11+s26+$0x0] =	vst.idx.msk $0xffff, v0  }
0x16f: {  	v16 =	vsel vm0, v37, v36;
	v11 =	vor.u32 v1, v8;
	v15 =	vsel vm0, v35, v26;
	v0 =	vld.idx.msk [tilespmem:v12+s21+$0x0], $0xffff  }
0x170: {  	v1 =	vld [tilespmem:$0x1FE30];
	v52 =	vcombine.low v16, v15  }
0x171: {  	v39 =	vld [tilespmem:$0x1FEF0]  }
0x172: {  	v46 =	vld [tilespmem:$0x1FEE0];
	v17 =	vor.u32 v52, v9  }
0x173: {  	v47 =	vld [tilespmem:$0x1FF10];
	v32 =	vand.u32 $0x78, v17  }
0x174: {  	v12 =	vor.u32 v32, v4;
	[tilespmem:v11+s26+$0x0] =	vst.idx.msk $0xffff, v0;
	v11 =	vld [tilespmem:$0x1FDF0]  }
0x175: {  	v20 =	vld [tilespmem:$0x1FF00];
	v18 =	vsel vm0, v1, v57;
	v17 =	vsel vm0, v45, v38  }
0x176: {  	v19 =	vcombine.low v18, v17;
	_ =	sdelay $0x1  }
0x177: {  	[tilespmem:$0x1FB20] =	vst v19;
	v19 =	vor.u32 v19, v9  }
0x178: {  	v34 =	vand.u32 $0x78, v19;
	v0 =	vld.idx.msk [tilespmem:v12+s21+$0x0], $0xffff;
	v11 =	vor.u32 v11, v8  }
0x179: {  	v19 =	vsel vm0, v20, v39;
	v20 =	vsel vm0, v46, v47;
	v46 =	vld [tilespmem:$0x1FE40];
	v12 =	vor.u32 v34, v5  }
0x17a: {  	v55 =	vmov v21;
	v21 =	vcombine.low v20, v19;
	_ =	sdelay $0x1  }
0x17b: {  	[tilespmem:$0x1FB30] =	vst v21  }
0x17c: {  	v21 =	vor.u32 v21, v9;
	[tilespmem:v11+s26+$0x0] =	vst.idx.msk $0xffff, v0  }
0x17d: {  	v21 =	vand.u32 $0x78, v21;
	v11 =	vor.u32 v46, v8;
	v0 =	vld.idx.msk [tilespmem:v12+s21+$0x0], $0xffff  }
0x17e: {  	v22 =	vsel vm0, v22, v25;
	v47 =	vld [tilespmem:$0x1FE50];
	v12 =	vor.u32 v21, v29;
	v21 =	vsel vm0, v24, v23  }
0x17f: {  	v23 =	vcombine.low v22, v21;
	_ =	sdelay $0x1  }
0x180: {  	[tilespmem:$0x1FB40] =	vst v23  }
0x181: {  	v23 =	vor.u32 v23, v9;
	[tilespmem:v11+s26+$0x0] =	vst.idx.msk $0xffff, v0  }
0x182: {  	v25 =	vand.u32 $0x78, v23;
	v11 =	vor.u32 v47, v8;
	v0 =	vld.idx.msk [tilespmem:v12+s21+$0x0], $0xffff  }
0x183: {  	v34 =	vld [tilespmem:$0x1FE60];
	v12 =	vor.u32 v25, v7  }
0x184: {  	v24 =	vsel vm0, v36, v35;
	v23 =	vsel vm0, v26, v37  }
0x185: {  	v32 =	vcombine.low v23, v24;
	_ =	sdelay $0x1  }
0x186: {  	v25 =	vor.u32 v32, v9;
	[tilespmem:v11+s26+$0x0] =	vst.idx.msk $0xffff, v0  }
0x187: {  	v35 =	vor.u32 v34, v8;
	v0 =	vand.u32 $0x78, v25;
	v11 =	vld.idx.msk [tilespmem:v12+s21+$0x0], $0xffff  }
0x188: {  	v36 =	vsel vm0, v38, v1;
	v25 =	vor.u32 v0, v10;
	v0 =	vsel vm0, v57, v45  }
0x189: {  	v0 =	vcombine.low v36, v0;
	_ =	sdelay $0x1  }
0x18a: {  	[tilespmem:$0x1FB60] =	vst v0  }
0x18b: {  	[tilespmem:v35+s26+$0x0] =	vst.idx.msk $0xffff, v11;
	v11 =	vor.u32 v0, v9;
	v0 =	vld [tilespmem:$0x1FE70];
	_ =	sdelay $0x3  }
0x18c: {  	v1 =	vld [tilespmem:$0x1FF50]  }
0x18d: {  	v37 =	vor.u32 v0, v8;
	v0 =	vld [tilespmem:$0x1FF40];
	_ =	sdelay $0x4  }
0x18e: {  	v0 =	vcombine.low v0, v1  }
0x18f: {  	v11 =	vand.u32 $0x78, v11;
	v12 =	vld.idx.msk [tilespmem:v25+s21+$0x0], $0xffff  }
0x190: {  	v11 =	vor.u32 v11, v28;
	[tilespmem:$0x1FB70] =	vst v0;
	v38 =	vor.u32 v0, v9;
	v0 =	vld [tilespmem:$0x1FE80];
	_ =	sdelay $0x3  }
0x191: {  	[tilespmem:v37+s26+$0x0] =	vst.idx.msk $0xffff, v12  }
0x192: {  	v11 =	vld.idx.msk [tilespmem:v11+s21+$0x0], $0xffff;
	v39 =	vor.u32 v0, v8;
	_ =	sdelay $0x1  }
0x193: {  	v0 =	vcombine.low v14, v13;
	_ =	sdelay $0x1  }
0x194: {  	v12 =	vand.u32 $0x78, v38;
	[tilespmem:$0x1FB80] =	vst v0  }
0x195: {  	v12 =	vor.u32 v12, v2;
	[tilespmem:v39+s26+$0x0] =	vst.idx.msk $0xffff, v11;
	v11 =	vor.u32 v0, v9;
	v0 =	vld [tilespmem:$0x1FE90];
	_ =	sdelay $0x4  }
0x196: {  	v12 =	vld.idx.msk [tilespmem:v12+s21+$0x0], $0xffff;
	v11 =	vand.u32 $0x78, v11;
	v26 =	vor.u32 v0, v8  }
0x197: {  	v11 =	vor.u32 v11, v27;
	_ =	sdelay $0x1  }
0x198: {  	v0 =	vcombine.low v15, v16  }
0x199: {  	[tilespmem:$0x1FB50] =	vst v32  }
0x19a: {  	v32 =	vor.u32 v0, v9;
	[tilespmem:v26+s26+$0x0] =	vst.idx.msk $0xffff, v12  }
0x19b: {  	v45 =	vmovc v46;
	v46 =	vmovc v47;
	v47 =	vmov v34;
	v34 =	vor.u32 v40, v8;
	v12 =	vand.u32 $0x78, v32;
	v11 =	vld.idx.msk [tilespmem:v11+s21+$0x0], $0xffff  }
0x19c: {  	v12 =	vor.u32 v12, v4;
	_ =	sdelay $0x1  }
0x19d: {  	[tilespmem:$0x1FB90] =	vst v0;
	v0 =	vcombine.low v17, v18;
	_ =	sdelay $0x1  }
0x19e: {  	[tilespmem:v34+s26+$0x0] =	vst.idx.msk $0xffff, v11;
	v11 =	vor.u32 v0, v9  }
0x19f: {  	v35 =	vor.u32 v54, v8;
	v12 =	vld.idx.msk [tilespmem:v12+s21+$0x0], $0xffff;
	v11 =	vand.u32 $0x78, v11  }
0x1a0: {  	v4 =	vld [tilespmem:$0x1FEA0];
	v11 =	vor.u32 v11, v5;
	_ =	sdelay $0x1  }
0x1a1: {  	[tilespmem:$0x1FBA0] =	vst v0;
	v0 =	vcombine.low v19, v20;
	_ =	sdelay $0x1  }
0x1a2: {  	v36 =	vor.u32 v0, v9;
	[tilespmem:v35+s26+$0x0] =	vst.idx.msk $0xffff, v12  }
0x1a3: {  	v37 =	vor.u32 v4, v8;
	v12 =	vand.u32 $0x78, v36;
	v11 =	vld.idx.msk [tilespmem:v11+s21+$0x0], $0xffff  }
0x1a4: {  	v5 =	vmov v6;
	v6 =	vld [tilespmem:$0x1FEB0];
	v12 =	vor.u32 v12, v29  }
0x1a5: {  	[tilespmem:$0x1FBB0] =	vst v0;
	v0 =	vcombine.low v21, v22;
	_ =	sdelay $0x1  }
0x1a6: {  	[tilespmem:$0x1FBC0] =	vst v0  }
0x1a7: {  	[tilespmem:v37+s26+$0x0] =	vst.idx.msk $0xffff, v11;
	v11 =	vor.u32 v0, v9;
	v0 =	vcombine.low v24, v23  }
0x1a8: {  	v38 =	vor.u32 v6, v8;
	v12 =	vld.idx.msk [tilespmem:v12+s21+$0x0], $0xffff;
	v11 =	vand.u32 $0x78, v11  }
0x1a9: {  	v11 =	vor.u32 v11, v7;
	[tilespmem:$0x1FBD0] =	vst v0;
	v9 =	vor.u32 v0, v9;
	v0 =	vld [tilespmem:$0x1FEC0];
	_ =	sdelay $0x3  }
0x1aa: {  	[tilespmem:v38+s26+$0x0] =	vst.idx.msk $0xffff, v12  }
0x1ab: {  	v9 =	vand.u32 $0x78, v9;
	v11 =	vld.idx.msk [tilespmem:v11+s21+$0x0], $0xffff;
	v39 =	vor.u32 v0, v8  }
0x1ac: {  	v1 =	vld [tilespmem:$0x1FED0];
	v9 =	vor.u32 v9, v10;
	_ =	sdelay $0x3  }
0x1ad: {  	[tilespmem:v39+s26+$0x0] =	vst.idx.msk $0xffff, v11  }
0x1ae: {  	s10 =	simm.s32 $0x0;
	s8 =	simm.s32 $0x10;
	v57 =	vlaneseq.u32;
	v28 =	vmovc v33;
	v2 =	vmovc v31;
	v7 =	vmov v30;
	v8 =	vor.u32 v1, v8;
	v9 =	vld.idx.msk [tilespmem:v9+s21+$0x0], $0xffff  }
.LBB2_2:
0x1af: {  	_ =	sdelay $0x3  }
0x1b0: {  	s10 =	sadd.s32 $0x10, s10;
	[tilespmem:v8+s26+$0x0] =	vst.idx.msk $0xffff, v9  }
0x1b1: {  	v8 =	vld [tilespmem:s10+$0x0];
	_ =	sdelay $0x3  }
0x1b2: {  	s11 =	smov.u32 s8  }
0x1b3: {  	v9 =	vor.u32 s11, v57;
	v27 =	vshll.u32 v8, $0x5  }
0x1b4: {  	v18 =	vshll.u32 v9, $0x7;
	v8 =	vor.u32 v57, v27  }
0x1b5: {  	v10 =	vor.u32 v2, v18;
	v8 =	vand.u32 $0x68, v8  }
0x1b6: {  	v13 =	vor.u32 v8, v10;
	_ =	sdelay $0x1  }
0x1b7: {  	v12 =	vor.u32 v55, v27;
	v15 =	vor.u32 v63, v27  }
0x1b8: {  	v17 =	vand.u32 $0x68, v12;
	v12 =	vor.u32 v42, v18;
	v8 =	vor.u32 v62, v27  }
0x1b9: {  	v14 =	vand.u32 $0x68, v8;
	v8 =	vand.u32 $0xF8, v9;
	v9 =	vand.u32 $0x68, v15  }
0x1ba: {  	v34 =	vor.u32 v9, v12;
	v23 =	vor.u32 v58, v8;
	v9 =	vld.idx.msk [tilespmem:v13+s21+$0x0], $0xffff;
	_ =	sdelay $0x4  }
0x1bb: {  	[tilespmem:v23+s26+$0x0] =	vst.idx.msk $0xffff, v9;
	v9 =	vld [tilespmem:$0x1FB20]  }
0x1bc: {  	v19 =	vld [tilespmem:$0x1FCD0];
	v22 =	vor.u32 v41, v27;
	v16 =	vor.u32 v59, v27;
	v39 =	vor.u32 v28, v27  }
0x1bd: {  	v20 =	vld [tilespmem:$0x1FD20];
	v21 =	vor.u32 v3, v27;
	v38 =	vand.u32 $0x68, v16;
	v16 =	vand.u32 $0x68, v39  }
0x1be: {  	v35 =	vand.u32 $0x68, v22;
	v22 =	vld [tilespmem:$0x1FBE0];
	v36 =	vor.u32 v16, v10;
	v16 =	vand.u32 $0x78, v21  }
0x1bf: {  	v11 =	vor.u32 v60, v18;
	v39 =	vmov v28;
	v28 =	vor.u32 v16, v10;
	v16 =	vld [tilespmem:$0x1FB60]  }
0x1c0: {  	v15 =	vor.u32 v38, v11;
	v23 =	vor.u32 v9, v27;
	v9 =	vld [tilespmem:$0x1FB30]  }
0x1c1: {  	v38 =	vld [tilespmem:$0x1FB50];
	_ =	sdelay $0x2  }
0x1c2: {  	v32 =	vor.u32 v19, v27;
	v29 =	vor.u32 v20, v27  }
0x1c3: {  	v19 =	vor.u32 v16, v27;
	v21 =	vor.u32 v9, v27;
	v9 =	vld.idx.msk [tilespmem:v15+s21+$0x0], $0xffff;
	v15 =	vor.u32 v22, v18  }
0x1c4: {  	v20 =	vor.u32 v38, v27;
	v38 =	vor.u32 v14, v15;
	v14 =	vand.u32 $0x78, v19  }
0x1c5: {  	v19 =	vor.u32 v14, v10;
	v10 =	vld [tilespmem:$0x1FBB0];
	_ =	sdelay $0x4  }
0x1c6: {  	v22 =	vld [tilespmem:$0x1FB70];
	v10 =	vor.u32 v10, v27  }
0x1c7: {  	[tilespmem:$0x1FAF0] =	vst v10;
	v10 =	vld [tilespmem:$0x1FB40];
	_ =	sdelay $0x4  }
0x1c8: {  	v13 =	vor.u32 v22, v27;
	v22 =	vor.u32 v10, v27;
	v10 =	vld [tilespmem:$0x1FB80];
	_ =	sdelay $0x4  }
0x1c9: {  	v14 =	vor.u32 v10, v27;
	v10 =	vld [tilespmem:$0x1FB90];
	_ =	sdelay $0x4  }
0x1ca: {  	v16 =	vor.u32 v10, v27;
	v10 =	vld [tilespmem:$0x1FBA0];
	_ =	sdelay $0x4  }
0x1cb: {  	v10 =	vor.u32 v10, v27  }
0x1cc: {  	[tilespmem:$0x1FAE0] =	vst v10;
	v10 =	vld [tilespmem:$0x1FBC0];
	_ =	sdelay $0x1  }
0x1cd: {  	v37 =	vor.u32 v61, v8;
	_ =	sdelay $0x2  }
0x1ce: {  	v10 =	vor.u32 v10, v27  }
0x1cf: {  	[tilespmem:$0x1FB00] =	vst v10;
	v10 =	vld [tilespmem:$0x1FBD0]  }
0x1d0: {  	[tilespmem:v37+s26+$0x0] =	vst.idx.msk $0xffff, v9;
	v9 =	vld [tilespmem:$0x1FBF0];
	_ =	sdelay $0x3  }
0x1d1: {  	v10 =	vor.u32 v10, v27  }
0x1d2: {  	v37 =	vor.u32 v9, v8;
	[tilespmem:$0x1FB10] =	vst v10;
	v10 =	vld.idx.msk [tilespmem:v38+s21+$0x0], $0xffff;
	_ =	sdelay $0x3  }
0x1d3: {  	v9 =	vld [tilespmem:$0x1FC00]  }
0x1d4: {  	[tilespmem:v37+s26+$0x0] =	vst.idx.msk $0xffff, v10;
	v10 =	vld [tilespmem:$0x1FC10];
	_ =	sdelay $0x3  }
0x1d5: {  	v9 =	vor.u32 v9, v18  }
0x1d6: {  	v17 =	vor.u32 v17, v9;
	v37 =	vor.u32 v10, v8;
	v10 =	vld [tilespmem:$0x1FC20];
	_ =	sdelay $0x3  }
0x1d7: {  	v33 =	vor.u32 v50, v27  }
0x1d8: {  	v33 =	vand.u32 $0x68, v33;
	v17 =	vld.idx.msk [tilespmem:v17+s21+$0x0], $0xffff;
	v10 =	vor.u32 v10, v18  }
0x1d9: {  	v38 =	vld [tilespmem:$0x1FC30];
	v33 =	vor.u32 v33, v10;
	_ =	sdelay $0x3  }
0x1da: {  	[tilespmem:v37+s26+$0x0] =	vst.idx.msk $0xffff, v17  }
0x1db: {  	v17 =	vld.idx.msk [tilespmem:v33+s21+$0x0], $0xffff;
	v33 =	vor.u32 v38, v8  }
0x1dc: {  	v37 =	vld [tilespmem:$0x1FC40];
	_ =	sdelay $0x3  }
0x1dd: {  	[tilespmem:v33+s26+$0x0] =	vst.idx.msk $0xffff, v17  }
0x1de: {  	v38 =	vor.u32 v37, v8;
	v33 =	vld.idx.msk [tilespmem:v34+s21+$0x0], $0xffff  }
0x1df: {  	v37 =	vld [tilespmem:$0x1FC60];
	_ =	sdelay $0x3  }
0x1e0: {  	v17 =	vor.u32 v56, v18;
	[tilespmem:v38+s26+$0x0] =	vst.idx.msk $0xffff, v33;
	v38 =	vld [tilespmem:$0x1FC50]  }
0x1e1: {  	v35 =	vor.u32 v35, v17;
	v33 =	vor.u32 v37, v27;
	v37 =	vld [tilespmem:$0x1FC70];
	_ =	sdelay $0x4  }
0x1e2: {  	v34 =	vld.idx.msk [tilespmem:v35+s21+$0x0], $0xffff;
	v33 =	vand.u32 $0x68, v33;
	v35 =	vor.u32 v38, v8;
	v18 =	vor.u32 v37, v18  }
0x1e3: {  	v37 =	vld [tilespmem:$0x1FC80];
	v33 =	vor.u32 v33, v18;
	_ =	sdelay $0x3  }
0x1e4: {  	[tilespmem:v35+s26+$0x0] =	vst.idx.msk $0xffff, v34  }
0x1e5: {  	v34 =	vor.u32 v37, v8;
	v33 =	vld.idx.msk [tilespmem:v33+s21+$0x0], $0xffff;
	_ =	sdelay $0x4  }
0x1e6: {  	[tilespmem:v34+s26+$0x0] =	vst.idx.msk $0xffff, v33  }
0x1e7: {  	v34 =	vld.idx.msk [tilespmem:v36+s21+$0x0], $0xffff  }
0x1e8: {  	v36 =	vld [tilespmem:$0x1FCA0];
	_ =	sdelay $0x3  }
0x1e9: {  	v38 =	vor.u32 v44, v27  }
0x1ea: {  	v33 =	vand.u32 $0x68, v38;
	v35 =	vor.u32 v36, v8  }
0x1eb: {  	v37 =	vld [tilespmem:$0x1FCC0];
	v33 =	vor.u32 v33, v11;
	_ =	sdelay $0x3  }
0x1ec: {  	v38 =	vld [tilespmem:$0x1FCF0];
	[tilespmem:v35+s26+$0x0] =	vst.idx.msk $0xffff, v34  }
0x1ed: {  	v32 =	vand.u32 $0x68, v32;
	v34 =	vor.u32 v37, v8;
	v33 =	vld.idx.msk [tilespmem:v33+s21+$0x0], $0xffff  }
0x1ee: {  	v32 =	vor.u32 v32, v15;
	v36 =	vld [tilespmem:$0x1FCE0];
	_ =	sdelay $0x3  }
0x1ef: {  	[tilespmem:v34+s26+$0x0] =	vst.idx.msk $0xffff, v33;
	v33 =	vor.u32 v38, v27  }
0x1f0: {  	v34 =	vor.u32 v36, v8;
	v32 =	vld.idx.msk [tilespmem:v32+s21+$0x0], $0xffff;
	v33 =	vand.u32 $0x68, v33  }
0x1f1: {  	v37 =	vld [tilespmem:$0x1FD00];
	v33 =	vor.u32 v33, v9;
	_ =	sdelay $0x3  }
0x1f2: {  	v31 =	vor.u32 v43, v27;
	[tilespmem:v34+s26+$0x0] =	vst.idx.msk $0xffff, v32  }
0x1f3: {  	v31 =	vand.u32 $0x68, v31;
	v32 =	vld.idx.msk [tilespmem:v33+s21+$0x0], $0xffff;
	v33 =	vor.u32 v37, v8  }
0x1f4: {  	v31 =	vor.u32 v31, v10;
	v38 =	vld [tilespmem:$0x1FD10];
	_ =	sdelay $0x2  }
0x1f5: {  	v30 =	vor.u32 v49, v27;
	v26 =	vor.u32 v5, v27;
	v25 =	vor.u32 v7, v27  }
0x1f6: {  	v24 =	vor.u32 v52, v27;
	v27 =	vor.u32 v48, v27;
	[tilespmem:v33+s26+$0x0] =	vst.idx.msk $0xffff, v32  }
0x1f7: {  	v27 =	vand.u32 $0x68, v27;
	v32 =	vor.u32 v38, v8;
	v31 =	vld.idx.msk [tilespmem:v31+s21+$0x0], $0xffff  }
0x1f8: {  	v27 =	vor.u32 v27, v12;
	_ =	sdelay $0x3  }
0x1f9: {  	[tilespmem:v32+s26+$0x0] =	vst.idx.msk $0xffff, v31  }
0x1fa: {  	v30 =	vand.u32 $0x68, v30;
	v31 =	vor.u32 v53, v8;
	v27 =	vld.idx.msk [tilespmem:v27+s21+$0x0], $0xffff  }
0x1fb: {  	v30 =	vor.u32 v30, v17;
	_ =	sdelay $0x3  }
0x1fc: {  	[tilespmem:v31+s26+$0x0] =	vst.idx.msk $0xffff, v27  }
0x1fd: {  	v29 =	vand.u32 $0x68, v29;
	v27 =	vld.idx.msk [tilespmem:v30+s21+$0x0], $0xffff;
	v30 =	vor.u32 v51, v8  }
0x1fe: {  	v29 =	vor.u32 v29, v18;
	_ =	sdelay $0x3  }
0x1ff: {  	[tilespmem:v30+s26+$0x0] =	vst.idx.msk $0xffff, v27  }
0x200: {  	v27 =	vld.idx.msk [tilespmem:v29+s21+$0x0], $0xffff  }
0x201: {  	v29 =	vld [tilespmem:$0x1FD30];
	_ =	sdelay $0x4  }
0x202: {  	v29 =	vor.u32 v29, v8;
	_ =	sdelay $0x4  }
0x203: {  	[tilespmem:v29+s26+$0x0] =	vst.idx.msk $0xffff, v27  }
0x204: {  	v27 =	vld.idx.msk [tilespmem:v28+s21+$0x0], $0xffff  }
0x205: {  	v28 =	vld [tilespmem:$0x1FD40];
	_ =	sdelay $0x4  }
0x206: {  	v28 =	vor.u32 v28, v8;
	_ =	sdelay $0x3  }
0x207: {  	v26 =	vand.u32 $0x78, v26  }
0x208: {  	v26 =	vor.u32 v26, v11;
	[tilespmem:v28+s26+$0x0] =	vst.idx.msk $0xffff, v27;
	v27 =	vld [tilespmem:$0x1FD50];
	_ =	sdelay $0x4  }
0x209: {  	v25 =	vand.u32 $0x78, v25;
	v26 =	vld.idx.msk [tilespmem:v26+s21+$0x0], $0xffff;
	v27 =	vor.u32 v27, v8  }
0x20a: {  	v25 =	vor.u32 v25, v15;
	v36 =	vld [tilespmem:$0x1FDA0];
	_ =	sdelay $0x3  }
0x20b: {  	[tilespmem:v27+s26+$0x0] =	vst.idx.msk $0xffff, v26  }
0x20c: {  	v24 =	vand.u32 $0x78, v24;
	v26 =	vor.u32 v36, v8;
	v25 =	vld.idx.msk [tilespmem:v25+s21+$0x0], $0xffff  }
0x20d: {  	v24 =	vor.u32 v24, v9;
	v37 =	vld [tilespmem:$0x1FDF0];
	_ =	sdelay $0x3  }
0x20e: {  	[tilespmem:v26+s26+$0x0] =	vst.idx.msk $0xffff, v25  }
0x20f: {  	v23 =	vand.u32 $0x78, v23;
	v25 =	vor.u32 v37, v8;
	v24 =	vld.idx.msk [tilespmem:v24+s21+$0x0], $0xffff  }
0x210: {  	v23 =	vor.u32 v23, v10;
	_ =	sdelay $0x3  }
0x211: {  	[tilespmem:v25+s26+$0x0] =	vst.idx.msk $0xffff, v24  }
0x212: {  	v21 =	vand.u32 $0x78, v21;
	v38 =	vor.u32 v45, v8;
	v23 =	vld.idx.msk [tilespmem:v23+s21+$0x0], $0xffff  }
0x213: {  	v21 =	vor.u32 v21, v12;
	_ =	sdelay $0x3  }
0x214: {  	[tilespmem:v38+s26+$0x0] =	vst.idx.msk $0xffff, v23  }
0x215: {  	v22 =	vand.u32 $0x78, v22;
	v26 =	vor.u32 v46, v8;
	v21 =	vld.idx.msk [tilespmem:v21+s21+$0x0], $0xffff  }
0x216: {  	v22 =	vor.u32 v22, v17;
	_ =	sdelay $0x3  }
0x217: {  	[tilespmem:v26+s26+$0x0] =	vst.idx.msk $0xffff, v21  }
0x218: {  	v20 =	vand.u32 $0x78, v20;
	v32 =	vor.u32 v47, v8;
	v21 =	vld.idx.msk [tilespmem:v22+s21+$0x0], $0xffff  }
0x219: {  	v20 =	vor.u32 v20, v18;
	v33 =	vld [tilespmem:$0x1FE70];
	_ =	sdelay $0x3  }
0x21a: {  	[tilespmem:v32+s26+$0x0] =	vst.idx.msk $0xffff, v21  }
0x21b: {  	v21 =	vor.u32 v33, v8;
	v20 =	vld.idx.msk [tilespmem:v20+s21+$0x0], $0xffff  }
0x21c: {  	v34 =	vld [tilespmem:$0x1FE80];
	_ =	sdelay $0x3  }
0x21d: {  	[tilespmem:v21+s26+$0x0] =	vst.idx.msk $0xffff, v20  }
0x21e: {  	v13 =	vand.u32 $0x78, v13;
	v20 =	vor.u32 v34, v8;
	v19 =	vld.idx.msk [tilespmem:v19+s21+$0x0], $0xffff  }
0x21f: {  	v11 =	vor.u32 v13, v11;
	v35 =	vld [tilespmem:$0x1FE90];
	_ =	sdelay $0x3  }
0x220: {  	[tilespmem:v20+s26+$0x0] =	vst.idx.msk $0xffff, v19  }
0x221: {  	v14 =	vand.u32 $0x78, v14;
	v13 =	vor.u32 v35, v8;
	v11 =	vld.idx.msk [tilespmem:v11+s21+$0x0], $0xffff  }
0x222: {  	v14 =	vor.u32 v14, v15;
	_ =	sdelay $0x3  }
0x223: {  	[tilespmem:v13+s26+$0x0] =	vst.idx.msk $0xffff, v11  }
0x224: {  	v36 =	vor.u32 v40, v8;
	v37 =	vand.u32 $0x78, v16;
	v11 =	vld.idx.msk [tilespmem:v14+s21+$0x0], $0xffff  }
0x225: {  	v9 =	vor.u32 v37, v9;
	_ =	sdelay $0x3  }
0x226: {  	v38 =	vld [tilespmem:$0x1FAE0];
	[tilespmem:v36+s26+$0x0] =	vst.idx.msk $0xffff, v11  }
0x227: {  	v11 =	vor.u32 v54, v8;
	v9 =	vld.idx.msk [tilespmem:v9+s21+$0x0], $0xffff;
	_ =	sdelay $0x3  }
0x228: {  	v13 =	vand.u32 $0x78, v38  }
0x229: {  	v10 =	vor.u32 v13, v10;
	[tilespmem:v11+s26+$0x0] =	vst.idx.msk $0xffff, v9;
	v11 =	vld [tilespmem:$0x1FAF0];
	_ =	sdelay $0x4  }
0x22a: {  	v9 =	vld.idx.msk [tilespmem:v10+s21+$0x0], $0xffff;
	v10 =	vor.u32 v4, v8;
	v11 =	vand.u32 $0x78, v11  }
0x22b: {  	v11 =	vor.u32 v11, v12;
	_ =	sdelay $0x3  }
0x22c: {  	[tilespmem:v10+s26+$0x0] =	vst.idx.msk $0xffff, v9  }
0x22d: {  	v9 =	vld.idx.msk [tilespmem:v11+s21+$0x0], $0xffff  }
0x22e: {  	v11 =	vld [tilespmem:$0x1FB00];
	_ =	sdelay $0x4  }
0x22f: {  	v10 =	vor.u32 v6, v8;
	v11 =	vand.u32 $0x78, v11  }
0x230: {  	v11 =	vor.u32 v11, v17;
	_ =	sdelay $0x3  }
0x231: {  	[tilespmem:v10+s26+$0x0] =	vst.idx.msk $0xffff, v9  }
0x232: {  	v9 =	vld.idx.msk [tilespmem:v11+s21+$0x0], $0xffff  }
0x233: {  	v11 =	vld [tilespmem:$0x1FB10];
	_ =	sdelay $0x4  }
0x234: {  	v10 =	vor.u32 v0, v8;
	v11 =	vand.u32 $0x78, v11  }
0x235: {  	p0 =	sne.s32 s8, $0xF0;
	v11 =	vor.u32 v11, v18  }
.Ltmp0:
0x236: {  	_ = 	snop;
	(pc) =	sbr.rel @p0 .LBB2_2-.Ltmp0, $3  }
0x237: {  	_ =	sdelay $0x1  }
0x238: {  	[tilespmem:v10+s26+$0x0] =	vst.idx.msk $0xffff, v9  }
0x239: {  	s8 =	sadd.s32 $0x10, s8;
	v28 =	vmov v39;
	v8 =	vor.u32 v1, v8;
	v9 =	vld.idx.msk [tilespmem:v11+s21+$0x0], $0xffff  }
0x23a: {  	_ =	sdelay $0x3  }
0x23b: {  	s8 =	simm.s32 $0x100;
	[tilespmem:v8+s26+$0x0] =	vst.idx.msk $0xffff, v9  }
0x23c: {  	[hbm4b:s9+s8] =	stream.strided.scatter [tilespmem:s26], [sflag:$0x5], $0x2000, s28, s8, $0x38;
	[tilespmem:$0x14400] =	vst v63  }
0x23d: {  	s10 =	simm.s32 $0x0;
	s11 =	rddreg [dreg:$0x5]  }
0x23e: {  	[tilespmem:s10], [sflag:$0x1] =	stream.linear.gather [hbm4b:s11+s10], $0x100, $0x38;
	[tilespmem:$0x14400] =	vst v63  }
0x23f: {  	_ =	swait.ge [sflag:s18], $0x100  }
0x240: {  	[sflag:s18] =	ssyncset.done $0x0  }
0x241: {  	[sflag:s18] =	ssyncadd.s32 $0xFFFFFF00  }
0x242: {  	v8 =	vld [tilespmem:$0x0]  }
0x243: {  	v9 =	vld [tilespmem:$0x10]  }
0x244: {  	v10 =	vld [tilespmem:$0x20]  }
0x245: {  	v11 =	vld [tilespmem:$0x30]  }
0x246: {  	v12 =	vld [tilespmem:$0x40]  }
0x247: {  	v13 =	vld [tilespmem:$0x50];
	v8 =	vshra.s32 v8, $0x2  }
0x248: {  	[tilespmem:$0x200] =	vst v8;
	v8 =	vshra.s32 v9, $0x2;
	v9 =	vld [tilespmem:$0x60]  }
0x249: {  	[tilespmem:$0x210] =	vst v8;
	v8 =	vshra.s32 v10, $0x2;
	v10 =	vld [tilespmem:$0x70]  }
0x24a: {  	[tilespmem:$0x220] =	vst v8;
	v8 =	vshra.s32 v11, $0x2;
	v11 =	vld [tilespmem:$0x80]  }
0x24b: {  	v38 =	vld [tilespmem:$0x90];
	[tilespmem:$0x230] =	vst v8;
	v8 =	vshra.s32 v12, $0x2  }
0x24c: {  	v16 =	vld [tilespmem:$0xA0];
	[tilespmem:$0x240] =	vst v8;
	v8 =	vshra.s32 v13, $0x2  }
0x24d: {  	[tilespmem:$0x250] =	vst v8;
	v8 =	vshra.s32 v9, $0x2;
	v9 =	vld [tilespmem:$0xB0]  }
0x24e: {  	[tilespmem:$0x260] =	vst v8;
	v8 =	vshra.s32 v10, $0x2;
	v10 =	vld [tilespmem:$0xC0]  }
0x24f: {  	[tilespmem:$0x270] =	vst v8;
	v8 =	vshra.s32 v11, $0x2;
	v11 =	vld [tilespmem:$0xD0]  }
0x250: {  	v17 =	vld [tilespmem:$0xE0];
	[tilespmem:$0x280] =	vst v8;
	v8 =	vshra.s32 v38, $0x2  }
0x251: {  	v18 =	vld [tilespmem:$0xF0];
	[tilespmem:$0x290] =	vst v8;
	v8 =	vshra.s32 v16, $0x2  }
0x252: {  	[tilespmem:$0x2A0] =	vst v8;
	v8 =	vshra.s32 v9, $0x2  }
0x253: {  	[tilespmem:$0x2B0] =	vst v8;
	v8 =	vshra.s32 v10, $0x2  }
0x254: {  	[tilespmem:$0x2C0] =	vst v8;
	v8 =	vshra.s32 v11, $0x2  }
0x255: {  	[tilespmem:$0x2D0] =	vst v8;
	v8 =	vshra.s32 v17, $0x2  }
0x256: {  	[tilespmem:$0x2E0] =	vst v8;
	v8 =	vshra.s32 v18, $0x2  }
0x257: {  	[tilespmem:$0x2F0] =	vst v8  }
0x258: {  	[tilespmem:s21], [sflag:$0x3] =	stream.indirect.gather [hbm4b:s1+s8], $0x80, s20, s8, $0xb8;
	[tilespmem:$0x14400] =	vst v63  }
0x259: {  	_ =	swait.ge [sflag:s29], $0x8000  }
0x25a: {  	[sflag:s29] =	ssyncset.done $0x0  }
0x25b: {  	[sflag:s29] =	ssyncadd.s32 $0xFFFF8000  }
0x25c: {  	v8 =	vld [tilespmem:s8+$0x0];
	_ =	sdelay $0x4  }
0x25d: {  	v10 =	vor.u32 s10, v57;
	v9 =	vshll.u32 v8, $0x5  }
0x25e: {  	v16 =	vshll.u32 v10, $0x7;
	v8 =	vor.u32 v57, v9  }
0x25f: {  	v12 =	vor.u32 v2, v16;
	v8 =	vand.u32 $0x68, v8  }
0x260: {  	v11 =	vor.u32 v8, v12;
	_ =	sdelay $0x3  }
0x261: {  	v8 =	vand.u32 $0xF8, v10  }
0x262: {  	v14 =	vor.u32 v58, v8;
	v11 =	vld.idx.msk [tilespmem:v11+s24+$0x0], $0xffff;
	_ =	sdelay $0x2  }
0x263: {  	v19 =	vor.u32 v59, v9  }
0x264: {  	v13 =	vand.u32 $0x68, v19;
	v10 =	vor.u32 v60, v16  }
0x265: {  	v13 =	vor.u32 v13, v10;
	[tilespmem:v14+s30+$0x0] =	vst.idx.msk $0xffff, v11;
	v11 =	vld [tilespmem:$0x1FBE0];
	_ =	sdelay $0x3  }
0x266: {  	v23 =	vld [tilespmem:$0x1FBF0];
	v15 =	vor.u32 v62, v9  }
0x267: {  	v20 =	vand.u32 $0x68, v15;
	v21 =	vor.u32 v61, v8;
	v13 =	vld.idx.msk [tilespmem:v13+s24+$0x0], $0xffff;
	v11 =	vor.u32 v11, v16  }
0x268: {  	v33 =	vld [tilespmem:$0x1FC00];
	v14 =	vor.u32 v20, v11;
	_ =	sdelay $0x3  }
0x269: {  	v35 =	vld [tilespmem:$0x1FC10];
	v17 =	vor.u32 v55, v9;
	[tilespmem:v21+s30+$0x0] =	vst.idx.msk $0xffff, v13  }
0x26a: {  	v22 =	vand.u32 $0x68, v17;
	v32 =	vor.u32 v23, v8;
	v15 =	vld.idx.msk [tilespmem:v14+s24+$0x0], $0xffff;
	v14 =	vor.u32 v33, v16  }
0x26b: {  	v37 =	vld [tilespmem:$0x1FC20];
	v13 =	vor.u32 v22, v14;
	_ =	sdelay $0x3  }
0x26c: {  	v18 =	vor.u32 v50, v9;
	[tilespmem:v32+s30+$0x0] =	vst.idx.msk $0xffff, v15  }
0x26d: {  	v34 =	vand.u32 $0x68, v18;
	v17 =	vor.u32 v37, v16;
	v36 =	vor.u32 v35, v8;
	v13 =	vld.idx.msk [tilespmem:v13+s24+$0x0], $0xffff  }
0x26e: {  	v29 =	vmov v50;
	v50 =	vld [tilespmem:$0x1FC30];
	v15 =	vor.u32 v34, v17;
	_ =	sdelay $0x3  }
0x26f: {  	v19 =	vor.u32 v63, v9;
	[tilespmem:v36+s30+$0x0] =	vst.idx.msk $0xffff, v13  }
0x270: {  	v38 =	vand.u32 $0x68, v19;
	v19 =	vor.u32 v50, v8;
	v13 =	vor.u32 v42, v16;
	v15 =	vld.idx.msk [tilespmem:v15+s24+$0x0], $0xffff  }
0x271: {  	v30 =	vmov v63;
	v63 =	vld [tilespmem:$0x1FC40];
	v18 =	vor.u32 v38, v13;
	_ =	sdelay $0x2  }
0x272: {  	v23 =	vld [tilespmem:$0x1FC60]  }
0x273: {  	v20 =	vor.u32 v41, v9;
	v33 =	vld [tilespmem:$0x1FC50];
	[tilespmem:v19+s30+$0x0] =	vst.idx.msk $0xffff, v15  }
0x274: {  	v57 =	vand.u32 $0x68, v20;
	v20 =	vor.u32 v63, v8;
	v15 =	vor.u32 v56, v16;
	v18 =	vld.idx.msk [tilespmem:v18+s24+$0x0], $0xffff  }
0x275: {  	v32 =	vld [tilespmem:$0x1FC70];
	v19 =	vor.u32 v57, v15;
	_ =	sdelay $0x3  }
0x276: {  	[tilespmem:v20+s30+$0x0] =	vst.idx.msk $0xffff, v18;
	v18 =	vor.u32 v23, v9  }
0x277: {  	v16 =	vor.u32 v32, v16;
	v20 =	vor.u32 v33, v8;
	v18 =	vand.u32 $0x68, v18;
	v19 =	vld.idx.msk [tilespmem:v19+s24+$0x0], $0xffff  }
0x278: {  	v35 =	vld [tilespmem:$0x1FC80];
	v18 =	vor.u32 v18, v16;
	_ =	sdelay $0x3  }
0x279: {  	v34 =	vor.u32 v28, v9;
	[tilespmem:v20+s30+$0x0] =	vst.idx.msk $0xffff, v19  }
0x27a: {  	v19 =	vand.u32 $0x68, v34;
	v20 =	vor.u32 v35, v8;
	v18 =	vld.idx.msk [tilespmem:v18+s24+$0x0], $0xffff  }
0x27b: {  	v37 =	vld [tilespmem:$0x1FCA0];
	v19 =	vor.u32 v19, v12;
	_ =	sdelay $0x3  }
0x27c: {  	v36 =	vor.u32 v44, v9;
	v38 =	vld [tilespmem:$0x1FCD0];
	[tilespmem:v20+s30+$0x0] =	vst.idx.msk $0xffff, v18  }
0x27d: {  	v20 =	vor.u32 v37, v8;
	v18 =	vand.u32 $0x68, v36;
	v19 =	vld.idx.msk [tilespmem:v19+s24+$0x0], $0xffff  }
0x27e: {  	v50 =	vld [tilespmem:$0x1FCC0];
	v18 =	vor.u32 v18, v10;
	_ =	sdelay $0x3  }
0x27f: {  	v57 =	vld [tilespmem:$0x1FCF0];
	[tilespmem:v20+s30+$0x0] =	vst.idx.msk $0xffff, v19;
	v19 =	vor.u32 v38, v9  }
0x280: {  	v20 =	vor.u32 v50, v8;
	v18 =	vld.idx.msk [tilespmem:v18+s24+$0x0], $0xffff;
	v19 =	vand.u32 $0x68, v19  }
0x281: {  	v63 =	vld [tilespmem:$0x1FCE0];
	v19 =	vor.u32 v19, v11;
	_ =	sdelay $0x3  }
0x282: {  	[tilespmem:v20+s30+$0x0] =	vst.idx.msk $0xffff, v18;
	v18 =	vor.u32 v57, v9  }
0x283: {  	v20 =	vor.u32 v63, v8;
	v19 =	vld.idx.msk [tilespmem:v19+s24+$0x0], $0xffff;
	v18 =	vand.u32 $0x68, v18  }
0x284: {  	v33 =	vld [tilespmem:$0x1FD00];
	v18 =	vor.u32 v18, v14;
	_ =	sdelay $0x3  }
0x285: {  	v32 =	vor.u32 v43, v9;
	[tilespmem:v20+s30+$0x0] =	vst.idx.msk $0xffff, v19  }
0x286: {  	v20 =	vor.u32 v33, v8;
	v19 =	vand.u32 $0x68, v32;
	v18 =	vld.idx.msk [tilespmem:v18+s24+$0x0], $0xffff  }
0x287: {  	v35 =	vld [tilespmem:$0x1FD10];
	v19 =	vor.u32 v19, v17;
	_ =	sdelay $0x3  }
0x288: {  	v34 =	vor.u32 v48, v9;
	[tilespmem:v20+s30+$0x0] =	vst.idx.msk $0xffff, v18  }
0x289: {  	v20 =	vor.u32 v35, v8;
	v18 =	vand.u32 $0x68, v34;
	v19 =	vld.idx.msk [tilespmem:v19+s24+$0x0], $0xffff  }
0x28a: {  	v18 =	vor.u32 v18, v13;
	_ =	sdelay $0x3  }
0x28b: {  	v36 =	vor.u32 v49, v9;
	v38 =	vld [tilespmem:$0x1FD20];
	[tilespmem:v20+s30+$0x0] =	vst.idx.msk $0xffff, v19  }
0x28c: {  	v37 =	vor.u32 v53, v8;
	v19 =	vand.u32 $0x68, v36;
	v18 =	vld.idx.msk [tilespmem:v18+s24+$0x0], $0xffff  }
0x28d: {  	v19 =	vor.u32 v19, v15;
	_ =	sdelay $0x3  }
0x28e: {  	[tilespmem:v37+s30+$0x0] =	vst.idx.msk $0xffff, v18;
	v18 =	vor.u32 v38, v9  }
0x28f: {  	v50 =	vor.u32 v51, v8;
	v18 =	vand.u32 $0x68, v18;
	v19 =	vld.idx.msk [tilespmem:v19+s24+$0x0], $0xffff  }
0x290: {  	v57 =	vld [tilespmem:$0x1FD30];
	v18 =	vor.u32 v18, v16;
	_ =	sdelay $0x3  }
0x291: {  	v53 =	vor.u32 v3, v9;
	[tilespmem:v50+s30+$0x0] =	vst.idx.msk $0xffff, v19  }
0x292: {  	v20 =	vor.u32 v57, v8;
	v19 =	vand.u32 $0x78, v53;
	v18 =	vld.idx.msk [tilespmem:v18+s24+$0x0], $0xffff  }
0x293: {  	v32 =	vld [tilespmem:$0x1FD40];
	v19 =	vor.u32 v19, v12;
	_ =	sdelay $0x3  }
0x294: {  	v63 =	vor.u32 v5, v9;
	[tilespmem:v20+s30+$0x0] =	vst.idx.msk $0xffff, v18  }
0x295: {  	v20 =	vor.u32 v32, v8;
	v18 =	vand.u32 $0x78, v63;
	v19 =	vld.idx.msk [tilespmem:v19+s24+$0x0], $0xffff  }
0x296: {  	v34 =	vld [tilespmem:$0x1FD50];
	v18 =	vor.u32 v18, v10;
	_ =	sdelay $0x3  }
0x297: {  	v33 =	vor.u32 v7, v9;
	[tilespmem:v20+s30+$0x0] =	vst.idx.msk $0xffff, v19  }
0x298: {  	v20 =	vor.u32 v34, v8;
	v19 =	vand.u32 $0x78, v33;
	v18 =	vld.idx.msk [tilespmem:v18+s24+$0x0], $0xffff  }
0x299: {  	v36 =	vld [tilespmem:$0x1FDA0];
	v19 =	vor.u32 v19, v11;
	_ =	sdelay $0x3  }
0x29a: {  	v35 =	vor.u32 v52, v9;
	v37 =	vld [tilespmem:$0x1FB20];
	[tilespmem:v20+s30+$0x0] =	vst.idx.msk $0xffff, v18  }
0x29b: {  	v20 =	vor.u32 v36, v8;
	v18 =	vand.u32 $0x78, v35;
	v19 =	vld.idx.msk [tilespmem:v19+s24+$0x0], $0xffff  }
0x29c: {  	v38 =	vld [tilespmem:$0x1FDF0];
	v18 =	vor.u32 v18, v14;
	_ =	sdelay $0x3  }
0x29d: {  	v50 =	vld [tilespmem:$0x1FB30];
	[tilespmem:v20+s30+$0x0] =	vst.idx.msk $0xffff, v19;
	v19 =	vor.u32 v37, v9  }
0x29e: {  	v20 =	vor.u32 v38, v8;
	v18 =	vld.idx.msk [tilespmem:v18+s24+$0x0], $0xffff;
	v19 =	vand.u32 $0x78, v19  }
0x29f: {  	v19 =	vor.u32 v19, v17;
	_ =	sdelay $0x3  }
0x2a0: {  	v57 =	vld [tilespmem:$0x1FB40];
	[tilespmem:v20+s30+$0x0] =	vst.idx.msk $0xffff, v18;
	v18 =	vor.u32 v50, v9  }
0x2a1: {  	v53 =	vor.u32 v45, v8;
	v18 =	vand.u32 $0x78, v18;
	v19 =	vld.idx.msk [tilespmem:v19+s24+$0x0], $0xffff  }
0x2a2: {  	v18 =	vor.u32 v18, v13;
	_ =	sdelay $0x3  }
0x2a3: {  	v23 =	vld [tilespmem:$0x1FB50];
	[tilespmem:v53+s30+$0x0] =	vst.idx.msk $0xffff, v19;
	v19 =	vor.u32 v57, v9  }
0x2a4: {  	v63 =	vor.u32 v46, v8;
	v18 =	vld.idx.msk [tilespmem:v18+s24+$0x0], $0xffff;
	v19 =	vand.u32 $0x78, v19  }
0x2a5: {  	v19 =	vor.u32 v19, v15;
	_ =	sdelay $0x3  }
0x2a6: {  	v33 =	vld [tilespmem:$0x1FB60];
	[tilespmem:v63+s30+$0x0] =	vst.idx.msk $0xffff, v18;
	v18 =	vor.u32 v23, v9  }
0x2a7: {  	v32 =	vor.u32 v47, v8;
	v19 =	vld.idx.msk [tilespmem:v19+s24+$0x0], $0xffff;
	v18 =	vand.u32 $0x78, v18  }
0x2a8: {  	v50 =	vld [tilespmem:$0x1FE70];
	v18 =	vor.u32 v18, v16;
	_ =	sdelay $0x3  }
0x2a9: {  	v35 =	vld [tilespmem:$0x1FB70];
	[tilespmem:v32+s30+$0x0] =	vst.idx.msk $0xffff, v19;
	v19 =	vor.u32 v33, v9  }
0x2aa: {  	v34 =	vor.u32 v50, v8;
	v19 =	vand.u32 $0x78, v19;
	v18 =	vld.idx.msk [tilespmem:v18+s24+$0x0], $0xffff  }
0x2ab: {  	v36 =	vld [tilespmem:$0x1FE80];
	v12 =	vor.u32 v19, v12;
	_ =	sdelay $0x3  }
0x2ac: {  	[tilespmem:v34+s30+$0x0] =	vst.idx.msk $0xffff, v18;
	v18 =	vor.u32 v35, v9  }
0x2ad: {  	v19 =	vor.u32 v36, v8;
	v12 =	vld.idx.msk [tilespmem:v12+s24+$0x0], $0xffff;
	v18 =	vand.u32 $0x78, v18  }
0x2ae: {  	v38 =	vld [tilespmem:$0x1FE90];
	v10 =	vor.u32 v18, v10;
	_ =	sdelay $0x3  }
0x2af: {  	v37 =	vld [tilespmem:$0x1FB80];
	[tilespmem:v19+s30+$0x0] =	vst.idx.msk $0xffff, v12  }
0x2b0: {  	v45 =	vor.u32 v38, v8;
	v10 =	vld.idx.msk [tilespmem:v10+s24+$0x0], $0xffff;
	_ =	sdelay $0x3  }
0x2b1: {  	v12 =	vor.u32 v37, v9  }
0x2b2: {  	v12 =	vand.u32 $0x78, v12;
	[tilespmem:v45+s30+$0x0] =	vst.idx.msk $0xffff, v10;
	v10 =	vld [tilespmem:$0x1FB90]  }
0x2b3: {  	v11 =	vor.u32 v12, v11;
	_ =	sdelay $0x3  }
0x2b4: {  	v10 =	vor.u32 v10, v9  }
0x2b5: {  	v46 =	vor.u32 v40, v8;
	v11 =	vld.idx.msk [tilespmem:v11+s24+$0x0], $0xffff;
	v10 =	vand.u32 $0x78, v10  }
0x2b6: {  	v10 =	vor.u32 v10, v14;
	_ =	sdelay $0x3  }
0x2b7: {  	[tilespmem:v46+s30+$0x0] =	vst.idx.msk $0xffff, v11;
	v11 =	vld [tilespmem:$0x1FBA0]  }
0x2b8: {  	v47 =	vor.u32 v54, v8;
	v10 =	vld.idx.msk [tilespmem:v10+s24+$0x0], $0xffff;
	_ =	sdelay $0x3  }
0x2b9: {  	v11 =	vor.u32 v11, v9  }
0x2ba: {  	v11 =	vand.u32 $0x78, v11;
	[tilespmem:v47+s30+$0x0] =	vst.idx.msk $0xffff, v10;
	v10 =	vld [tilespmem:$0x1FBB0]  }
0x2bb: {  	v11 =	vor.u32 v11, v17;
	_ =	sdelay $0x3  }
0x2bc: {  	v10 =	vor.u32 v10, v9  }
0x2bd: {  	v53 =	vor.u32 v4, v8;
	v11 =	vld.idx.msk [tilespmem:v11+s24+$0x0], $0xffff;
	v10 =	vand.u32 $0x78, v10  }
0x2be: {  	v10 =	vor.u32 v10, v13;
	_ =	sdelay $0x3  }
0x2bf: {  	[tilespmem:v53+s30+$0x0] =	vst.idx.msk $0xffff, v11;
	v11 =	vld [tilespmem:$0x1FBC0]  }
0x2c0: {  	v57 =	vor.u32 v6, v8;
	v10 =	vld.idx.msk [tilespmem:v10+s24+$0x0], $0xffff;
	_ =	sdelay $0x3  }
0x2c1: {  	v11 =	vor.u32 v11, v9  }
0x2c2: {  	v11 =	vand.u32 $0x78, v11;
	[tilespmem:v57+s30+$0x0] =	vst.idx.msk $0xffff, v10;
	v10 =	vld [tilespmem:$0x1FBD0]  }
0x2c3: {  	v11 =	vor.u32 v11, v15;
	_ =	sdelay $0x3  }
0x2c4: {  	v9 =	vor.u32 v10, v9  }
0x2c5: {  	v10 =	vld.idx.msk [tilespmem:v11+s24+$0x0], $0xffff;
	v11 =	vor.u32 v0, v8;
	v9 =	vand.u32 $0x78, v9  }
0x2c6: {  	v9 =	vor.u32 v9, v16;
	_ =	sdelay $0x2  }
0x2c7: {  	[tilespmem:$0x1FAD0] =	vst v52  }
0x2c8: {  	v26 =	vmovc v52;
	v31 =	vmov v41;
	v27 =	vmov v44;
	v3 =	vmov v55;
	[tilespmem:v11+s30+$0x0] =	vst.idx.msk $0xffff, v10  }
0x2c9: {  	s10 =	simm.s32 $0x10;
	v63 =	vmovc v40;
	v40 =	vmovc v38;
	v32 =	vmov v42;
	v33 =	vmov v56;
	v8 =	vor.u32 v1, v8;
	v9 =	vld.idx.msk [tilespmem:v9+s24+$0x0], $0xffff  }
.LBB2_4:
0x2ca: {  	_ =	sdelay $0x3  }
0x2cb: {  	s8 =	sadd.s32 $0x10, s8;
	[tilespmem:v8+s30+$0x0] =	vst.idx.msk $0xffff, v9  }
0x2cc: {  	v8 =	vld [tilespmem:s8+$0x0];
	_ =	sdelay $0x3  }
0x2cd: {  	s11 =	smov.u32 s10;
	v10 =	vlaneseq.u32  }
0x2ce: {  	v9 =	vor.u32 s11, v10;
	v13 =	vshll.u32 v8, $0x5  }
0x2cf: {  	v19 =	vshll.u32 v9, $0x7;
	v8 =	vor.u32 v10, v13;
	v10 =	vor.u32 v59, v13  }
0x2d0: {  	v22 =	vor.u32 v60, v19;
	v10 =	vand.u32 $0x68, v10  }
0x2d1: {  	v16 =	vor.u32 v10, v22;
	v10 =	vld [tilespmem:$0x1FBE0];
	_ =	sdelay $0x3  }
0x2d2: {  	v14 =	vor.u32 v2, v19;
	v8 =	vand.u32 $0x68, v8  }
0x2d3: {  	v15 =	vor.u32 v8, v14;
	v23 =	vor.u32 v10, v19;
	v10 =	vor.u32 v3, v13  }
0x2d4: {  	v36 =	vand.u32 $0x68, v10;
	v10 =	vld [tilespmem:$0x1FC60];
	_ =	sdelay $0x2  }
0x2d5: {  	v45 =	vld [tilespmem:$0x1FF30];
	v24 =	vor.u32 v32, v19;
	v8 =	vand.u32 $0xF8, v9  }
0x2d6: {  	v25 =	vor.u32 v33, v19;
	v17 =	vor.u32 v29, v13;
	v21 =	vor.u32 v58, v8;
	v15 =	vld.idx.msk [tilespmem:v15+s24+$0x0], $0xffff  }
0x2d7: {  	v57 =	vor.u32 v31, v13;
	v9 =	vor.u32 v62, v13;
	v12 =	vor.u32 v10, v13;
	v10 =	vld [tilespmem:$0x1FC70]  }
0x2d8: {  	v35 =	vld [tilespmem:$0x1FCD0];
	v34 =	vor.u32 v28, v13;
	v37 =	vand.u32 $0x68, v17;
	v9 =	vand.u32 $0x68, v9  }
0x2d9: {  	v41 =	vld [tilespmem:$0x1FCF0];
	v17 =	vand.u32 $0x68, v57;
	v18 =	vor.u32 v9, v23;
	v9 =	vor.u32 v30, v13  }
0x2da: {  	v42 =	vld [tilespmem:$0x1FD20];
	v55 =	vmovc v49;
	v56 =	vor.u32 v49, v13;
	v20 =	vand.u32 $0x68, v9;
	v9 =	vor.u32 v17, v25  }
0x2db: {  	v53 =	vld [tilespmem:$0x1FB20];
	v38 =	vor.u32 v20, v24;
	v20 =	vand.u32 $0x68, v34;
	v34 =	vor.u32 v43, v13;
	[tilespmem:v21+s30+$0x0] =	vst.idx.msk $0xffff, v15  }
0x2dc: {  	v49 =	vmovc v43;
	v43 =	vld.idx.msk [tilespmem:v16+s24+$0x0], $0xffff;
	v16 =	vor.u32 v45, v13;
	v17 =	vand.u32 $0x68, v12;
	v47 =	vor.u32 v10, v19  }
0x2dd: {  	v11 =	vor.u32 v20, v14;
	v20 =	vld [tilespmem:$0x1FB30];
	v46 =	vand.u32 $0x78, v16;
	v10 =	vor.u32 v17, v47  }
0x2de: {  	v17 =	vor.u32 v35, v13;
	v35 =	vor.u32 v41, v13;
	v41 =	vor.u32 v46, v14;
	v46 =	vld [tilespmem:$0x1FB50];
	_ =	sdelay $0x1  }
0x2df: {  	v52 =	vmov v51  }
0x2e0: {  	v51 =	vmovc v48;
	v44 =	vor.u32 v48, v13;
	v48 =	vor.u32 v61, v8;
	v15 =	vor.u32 v42, v13;
	v21 =	vld [tilespmem:$0x1FB40]  }
0x2e1: {  	v15 =	vand.u32 $0x68, v15;
	v45 =	vor.u32 v26, v13;
	v26 =	vor.u32 v53, v13;
	v53 =	vld [tilespmem:$0x1FB60]  }
0x2e2: {  	v42 =	vor.u32 v15, v47;
	v15 =	vor.u32 v20, v13;
	v20 =	vor.u32 v46, v13;
	v46 =	vld [tilespmem:$0x1FB70];
	_ =	sdelay $0x2  }
0x2e3: {  	[tilespmem:v48+s30+$0x0] =	vst.idx.msk $0xffff, v43;
	v48 =	vld [tilespmem:$0x1FB80]  }
0x2e4: {  	v16 =	vor.u32 v21, v13;
	v21 =	vor.u32 v53, v13  }
0x2e5: {  	v53 =	vand.u32 $0x78, v21;
	v21 =	vor.u32 v46, v13;
	v46 =	vld [tilespmem:$0x1FB90];
	_ =	sdelay $0x2  }
0x2e6: {  	v43 =	vor.u32 v48, v13;
	v48 =	vld [tilespmem:$0x1FBA0]  }
0x2e7: {  	[tilespmem:$0x1FA80] =	vst v43;
	v43 =	vld.idx.msk [tilespmem:v18+s24+$0x0], $0xffff  }
0x2e8: {  	v18 =	vor.u32 v46, v13;
	v46 =	vld [tilespmem:$0x1FBB0];
	_ =	sdelay $0x3  }
0x2e9: {  	[tilespmem:$0x1FA90] =	vst v18;
	v18 =	vor.u32 v48, v13  }
0x2ea: {  	[tilespmem:$0x1FAA0] =	vst v18;
	v18 =	vor.u32 v46, v13;
	v46 =	vld [tilespmem:$0x1FC00];
	_ =	sdelay $0x3  }
0x2eb: {  	v48 =	vld [tilespmem:$0x1FBF0]  }
0x2ec: {  	[tilespmem:$0x1FAB0] =	vst v18;
	v18 =	vor.u32 v46, v19;
	v46 =	vld [tilespmem:$0x1FBC0];
	_ =	sdelay $0x4  }
0x2ed: {  	v48 =	vor.u32 v48, v8;
	v46 =	vor.u32 v46, v13  }
0x2ee: {  	[tilespmem:$0x1FAC0] =	vst v46;
	v46 =	vld [tilespmem:$0x1FBD0];
	_ =	sdelay $0x2  }
0x2ef: {  	v28 =	vor.u32 v7, v13  }
0x2f0: {  	v57 =	vor.u32 v5, v13;
	[tilespmem:v48+s30+$0x0] =	vst.idx.msk $0xffff, v43;
	v48 =	vmov v51;
	v51 =	vmov v52;
	v52 =	vld [tilespmem:$0x1FC10]  }
0x2f1: {  	v12 =	vor.u32 v27, v13;
	v36 =	vor.u32 v36, v18;
	v13 =	vor.u32 v46, v13;
	v46 =	vld [tilespmem:$0x1FC20];
	_ =	sdelay $0x4  }
0x2f2: {  	v36 =	vld.idx.msk [tilespmem:v36+s24+$0x0], $0xffff;
	v43 =	vor.u32 v52, v8;
	v19 =	vor.u32 v46, v19  }
0x2f3: {  	v46 =	vld [tilespmem:$0x1FC30];
	v37 =	vor.u32 v37, v19;
	_ =	sdelay $0x3  }
0x2f4: {  	[tilespmem:v43+s30+$0x0] =	vst.idx.msk $0xffff, v36  }
0x2f5: {  	v36 =	vld.idx.msk [tilespmem:v37+s24+$0x0], $0xffff;
	v37 =	vor.u32 v46, v8  }
0x2f6: {  	v52 =	vld [tilespmem:$0x1FC40];
	_ =	sdelay $0x3  }
0x2f7: {  	[tilespmem:v37+s30+$0x0] =	vst.idx.msk $0xffff, v36  }
0x2f8: {  	v37 =	vor.u32 v52, v8;
	v36 =	vld.idx.msk [tilespmem:v38+s24+$0x0], $0xffff  }
0x2f9: {  	v43 =	vmov v49;
	v49 =	vmov v55;
	v55 =	vld [tilespmem:$0x1FC50];
	_ =	sdelay $0x3  }
0x2fa: {  	[tilespmem:v37+s30+$0x0] =	vst.idx.msk $0xffff, v36  }
0x2fb: {  	v36 =	vor.u32 v55, v8;
	v9 =	vld.idx.msk [tilespmem:v9+s24+$0x0], $0xffff;
	_ =	sdelay $0x4  }
0x2fc: {  	[tilespmem:v36+s30+$0x0] =	vst.idx.msk $0xffff, v9  }
0x2fd: {  	v9 =	vld.idx.msk [tilespmem:v10+s24+$0x0], $0xffff  }
0x2fe: {  	v10 =	vld [tilespmem:$0x1FC80];
	_ =	sdelay $0x4  }
0x2ff: {  	v10 =	vor.u32 v10, v8;
	_ =	sdelay $0x4  }
0x300: {  	[tilespmem:v10+s30+$0x0] =	vst.idx.msk $0xffff, v9;
	v10 =	vld [tilespmem:$0x1FCA0];
	_ =	sdelay $0x4  }
0x301: {  	v9 =	vld.idx.msk [tilespmem:v11+s24+$0x0], $0xffff;
	v10 =	vor.u32 v10, v8;
	_ =	sdelay $0x3  }
0x302: {  	v11 =	vand.u32 $0x68, v12  }
0x303: {  	v11 =	vor.u32 v11, v22;
	[tilespmem:v10+s30+$0x0] =	vst.idx.msk $0xffff, v9;
	v10 =	vld [tilespmem:$0x1FCC0];
	_ =	sdelay $0x4  }
0x304: {  	v9 =	vld.idx.msk [tilespmem:v11+s24+$0x0], $0xffff;
	v10 =	vor.u32 v10, v8;
	_ =	sdelay $0x3  }
0x305: {  	v11 =	vand.u32 $0x68, v17  }
0x306: {  	v11 =	vor.u32 v11, v23;
	[tilespmem:v10+s30+$0x0] =	vst.idx.msk $0xffff, v9;
	v10 =	vld [tilespmem:$0x1FCE0];
	_ =	sdelay $0x4  }
0x307: {  	v9 =	vld.idx.msk [tilespmem:v11+s24+$0x0], $0xffff;
	v10 =	vor.u32 v10, v8;
	_ =	sdelay $0x3  }
0x308: {  	v11 =	vand.u32 $0x68, v35  }
0x309: {  	v11 =	vor.u32 v11, v18;
	[tilespmem:v10+s30+$0x0] =	vst.idx.msk $0xffff, v9;
	v10 =	vld [tilespmem:$0x1FD00];
	_ =	sdelay $0x4  }
0x30a: {  	v9 =	vld.idx.msk [tilespmem:v11+s24+$0x0], $0xffff;
	v10 =	vor.u32 v10, v8;
	_ =	sdelay $0x3  }
0x30b: {  	v11 =	vand.u32 $0x68, v34  }
0x30c: {  	v11 =	vor.u32 v11, v19;
	[tilespmem:v10+s30+$0x0] =	vst.idx.msk $0xffff, v9;
	v10 =	vld [tilespmem:$0x1FD10];
	_ =	sdelay $0x4  }
0x30d: {  	v9 =	vld.idx.msk [tilespmem:v11+s24+$0x0], $0xffff;
	v11 =	vand.u32 $0x68, v44;
	v10 =	vor.u32 v10, v8  }
0x30e: {  	v14 =	vor.u32 v53, v14;
	v53 =	vld [tilespmem:$0x1FF70];
	v11 =	vor.u32 v11, v24;
	_ =	sdelay $0x3  }
0x30f: {  	[tilespmem:v10+s30+$0x0] =	vst.idx.msk $0xffff, v9  }
0x310: {  	v10 =	vor.u32 v53, v8;
	v9 =	vld.idx.msk [tilespmem:v11+s24+$0x0], $0xffff;
	v11 =	vand.u32 $0x68, v56  }
0x311: {  	v11 =	vor.u32 v11, v25;
	_ =	sdelay $0x3  }
0x312: {  	[tilespmem:v10+s30+$0x0] =	vst.idx.msk $0xffff, v9  }
0x313: {  	v10 =	vor.u32 v51, v8;
	v9 =	vld.idx.msk [tilespmem:v11+s24+$0x0], $0xffff;
	_ =	sdelay $0x4  }
0x314: {  	[tilespmem:v10+s30+$0x0] =	vst.idx.msk $0xffff, v9;
	v10 =	vld [tilespmem:$0x1FD30];
	_ =	sdelay $0x4  }
0x315: {  	v9 =	vld.idx.msk [tilespmem:v42+s24+$0x0], $0xffff;
	v10 =	vor.u32 v10, v8;
	_ =	sdelay $0x4  }
0x316: {  	[tilespmem:v10+s30+$0x0] =	vst.idx.msk $0xffff, v9;
	v10 =	vld [tilespmem:$0x1FD40];
	_ =	sdelay $0x4  }
0x317: {  	v9 =	vld.idx.msk [tilespmem:v41+s24+$0x0], $0xffff;
	v10 =	vor.u32 v10, v8;
	_ =	sdelay $0x3  }
0x318: {  	v11 =	vand.u32 $0x78, v57  }
0x319: {  	v11 =	vor.u32 v11, v22;
	[tilespmem:v10+s30+$0x0] =	vst.idx.msk $0xffff, v9;
	v10 =	vld [tilespmem:$0x1FD50];
	_ =	sdelay $0x4  }
0x31a: {  	v9 =	vld.idx.msk [tilespmem:v11+s24+$0x0], $0xffff;
	v10 =	vor.u32 v10, v8;
	_ =	sdelay $0x3  }
0x31b: {  	v11 =	vand.u32 $0x78, v28  }
0x31c: {  	v11 =	vor.u32 v11, v23;
	[tilespmem:v10+s30+$0x0] =	vst.idx.msk $0xffff, v9;
	v10 =	vld [tilespmem:$0x1FDA0];
	_ =	sdelay $0x4  }
0x31d: {  	v9 =	vld.idx.msk [tilespmem:v11+s24+$0x0], $0xffff;
	v10 =	vor.u32 v10, v8;
	_ =	sdelay $0x3  }
0x31e: {  	v11 =	vand.u32 $0x78, v45  }
0x31f: {  	v11 =	vor.u32 v11, v18;
	[tilespmem:v10+s30+$0x0] =	vst.idx.msk $0xffff, v9;
	v10 =	vld [tilespmem:$0x1FDF0];
	_ =	sdelay $0x4  }
0x320: {  	v9 =	vld.idx.msk [tilespmem:v11+s24+$0x0], $0xffff;
	v10 =	vor.u32 v10, v8;
	_ =	sdelay $0x3  }
0x321: {  	v11 =	vand.u32 $0x78, v26  }
0x322: {  	v11 =	vor.u32 v11, v19;
	[tilespmem:v10+s30+$0x0] =	vst.idx.msk $0xffff, v9;
	v10 =	vld [tilespmem:$0x1FE40];
	_ =	sdelay $0x4  }
0x323: {  	v9 =	vld.idx.msk [tilespmem:v11+s24+$0x0], $0xffff;
	v10 =	vor.u32 v10, v8;
	_ =	sdelay $0x3  }
0x324: {  	v15 =	vand.u32 $0x78, v15  }
0x325: {  	v15 =	vor.u32 v15, v24;
	[tilespmem:v10+s30+$0x0] =	vst.idx.msk $0xffff, v9;
	v10 =	vld [tilespmem:$0x1FE50];
	_ =	sdelay $0x4  }
0x326: {  	v9 =	vld.idx.msk [tilespmem:v15+s24+$0x0], $0xffff;
	v10 =	vor.u32 v10, v8;
	_ =	sdelay $0x3  }
0x327: {  	v11 =	vand.u32 $0x78, v16  }
0x328: {  	v11 =	vor.u32 v11, v25;
	[tilespmem:v10+s30+$0x0] =	vst.idx.msk $0xffff, v9;
	v10 =	vld [tilespmem:$0x1FE60];
	_ =	sdelay $0x4  }
0x329: {  	v9 =	vld.idx.msk [tilespmem:v11+s24+$0x0], $0xffff;
	v11 =	vand.u32 $0x78, v20;
	v10 =	vor.u32 v10, v8  }
0x32a: {  	v11 =	vor.u32 v11, v47;
	_ =	sdelay $0x3  }
0x32b: {  	[tilespmem:v10+s30+$0x0] =	vst.idx.msk $0xffff, v9  }
0x32c: {  	v10 =	vor.u32 v50, v8;
	v9 =	vld.idx.msk [tilespmem:v11+s24+$0x0], $0xffff;
	_ =	sdelay $0x4  }
0x32d: {  	[tilespmem:v10+s30+$0x0] =	vst.idx.msk $0xffff, v9;
	v10 =	vld [tilespmem:$0x1FE80];
	_ =	sdelay $0x4  }
0x32e: {  	v11 =	vand.u32 $0x78, v21;
	v9 =	vld.idx.msk [tilespmem:v14+s24+$0x0], $0xffff;
	v10 =	vor.u32 v10, v8  }
0x32f: {  	v11 =	vor.u32 v11, v22;
	_ =	sdelay $0x3  }
0x330: {  	[tilespmem:v10+s30+$0x0] =	vst.idx.msk $0xffff, v9  }
0x331: {  	v9 =	vld.idx.msk [tilespmem:v11+s24+$0x0], $0xffff  }
0x332: {  	v11 =	vld [tilespmem:$0x1FA80];
	_ =	sdelay $0x4  }
0x333: {  	v10 =	vor.u32 v40, v8;
	v11 =	vand.u32 $0x78, v11  }
0x334: {  	v11 =	vor.u32 v11, v23;
	_ =	sdelay $0x3  }
0x335: {  	[tilespmem:v10+s30+$0x0] =	vst.idx.msk $0xffff, v9  }
0x336: {  	v9 =	vld.idx.msk [tilespmem:v11+s24+$0x0], $0xffff  }
0x337: {  	v11 =	vld [tilespmem:$0x1FA90];
	_ =	sdelay $0x4  }
0x338: {  	v10 =	vor.u32 v63, v8;
	v11 =	vand.u32 $0x78, v11  }
0x339: {  	v11 =	vor.u32 v11, v18;
	_ =	sdelay $0x3  }
0x33a: {  	[tilespmem:v10+s30+$0x0] =	vst.idx.msk $0xffff, v9  }
0x33b: {  	v9 =	vld.idx.msk [tilespmem:v11+s24+$0x0], $0xffff  }
0x33c: {  	v11 =	vld [tilespmem:$0x1FAA0];
	_ =	sdelay $0x4  }
0x33d: {  	v10 =	vor.u32 v54, v8;
	v11 =	vand.u32 $0x78, v11  }
0x33e: {  	v11 =	vor.u32 v11, v19;
	_ =	sdelay $0x3  }
0x33f: {  	[tilespmem:v10+s30+$0x0] =	vst.idx.msk $0xffff, v9  }
0x340: {  	v9 =	vld.idx.msk [tilespmem:v11+s24+$0x0], $0xffff  }
0x341: {  	v11 =	vld [tilespmem:$0x1FAB0];
	_ =	sdelay $0x4  }
0x342: {  	v10 =	vor.u32 v4, v8;
	v11 =	vand.u32 $0x78, v11  }
0x343: {  	v11 =	vor.u32 v11, v24;
	_ =	sdelay $0x3  }
0x344: {  	[tilespmem:v10+s30+$0x0] =	vst.idx.msk $0xffff, v9  }
0x345: {  	v9 =	vld.idx.msk [tilespmem:v11+s24+$0x0], $0xffff  }
0x346: {  	v11 =	vld [tilespmem:$0x1FAC0];
	_ =	sdelay $0x4  }
0x347: {  	v10 =	vor.u32 v6, v8;
	v11 =	vand.u32 $0x78, v11  }
0x348: {  	v11 =	vor.u32 v11, v25;
	_ =	sdelay $0x3  }
0x349: {  	[tilespmem:v10+s30+$0x0] =	vst.idx.msk $0xffff, v9  }
0x34a: {  	v10 =	vor.u32 v0, v8;
	v9 =	vld.idx.msk [tilespmem:v11+s24+$0x0], $0xffff;
	v11 =	vand.u32 $0x78, v13  }
0x34b: {  	p0 =	sne.s32 s10, $0xF0;
	v11 =	vor.u32 v11, v47  }
.Ltmp1:
0x34c: {  	_ = 	snop;
	(pc) =	sbr.rel @p0 .LBB2_4-.Ltmp1, $3  }
0x34d: {  	_ =	sdelay $0x1  }
0x34e: {  	v26 =	vld [tilespmem:$0x1FAD0];
	[tilespmem:v10+s30+$0x0] =	vst.idx.msk $0xffff, v9  }
0x34f: {  	s10 =	sadd.s32 $0x10, s10;
	v28 =	vmov v39;
	v8 =	vor.u32 v1, v8;
	v9 =	vld.idx.msk [tilespmem:v11+s24+$0x0], $0xffff  }
0x350: {  	_ =	sdelay $0x3  }
0x351: {  	s8 =	rddreg [dreg:$0x6];
	[tilespmem:v8+s30+$0x0] =	vst.idx.msk $0xffff, v9  }
0x352: {  	v23 =	vld [tilespmem:$0x1FB20];
	[hbm4b:s8+s19] =	stream.strided.scatter [tilespmem:s30], [sflag:$0x6], $0x2000, s28, s19, $0x38  }
0x353: {  	[tilespmem:$0x1FA70] =	vst v7;
	s16 =	rddreg [dreg:$0x7];
	v24 =	vld [tilespmem:$0x1FB30];
	s8 =	simm.s32 $0x1  }
0x354: {  	v25 =	vld [tilespmem:$0x1FB40];
	[tilespmem:s19], [sflag:$0x2] =	stream.linear.gather [hbm4b:s16+s4], $0x100, $0x38  }
.LBB2_6:
0x355: {  	_ =	swait.ge [sflag:s22], $0x100  }
0x356: {  	[sflag:s22] =	ssyncset.done $0x0  }
0x357: {  	[sflag:s22] =	ssyncadd.s32 $0xFFFFFF00  }
0x358: {  	v8 =	vld [tilespmem:$0x100]  }
0x359: {  	v9 =	vld [tilespmem:$0x110]  }
0x35a: {  	v10 =	vld [tilespmem:$0x120]  }
0x35b: {  	v11 =	vld [tilespmem:$0x130]  }
0x35c: {  	v12 =	vld [tilespmem:$0x140]  }
0x35d: {  	v13 =	vld [tilespmem:$0x150];
	v8 =	vshra.s32 v8, $0x2  }
0x35e: {  	[tilespmem:$0x300] =	vst v8;
	v8 =	vshra.s32 v9, $0x2;
	v9 =	vld [tilespmem:$0x160]  }
0x35f: {  	[tilespmem:$0x310] =	vst v8;
	v8 =	vshra.s32 v10, $0x2;
	v10 =	vld [tilespmem:$0x170]  }
0x360: {  	[tilespmem:$0x320] =	vst v8;
	v8 =	vshra.s32 v11, $0x2;
	v11 =	vld [tilespmem:$0x180]  }
0x361: {  	v40 =	vld [tilespmem:$0x190];
	[tilespmem:$0x330] =	vst v8;
	v8 =	vshra.s32 v12, $0x2  }
0x362: {  	v41 =	vld [tilespmem:$0x1A0];
	[tilespmem:$0x340] =	vst v8;
	v8 =	vshra.s32 v13, $0x2  }
0x363: {  	[tilespmem:$0x350] =	vst v8;
	v8 =	vshra.s32 v9, $0x2;
	v9 =	vld [tilespmem:$0x1B0]  }
0x364: {  	[tilespmem:$0x360] =	vst v8;
	v8 =	vshra.s32 v10, $0x2;
	v10 =	vld [tilespmem:$0x1C0]  }
0x365: {  	[tilespmem:$0x370] =	vst v8;
	v8 =	vshra.s32 v11, $0x2;
	v11 =	vld [tilespmem:$0x1D0]  }
0x366: {  	v42 =	vld [tilespmem:$0x1E0];
	[tilespmem:$0x380] =	vst v8;
	v8 =	vshra.s32 v40, $0x2  }
0x367: {  	v44 =	vld [tilespmem:$0x1F0];
	[tilespmem:$0x390] =	vst v8;
	v8 =	vshra.s32 v41, $0x2  }
0x368: {  	[tilespmem:$0x3A0] =	vst v8;
	v8 =	vshra.s32 v9, $0x2  }
0x369: {  	[tilespmem:$0x3B0] =	vst v8;
	v8 =	vshra.s32 v10, $0x2  }
0x36a: {  	[tilespmem:$0x3C0] =	vst v8;
	v8 =	vshra.s32 v11, $0x2  }
0x36b: {  	[tilespmem:$0x3D0] =	vst v8;
	v8 =	vshra.s32 v42, $0x2  }
0x36c: {  	[tilespmem:$0x3E0] =	vst v8;
	v8 =	vshra.s32 v44, $0x2  }
0x36d: {  	[tilespmem:$0x3F0] =	vst v8  }
0x36e: {  	[tilespmem:s24], [sflag:$0x4] =	stream.indirect.gather [hbm4b:s1+s19], $0x80, s23, s19, $0xb8;
	[tilespmem:$0x14400] =	vst v63  }
0x36f: {  	_ =	swait.ge [sflag:s25], $0x8000  }
0x370: {  	[sflag:s25] =	ssyncset.done $0x0  }
0x371: {  	[sflag:s25] =	ssyncadd.s32 $0xFFFF8000  }
0x372: {  	_ =	swait.ge [sflag:s31], $0x2000  }
0x373: {  	[sflag:s31] =	ssyncset.done $0x0  }
0x374: {  	s10 =	simm.s32 $0x0;
	[sflag:s31] =	ssyncadd.s32 $0xFFFFE000  }
0x375: {  	v8 =	vld [tilespmem:s10+$0x0];
	_ =	sdelay $0x4  }
0x376: {  	v0 =	vlaneseq.u32;
	v9 =	vshll.u32 v8, $0x5  }
0x377: {  	v10 =	vor.u32 s10, v0;
	v8 =	vor.u32 v0, v9;
	v0 =	vld [tilespmem:$0x1FF20];
	_ =	sdelay $0x3  }
0x378: {  	v16 =	vshll.u32 v10, $0x7  }
0x379: {  	v8 =	vand.u32 $0x68, v8;
	v12 =	vor.u32 v0, v16  }
0x37a: {  	v11 =	vor.u32 v8, v12;
	_ =	sdelay $0x3  }
0x37b: {  	v0 =	vld [tilespmem:$0x1FBE0];
	v8 =	vand.u32 $0xF8, v10  }
0x37c: {  	v14 =	vor.u32 v58, v8;
	v11 =	vld.idx.msk [tilespmem:v11+s21+$0x0], $0xffff  }
0x37d: {  	v45 =	vor.u32 v59, v9  }
0x37e: {  	v13 =	vand.u32 $0x68, v45;
	v10 =	vor.u32 v60, v16  }
0x37f: {  	v13 =	vor.u32 v13, v10;
	_ =	sdelay $0x1  }
0x380: {  	[tilespmem:v14+s26+$0x0] =	vst.idx.msk $0xffff, v11;
	v11 =	vor.u32 v0, v16;
	v0 =	vld [tilespmem:$0x1FBF0];
	_ =	sdelay $0x1  }
0x381: {  	v15 =	vor.u32 v62, v9  }
0x382: {  	v46 =	vand.u32 $0x68, v15;
	v47 =	vor.u32 v61, v8;
	v13 =	vld.idx.msk [tilespmem:v13+s21+$0x0], $0xffff  }
0x383: {  	v14 =	vor.u32 v46, v11  }
0x384: {  	v52 =	vor.u32 v0, v8;
	v0 =	vld [tilespmem:$0x1FC00];
	_ =	sdelay $0x2  }
0x385: {  	[tilespmem:v47+s26+$0x0] =	vst.idx.msk $0xffff, v13  }
0x386: {  	v15 =	vld.idx.msk [tilespmem:v14+s21+$0x0], $0xffff  }
0x387: {  	v14 =	vor.u32 v0, v16;
	v0 =	vld [tilespmem:$0x1FC10];
	_ =	sdelay $0x4  }
0x388: {  	v55 =	vor.u32 v0, v8;
	v0 =	vld [tilespmem:$0x1FC20];
	_ =	sdelay $0x3  }
0x389: {  	v17 =	vor.u32 v3, v9  }
0x38a: {  	v50 =	vand.u32 $0x68, v17;
	v17 =	vor.u32 v0, v16;
	v0 =	vld [tilespmem:$0x1FC30]  }
0x38b: {  	v13 =	vor.u32 v50, v14;
	_ =	sdelay $0x3  }
0x38c: {  	v18 =	vor.u32 v29, v9;
	[tilespmem:v52+s26+$0x0] =	vst.idx.msk $0xffff, v15;
	v57 =	vor.u32 v0, v8;
	v0 =	vld [tilespmem:$0x1FC40]  }
0x38d: {  	v54 =	vand.u32 $0x68, v18;
	v13 =	vld.idx.msk [tilespmem:v13+s21+$0x0], $0xffff  }
0x38e: {  	v15 =	vor.u32 v54, v17;
	_ =	sdelay $0x1  }
0x38f: {  	v20 =	vor.u32 v31, v9  }
0x390: {  	v63 =	vand.u32 $0x68, v20;
	v20 =	vor.u32 v0, v8;
	v0 =	vld [tilespmem:$0x1FC60]  }
0x391: {  	v19 =	vor.u32 v30, v9;
	[tilespmem:v55+s26+$0x0] =	vst.idx.msk $0xffff, v13  }
0x392: {  	v56 =	vand.u32 $0x68, v19;
	v13 =	vor.u32 v32, v16;
	v15 =	vld.idx.msk [tilespmem:v15+s21+$0x0], $0xffff  }
0x393: {  	v18 =	vor.u32 v56, v13;
	_ =	sdelay $0x1  }
0x394: {  	v29 =	vor.u32 v0, v9;
	v0 =	vld [tilespmem:$0x1FC70];
	_ =	sdelay $0x1  }
0x395: {  	[tilespmem:v57+s26+$0x0] =	vst.idx.msk $0xffff, v15  }
0x396: {  	v15 =	vor.u32 v33, v16;
	v18 =	vld.idx.msk [tilespmem:v18+s21+$0x0], $0xffff  }
0x397: {  	v19 =	vor.u32 v63, v15  }
0x398: {  	v16 =	vor.u32 v0, v16;
	v0 =	vld [tilespmem:$0x1FC50];
	_ =	sdelay $0x2  }
0x399: {  	[tilespmem:v20+s26+$0x0] =	vst.idx.msk $0xffff, v18  }
0x39a: {  	v19 =	vld.idx.msk [tilespmem:v19+s21+$0x0], $0xffff  }
0x39b: {  	v18 =	vand.u32 $0x68, v29;
	v20 =	vor.u32 v0, v8;
	v0 =	vld [tilespmem:$0x1FC80]  }
0x39c: {  	v18 =	vor.u32 v18, v16;
	_ =	sdelay $0x3  }
0x39d: {  	[tilespmem:v20+s26+$0x0] =	vst.idx.msk $0xffff, v19;
	v20 =	vor.u32 v0, v8;
	v0 =	vld [tilespmem:$0x1FCA0]  }
0x39e: {  	v18 =	vld.idx.msk [tilespmem:v18+s21+$0x0], $0xffff;
	_ =	sdelay $0x1  }
0x39f: {  	v30 =	vor.u32 v28, v9  }
0x3a0: {  	v19 =	vand.u32 $0x68, v30  }
0x3a1: {  	v19 =	vor.u32 v19, v12  }
0x3a2: {  	[tilespmem:v20+s26+$0x0] =	vst.idx.msk $0xffff, v18;
	v20 =	vor.u32 v0, v8;
	v0 =	vld [tilespmem:$0x1FCD0];
	_ =	sdelay $0x3  }
0x3a3: {  	v19 =	vld.idx.msk [tilespmem:v19+s21+$0x0], $0xffff  }
0x3a4: {  	v32 =	vor.u32 v0, v9;
	v0 =	vld [tilespmem:$0x1FCC0]  }
0x3a5: {  	v31 =	vor.u32 v27, v9  }
0x3a6: {  	v18 =	vand.u32 $0x68, v31  }
0x3a7: {  	v18 =	vor.u32 v18, v10;
	_ =	sdelay $0x1  }
0x3a8: {  	[tilespmem:v20+s26+$0x0] =	vst.idx.msk $0xffff, v19;
	v20 =	vor.u32 v0, v8;
	v0 =	vld [tilespmem:$0x1FCF0];
	_ =	sdelay $0x2  }
0x3a9: {  	v19 =	vand.u32 $0x68, v32;
	v18 =	vld.idx.msk [tilespmem:v18+s21+$0x0], $0xffff  }
0x3aa: {  	v19 =	vor.u32 v19, v11  }
0x3ab: {  	v33 =	vor.u32 v0, v9;
	v0 =	vld [tilespmem:$0x1FCE0];
	_ =	sdelay $0x2  }
0x3ac: {  	[tilespmem:v20+s26+$0x0] =	vst.idx.msk $0xffff, v18  }
0x3ad: {  	v19 =	vld.idx.msk [tilespmem:v19+s21+$0x0], $0xffff  }
0x3ae: {  	v18 =	vand.u32 $0x68, v33;
	v20 =	vor.u32 v0, v8;
	v0 =	vld [tilespmem:$0x1FD00]  }
0x3af: {  	v18 =	vor.u32 v18, v14;
	_ =	sdelay $0x3  }
0x3b0: {  	v34 =	vor.u32 v43, v9;
	[tilespmem:v20+s26+$0x0] =	vst.idx.msk $0xffff, v19;
	v20 =	vor.u32 v0, v8;
	v0 =	vld [tilespmem:$0x1FD10]  }
0x3b1: {  	v19 =	vand.u32 $0x68, v34;
	v18 =	vld.idx.msk [tilespmem:v18+s21+$0x0], $0xffff  }
0x3b2: {  	v19 =	vor.u32 v19, v17;
	_ =	sdelay $0x3  }
0x3b3: {  	v35 =	vor.u32 v48, v9;
	[tilespmem:v20+s26+$0x0] =	vst.idx.msk $0xffff, v18;
	v20 =	vor.u32 v0, v8;
	v0 =	vld [tilespmem:$0x1FD20]  }
0x3b4: {  	v18 =	vand.u32 $0x68, v35;
	v19 =	vld.idx.msk [tilespmem:v19+s21+$0x0], $0xffff  }
0x3b5: {  	v18 =	vor.u32 v18, v13;
	_ =	sdelay $0x3  }
0x3b6: {  	v36 =	vor.u32 v49, v9;
	v37 =	vor.u32 v0, v9;
	v0 =	vld [tilespmem:$0x1FF30];
	[tilespmem:v20+s26+$0x0] =	vst.idx.msk $0xffff, v19  }
0x3b7: {  	v20 =	vor.u32 v53, v8;
	v19 =	vand.u32 $0x68, v36;
	v18 =	vld.idx.msk [tilespmem:v18+s21+$0x0], $0xffff  }
0x3b8: {  	v19 =	vor.u32 v19, v15;
	_ =	sdelay $0x3  }
0x3b9: {  	v38 =	vor.u32 v0, v9;
	v0 =	vld [tilespmem:$0x1FD30];
	[tilespmem:v20+s26+$0x0] =	vst.idx.msk $0xffff, v18  }
0x3ba: {  	v20 =	vor.u32 v51, v8;
	v19 =	vld.idx.msk [tilespmem:v19+s21+$0x0], $0xffff;
	_ =	sdelay $0x2  }
0x3bb: {  	v18 =	vand.u32 $0x68, v37  }
0x3bc: {  	v18 =	vor.u32 v18, v16  }
0x3bd: {  	[tilespmem:v20+s26+$0x0] =	vst.idx.msk $0xffff, v19;
	v20 =	vor.u32 v0, v8;
	v0 =	vld [tilespmem:$0x1FF60];
	_ =	sdelay $0x3  }
0x3be: {  	v18 =	vld.idx.msk [tilespmem:v18+s21+$0x0], $0xffff  }
0x3bf: {  	v39 =	vor.u32 v0, v9;
	v0 =	vld [tilespmem:$0x1FD40];
	_ =	sdelay $0x1  }
0x3c0: {  	v19 =	vand.u32 $0x78, v38  }
0x3c1: {  	v19 =	vor.u32 v19, v12;
	_ =	sdelay $0x1  }
0x3c2: {  	[tilespmem:v20+s26+$0x0] =	vst.idx.msk $0xffff, v18;
	v20 =	vor.u32 v0, v8;
	v0 =	vld [tilespmem:$0x1FA70];
	_ =	sdelay $0x2  }
0x3c3: {  	v18 =	vand.u32 $0x78, v39;
	v19 =	vld.idx.msk [tilespmem:v19+s21+$0x0], $0xffff  }
0x3c4: {  	v18 =	vor.u32 v18, v10  }
0x3c5: {  	v40 =	vor.u32 v0, v9;
	v0 =	vld [tilespmem:$0x1FD50];
	_ =	sdelay $0x2  }
0x3c6: {  	[tilespmem:v20+s26+$0x0] =	vst.idx.msk $0xffff, v19  }
0x3c7: {  	v18 =	vld.idx.msk [tilespmem:v18+s21+$0x0], $0xffff  }
0x3c8: {  	v19 =	vand.u32 $0x78, v40;
	v20 =	vor.u32 v0, v8;
	v0 =	vld [tilespmem:$0x1FDA0]  }
0x3c9: {  	v19 =	vor.u32 v19, v11;
	_ =	sdelay $0x3  }
0x3ca: {  	v41 =	vor.u32 v26, v9;
	[tilespmem:v20+s26+$0x0] =	vst.idx.msk $0xffff, v18;
	v20 =	vor.u32 v0, v8;
	v0 =	vld [tilespmem:$0x1FDF0]  }
0x3cb: {  	v18 =	vand.u32 $0x78, v41;
	v19 =	vld.idx.msk [tilespmem:v19+s21+$0x0], $0xffff  }
0x3cc: {  	v18 =	vor.u32 v18, v14;
	_ =	sdelay $0x3  }
0x3cd: {  	v42 =	vor.u32 v23, v9;
	[tilespmem:v20+s26+$0x0] =	vst.idx.msk $0xffff, v19;
	v20 =	vor.u32 v0, v8;
	v0 =	vld [tilespmem:$0x1FE40]  }
0x3ce: {  	v19 =	vand.u32 $0x78, v42;
	v18 =	vld.idx.msk [tilespmem:v18+s21+$0x0], $0xffff  }
0x3cf: {  	v19 =	vor.u32 v19, v17;
	_ =	sdelay $0x3  }
0x3d0: {  	[tilespmem:v20+s26+$0x0] =	vst.idx.msk $0xffff, v18;
	v20 =	vor.u32 v0, v8;
	v0 =	vld [tilespmem:$0x1FE50]  }
0x3d1: {  	v19 =	vld.idx.msk [tilespmem:v19+s21+$0x0], $0xffff;
	_ =	sdelay $0x1  }
0x3d2: {  	v44 =	vor.u32 v24, v9  }
0x3d3: {  	v18 =	vand.u32 $0x78, v44  }
0x3d4: {  	v18 =	vor.u32 v18, v13  }
0x3d5: {  	[tilespmem:v20+s26+$0x0] =	vst.idx.msk $0xffff, v19;
	v20 =	vor.u32 v0, v8;
	v0 =	vld [tilespmem:$0x1FB50];
	_ =	sdelay $0x3  }
0x3d6: {  	v18 =	vld.idx.msk [tilespmem:v18+s21+$0x0], $0xffff  }
0x3d7: {  	v46 =	vor.u32 v0, v9;
	v0 =	vld [tilespmem:$0x1FE60];
	_ =	sdelay $0x1  }
0x3d8: {  	v45 =	vor.u32 v25, v9  }
0x3d9: {  	v19 =	vand.u32 $0x78, v45  }
0x3da: {  	v19 =	vor.u32 v19, v15  }
0x3db: {  	[tilespmem:v20+s26+$0x0] =	vst.idx.msk $0xffff, v18;
	v20 =	vor.u32 v0, v8;
	v0 =	vld [tilespmem:$0x1FB60];
	_ =	sdelay $0x3  }
0x3dc: {  	v19 =	vld.idx.msk [tilespmem:v19+s21+$0x0], $0xffff  }
0x3dd: {  	v47 =	vor.u32 v0, v9;
	v0 =	vld [tilespmem:$0x1FE70];
	_ =	sdelay $0x1  }
0x3de: {  	v18 =	vand.u32 $0x78, v46  }
0x3df: {  	v18 =	vor.u32 v18, v16;
	_ =	sdelay $0x1  }
0x3e0: {  	[tilespmem:v20+s26+$0x0] =	vst.idx.msk $0xffff, v19;
	v20 =	vor.u32 v0, v8;
	v0 =	vld [tilespmem:$0x1FB70];
	_ =	sdelay $0x2  }
0x3e1: {  	v19 =	vand.u32 $0x78, v47;
	v18 =	vld.idx.msk [tilespmem:v18+s21+$0x0], $0xffff  }
0x3e2: {  	v12 =	vor.u32 v19, v12  }
0x3e3: {  	v50 =	vor.u32 v0, v9;
	v0 =	vld [tilespmem:$0x1FE80];
	_ =	sdelay $0x2  }
0x3e4: {  	[tilespmem:v20+s26+$0x0] =	vst.idx.msk $0xffff, v18  }
0x3e5: {  	v12 =	vld.idx.msk [tilespmem:v12+s21+$0x0], $0xffff  }
0x3e6: {  	v18 =	vand.u32 $0x78, v50;
	v52 =	vor.u32 v0, v8;
	v0 =	vld [tilespmem:$0x1FB80]  }
0x3e7: {  	v44 =	vld [tilespmem:$0x1FE90];
	v10 =	vor.u32 v18, v10;
	_ =	sdelay $0x3  }
0x3e8: {  	v4 =	vld [tilespmem:$0x1FB90];
	[tilespmem:v52+s26+$0x0] =	vst.idx.msk $0xffff, v12;
	v53 =	vor.u32 v0, v9  }
0x3e9: {  	v54 =	vor.u32 v44, v8;
	v10 =	vld.idx.msk [tilespmem:v10+s21+$0x0], $0xffff;
	v12 =	vand.u32 $0x78, v53  }
0x3ea: {  	v45 =	vld [tilespmem:$0x1FF80];
	v11 =	vor.u32 v12, v11;
	_ =	sdelay $0x3  }
0x3eb: {  	v7 =	vld [tilespmem:$0x1FBA0];
	[tilespmem:v54+s26+$0x0] =	vst.idx.msk $0xffff, v10;
	v10 =	vor.u32 v4, v9  }
0x3ec: {  	v55 =	vor.u32 v45, v8;
	v11 =	vld.idx.msk [tilespmem:v11+s21+$0x0], $0xffff;
	v10 =	vand.u32 $0x78, v10  }
0x3ed: {  	v50 =	vld [tilespmem:$0x1FF90];
	v10 =	vor.u32 v10, v14;
	_ =	sdelay $0x3  }
0x3ee: {  	v6 =	vld [tilespmem:$0x1FBB0];
	[tilespmem:v55+s26+$0x0] =	vst.idx.msk $0xffff, v11;
	v11 =	vor.u32 v7, v9  }
0x3ef: {  	v56 =	vor.u32 v50, v8;
	v10 =	vld.idx.msk [tilespmem:v10+s21+$0x0], $0xffff;
	v11 =	vand.u32 $0x78, v11  }
0x3f0: {  	v47 =	vld [tilespmem:$0x1FEA0];
	v11 =	vor.u32 v11, v17;
	_ =	sdelay $0x3  }
0x3f1: {  	v1 =	vld [tilespmem:$0x1FBC0];
	[tilespmem:v56+s26+$0x0] =	vst.idx.msk $0xffff, v10;
	v10 =	vor.u32 v6, v9  }
0x3f2: {  	v57 =	vor.u32 v47, v8;
	v11 =	vld.idx.msk [tilespmem:v11+s21+$0x0], $0xffff;
	v10 =	vand.u32 $0x78, v10  }
0x3f3: {  	v55 =	vld [tilespmem:$0x1FEB0];
	v10 =	vor.u32 v10, v13;
	_ =	sdelay $0x3  }
0x3f4: {  	v46 =	vld [tilespmem:$0x1FBD0];
	[tilespmem:v57+s26+$0x0] =	vst.idx.msk $0xffff, v11;
	v11 =	vor.u32 v1, v9  }
0x3f5: {  	v63 =	vor.u32 v55, v8;
	v10 =	vld.idx.msk [tilespmem:v10+s21+$0x0], $0xffff;
	v11 =	vand.u32 $0x78, v11  }
0x3f6: {  	v57 =	vld [tilespmem:$0x1FEC0];
	v11 =	vor.u32 v11, v15;
	_ =	sdelay $0x3  }
0x3f7: {  	v9 =	vor.u32 v46, v9;
	[tilespmem:v63+s26+$0x0] =	vst.idx.msk $0xffff, v10  }
0x3f8: {  	v9 =	vand.u32 $0x78, v9;
	v10 =	vld.idx.msk [tilespmem:v11+s21+$0x0], $0xffff;
	v11 =	vor.u32 v57, v8  }
0x3f9: {  	v52 =	vld [tilespmem:$0x1FED0];
	v9 =	vor.u32 v9, v16;
	_ =	sdelay $0x3  }
0x3fa: {  	[tilespmem:v11+s26+$0x0] =	vst.idx.msk $0xffff, v10  }
0x3fb: {  	s11 =	simm.s32 $0x10;
	v0 =	vmovc v51;
	v51 =	vmovc v49;
	v49 =	vmov v48;
	v54 =	vmov v43;
	v8 =	vor.u32 v52, v8;
	v9 =	vld.idx.msk [tilespmem:v9+s21+$0x0], $0xffff  }
.LBB2_7:
0x3fc: {  	_ =	sdelay $0x3  }
0x3fd: {  	s10 =	sadd.s32 $0x10, s10;
	[tilespmem:v8+s26+$0x0] =	vst.idx.msk $0xffff, v9  }
0x3fe: {  	v8 =	vld [tilespmem:s10+$0x0];
	_ =	sdelay $0x4  }
0x3ff: {  	s12 =	smov.u32 s11;
	v2 =	vlaneseq.u32;
	v14 =	vshll.u32 v8, $0x5  }
0x400: {  	v9 =	vor.u32 s12, v2;
	v8 =	vor.u32 v2, v14;
	v2 =	vld [tilespmem:$0x1FF20];
	_ =	sdelay $0x3  }
0x401: {  	v20 =	vshll.u32 v9, $0x7  }
0x402: {  	v15 =	vor.u32 v2, v20;
	v2 =	vld [tilespmem:$0x1FBE0];
	_ =	sdelay $0x4  }
0x403: {  	v12 =	vor.u32 v2, v20;
	v2 =	vld [tilespmem:$0x1FFA0];
	_ =	sdelay $0x2  }
0x404: {  	v10 =	vor.u32 v59, v14  }
0x405: {  	v13 =	vor.u32 v60, v20;
	v10 =	vand.u32 $0x68, v10  }
0x406: {  	v17 =	vor.u32 v10, v13;
	v10 =	vor.u32 v2, v14;
	v2 =	vld [tilespmem:$0x1FFB0];
	_ =	sdelay $0x4  }
0x407: {  	v11 =	vor.u32 v2, v14;
	v2 =	vld [tilespmem:$0x1FFD0];
	_ =	sdelay $0x1  }
0x408: {  	v8 =	vand.u32 $0x68, v8  }
0x409: {  	v16 =	vor.u32 v8, v15;
	v8 =	vand.u32 $0xF8, v9;
	v9 =	vor.u32 v62, v14  }
0x40a: {  	v9 =	vand.u32 $0x68, v9  }
0x40b: {  	v18 =	vor.u32 v9, v12;
	v9 =	vor.u32 v2, v14;
	v2 =	vld [tilespmem:$0x1FFC0];
	_ =	sdelay $0x4  }
0x40c: {  	v38 =	vand.u32 $0x68, v11;
	v11 =	vor.u32 v2, v20;
	v2 =	vld [tilespmem:$0x1FFE0];
	_ =	sdelay $0x4  }
0x40d: {  	v37 =	vand.u32 $0x68, v10;
	v10 =	vor.u32 v2, v14;
	v2 =	vld [tilespmem:$0x1FFF0];
	_ =	sdelay $0x4  }
0x40e: {  	v19 =	vand.u32 $0x68, v10;
	v10 =	vor.u32 v2, v20;
	v2 =	vld [tilespmem:$0x1FC60];
	_ =	sdelay $0x4  }
0x40f: {  	v31 =	vor.u32 v2, v14;
	v2 =	vld [tilespmem:$0x1FC70];
	_ =	sdelay $0x3  }
0x410: {  	v9 =	vand.u32 $0x68, v9  }
0x411: {  	v43 =	vor.u32 v9, v11;
	v9 =	vor.u32 v2, v20;
	v2 =	vld [tilespmem:$0x1FC90];
	_ =	sdelay $0x4  }
0x412: {  	v22 =	vor.u32 v2, v14;
	v2 =	vld [tilespmem:$0x1FCB0];
	_ =	sdelay $0x4  }
0x413: {  	v53 =	vor.u32 v2, v14;
	v2 =	vld [tilespmem:$0x1FCD0];
	_ =	sdelay $0x4  }
0x414: {  	v40 =	vmov v60;
	v60 =	vor.u32 v2, v14;
	v2 =	vld [tilespmem:$0x1FCF0];
	_ =	sdelay $0x4  }
0x415: {  	v36 =	vor.u32 v2, v14;
	v2 =	vld [tilespmem:$0x1FD20]  }
0x416: {  	v21 =	vor.u32 v58, v8;
	v16 =	vld.idx.msk [tilespmem:v16+s21+$0x0], $0xffff  }
0x417: {  	v3 =	vld [tilespmem:$0x1FB50];
	_ =	sdelay $0x1  }
0x418: {  	v56 =	vor.u32 v24, v14  }
0x419: {  	v32 =	vor.u32 v2, v14  }
0x41a: {  	[tilespmem:v21+s26+$0x0] =	vst.idx.msk $0xffff, v16;
	v2 =	vld [tilespmem:$0x1FF30];
	v16 =	vand.u32 $0x68, v32  }
0x41b: {  	v32 =	vor.u32 v16, v9;
	v16 =	vand.u32 $0x78, v56;
	v56 =	vmovc v24;
	v24 =	vor.u32 v3, v14;
	v3 =	vld [tilespmem:$0x1FB60];
	_ =	sdelay $0x3  }
0x41c: {  	v41 =	vor.u32 v2, v14  }
0x41d: {  	v48 =	vor.u32 v19, v10;
	v42 =	vand.u32 $0x78, v41;
	v41 =	vor.u32 v3, v14  }
0x41e: {  	v19 =	vand.u32 $0x68, v31;
	v31 =	vor.u32 v42, v15;
	v42 =	vand.u32 $0x78, v41  }
0x41f: {  	v17 =	vld.idx.msk [tilespmem:v17+s21+$0x0], $0xffff  }
0x420: {  	v21 =	vor.u32 v61, v8;
	v3 =	vld [tilespmem:$0x1FB70]  }
0x421: {  	v5 =	vmovc v23;
	v27 =	vor.u32 v23, v14;
	v23 =	vor.u32 v42, v15;
	v42 =	vmov v62;
	v62 =	vld [tilespmem:$0x1FBF0];
	_ =	sdelay $0x2  }
0x422: {  	v63 =	vmov v58;
	v58 =	vor.u32 v19, v9;
	v19 =	vld [tilespmem:$0x1FC00];
	v22 =	vand.u32 $0x68, v22  }
0x423: {  	v39 =	vmov v59;
	[tilespmem:v21+s26+$0x0] =	vst.idx.msk $0xffff, v17;
	v59 =	vor.u32 v22, v15;
	v22 =	vor.u32 v3, v14;
	v3 =	vld [tilespmem:$0x1FB80]  }
0x424: {  	v41 =	vmov v61;
	v61 =	vld.idx.msk [tilespmem:v18+s21+$0x0], $0xffff;
	v62 =	vor.u32 v62, v8;
	_ =	sdelay $0x3  }
0x425: {  	v19 =	vor.u32 v19, v20;
	v21 =	vor.u32 v3, v14;
	v3 =	vld [tilespmem:$0x1FC20]  }
0x426: {  	v37 =	vor.u32 v37, v19;
	[tilespmem:v62+s26+$0x0] =	vst.idx.msk $0xffff, v61;
	v61 =	vld [tilespmem:$0x1FC10];
	_ =	sdelay $0x4  }
0x427: {  	v37 =	vld.idx.msk [tilespmem:v37+s21+$0x0], $0xffff;
	v20 =	vor.u32 v3, v20;
	v61 =	vor.u32 v61, v8  }
0x428: {  	v3 =	vld [tilespmem:$0x1FC30];
	v38 =	vor.u32 v38, v20;
	_ =	sdelay $0x3  }
0x429: {  	[tilespmem:v61+s26+$0x0] =	vst.idx.msk $0xffff, v37  }
0x42a: {  	v37 =	vld.idx.msk [tilespmem:v38+s21+$0x0], $0xffff;
	v38 =	vor.u32 v3, v8  }
0x42b: {  	v3 =	vld [tilespmem:$0x1FC40];
	_ =	sdelay $0x3  }
0x42c: {  	[tilespmem:v38+s26+$0x0] =	vst.idx.msk $0xffff, v37  }
0x42d: {  	v37 =	vld.idx.msk [tilespmem:v43+s21+$0x0], $0xffff;
	v43 =	vor.u32 v3, v8  }
0x42e: {  	v3 =	vld [tilespmem:$0x1FC50];
	_ =	sdelay $0x3  }
0x42f: {  	[tilespmem:v43+s26+$0x0] =	vst.idx.msk $0xffff, v37  }
0x430: {  	v43 =	vor.u32 v3, v8;
	v37 =	vld.idx.msk [tilespmem:v48+s21+$0x0], $0xffff  }
0x431: {  	v3 =	vld [tilespmem:$0x1FC80];
	_ =	sdelay $0x3  }
0x432: {  	[tilespmem:v43+s26+$0x0] =	vst.idx.msk $0xffff, v37  }
0x433: {  	v48 =	vor.u32 v3, v8;
	v37 =	vld.idx.msk [tilespmem:v58+s21+$0x0], $0xffff  }
0x434: {  	v3 =	vld [tilespmem:$0x1FCA0];
	_ =	sdelay $0x3  }
0x435: {  	[tilespmem:v48+s26+$0x0] =	vst.idx.msk $0xffff, v37  }
0x436: {  	v53 =	vand.u32 $0x68, v53;
	v38 =	vor.u32 v3, v8;
	v37 =	vld.idx.msk [tilespmem:v59+s21+$0x0], $0xffff  }
0x437: {  	v43 =	vor.u32 v53, v13;
	v3 =	vld [tilespmem:$0x1FCC0];
	_ =	sdelay $0x3  }
0x438: {  	[tilespmem:v38+s26+$0x0] =	vst.idx.msk $0xffff, v37  }
0x439: {  	v53 =	vand.u32 $0x68, v60;
	v38 =	vor.u32 v3, v8;
	v37 =	vld.idx.msk [tilespmem:v43+s21+$0x0], $0xffff  }
0x43a: {  	v3 =	vld [tilespmem:$0x1FCE0];
	v43 =	vor.u32 v53, v12;
	_ =	sdelay $0x3  }
0x43b: {  	[tilespmem:v38+s26+$0x0] =	vst.idx.msk $0xffff, v37  }
0x43c: {  	v36 =	vand.u32 $0x68, v36;
	v37 =	vld.idx.msk [tilespmem:v43+s21+$0x0], $0xffff;
	v43 =	vor.u32 v3, v8  }
0x43d: {  	v36 =	vor.u32 v36, v19;
	v3 =	vld [tilespmem:$0x1FD00];
	_ =	sdelay $0x3  }
0x43e: {  	v35 =	vor.u32 v54, v14;
	[tilespmem:v43+s26+$0x0] =	vst.idx.msk $0xffff, v37  }
0x43f: {  	v35 =	vand.u32 $0x68, v35;
	v53 =	vor.u32 v3, v8;
	v36 =	vld.idx.msk [tilespmem:v36+s21+$0x0], $0xffff  }
0x440: {  	v35 =	vor.u32 v35, v20;
	v3 =	vld [tilespmem:$0x1FD10];
	_ =	sdelay $0x3  }
0x441: {  	v34 =	vor.u32 v49, v14;
	[tilespmem:v53+s26+$0x0] =	vst.idx.msk $0xffff, v36  }
0x442: {  	v34 =	vand.u32 $0x68, v34;
	v43 =	vor.u32 v3, v8;
	v35 =	vld.idx.msk [tilespmem:v35+s21+$0x0], $0xffff  }
0x443: {  	v34 =	vor.u32 v34, v11;
	v48 =	vld [tilespmem:$0x1FF70];
	_ =	sdelay $0x3  }
0x444: {  	v33 =	vor.u32 v51, v14;
	[tilespmem:v43+s26+$0x0] =	vst.idx.msk $0xffff, v35  }
0x445: {  	v33 =	vand.u32 $0x68, v33;
	v53 =	vor.u32 v48, v8;
	v34 =	vld.idx.msk [tilespmem:v34+s21+$0x0], $0xffff  }
0x446: {  	v33 =	vor.u32 v33, v10;
	_ =	sdelay $0x3  }
0x447: {  	[tilespmem:v53+s26+$0x0] =	vst.idx.msk $0xffff, v34  }
0x448: {  	v36 =	vor.u32 v0, v8;
	v33 =	vld.idx.msk [tilespmem:v33+s21+$0x0], $0xffff  }
0x449: {  	v3 =	vld [tilespmem:$0x1FD30];
	_ =	sdelay $0x3  }
0x44a: {  	v2 =	vld [tilespmem:$0x1FF60];
	[tilespmem:v36+s26+$0x0] =	vst.idx.msk $0xffff, v33  }
0x44b: {  	v37 =	vor.u32 v3, v8;
	v32 =	vld.idx.msk [tilespmem:v32+s21+$0x0], $0xffff  }
0x44c: {  	v3 =	vld [tilespmem:$0x1FD40];
	_ =	sdelay $0x3  }
0x44d: {  	v30 =	vor.u32 v2, v14;
	v2 =	vld [tilespmem:$0x1FA70];
	[tilespmem:v37+s26+$0x0] =	vst.idx.msk $0xffff, v32  }
0x44e: {  	v30 =	vand.u32 $0x78, v30;
	v38 =	vor.u32 v3, v8;
	v31 =	vld.idx.msk [tilespmem:v31+s21+$0x0], $0xffff  }
0x44f: {  	v30 =	vor.u32 v30, v13;
	v3 =	vld [tilespmem:$0x1FD50];
	_ =	sdelay $0x3  }
0x450: {  	v29 =	vor.u32 v2, v14;
	[tilespmem:v38+s26+$0x0] =	vst.idx.msk $0xffff, v31  }
0x451: {  	v29 =	vand.u32 $0x78, v29;
	v43 =	vor.u32 v3, v8;
	v30 =	vld.idx.msk [tilespmem:v30+s21+$0x0], $0xffff  }
0x452: {  	v29 =	vor.u32 v29, v12;
	v3 =	vld [tilespmem:$0x1FDA0];
	_ =	sdelay $0x3  }
0x453: {  	v28 =	vor.u32 v26, v14;
	[tilespmem:v43+s26+$0x0] =	vst.idx.msk $0xffff, v30  }
0x454: {  	v28 =	vand.u32 $0x78, v28;
	v53 =	vor.u32 v3, v8;
	v29 =	vld.idx.msk [tilespmem:v29+s21+$0x0], $0xffff  }
0x455: {  	v28 =	vor.u32 v28, v19;
	v3 =	vld [tilespmem:$0x1FDF0];
	_ =	sdelay $0x3  }
0x456: {  	[tilespmem:v53+s26+$0x0] =	vst.idx.msk $0xffff, v29  }
0x457: {  	v27 =	vand.u32 $0x78, v27;
	v33 =	vor.u32 v3, v8;
	v28 =	vld.idx.msk [tilespmem:v28+s21+$0x0], $0xffff  }
0x458: {  	v27 =	vor.u32 v27, v20;
	v3 =	vld [tilespmem:$0x1FE40];
	_ =	sdelay $0x3  }
0x459: {  	[tilespmem:v33+s26+$0x0] =	vst.idx.msk $0xffff, v28  }
0x45a: {  	v34 =	vor.u32 v3, v8;
	v27 =	vld.idx.msk [tilespmem:v27+s21+$0x0], $0xffff  }
0x45b: {  	v26 =	vor.u32 v16, v11;
	v3 =	vld [tilespmem:$0x1FE50];
	_ =	sdelay $0x3  }
0x45c: {  	v2 =	vmov v25;
	v25 =	vor.u32 v25, v14;
	[tilespmem:v34+s26+$0x0] =	vst.idx.msk $0xffff, v27  }
0x45d: {  	v25 =	vand.u32 $0x78, v25;
	v27 =	vor.u32 v3, v8;
	v26 =	vld.idx.msk [tilespmem:v26+s21+$0x0], $0xffff  }
0x45e: {  	v25 =	vor.u32 v25, v10;
	v3 =	vld [tilespmem:$0x1FE60];
	_ =	sdelay $0x3  }
0x45f: {  	[tilespmem:v27+s26+$0x0] =	vst.idx.msk $0xffff, v26  }
0x460: {  	v24 =	vand.u32 $0x78, v24;
	v26 =	vor.u32 v3, v8;
	v25 =	vld.idx.msk [tilespmem:v25+s21+$0x0], $0xffff  }
0x461: {  	v24 =	vor.u32 v24, v9;
	v3 =	vld [tilespmem:$0x1FE70];
	_ =	sdelay $0x3  }
0x462: {  	[tilespmem:v26+s26+$0x0] =	vst.idx.msk $0xffff, v25  }
0x463: {  	v25 =	vor.u32 v3, v8;
	v24 =	vld.idx.msk [tilespmem:v24+s21+$0x0], $0xffff  }
0x464: {  	v3 =	vld [tilespmem:$0x1FE80];
	_ =	sdelay $0x3  }
0x465: {  	[tilespmem:v25+s26+$0x0] =	vst.idx.msk $0xffff, v24  }
0x466: {  	v22 =	vand.u32 $0x78, v22;
	v24 =	vor.u32 v3, v8;
	v23 =	vld.idx.msk [tilespmem:v23+s21+$0x0], $0xffff  }
0x467: {  	v13 =	vor.u32 v22, v13;
	_ =	sdelay $0x3  }
0x468: {  	[tilespmem:v24+s26+$0x0] =	vst.idx.msk $0xffff, v23  }
0x469: {  	v21 =	vand.u32 $0x78, v21;
	v22 =	vor.u32 v44, v8;
	v13 =	vld.idx.msk [tilespmem:v13+s21+$0x0], $0xffff  }
0x46a: {  	v12 =	vor.u32 v21, v12;
	_ =	sdelay $0x3  }
0x46b: {  	v18 =	vor.u32 v4, v14;
	[tilespmem:v22+s26+$0x0] =	vst.idx.msk $0xffff, v13  }
0x46c: {  	v18 =	vand.u32 $0x78, v18;
	v35 =	vor.u32 v45, v8;
	v12 =	vld.idx.msk [tilespmem:v12+s21+$0x0], $0xffff  }
0x46d: {  	v18 =	vor.u32 v18, v19;
	_ =	sdelay $0x3  }
0x46e: {  	v17 =	vor.u32 v7, v14;
	[tilespmem:v35+s26+$0x0] =	vst.idx.msk $0xffff, v12  }
0x46f: {  	v17 =	vand.u32 $0x78, v17;
	v36 =	vor.u32 v50, v8;
	v12 =	vld.idx.msk [tilespmem:v18+s21+$0x0], $0xffff  }
0x470: {  	v17 =	vor.u32 v17, v20;
	_ =	sdelay $0x3  }
0x471: {  	v16 =	vor.u32 v6, v14;
	[tilespmem:v36+s26+$0x0] =	vst.idx.msk $0xffff, v12  }
0x472: {  	v16 =	vand.u32 $0x78, v16;
	v37 =	vor.u32 v47, v8;
	v12 =	vld.idx.msk [tilespmem:v17+s21+$0x0], $0xffff  }
0x473: {  	v11 =	vor.u32 v16, v11;
	_ =	sdelay $0x3  }
0x474: {  	v15 =	vor.u32 v1, v14;
	[tilespmem:v37+s26+$0x0] =	vst.idx.msk $0xffff, v12  }
0x475: {  	v38 =	vor.u32 v55, v8;
	v43 =	vand.u32 $0x78, v15;
	v11 =	vld.idx.msk [tilespmem:v11+s21+$0x0], $0xffff  }
0x476: {  	v10 =	vor.u32 v43, v10;
	_ =	sdelay $0x3  }
0x477: {  	v14 =	vor.u32 v46, v14;
	[tilespmem:v38+s26+$0x0] =	vst.idx.msk $0xffff, v11  }
0x478: {  	v53 =	vand.u32 $0x78, v14;
	v11 =	vor.u32 v57, v8;
	v10 =	vld.idx.msk [tilespmem:v10+s21+$0x0], $0xffff  }
0x479: {  	p0 =	sne.s32 s11, $0xF0;
	v9 =	vor.u32 v53, v9  }
.Ltmp2:
0x47a: {  	_ = 	snop;
	(pc) =	sbr.rel @p0 .LBB2_7-.Ltmp2, $3  }
0x47b: {  	_ =	sdelay $0x1  }
0x47c: {  	v62 =	vmovc v42;
	v61 =	vmov v41;
	v60 =	vmov v40;
	v58 =	vmov v63;
	v26 =	vld [tilespmem:$0x1FAD0];
	[tilespmem:v11+s26+$0x0] =	vst.idx.msk $0xffff, v10  }
0x47d: {  	s11 =	sadd.s32 $0x10, s11;
	v59 =	vmovc v39;
	v25 =	vmovc v2;
	v24 =	vmov v56;
	v23 =	vmov v5;
	v8 =	vor.u32 v52, v8;
	v9 =	vld.idx.msk [tilespmem:v9+s21+$0x0], $0xffff  }
0x47e: {  	_ = 	snop  }
0x47f: {  	s10 =	sshll.u32 s8, $0x13  }
0x480: {  	s10 =	sor.u32 s5, s10  }
0x481: {  	s10 =	sshrl.u32 s10, $0x3  }
0x482: {  	s12 =	simm.s32 $0x100;
	s16 =	sshll.u32 s8, $0xE;
	s11 =	sadd.s32 s6, s10;
	[tilespmem:v8+s26+$0x0] =	vst.idx.msk $0xffff, v9  }
0x483: {  	[hbm4b:s11+s12] =	stream.strided.scatter [tilespmem:s26], [sflag:$0x5], $0x2000, s28, s12, $0x38;
	[tilespmem:$0x14400] =	vst v63  }
0x484: {  	s11 =	sadd.s32 s13, s16  }
0x485: {  	s11 =	sshrl.u32 s11, $0x3  }
0x486: {  	s16 =	simm.s32 $0x0;
	s15 =	sadd.s32 s0, s11  }
0x487: {  	[tilespmem:s16], [sflag:$0x1] =	stream.linear.gather [hbm4b:s15+s16], $0x100, $0x38;
	[tilespmem:$0x14400] =	vst v63  }
0x488: {  	_ =	swait.ge [sflag:s18], $0x100  }
0x489: {  	[sflag:s18] =	ssyncset.done $0x0  }
0x48a: {  	[sflag:s18] =	ssyncadd.s32 $0xFFFFFF00  }
0x48b: {  	v8 =	vld [tilespmem:$0x0]  }
0x48c: {  	v9 =	vld [tilespmem:$0x10]  }
0x48d: {  	v10 =	vld [tilespmem:$0x20]  }
0x48e: {  	v11 =	vld [tilespmem:$0x30]  }
0x48f: {  	v12 =	vld [tilespmem:$0x40]  }
0x490: {  	v13 =	vld [tilespmem:$0x50];
	v8 =	vshra.s32 v8, $0x2  }
0x491: {  	[tilespmem:$0x200] =	vst v8;
	v8 =	vshra.s32 v9, $0x2;
	v9 =	vld [tilespmem:$0x60]  }
0x492: {  	[tilespmem:$0x210] =	vst v8;
	v8 =	vshra.s32 v10, $0x2;
	v10 =	vld [tilespmem:$0x70]  }
0x493: {  	[tilespmem:$0x220] =	vst v8;
	v8 =	vshra.s32 v11, $0x2;
	v11 =	vld [tilespmem:$0x80]  }
0x494: {  	v16 =	vld [tilespmem:$0x90];
	[tilespmem:$0x230] =	vst v8;
	v8 =	vshra.s32 v12, $0x2  }
0x495: {  	v17 =	vld [tilespmem:$0xA0];
	[tilespmem:$0x240] =	vst v8;
	v8 =	vshra.s32 v13, $0x2  }
0x496: {  	[tilespmem:$0x250] =	vst v8;
	v8 =	vshra.s32 v9, $0x2;
	v9 =	vld [tilespmem:$0xB0]  }
0x497: {  	[tilespmem:$0x260] =	vst v8;
	v8 =	vshra.s32 v10, $0x2;
	v10 =	vld [tilespmem:$0xC0]  }
0x498: {  	[tilespmem:$0x270] =	vst v8;
	v8 =	vshra.s32 v11, $0x2;
	v11 =	vld [tilespmem:$0xD0]  }
0x499: {  	v18 =	vld [tilespmem:$0xE0];
	[tilespmem:$0x280] =	vst v8;
	v8 =	vshra.s32 v16, $0x2  }
0x49a: {  	v19 =	vld [tilespmem:$0xF0];
	[tilespmem:$0x290] =	vst v8;
	v8 =	vshra.s32 v17, $0x2  }
0x49b: {  	[tilespmem:$0x2A0] =	vst v8;
	v8 =	vshra.s32 v9, $0x2  }
0x49c: {  	[tilespmem:$0x2B0] =	vst v8;
	v8 =	vshra.s32 v10, $0x2  }
0x49d: {  	[tilespmem:$0x2C0] =	vst v8;
	v8 =	vshra.s32 v11, $0x2  }
0x49e: {  	[tilespmem:$0x2D0] =	vst v8;
	v8 =	vshra.s32 v18, $0x2  }
0x49f: {  	[tilespmem:$0x2E0] =	vst v8;
	v8 =	vshra.s32 v19, $0x2  }
0x4a0: {  	[tilespmem:$0x2F0] =	vst v8  }
0x4a1: {  	[tilespmem:s21], [sflag:$0x3] =	stream.indirect.gather [hbm4b:s1+s12], $0x80, s20, s12, $0xb8;
	[tilespmem:$0x14400] =	vst v63  }
0x4a2: {  	_ =	swait.ge [sflag:s29], $0x8000  }
0x4a3: {  	[sflag:s29] =	ssyncset.done $0x0  }
0x4a4: {  	[sflag:s29] =	ssyncadd.s32 $0xFFFF8000  }
0x4a5: {  	_ =	swait.ge [sflag:s2], $0x2000  }
0x4a6: {  	[sflag:s2] =	ssyncset.done $0x0  }
0x4a7: {  	[sflag:s2] =	ssyncadd.s32 $0xFFFFE000  }
0x4a8: {  	v8 =	vld [tilespmem:s12+$0x0];
	_ =	sdelay $0x4  }
0x4a9: {  	v11 =	vlaneseq.u32;
	v9 =	vshll.u32 v8, $0x5  }
0x4aa: {  	v10 =	vor.u32 s16, v11;
	v8 =	vor.u32 v11, v9;
	v11 =	vld [tilespmem:$0x1FF20];
	_ =	sdelay $0x3  }
0x4ab: {  	v16 =	vshll.u32 v10, $0x7  }
0x4ac: {  	v8 =	vand.u32 $0x68, v8;
	v12 =	vor.u32 v11, v16  }
0x4ad: {  	v11 =	vor.u32 v8, v12;
	_ =	sdelay $0x3  }
0x4ae: {  	v8 =	vand.u32 $0xF8, v10  }
0x4af: {  	v14 =	vor.u32 v58, v8;
	v11 =	vld.idx.msk [tilespmem:v11+s24+$0x0], $0xffff;
	_ =	sdelay $0x2  }
0x4b0: {  	v17 =	vld [tilespmem:$0x1FFA0];
	v28 =	vor.u32 v59, v9  }
0x4b1: {  	v3 =	vld [tilespmem:$0x1FC20];
	v13 =	vand.u32 $0x68, v28;
	v10 =	vor.u32 v60, v16  }
0x4b2: {  	v13 =	vor.u32 v13, v10;
	[tilespmem:v14+s30+$0x0] =	vst.idx.msk $0xffff, v11;
	v11 =	vld [tilespmem:$0x1FBE0];
	_ =	sdelay $0x2  }
0x4b3: {  	v32 =	vld [tilespmem:$0x1FBF0];
	v17 =	vor.u32 v17, v9  }
0x4b4: {  	v15 =	vor.u32 v62, v9;
	v31 =	vand.u32 $0x68, v17;
	v17 =	vor.u32 v3, v16;
	v3 =	vld [tilespmem:$0x1FC30]  }
0x4b5: {  	v29 =	vand.u32 $0x68, v15;
	v30 =	vor.u32 v61, v8;
	v13 =	vld.idx.msk [tilespmem:v13+s24+$0x0], $0xffff;
	v11 =	vor.u32 v11, v16  }
0x4b6: {  	v34 =	vld [tilespmem:$0x1FC00];
	v14 =	vor.u32 v29, v11;
	_ =	sdelay $0x1  }
0x4b7: {  	v18 =	vld [tilespmem:$0x1FFB0]  }
0x4b8: {  	v20 =	vld [tilespmem:$0x1FFE0]  }
0x4b9: {  	v53 =	vor.u32 v3, v8;
	v3 =	vld [tilespmem:$0x1FC40];
	[tilespmem:v30+s30+$0x0] =	vst.idx.msk $0xffff, v13  }
0x4ba: {  	v33 =	vor.u32 v32, v8;
	v15 =	vld.idx.msk [tilespmem:v14+s24+$0x0], $0xffff;
	v14 =	vor.u32 v34, v16  }
0x4bb: {  	v36 =	vld [tilespmem:$0x1FC10];
	v13 =	vor.u32 v31, v14;
	_ =	sdelay $0x2  }
0x4bc: {  	v19 =	vld [tilespmem:$0x1FFD0];
	v20 =	vor.u32 v20, v9  }
0x4bd: {  	v18 =	vor.u32 v18, v9;
	v28 =	vand.u32 $0x68, v20;
	v20 =	vor.u32 v3, v8;
	v3 =	vld [tilespmem:$0x1FC60];
	[tilespmem:v33+s30+$0x0] =	vst.idx.msk $0xffff, v15  }
0x4be: {  	v35 =	vand.u32 $0x68, v18;
	v37 =	vor.u32 v36, v8;
	v13 =	vld.idx.msk [tilespmem:v13+s24+$0x0], $0xffff  }
0x4bf: {  	v38 =	vld [tilespmem:$0x1FFC0];
	v15 =	vor.u32 v35, v17;
	_ =	sdelay $0x2  }
0x4c0: {  	v29 =	vld [tilespmem:$0x1FFF0]  }
0x4c1: {  	v19 =	vor.u32 v19, v9;
	v30 =	vor.u32 v3, v9;
	v3 =	vld [tilespmem:$0x1FC70];
	[tilespmem:v37+s30+$0x0] =	vst.idx.msk $0xffff, v13  }
0x4c2: {  	v43 =	vand.u32 $0x68, v19;
	v13 =	vor.u32 v38, v16;
	v15 =	vld.idx.msk [tilespmem:v15+s24+$0x0], $0xffff  }
0x4c3: {  	v18 =	vor.u32 v43, v13;
	_ =	sdelay $0x3  }
0x4c4: {  	[tilespmem:v53+s30+$0x0] =	vst.idx.msk $0xffff, v15;
	v15 =	vor.u32 v29, v16;
	v16 =	vor.u32 v3, v16;
	v3 =	vld [tilespmem:$0x1FC50]  }
0x4c5: {  	v18 =	vld.idx.msk [tilespmem:v18+s24+$0x0], $0xffff;
	_ =	sdelay $0x3  }
0x4c6: {  	v19 =	vor.u32 v28, v15  }
0x4c7: {  	[tilespmem:v20+s30+$0x0] =	vst.idx.msk $0xffff, v18;
	v20 =	vor.u32 v3, v8;
	v3 =	vld [tilespmem:$0x1FC90];
	_ =	sdelay $0x3  }
0x4c8: {  	v19 =	vld.idx.msk [tilespmem:v19+s24+$0x0], $0xffff  }
0x4c9: {  	v31 =	vor.u32 v3, v9;
	v3 =	vld [tilespmem:$0x1FC80];
	_ =	sdelay $0x2  }
0x4ca: {  	v18 =	vand.u32 $0x68, v30  }
0x4cb: {  	v18 =	vor.u32 v18, v16  }
0x4cc: {  	[tilespmem:v20+s30+$0x0] =	vst.idx.msk $0xffff, v19;
	v20 =	vor.u32 v3, v8;
	v3 =	vld [tilespmem:$0x1FCB0];
	_ =	sdelay $0x3  }
0x4cd: {  	v18 =	vld.idx.msk [tilespmem:v18+s24+$0x0], $0xffff  }
0x4ce: {  	v32 =	vor.u32 v3, v9;
	v3 =	vld [tilespmem:$0x1FCA0];
	_ =	sdelay $0x2  }
0x4cf: {  	v19 =	vand.u32 $0x68, v31  }
0x4d0: {  	v19 =	vor.u32 v19, v12  }
0x4d1: {  	[tilespmem:v20+s30+$0x0] =	vst.idx.msk $0xffff, v18;
	v20 =	vor.u32 v3, v8;
	v3 =	vld [tilespmem:$0x1FCD0];
	_ =	sdelay $0x3  }
0x4d2: {  	v19 =	vld.idx.msk [tilespmem:v19+s24+$0x0], $0xffff  }
0x4d3: {  	v33 =	vor.u32 v3, v9;
	v3 =	vld [tilespmem:$0x1FCC0];
	_ =	sdelay $0x1  }
0x4d4: {  	v18 =	vand.u32 $0x68, v32  }
0x4d5: {  	v18 =	vor.u32 v18, v10;
	_ =	sdelay $0x1  }
0x4d6: {  	[tilespmem:v20+s30+$0x0] =	vst.idx.msk $0xffff, v19;
	v20 =	vor.u32 v3, v8;
	v3 =	vld [tilespmem:$0x1FCF0];
	_ =	sdelay $0x2  }
0x4d7: {  	v18 =	vld.idx.msk [tilespmem:v18+s24+$0x0], $0xffff;
	v19 =	vand.u32 $0x68, v33  }
0x4d8: {  	v19 =	vor.u32 v19, v11  }
0x4d9: {  	v34 =	vor.u32 v3, v9;
	v3 =	vld [tilespmem:$0x1FCE0];
	_ =	sdelay $0x2  }
0x4da: {  	[tilespmem:v20+s30+$0x0] =	vst.idx.msk $0xffff, v18  }
0x4db: {  	v19 =	vld.idx.msk [tilespmem:v19+s24+$0x0], $0xffff  }
0x4dc: {  	v18 =	vand.u32 $0x68, v34;
	v20 =	vor.u32 v3, v8;
	v3 =	vld [tilespmem:$0x1FD00]  }
0x4dd: {  	v18 =	vor.u32 v18, v14;
	_ =	sdelay $0x3  }
0x4de: {  	v35 =	vor.u32 v54, v9;
	[tilespmem:v20+s30+$0x0] =	vst.idx.msk $0xffff, v19;
	v20 =	vor.u32 v3, v8;
	v3 =	vld [tilespmem:$0x1FD10]  }
0x4df: {  	v19 =	vand.u32 $0x68, v35;
	v18 =	vld.idx.msk [tilespmem:v18+s24+$0x0], $0xffff  }
0x4e0: {  	v19 =	vor.u32 v19, v17;
	_ =	sdelay $0x3  }
0x4e1: {  	v36 =	vor.u32 v49, v9;
	[tilespmem:v20+s30+$0x0] =	vst.idx.msk $0xffff, v18;
	v20 =	vor.u32 v3, v8;
	v3 =	vld [tilespmem:$0x1FD20]  }
0x4e2: {  	v18 =	vand.u32 $0x68, v36;
	v19 =	vld.idx.msk [tilespmem:v19+s24+$0x0], $0xffff  }
0x4e3: {  	v18 =	vor.u32 v18, v13;
	_ =	sdelay $0x3  }
0x4e4: {  	v37 =	vor.u32 v51, v9;
	v38 =	vor.u32 v3, v9;
	v3 =	vld [tilespmem:$0x1FF30];
	[tilespmem:v20+s30+$0x0] =	vst.idx.msk $0xffff, v19  }
0x4e5: {  	v20 =	vor.u32 v48, v8;
	v19 =	vand.u32 $0x68, v37;
	v18 =	vld.idx.msk [tilespmem:v18+s24+$0x0], $0xffff  }
0x4e6: {  	v19 =	vor.u32 v19, v15;
	_ =	sdelay $0x3  }
0x4e7: {  	v43 =	vor.u32 v3, v9;
	v3 =	vld [tilespmem:$0x1FD30];
	[tilespmem:v20+s30+$0x0] =	vst.idx.msk $0xffff, v18  }
0x4e8: {  	v20 =	vor.u32 v0, v8;
	v19 =	vld.idx.msk [tilespmem:v19+s24+$0x0], $0xffff;
	_ =	sdelay $0x2  }
0x4e9: {  	v18 =	vand.u32 $0x68, v38  }
0x4ea: {  	v18 =	vor.u32 v18, v16  }
0x4eb: {  	[tilespmem:v20+s30+$0x0] =	vst.idx.msk $0xffff, v19;
	v20 =	vor.u32 v3, v8;
	v3 =	vld [tilespmem:$0x1FF60];
	_ =	sdelay $0x3  }
0x4ec: {  	v18 =	vld.idx.msk [tilespmem:v18+s24+$0x0], $0xffff  }
0x4ed: {  	v48 =	vor.u32 v3, v9;
	v3 =	vld [tilespmem:$0x1FD40];
	_ =	sdelay $0x1  }
0x4ee: {  	v19 =	vand.u32 $0x78, v43  }
0x4ef: {  	v19 =	vor.u32 v19, v12;
	_ =	sdelay $0x1  }
0x4f0: {  	[tilespmem:v20+s30+$0x0] =	vst.idx.msk $0xffff, v18;
	v20 =	vor.u32 v3, v8;
	v3 =	vld [tilespmem:$0x1FA70];
	_ =	sdelay $0x2  }
0x4f1: {  	v18 =	vand.u32 $0x78, v48;
	v19 =	vld.idx.msk [tilespmem:v19+s24+$0x0], $0xffff  }
0x4f2: {  	v18 =	vor.u32 v18, v10  }
0x4f3: {  	v53 =	vor.u32 v3, v9;
	v3 =	vld [tilespmem:$0x1FD50];
	_ =	sdelay $0x2  }
0x4f4: {  	[tilespmem:v20+s30+$0x0] =	vst.idx.msk $0xffff, v19  }
0x4f5: {  	v18 =	vld.idx.msk [tilespmem:v18+s24+$0x0], $0xffff  }
0x4f6: {  	v19 =	vand.u32 $0x78, v53;
	v20 =	vor.u32 v3, v8;
	v3 =	vld [tilespmem:$0x1FDA0]  }
0x4f7: {  	v19 =	vor.u32 v19, v11;
	_ =	sdelay $0x3  }
0x4f8: {  	v28 =	vor.u32 v26, v9;
	[tilespmem:v20+s30+$0x0] =	vst.idx.msk $0xffff, v18;
	v20 =	vor.u32 v3, v8;
	v3 =	vld [tilespmem:$0x1FDF0]  }
0x4f9: {  	v18 =	vand.u32 $0x78, v28;
	v19 =	vld.idx.msk [tilespmem:v19+s24+$0x0], $0xffff  }
0x4fa: {  	v18 =	vor.u32 v18, v14;
	_ =	sdelay $0x3  }
0x4fb: {  	v29 =	vor.u32 v23, v9;
	[tilespmem:v20+s30+$0x0] =	vst.idx.msk $0xffff, v19;
	v20 =	vor.u32 v3, v8;
	v3 =	vld [tilespmem:$0x1FE40]  }
0x4fc: {  	v19 =	vand.u32 $0x78, v29;
	v18 =	vld.idx.msk [tilespmem:v18+s24+$0x0], $0xffff  }
0x4fd: {  	v19 =	vor.u32 v19, v17;
	_ =	sdelay $0x3  }
0x4fe: {  	[tilespmem:v20+s30+$0x0] =	vst.idx.msk $0xffff, v18;
	v20 =	vor.u32 v3, v8;
	v3 =	vld [tilespmem:$0x1FE50]  }
0x4ff: {  	v19 =	vld.idx.msk [tilespmem:v19+s24+$0x0], $0xffff;
	_ =	sdelay $0x1  }
0x500: {  	v30 =	vor.u32 v24, v9  }
0x501: {  	v18 =	vand.u32 $0x78, v30  }
0x502: {  	v18 =	vor.u32 v18, v13  }
0x503: {  	[tilespmem:v20+s30+$0x0] =	vst.idx.msk $0xffff, v19;
	v20 =	vor.u32 v3, v8;
	v3 =	vld [tilespmem:$0x1FB50];
	_ =	sdelay $0x3  }
0x504: {  	v18 =	vld.idx.msk [tilespmem:v18+s24+$0x0], $0xffff  }
0x505: {  	v32 =	vor.u32 v3, v9;
	v3 =	vld [tilespmem:$0x1FE60];
	_ =	sdelay $0x1  }
0x506: {  	v31 =	vor.u32 v25, v9  }
0x507: {  	v19 =	vand.u32 $0x78, v31  }
0x508: {  	v19 =	vor.u32 v19, v15  }
0x509: {  	[tilespmem:v20+s30+$0x0] =	vst.idx.msk $0xffff, v18;
	v20 =	vor.u32 v3, v8;
	v3 =	vld [tilespmem:$0x1FB60];
	_ =	sdelay $0x3  }
0x50a: {  	v19 =	vld.idx.msk [tilespmem:v19+s24+$0x0], $0xffff  }
0x50b: {  	v33 =	vor.u32 v3, v9;
	v3 =	vld [tilespmem:$0x1FE70];
	_ =	sdelay $0x1  }
0x50c: {  	v18 =	vand.u32 $0x78, v32  }
0x50d: {  	v18 =	vor.u32 v18, v16;
	_ =	sdelay $0x1  }
0x50e: {  	[tilespmem:v20+s30+$0x0] =	vst.idx.msk $0xffff, v19;
	v20 =	vor.u32 v3, v8;
	v3 =	vld [tilespmem:$0x1FB70];
	_ =	sdelay $0x2  }
0x50f: {  	v19 =	vand.u32 $0x78, v33;
	v18 =	vld.idx.msk [tilespmem:v18+s24+$0x0], $0xffff  }
0x510: {  	v12 =	vor.u32 v19, v12  }
0x511: {  	v34 =	vor.u32 v3, v9;
	v3 =	vld [tilespmem:$0x1FE80];
	_ =	sdelay $0x2  }
0x512: {  	[tilespmem:v20+s30+$0x0] =	vst.idx.msk $0xffff, v18  }
0x513: {  	v12 =	vld.idx.msk [tilespmem:v12+s24+$0x0], $0xffff  }
0x514: {  	v18 =	vand.u32 $0x78, v34;
	v35 =	vor.u32 v3, v8;
	v3 =	vld [tilespmem:$0x1FB80]  }
0x515: {  	v10 =	vor.u32 v18, v10;
	_ =	sdelay $0x3  }
0x516: {  	[tilespmem:v35+s30+$0x0] =	vst.idx.msk $0xffff, v12;
	v36 =	vor.u32 v3, v9  }
0x517: {  	v37 =	vor.u32 v44, v8;
	v10 =	vld.idx.msk [tilespmem:v10+s24+$0x0], $0xffff;
	v12 =	vand.u32 $0x78, v36  }
0x518: {  	v11 =	vor.u32 v12, v11;
	_ =	sdelay $0x3  }
0x519: {  	[tilespmem:v37+s30+$0x0] =	vst.idx.msk $0xffff, v10;
	v10 =	vor.u32 v4, v9  }
0x51a: {  	v38 =	vor.u32 v45, v8;
	v11 =	vld.idx.msk [tilespmem:v11+s24+$0x0], $0xffff;
	v10 =	vand.u32 $0x78, v10  }
0x51b: {  	v10 =	vor.u32 v10, v14;
	_ =	sdelay $0x3  }
0x51c: {  	[tilespmem:v38+s30+$0x0] =	vst.idx.msk $0xffff, v11;
	v11 =	vor.u32 v7, v9  }
0x51d: {  	v43 =	vor.u32 v50, v8;
	v10 =	vld.idx.msk [tilespmem:v10+s24+$0x0], $0xffff;
	v11 =	vand.u32 $0x78, v11  }
0x51e: {  	v11 =	vor.u32 v11, v17;
	_ =	sdelay $0x3  }
0x51f: {  	[tilespmem:v43+s30+$0x0] =	vst.idx.msk $0xffff, v10;
	v10 =	vor.u32 v6, v9  }
0x520: {  	v48 =	vor.u32 v47, v8;
	v11 =	vld.idx.msk [tilespmem:v11+s24+$0x0], $0xffff;
	v10 =	vand.u32 $0x78, v10  }
0x521: {  	v10 =	vor.u32 v10, v13;
	_ =	sdelay $0x3  }
0x522: {  	[tilespmem:v48+s30+$0x0] =	vst.idx.msk $0xffff, v11;
	v11 =	vor.u32 v1, v9  }
0x523: {  	v53 =	vor.u32 v55, v8;
	v10 =	vld.idx.msk [tilespmem:v10+s24+$0x0], $0xffff;
	v11 =	vand.u32 $0x78, v11  }
0x524: {  	v11 =	vor.u32 v11, v15;
	_ =	sdelay $0x3  }
0x525: {  	v9 =	vor.u32 v46, v9;
	[tilespmem:v53+s30+$0x0] =	vst.idx.msk $0xffff, v10  }
0x526: {  	v9 =	vand.u32 $0x78, v9;
	v10 =	vld.idx.msk [tilespmem:v11+s24+$0x0], $0xffff;
	v11 =	vor.u32 v57, v8  }
0x527: {  	v9 =	vor.u32 v9, v16;
	_ =	sdelay $0x3  }
0x528: {  	[tilespmem:v11+s30+$0x0] =	vst.idx.msk $0xffff, v10  }
0x529: {  	s15 =	simm.s32 $0x10;
	v8 =	vor.u32 v52, v8;
	v9 =	vld.idx.msk [tilespmem:v9+s24+$0x0], $0xffff  }
.LBB2_9:
0x52a: {  	_ =	sdelay $0x3  }
0x52b: {  	s12 =	sadd.s32 $0x10, s12;
	[tilespmem:v8+s30+$0x0] =	vst.idx.msk $0xffff, v9  }
0x52c: {  	v8 =	vld [tilespmem:s12+$0x0];
	_ =	sdelay $0x3  }
0x52d: {  	s16 =	smov.u32 s15;
	v10 =	vlaneseq.u32  }
0x52e: {  	v9 =	vor.u32 s16, v10;
	v14 =	vshll.u32 v8, $0x5  }
0x52f: {  	v20 =	vshll.u32 v9, $0x7;
	v8 =	vor.u32 v10, v14;
	v10 =	vor.u32 v59, v14  }
0x530: {  	v13 =	vor.u32 v60, v20;
	v10 =	vand.u32 $0x68, v10  }
0x531: {  	v17 =	vor.u32 v10, v13;
	v10 =	vld [tilespmem:$0x1FBE0];
	_ =	sdelay $0x1  }
0x532: {  	v11 =	vld [tilespmem:$0x1FF20];
	_ =	sdelay $0x2  }
0x533: {  	v12 =	vor.u32 v10, v20;
	v10 =	vld [tilespmem:$0x1FFA0];
	_ =	sdelay $0x1  }
0x534: {  	v3 =	vld [tilespmem:$0x1FC60];
	v15 =	vor.u32 v11, v20;
	v8 =	vand.u32 $0x68, v8  }
0x535: {  	v16 =	vor.u32 v8, v15;
	v8 =	vand.u32 $0xF8, v9;
	v9 =	vor.u32 v62, v14  }
0x536: {  	v11 =	vld [tilespmem:$0x1FFB0];
	v9 =	vand.u32 $0x68, v9  }
0x537: {  	v18 =	vor.u32 v9, v12;
	v9 =	vld [tilespmem:$0x1FFD0];
	v10 =	vor.u32 v10, v14  }
0x538: {  	v37 =	vand.u32 $0x68, v10;
	v10 =	vld [tilespmem:$0x1FFC0]  }
0x539: {  	v31 =	vor.u32 v3, v14;
	v3 =	vld [tilespmem:$0x1FC70];
	_ =	sdelay $0x2  }
0x53a: {  	v11 =	vor.u32 v11, v14;
	v9 =	vor.u32 v9, v14  }
0x53b: {  	v38 =	vand.u32 $0x68, v11;
	v9 =	vand.u32 $0x68, v9;
	v11 =	vor.u32 v10, v20  }
0x53c: {  	v43 =	vor.u32 v9, v11;
	v9 =	vor.u32 v3, v20;
	v3 =	vld [tilespmem:$0x1FC90];
	_ =	sdelay $0x4  }
0x53d: {  	v22 =	vor.u32 v3, v14;
	v3 =	vld [tilespmem:$0x1FCB0];
	_ =	sdelay $0x4  }
0x53e: {  	v53 =	vor.u32 v3, v14;
	v3 =	vld [tilespmem:$0x1FCD0];
	_ =	sdelay $0x4  }
0x53f: {  	v60 =	vor.u32 v3, v14;
	v3 =	vld [tilespmem:$0x1FCF0];
	_ =	sdelay $0x4  }
0x540: {  	v36 =	vor.u32 v3, v14;
	v3 =	vld [tilespmem:$0x1FD20];
	_ =	sdelay $0x4  }
0x541: {  	v32 =	vor.u32 v3, v14;
	v3 =	vld [tilespmem:$0x1FF30];
	_ =	sdelay $0x4  }
0x542: {  	v62 =	vor.u32 v3, v14;
	v3 =	vld [tilespmem:$0x1FF60];
	_ =	sdelay $0x4  }
0x543: {  	v30 =	vor.u32 v3, v14;
	v3 =	vld [tilespmem:$0x1FA70];
	_ =	sdelay $0x1  }
0x544: {  	v10 =	vld [tilespmem:$0x1FFE0];
	_ =	sdelay $0x1  }
0x545: {  	v21 =	vor.u32 v58, v8;
	v16 =	vld.idx.msk [tilespmem:v16+s24+$0x0], $0xffff  }
0x546: {  	v29 =	vor.u32 v3, v14;
	v3 =	vld [tilespmem:$0x1FB50];
	_ =	sdelay $0x1  }
0x547: {  	v10 =	vor.u32 v10, v14  }
0x548: {  	v19 =	vand.u32 $0x68, v10;
	v10 =	vld [tilespmem:$0x1FFF0]  }
0x549: {  	[tilespmem:v21+s30+$0x0] =	vst.idx.msk $0xffff, v16  }
0x54a: {  	v21 =	vor.u32 v61, v8;
	v61 =	vor.u32 v24, v14;
	v24 =	vor.u32 v3, v14;
	v3 =	vld [tilespmem:$0x1FB60];
	_ =	sdelay $0x2  }
0x54b: {  	v10 =	vor.u32 v10, v20  }
0x54c: {  	v17 =	vld.idx.msk [tilespmem:v17+s24+$0x0], $0xffff;
	v48 =	vor.u32 v19, v10;
	v19 =	vand.u32 $0x68, v31  }
0x54d: {  	v16 =	vand.u32 $0x68, v32;
	v31 =	vand.u32 $0x78, v62;
	v62 =	vor.u32 v3, v14;
	v3 =	vld [tilespmem:$0x1FB70]  }
0x54e: {  	v32 =	vor.u32 v16, v9;
	v16 =	vand.u32 $0x78, v61;
	v61 =	vand.u32 $0x78, v62;
	v62 =	vld [tilespmem:$0x1FBF0];
	_ =	sdelay $0x2  }
0x54f: {  	v22 =	vand.u32 $0x68, v22;
	v58 =	vor.u32 v19, v9;
	v19 =	vld [tilespmem:$0x1FC00]  }
0x550: {  	[tilespmem:v21+s30+$0x0] =	vst.idx.msk $0xffff, v17;
	v59 =	vor.u32 v22, v15;
	v22 =	vor.u32 v3, v14;
	v3 =	vld [tilespmem:$0x1FB80]  }
0x551: {  	v27 =	vor.u32 v23, v14;
	v23 =	vor.u32 v61, v15;
	v61 =	vld.idx.msk [tilespmem:v18+s24+$0x0], $0xffff;
	v62 =	vor.u32 v62, v8;
	_ =	sdelay $0x3  }
0x552: {  	v19 =	vor.u32 v19, v20;
	v21 =	vor.u32 v3, v14;
	v3 =	vld [tilespmem:$0x1FC20]  }
0x553: {  	v37 =	vor.u32 v37, v19;
	[tilespmem:v62+s30+$0x0] =	vst.idx.msk $0xffff, v61;
	v61 =	vld [tilespmem:$0x1FC10];
	_ =	sdelay $0x4  }
0x554: {  	v37 =	vld.idx.msk [tilespmem:v37+s24+$0x0], $0xffff;
	v20 =	vor.u32 v3, v20;
	v61 =	vor.u32 v61, v8  }
0x555: {  	v3 =	vld [tilespmem:$0x1FC30];
	v38 =	vor.u32 v38, v20;
	_ =	sdelay $0x3  }
0x556: {  	[tilespmem:v61+s30+$0x0] =	vst.idx.msk $0xffff, v37  }
0x557: {  	v37 =	vld.idx.msk [tilespmem:v38+s24+$0x0], $0xffff;
	v38 =	vor.u32 v3, v8  }
0x558: {  	v3 =	vld [tilespmem:$0x1FC40];
	_ =	sdelay $0x3  }
0x559: {  	[tilespmem:v38+s30+$0x0] =	vst.idx.msk $0xffff, v37  }
0x55a: {  	v37 =	vld.idx.msk [tilespmem:v43+s24+$0x0], $0xffff;
	v43 =	vor.u32 v3, v8  }
0x55b: {  	v3 =	vld [tilespmem:$0x1FC50];
	_ =	sdelay $0x3  }
0x55c: {  	[tilespmem:v43+s30+$0x0] =	vst.idx.msk $0xffff, v37  }
0x55d: {  	v37 =	vld.idx.msk [tilespmem:v48+s24+$0x0], $0xffff;
	v48 =	vor.u32 v3, v8  }
0x55e: {  	v3 =	vld [tilespmem:$0x1FC80];
	_ =	sdelay $0x3  }
0x55f: {  	[tilespmem:v48+s30+$0x0] =	vst.idx.msk $0xffff, v37  }
0x560: {  	v43 =	vor.u32 v3, v8;
	v37 =	vld.idx.msk [tilespmem:v58+s24+$0x0], $0xffff  }
0x561: {  	v3 =	vld [tilespmem:$0x1FCA0];
	_ =	sdelay $0x3  }
0x562: {  	[tilespmem:v43+s30+$0x0] =	vst.idx.msk $0xffff, v37  }
0x563: {  	v48 =	vand.u32 $0x68, v53;
	v38 =	vor.u32 v3, v8;
	v37 =	vld.idx.msk [tilespmem:v59+s24+$0x0], $0xffff  }
0x564: {  	v3 =	vld [tilespmem:$0x1FCC0];
	v43 =	vor.u32 v48, v13;
	_ =	sdelay $0x3  }
0x565: {  	[tilespmem:v38+s30+$0x0] =	vst.idx.msk $0xffff, v37  }
0x566: {  	v48 =	vand.u32 $0x68, v60;
	v38 =	vor.u32 v3, v8;
	v37 =	vld.idx.msk [tilespmem:v43+s24+$0x0], $0xffff  }
0x567: {  	v3 =	vld [tilespmem:$0x1FCE0];
	v43 =	vor.u32 v48, v12;
	_ =	sdelay $0x3  }
0x568: {  	[tilespmem:v38+s30+$0x0] =	vst.idx.msk $0xffff, v37  }
0x569: {  	v36 =	vand.u32 $0x68, v36;
	v37 =	vld.idx.msk [tilespmem:v43+s24+$0x0], $0xffff;
	v43 =	vor.u32 v3, v8  }
0x56a: {  	v36 =	vor.u32 v36, v19;
	v3 =	vld [tilespmem:$0x1FD00];
	_ =	sdelay $0x3  }
0x56b: {  	v35 =	vor.u32 v54, v14;
	[tilespmem:v43+s30+$0x0] =	vst.idx.msk $0xffff, v37  }
0x56c: {  	v35 =	vand.u32 $0x68, v35;
	v48 =	vor.u32 v3, v8;
	v36 =	vld.idx.msk [tilespmem:v36+s24+$0x0], $0xffff  }
0x56d: {  	v35 =	vor.u32 v35, v20;
	v3 =	vld [tilespmem:$0x1FD10];
	_ =	sdelay $0x3  }
0x56e: {  	v34 =	vor.u32 v49, v14;
	[tilespmem:v48+s30+$0x0] =	vst.idx.msk $0xffff, v36  }
0x56f: {  	v34 =	vand.u32 $0x68, v34;
	v43 =	vor.u32 v3, v8;
	v35 =	vld.idx.msk [tilespmem:v35+s24+$0x0], $0xffff  }
0x570: {  	v34 =	vor.u32 v34, v11;
	v53 =	vld [tilespmem:$0x1FF70];
	_ =	sdelay $0x3  }
0x571: {  	v33 =	vor.u32 v51, v14;
	[tilespmem:v43+s30+$0x0] =	vst.idx.msk $0xffff, v35  }
0x572: {  	v33 =	vand.u32 $0x68, v33;
	v48 =	vor.u32 v53, v8;
	v34 =	vld.idx.msk [tilespmem:v34+s24+$0x0], $0xffff  }
0x573: {  	v33 =	vor.u32 v33, v10;
	_ =	sdelay $0x3  }
0x574: {  	[tilespmem:v48+s30+$0x0] =	vst.idx.msk $0xffff, v34  }
0x575: {  	v36 =	vor.u32 v0, v8;
	v33 =	vld.idx.msk [tilespmem:v33+s24+$0x0], $0xffff  }
0x576: {  	v3 =	vld [tilespmem:$0x1FD30];
	_ =	sdelay $0x3  }
0x577: {  	[tilespmem:v36+s30+$0x0] =	vst.idx.msk $0xffff, v33  }
0x578: {  	v37 =	vor.u32 v3, v8;
	v32 =	vld.idx.msk [tilespmem:v32+s24+$0x0], $0xffff  }
0x579: {  	v31 =	vor.u32 v31, v15;
	v3 =	vld [tilespmem:$0x1FD40];
	_ =	sdelay $0x3  }
0x57a: {  	[tilespmem:v37+s30+$0x0] =	vst.idx.msk $0xffff, v32  }
0x57b: {  	v30 =	vand.u32 $0x78, v30;
	v38 =	vor.u32 v3, v8;
	v31 =	vld.idx.msk [tilespmem:v31+s24+$0x0], $0xffff  }
0x57c: {  	v30 =	vor.u32 v30, v13;
	v3 =	vld [tilespmem:$0x1FD50];
	_ =	sdelay $0x3  }
0x57d: {  	[tilespmem:v38+s30+$0x0] =	vst.idx.msk $0xffff, v31  }
0x57e: {  	v29 =	vand.u32 $0x78, v29;
	v43 =	vor.u32 v3, v8;
	v30 =	vld.idx.msk [tilespmem:v30+s24+$0x0], $0xffff  }
0x57f: {  	v29 =	vor.u32 v29, v12;
	v3 =	vld [tilespmem:$0x1FDA0];
	_ =	sdelay $0x3  }
0x580: {  	v28 =	vor.u32 v26, v14;
	[tilespmem:v43+s30+$0x0] =	vst.idx.msk $0xffff, v30  }
0x581: {  	v28 =	vand.u32 $0x78, v28;
	v48 =	vor.u32 v3, v8;
	v29 =	vld.idx.msk [tilespmem:v29+s24+$0x0], $0xffff  }
0x582: {  	v28 =	vor.u32 v28, v19;
	v3 =	vld [tilespmem:$0x1FDF0];
	_ =	sdelay $0x3  }
0x583: {  	[tilespmem:v48+s30+$0x0] =	vst.idx.msk $0xffff, v29  }
0x584: {  	v27 =	vand.u32 $0x78, v27;
	v33 =	vor.u32 v3, v8;
	v28 =	vld.idx.msk [tilespmem:v28+s24+$0x0], $0xffff  }
0x585: {  	v27 =	vor.u32 v27, v20;
	v3 =	vld [tilespmem:$0x1FE40];
	_ =	sdelay $0x3  }
0x586: {  	[tilespmem:v33+s30+$0x0] =	vst.idx.msk $0xffff, v28  }
0x587: {  	v34 =	vor.u32 v3, v8;
	v27 =	vld.idx.msk [tilespmem:v27+s24+$0x0], $0xffff  }
0x588: {  	v26 =	vor.u32 v16, v11;
	v3 =	vld [tilespmem:$0x1FE50];
	_ =	sdelay $0x3  }
0x589: {  	v25 =	vor.u32 v2, v14;
	[tilespmem:v34+s30+$0x0] =	vst.idx.msk $0xffff, v27  }
0x58a: {  	v25 =	vand.u32 $0x78, v25;
	v27 =	vor.u32 v3, v8;
	v26 =	vld.idx.msk [tilespmem:v26+s24+$0x0], $0xffff  }
0x58b: {  	v25 =	vor.u32 v25, v10;
	v3 =	vld [tilespmem:$0x1FE60];
	_ =	sdelay $0x3  }
0x58c: {  	[tilespmem:v27+s30+$0x0] =	vst.idx.msk $0xffff, v26  }
0x58d: {  	v24 =	vand.u32 $0x78, v24;
	v26 =	vor.u32 v3, v8;
	v25 =	vld.idx.msk [tilespmem:v25+s24+$0x0], $0xffff  }
0x58e: {  	v24 =	vor.u32 v24, v9;
	v3 =	vld [tilespmem:$0x1FE70];
	_ =	sdelay $0x3  }
0x58f: {  	[tilespmem:v26+s30+$0x0] =	vst.idx.msk $0xffff, v25  }
0x590: {  	v25 =	vor.u32 v3, v8;
	v24 =	vld.idx.msk [tilespmem:v24+s24+$0x0], $0xffff  }
0x591: {  	v3 =	vld [tilespmem:$0x1FE80];
	_ =	sdelay $0x3  }
0x592: {  	[tilespmem:v25+s30+$0x0] =	vst.idx.msk $0xffff, v24  }
0x593: {  	v22 =	vand.u32 $0x78, v22;
	v24 =	vor.u32 v3, v8;
	v23 =	vld.idx.msk [tilespmem:v23+s24+$0x0], $0xffff  }
0x594: {  	v13 =	vor.u32 v22, v13;
	_ =	sdelay $0x3  }
0x595: {  	[tilespmem:v24+s30+$0x0] =	vst.idx.msk $0xffff, v23  }
0x596: {  	v21 =	vand.u32 $0x78, v21;
	v22 =	vor.u32 v44, v8;
	v13 =	vld.idx.msk [tilespmem:v13+s24+$0x0], $0xffff  }
0x597: {  	v12 =	vor.u32 v21, v12;
	_ =	sdelay $0x3  }
0x598: {  	v18 =	vor.u32 v4, v14;
	[tilespmem:v22+s30+$0x0] =	vst.idx.msk $0xffff, v13  }
0x599: {  	v18 =	vand.u32 $0x78, v18;
	v35 =	vor.u32 v45, v8;
	v12 =	vld.idx.msk [tilespmem:v12+s24+$0x0], $0xffff  }
0x59a: {  	v18 =	vor.u32 v18, v19;
	_ =	sdelay $0x3  }
0x59b: {  	v17 =	vor.u32 v7, v14;
	[tilespmem:v35+s30+$0x0] =	vst.idx.msk $0xffff, v12  }
0x59c: {  	v17 =	vand.u32 $0x78, v17;
	v36 =	vor.u32 v50, v8;
	v12 =	vld.idx.msk [tilespmem:v18+s24+$0x0], $0xffff  }
0x59d: {  	v17 =	vor.u32 v17, v20;
	_ =	sdelay $0x3  }
0x59e: {  	v16 =	vor.u32 v6, v14;
	[tilespmem:v36+s30+$0x0] =	vst.idx.msk $0xffff, v12  }
0x59f: {  	v16 =	vand.u32 $0x78, v16;
	v37 =	vor.u32 v47, v8;
	v12 =	vld.idx.msk [tilespmem:v17+s24+$0x0], $0xffff  }
0x5a0: {  	v11 =	vor.u32 v16, v11;
	_ =	sdelay $0x3  }
0x5a1: {  	v15 =	vor.u32 v1, v14;
	[tilespmem:v37+s30+$0x0] =	vst.idx.msk $0xffff, v12  }
0x5a2: {  	v38 =	vor.u32 v55, v8;
	v43 =	vand.u32 $0x78, v15;
	v11 =	vld.idx.msk [tilespmem:v11+s24+$0x0], $0xffff  }
0x5a3: {  	v10 =	vor.u32 v43, v10;
	_ =	sdelay $0x3  }
0x5a4: {  	v14 =	vor.u32 v46, v14;
	[tilespmem:v38+s30+$0x0] =	vst.idx.msk $0xffff, v11  }
0x5a5: {  	v48 =	vand.u32 $0x78, v14;
	v11 =	vor.u32 v57, v8;
	v10 =	vld.idx.msk [tilespmem:v10+s24+$0x0], $0xffff  }
0x5a6: {  	p0 =	sne.s32 s15, $0xF0;
	v9 =	vor.u32 v48, v9  }
.Ltmp3:
0x5a7: {  	_ = 	snop;
	(pc) =	sbr.rel @p0 .LBB2_9-.Ltmp3, $3  }
0x5a8: {  	_ =	sdelay $0x1  }
0x5a9: {  	v62 =	vmov v42;
	v61 =	vmov v41;
	v58 =	vmov v63;
	v26 =	vld [tilespmem:$0x1FAD0];
	[tilespmem:v11+s30+$0x0] =	vst.idx.msk $0xffff, v10  }
0x5aa: {  	s15 =	sadd.s32 $0x10, s15;
	v60 =	vmovc v40;
	v59 =	vmovc v39;
	v24 =	vmov v56;
	v23 =	vmov v5;
	v8 =	vor.u32 v52, v8;
	v9 =	vld.idx.msk [tilespmem:v9+s24+$0x0], $0xffff  }
0x5ab: {  	v3 =	vld [tilespmem:$0x1FFA0]  }
0x5ac: {  	s8 =	sadd.s32 $0x1, s8;
	v29 =	vld [tilespmem:$0x1FFB0]  }
0x5ad: {  	v30 =	vld [tilespmem:$0x1FFD0];
	p0 =	sne.s32 s8, $0x31  }
.Ltmp4:
0x5ae: {  	s10 =	sadd.s32 s10, s6;
	v32 =	vld [tilespmem:$0x1FFC0];
	(pc) =	sbr.rel @p0 .LBB2_6-.Ltmp4, $4  }
0x5af: {  	v31 =	vld [tilespmem:$0x1FFE0];
	s10 =	sadd.s32 $0x20, s10;
	[tilespmem:v8+s30+$0x0] =	vst.idx.msk $0xffff, v9  }
0x5b0: {  	v33 =	vld [tilespmem:$0x1FFF0];
	[hbm4b:s10+s19] =	stream.strided.scatter [tilespmem:s30], [sflag:$0x6], $0x2000, s28, s19, $0x38  }
0x5b1: {  	s16 =	sadd.s32 s11, s14;
	v28 =	vld [tilespmem:$0x1FC90]  }
0x5b2: {  	v25 =	vmovc v2;
	v27 =	vld [tilespmem:$0x1FCB0];
	v43 =	vmovc v54;
	v48 =	vmov v49;
	v49 =	vmov v51;
	v51 =	vmov v0;
	[tilespmem:s19], [sflag:$0x2] =	stream.linear.gather [hbm4b:s16+s4], $0x100, $0x38  }
0x5b3: {  	_ =	swait.ge [sflag:s22], $0x100  }
0x5b4: {  	[sflag:s22] =	ssyncset.done $0x0  }
0x5b5: {  	[sflag:s22] =	ssyncadd.s32 $0xFFFFFF00  }
0x5b6: {  	v8 =	vld [tilespmem:$0x100]  }
0x5b7: {  	v9 =	vld [tilespmem:$0x110]  }
0x5b8: {  	v10 =	vld [tilespmem:$0x120]  }
0x5b9: {  	v11 =	vld [tilespmem:$0x130]  }
0x5ba: {  	v12 =	vld [tilespmem:$0x140]  }
0x5bb: {  	v13 =	vld [tilespmem:$0x150];
	v8 =	vshra.s32 v8, $0x2  }
0x5bc: {  	[tilespmem:$0x300] =	vst v8;
	v8 =	vshra.s32 v9, $0x2;
	v9 =	vld [tilespmem:$0x160]  }
0x5bd: {  	[tilespmem:$0x310] =	vst v8;
	v8 =	vshra.s32 v10, $0x2;
	v10 =	vld [tilespmem:$0x170]  }
0x5be: {  	[tilespmem:$0x320] =	vst v8;
	v8 =	vshra.s32 v11, $0x2;
	v11 =	vld [tilespmem:$0x180]  }
0x5bf: {  	v46 =	vld [tilespmem:$0x190];
	[tilespmem:$0x330] =	vst v8;
	v8 =	vshra.s32 v12, $0x2  }
0x5c0: {  	v47 =	vld [tilespmem:$0x1A0];
	[tilespmem:$0x340] =	vst v8;
	v8 =	vshra.s32 v13, $0x2  }
0x5c1: {  	[tilespmem:$0x350] =	vst v8;
	v8 =	vshra.s32 v9, $0x2;
	v9 =	vld [tilespmem:$0x1B0]  }
0x5c2: {  	[tilespmem:$0x360] =	vst v8;
	v8 =	vshra.s32 v10, $0x2;
	v10 =	vld [tilespmem:$0x1C0]  }
0x5c3: {  	[tilespmem:$0x370] =	vst v8;
	v8 =	vshra.s32 v11, $0x2;
	v11 =	vld [tilespmem:$0x1D0]  }
0x5c4: {  	v50 =	vld [tilespmem:$0x1E0];
	[tilespmem:$0x380] =	vst v8;
	v8 =	vshra.s32 v46, $0x2  }
0x5c5: {  	v52 =	vld [tilespmem:$0x1F0];
	[tilespmem:$0x390] =	vst v8;
	v8 =	vshra.s32 v47, $0x2  }
0x5c6: {  	[tilespmem:$0x3A0] =	vst v8;
	v8 =	vshra.s32 v9, $0x2  }
0x5c7: {  	[tilespmem:$0x3B0] =	vst v8;
	v8 =	vshra.s32 v10, $0x2  }
0x5c8: {  	[tilespmem:$0x3C0] =	vst v8;
	v8 =	vshra.s32 v11, $0x2  }
0x5c9: {  	[tilespmem:$0x3D0] =	vst v8;
	v8 =	vshra.s32 v50, $0x2  }
0x5ca: {  	[tilespmem:$0x3E0] =	vst v8;
	v8 =	vshra.s32 v52, $0x2  }
0x5cb: {  	[tilespmem:$0x3F0] =	vst v8  }
0x5cc: {  	[tilespmem:s24], [sflag:$0x4] =	stream.indirect.gather [hbm4b:s1+s19], $0x80, s23, s19, $0xb8;
	[tilespmem:$0x14400] =	vst v63  }
0x5cd: {  	_ =	swait.ge [sflag:s25], $0x8000  }
0x5ce: {  	[sflag:s25] =	ssyncset.done $0x0  }
0x5cf: {  	[sflag:s25] =	ssyncadd.s32 $0xFFFF8000  }
0x5d0: {  	_ =	swait.ge [sflag:s31], $0x2000  }
0x5d1: {  	[sflag:s31] =	ssyncset.done $0x0  }
0x5d2: {  	s8 =	simm.s32 $0x0;
	[sflag:s31] =	ssyncadd.s32 $0xFFFFE000  }
0x5d3: {  	v8 =	vld [tilespmem:s8+$0x0];
	_ =	sdelay $0x4  }
0x5d4: {  	v0 =	vlaneseq.u32;
	v9 =	vshll.u32 v8, $0x5  }
0x5d5: {  	v10 =	vor.u32 s8, v0;
	v8 =	vor.u32 v0, v9;
	v0 =	vld [tilespmem:$0x1FF20];
	_ =	sdelay $0x3  }
0x5d6: {  	v16 =	vshll.u32 v10, $0x7  }
0x5d7: {  	v8 =	vand.u32 $0x68, v8;
	v12 =	vor.u32 v0, v16  }
0x5d8: {  	v11 =	vor.u32 v8, v12;
	_ =	sdelay $0x3  }
0x5d9: {  	v0 =	vld [tilespmem:$0x1FBE0];
	v8 =	vand.u32 $0xF8, v10  }
0x5da: {  	v14 =	vor.u32 v58, v8;
	v11 =	vld.idx.msk [tilespmem:v11+s21+$0x0], $0xffff  }
0x5db: {  	v54 =	vor.u32 v59, v9  }
0x5dc: {  	v13 =	vand.u32 $0x68, v54;
	v10 =	vor.u32 v60, v16  }
0x5dd: {  	v13 =	vor.u32 v13, v10;
	_ =	sdelay $0x1  }
0x5de: {  	[tilespmem:v14+s26+$0x0] =	vst.idx.msk $0xffff, v11;
	v11 =	vor.u32 v0, v16;
	v0 =	vld [tilespmem:$0x1FBF0];
	_ =	sdelay $0x1  }
0x5df: {  	v15 =	vor.u32 v62, v9  }
0x5e0: {  	v55 =	vand.u32 $0x68, v15;
	v57 =	vor.u32 v61, v8;
	v13 =	vld.idx.msk [tilespmem:v13+s21+$0x0], $0xffff  }
0x5e1: {  	v14 =	vor.u32 v55, v11  }
0x5e2: {  	v35 =	vor.u32 v0, v8;
	v0 =	vld [tilespmem:$0x1FC00];
	_ =	sdelay $0x2  }
0x5e3: {  	[tilespmem:v57+s26+$0x0] =	vst.idx.msk $0xffff, v13  }
0x5e4: {  	v15 =	vld.idx.msk [tilespmem:v14+s21+$0x0], $0xffff  }
0x5e5: {  	v14 =	vor.u32 v0, v16;
	v0 =	vld [tilespmem:$0x1FC10];
	_ =	sdelay $0x4  }
0x5e6: {  	v37 =	vor.u32 v0, v8;
	v0 =	vld [tilespmem:$0x1FC20];
	_ =	sdelay $0x3  }
0x5e7: {  	v17 =	vor.u32 v3, v9  }
0x5e8: {  	v34 =	vand.u32 $0x68, v17;
	v17 =	vor.u32 v0, v16;
	v0 =	vld [tilespmem:$0x1FC30]  }
0x5e9: {  	v13 =	vor.u32 v34, v14;
	_ =	sdelay $0x3  }
0x5ea: {  	v18 =	vor.u32 v29, v9;
	[tilespmem:v35+s26+$0x0] =	vst.idx.msk $0xffff, v15;
	v44 =	vor.u32 v0, v8;
	v0 =	vld [tilespmem:$0x1FC40]  }
0x5eb: {  	v36 =	vand.u32 $0x68, v18;
	v13 =	vld.idx.msk [tilespmem:v13+s21+$0x0], $0xffff  }
0x5ec: {  	v15 =	vor.u32 v36, v17;
	_ =	sdelay $0x1  }
0x5ed: {  	v20 =	vor.u32 v31, v9  }
0x5ee: {  	v45 =	vand.u32 $0x68, v20;
	v20 =	vor.u32 v0, v8;
	v0 =	vld [tilespmem:$0x1FC60]  }
0x5ef: {  	v19 =	vor.u32 v30, v9;
	[tilespmem:v37+s26+$0x0] =	vst.idx.msk $0xffff, v13  }
0x5f0: {  	v38 =	vand.u32 $0x68, v19;
	v13 =	vor.u32 v32, v16;
	v15 =	vld.idx.msk [tilespmem:v15+s21+$0x0], $0xffff  }
0x5f1: {  	v18 =	vor.u32 v38, v13;
	_ =	sdelay $0x1  }
0x5f2: {  	v46 =	vor.u32 v0, v9;
	v0 =	vld [tilespmem:$0x1FC70];
	_ =	sdelay $0x1  }
0x5f3: {  	[tilespmem:v44+s26+$0x0] =	vst.idx.msk $0xffff, v15  }
0x5f4: {  	v15 =	vor.u32 v33, v16;
	v18 =	vld.idx.msk [tilespmem:v18+s21+$0x0], $0xffff  }
0x5f5: {  	v19 =	vor.u32 v45, v15  }
0x5f6: {  	v16 =	vor.u32 v0, v16;
	v0 =	vld [tilespmem:$0x1FC50];
	_ =	sdelay $0x2  }
0x5f7: {  	[tilespmem:v20+s26+$0x0] =	vst.idx.msk $0xffff, v18  }
0x5f8: {  	v19 =	vld.idx.msk [tilespmem:v19+s21+$0x0], $0xffff  }
0x5f9: {  	v18 =	vand.u32 $0x68, v46;
	v20 =	vor.u32 v0, v8;
	v0 =	vld [tilespmem:$0x1FC80]  }
0x5fa: {  	v18 =	vor.u32 v18, v16;
	_ =	sdelay $0x3  }
0x5fb: {  	[tilespmem:v20+s26+$0x0] =	vst.idx.msk $0xffff, v19;
	v20 =	vor.u32 v0, v8;
	v0 =	vld [tilespmem:$0x1FCA0]  }
0x5fc: {  	v18 =	vld.idx.msk [tilespmem:v18+s21+$0x0], $0xffff;
	_ =	sdelay $0x1  }
0x5fd: {  	v47 =	vor.u32 v28, v9  }
0x5fe: {  	v19 =	vand.u32 $0x68, v47  }
0x5ff: {  	v19 =	vor.u32 v19, v12  }
0x600: {  	[tilespmem:v20+s26+$0x0] =	vst.idx.msk $0xffff, v18;
	v20 =	vor.u32 v0, v8;
	v0 =	vld [tilespmem:$0x1FCD0];
	_ =	sdelay $0x3  }
0x601: {  	v19 =	vld.idx.msk [tilespmem:v19+s21+$0x0], $0xffff  }
0x602: {  	v52 =	vor.u32 v0, v9;
	v0 =	vld [tilespmem:$0x1FCC0]  }
0x603: {  	v50 =	vor.u32 v27, v9  }
0x604: {  	v18 =	vand.u32 $0x68, v50  }
0x605: {  	v18 =	vor.u32 v18, v10;
	_ =	sdelay $0x1  }
0x606: {  	[tilespmem:v20+s26+$0x0] =	vst.idx.msk $0xffff, v19;
	v20 =	vor.u32 v0, v8;
	v0 =	vld [tilespmem:$0x1FCF0];
	_ =	sdelay $0x2  }
0x607: {  	v19 =	vand.u32 $0x68, v52;
	v18 =	vld.idx.msk [tilespmem:v18+s21+$0x0], $0xffff  }
0x608: {  	v19 =	vor.u32 v19, v11  }
0x609: {  	v54 =	vor.u32 v0, v9;
	v0 =	vld [tilespmem:$0x1FCE0];
	_ =	sdelay $0x2  }
0x60a: {  	[tilespmem:v20+s26+$0x0] =	vst.idx.msk $0xffff, v18  }
0x60b: {  	v19 =	vld.idx.msk [tilespmem:v19+s21+$0x0], $0xffff  }
0x60c: {  	v18 =	vand.u32 $0x68, v54;
	v20 =	vor.u32 v0, v8;
	v0 =	vld [tilespmem:$0x1FD00]  }
0x60d: {  	v18 =	vor.u32 v18, v14;
	_ =	sdelay $0x3  }
0x60e: {  	v55 =	vor.u32 v43, v9;
	[tilespmem:v20+s26+$0x0] =	vst.idx.msk $0xffff, v19;
	v20 =	vor.u32 v0, v8;
	v0 =	vld [tilespmem:$0x1FD10]  }
0x60f: {  	v19 =	vand.u32 $0x68, v55;
	v18 =	vld.idx.msk [tilespmem:v18+s21+$0x0], $0xffff  }
0x610: {  	v19 =	vor.u32 v19, v17;
	_ =	sdelay $0x3  }
0x611: {  	v57 =	vor.u32 v48, v9;
	[tilespmem:v20+s26+$0x0] =	vst.idx.msk $0xffff, v18;
	v20 =	vor.u32 v0, v8;
	v0 =	vld [tilespmem:$0x1FD20]  }
0x612: {  	v18 =	vand.u32 $0x68, v57;
	v19 =	vld.idx.msk [tilespmem:v19+s21+$0x0], $0xffff  }
0x613: {  	v18 =	vor.u32 v18, v13;
	_ =	sdelay $0x3  }
0x614: {  	v28 =	vor.u32 v49, v9;
	v29 =	vor.u32 v0, v9;
	v0 =	vld [tilespmem:$0x1FF30];
	[tilespmem:v20+s26+$0x0] =	vst.idx.msk $0xffff, v19  }
0x615: {  	v20 =	vor.u32 v53, v8;
	v19 =	vand.u32 $0x68, v28;
	v18 =	vld.idx.msk [tilespmem:v18+s21+$0x0], $0xffff  }
0x616: {  	v19 =	vor.u32 v19, v15;
	_ =	sdelay $0x3  }
0x617: {  	v30 =	vor.u32 v0, v9;
	v0 =	vld [tilespmem:$0x1FD30];
	[tilespmem:v20+s26+$0x0] =	vst.idx.msk $0xffff, v18  }
0x618: {  	v20 =	vor.u32 v51, v8;
	v19 =	vld.idx.msk [tilespmem:v19+s21+$0x0], $0xffff;
	_ =	sdelay $0x2  }
0x619: {  	v18 =	vand.u32 $0x68, v29  }
0x61a: {  	v18 =	vor.u32 v18, v16  }
0x61b: {  	[tilespmem:v20+s26+$0x0] =	vst.idx.msk $0xffff, v19;
	v20 =	vor.u32 v0, v8;
	v0 =	vld [tilespmem:$0x1FF60];
	_ =	sdelay $0x3  }
0x61c: {  	v18 =	vld.idx.msk [tilespmem:v18+s21+$0x0], $0xffff  }
0x61d: {  	v31 =	vor.u32 v0, v9;
	v0 =	vld [tilespmem:$0x1FD40];
	_ =	sdelay $0x1  }
0x61e: {  	v19 =	vand.u32 $0x78, v30  }
0x61f: {  	v19 =	vor.u32 v19, v12;
	_ =	sdelay $0x1  }
0x620: {  	[tilespmem:v20+s26+$0x0] =	vst.idx.msk $0xffff, v18;
	v20 =	vor.u32 v0, v8;
	v0 =	vld [tilespmem:$0x1FA70];
	_ =	sdelay $0x2  }
0x621: {  	v18 =	vand.u32 $0x78, v31;
	v19 =	vld.idx.msk [tilespmem:v19+s21+$0x0], $0xffff  }
0x622: {  	v18 =	vor.u32 v18, v10  }
0x623: {  	v32 =	vor.u32 v0, v9;
	v0 =	vld [tilespmem:$0x1FD50];
	_ =	sdelay $0x2  }
0x624: {  	[tilespmem:v20+s26+$0x0] =	vst.idx.msk $0xffff, v19  }
0x625: {  	v18 =	vld.idx.msk [tilespmem:v18+s21+$0x0], $0xffff  }
0x626: {  	v19 =	vand.u32 $0x78, v32;
	v20 =	vor.u32 v0, v8;
	v0 =	vld [tilespmem:$0x1FDA0]  }
0x627: {  	v19 =	vor.u32 v19, v11;
	_ =	sdelay $0x3  }
0x628: {  	v33 =	vor.u32 v26, v9;
	[tilespmem:v20+s26+$0x0] =	vst.idx.msk $0xffff, v18;
	v20 =	vor.u32 v0, v8;
	v0 =	vld [tilespmem:$0x1FDF0]  }
0x629: {  	v18 =	vand.u32 $0x78, v33;
	v19 =	vld.idx.msk [tilespmem:v19+s21+$0x0], $0xffff  }
0x62a: {  	v18 =	vor.u32 v18, v14;
	_ =	sdelay $0x3  }
0x62b: {  	v34 =	vor.u32 v23, v9;
	[tilespmem:v20+s26+$0x0] =	vst.idx.msk $0xffff, v19;
	v20 =	vor.u32 v0, v8;
	v0 =	vld [tilespmem:$0x1FE40]  }
0x62c: {  	v19 =	vand.u32 $0x78, v34;
	v18 =	vld.idx.msk [tilespmem:v18+s21+$0x0], $0xffff  }
0x62d: {  	v19 =	vor.u32 v19, v17;
	_ =	sdelay $0x3  }
0x62e: {  	[tilespmem:v20+s26+$0x0] =	vst.idx.msk $0xffff, v18;
	v20 =	vor.u32 v0, v8;
	v0 =	vld [tilespmem:$0x1FE50]  }
0x62f: {  	v19 =	vld.idx.msk [tilespmem:v19+s21+$0x0], $0xffff;
	_ =	sdelay $0x1  }
0x630: {  	v35 =	vor.u32 v24, v9  }
0x631: {  	v18 =	vand.u32 $0x78, v35  }
0x632: {  	v18 =	vor.u32 v18, v13  }
0x633: {  	[tilespmem:v20+s26+$0x0] =	vst.idx.msk $0xffff, v19;
	v20 =	vor.u32 v0, v8;
	v0 =	vld [tilespmem:$0x1FB50];
	_ =	sdelay $0x3  }
0x634: {  	v18 =	vld.idx.msk [tilespmem:v18+s21+$0x0], $0xffff  }
0x635: {  	v37 =	vor.u32 v0, v9;
	v0 =	vld [tilespmem:$0x1FE60];
	_ =	sdelay $0x1  }
0x636: {  	v36 =	vor.u32 v25, v9  }
0x637: {  	v19 =	vand.u32 $0x78, v36  }
0x638: {  	v19 =	vor.u32 v19, v15  }
0x639: {  	[tilespmem:v20+s26+$0x0] =	vst.idx.msk $0xffff, v18;
	v20 =	vor.u32 v0, v8;
	v0 =	vld [tilespmem:$0x1FB60];
	_ =	sdelay $0x3  }
0x63a: {  	v18 =	vand.u32 $0x78, v37;
	v19 =	vld.idx.msk [tilespmem:v19+s21+$0x0], $0xffff  }
0x63b: {  	v18 =	vor.u32 v18, v16;
	v38 =	vor.u32 v0, v9;
	v0 =	vld [tilespmem:$0x1FE70];
	_ =	sdelay $0x3  }
0x63c: {  	v46 =	vld [tilespmem:$0x1FB70];
	[tilespmem:v20+s26+$0x0] =	vst.idx.msk $0xffff, v19  }
0x63d: {  	v19 =	vand.u32 $0x78, v38;
	v18 =	vld.idx.msk [tilespmem:v18+s21+$0x0], $0xffff;
	v20 =	vor.u32 v0, v8  }
0x63e: {  	v12 =	vor.u32 v19, v12;
	v0 =	vld [tilespmem:$0x1FE80];
	_ =	sdelay $0x3  }
0x63f: {  	v4 =	vld [tilespmem:$0x1FB80];
	v44 =	vor.u32 v46, v9;
	[tilespmem:v20+s26+$0x0] =	vst.idx.msk $0xffff, v18  }
0x640: {  	v45 =	vor.u32 v0, v8;
	v18 =	vand.u32 $0x78, v44;
	v12 =	vld.idx.msk [tilespmem:v12+s21+$0x0], $0xffff  }
0x641: {  	v0 =	vld [tilespmem:$0x1FE90];
	v10 =	vor.u32 v18, v10;
	_ =	sdelay $0x3  }
0x642: {  	v1 =	vld [tilespmem:$0x1FB90];
	v47 =	vor.u32 v4, v9;
	[tilespmem:v45+s26+$0x0] =	vst.idx.msk $0xffff, v12  }
0x643: {  	v50 =	vor.u32 v0, v8;
	v12 =	vand.u32 $0x78, v47;
	v10 =	vld.idx.msk [tilespmem:v10+s21+$0x0], $0xffff  }
0x644: {  	v0 =	vld [tilespmem:$0x1FF80];
	v11 =	vor.u32 v12, v11;
	_ =	sdelay $0x3  }
0x645: {  	v3 =	vld [tilespmem:$0x1FBA0];
	[tilespmem:v50+s26+$0x0] =	vst.idx.msk $0xffff, v10;
	v10 =	vor.u32 v1, v9  }
0x646: {  	v52 =	vor.u32 v0, v8;
	v11 =	vld.idx.msk [tilespmem:v11+s21+$0x0], $0xffff;
	v10 =	vand.u32 $0x78, v10  }
0x647: {  	v54 =	vld [tilespmem:$0x1FF90];
	v10 =	vor.u32 v10, v14;
	_ =	sdelay $0x3  }
0x648: {  	v44 =	vld [tilespmem:$0x1FBB0];
	[tilespmem:v52+s26+$0x0] =	vst.idx.msk $0xffff, v11;
	v11 =	vor.u32 v3, v9  }
0x649: {  	v53 =	vor.u32 v54, v8;
	v10 =	vld.idx.msk [tilespmem:v10+s21+$0x0], $0xffff;
	v11 =	vand.u32 $0x78, v11  }
0x64a: {  	v45 =	vld [tilespmem:$0x1FEA0];
	v11 =	vor.u32 v11, v17;
	_ =	sdelay $0x3  }
0x64b: {  	v47 =	vld [tilespmem:$0x1FBC0];
	[tilespmem:v53+s26+$0x0] =	vst.idx.msk $0xffff, v10;
	v10 =	vor.u32 v44, v9  }
0x64c: {  	v55 =	vor.u32 v45, v8;
	v11 =	vld.idx.msk [tilespmem:v11+s21+$0x0], $0xffff;
	v10 =	vand.u32 $0x78, v10  }
0x64d: {  	v0 =	vld [tilespmem:$0x1FEB0];
	v10 =	vor.u32 v10, v13;
	_ =	sdelay $0x3  }
0x64e: {  	v7 =	vld [tilespmem:$0x1FBD0];
	[tilespmem:v55+s26+$0x0] =	vst.idx.msk $0xffff, v11;
	v11 =	vor.u32 v47, v9  }
0x64f: {  	v57 =	vor.u32 v0, v8;
	v10 =	vld.idx.msk [tilespmem:v10+s21+$0x0], $0xffff;
	v11 =	vand.u32 $0x78, v11  }
0x650: {  	v6 =	vld [tilespmem:$0x1FEC0];
	v11 =	vor.u32 v11, v15;
	_ =	sdelay $0x3  }
0x651: {  	v9 =	vor.u32 v7, v9;
	[tilespmem:v57+s26+$0x0] =	vst.idx.msk $0xffff, v10  }
0x652: {  	v9 =	vand.u32 $0x78, v9;
	v10 =	vld.idx.msk [tilespmem:v11+s21+$0x0], $0xffff;
	v11 =	vor.u32 v6, v8  }
0x653: {  	v9 =	vor.u32 v9, v16;
	v57 =	vld [tilespmem:$0x1FED0];
	_ =	sdelay $0x3  }
0x654: {  	[tilespmem:v11+s26+$0x0] =	vst.idx.msk $0xffff, v10  }
0x655: {  	s10 =	simm.s32 $0x10;
	v52 =	vmovc v51;
	v51 =	vmovc v48;
	v55 =	vmov v49;
	v49 =	vmov v43;
	v8 =	vor.u32 v57, v8;
	v9 =	vld.idx.msk [tilespmem:v9+s21+$0x0], $0xffff  }
.LBB2_12:
0x656: {  	_ =	sdelay $0x3  }
0x657: {  	s8 =	sadd.s32 $0x10, s8;
	[tilespmem:v8+s26+$0x0] =	vst.idx.msk $0xffff, v9  }
0x658: {  	v8 =	vld [tilespmem:s8+$0x0];
	_ =	sdelay $0x3  }
0x659: {  	s11 =	smov.u32 s10;
	v10 =	vlaneseq.u32  }
0x65a: {  	v9 =	vor.u32 s11, v10;
	v14 =	vshll.u32 v8, $0x5  }
0x65b: {  	v11 =	vld [tilespmem:$0x1FF20];
	v20 =	vshll.u32 v9, $0x7;
	v8 =	vor.u32 v10, v14;
	v10 =	vor.u32 v59, v14  }
0x65c: {  	v13 =	vor.u32 v60, v20;
	v10 =	vand.u32 $0x68, v10  }
0x65d: {  	v17 =	vor.u32 v10, v13;
	v10 =	vld [tilespmem:$0x1FBE0];
	_ =	sdelay $0x2  }
0x65e: {  	v15 =	vor.u32 v11, v20;
	v8 =	vand.u32 $0x68, v8  }
0x65f: {  	v16 =	vor.u32 v8, v15  }
0x660: {  	v12 =	vor.u32 v10, v20;
	v10 =	vld [tilespmem:$0x1FFA0];
	_ =	sdelay $0x2  }
0x661: {  	v11 =	vld [tilespmem:$0x1FFB0];
	v8 =	vand.u32 $0xF8, v9;
	v9 =	vor.u32 v62, v14  }
0x662: {  	v9 =	vand.u32 $0x68, v9;
	v16 =	vld.idx.msk [tilespmem:v16+s21+$0x0], $0xffff  }
0x663: {  	v21 =	vor.u32 v58, v8;
	v18 =	vor.u32 v9, v12;
	v9 =	vld [tilespmem:$0x1FFD0];
	v10 =	vor.u32 v10, v14  }
0x664: {  	v37 =	vand.u32 $0x68, v10;
	v10 =	vld [tilespmem:$0x1FFC0];
	_ =	sdelay $0x2  }
0x665: {  	v30 =	vld [tilespmem:$0x1FCF0]  }
0x666: {  	v11 =	vor.u32 v11, v14;
	[tilespmem:v21+s26+$0x0] =	vst.idx.msk $0xffff, v16;
	v21 =	vld [tilespmem:$0x1FF60]  }
0x667: {  	v38 =	vand.u32 $0x68, v11;
	v9 =	vor.u32 v9, v14;
	v11 =	vor.u32 v10, v20;
	v10 =	vld [tilespmem:$0x1FFE0]  }
0x668: {  	v9 =	vand.u32 $0x68, v9  }
0x669: {  	v43 =	vor.u32 v9, v11;
	v9 =	vld [tilespmem:$0x1FC60];
	_ =	sdelay $0x1  }
0x66a: {  	v29 =	vld [tilespmem:$0x1FCD0];
	v36 =	vor.u32 v30, v14  }
0x66b: {  	v30 =	vor.u32 v21, v14;
	v21 =	vor.u32 v61, v8;
	v61 =	vld [tilespmem:$0x1FA70];
	v10 =	vor.u32 v10, v14  }
0x66c: {  	v19 =	vand.u32 $0x68, v10;
	v10 =	vld [tilespmem:$0x1FFF0]  }
0x66d: {  	v28 =	vor.u32 v9, v14;
	v9 =	vld [tilespmem:$0x1FC70]  }
0x66e: {  	v32 =	vld [tilespmem:$0x1FF30]  }
0x66f: {  	v31 =	vld [tilespmem:$0x1FD20]  }
0x670: {  	v60 =	vor.u32 v29, v14;
	v29 =	vor.u32 v61, v14;
	v61 =	vld [tilespmem:$0x1FB60]  }
0x671: {  	v10 =	vor.u32 v10, v20  }
0x672: {  	v9 =	vor.u32 v9, v20;
	v48 =	vor.u32 v19, v10;
	v19 =	vand.u32 $0x68, v28  }
0x673: {  	v58 =	vor.u32 v19, v9;
	v19 =	vor.u32 v32, v14  }
0x674: {  	v62 =	vor.u32 v24, v14;
	v16 =	vor.u32 v31, v14;
	v17 =	vld.idx.msk [tilespmem:v17+s21+$0x0], $0xffff;
	v50 =	vand.u32 $0x78, v19  }
0x675: {  	v16 =	vand.u32 $0x68, v16;
	v19 =	vor.u32 v61, v14;
	v31 =	vor.u32 v50, v15;
	v50 =	vld [tilespmem:$0x1FB50]  }
0x676: {  	v32 =	vor.u32 v16, v9;
	v16 =	vand.u32 $0x78, v62;
	v62 =	vand.u32 $0x78, v19;
	v19 =	vld [tilespmem:$0x1FBF0];
	_ =	sdelay $0x3  }
0x677: {  	[tilespmem:v21+s26+$0x0] =	vst.idx.msk $0xffff, v17  }
0x678: {  	v61 =	vld.idx.msk [tilespmem:v18+s21+$0x0], $0xffff;
	v24 =	vor.u32 v50, v14;
	v50 =	vor.u32 v19, v8;
	_ =	sdelay $0x3  }
0x679: {  	v19 =	vld [tilespmem:$0x1FC00]  }
0x67a: {  	[tilespmem:v50+s26+$0x0] =	vst.idx.msk $0xffff, v61;
	v50 =	vld [tilespmem:$0x1FC10];
	_ =	sdelay $0x3  }
0x67b: {  	v19 =	vor.u32 v19, v20  }
0x67c: {  	v37 =	vor.u32 v37, v19;
	v61 =	vor.u32 v50, v8;
	v50 =	vld [tilespmem:$0x1FC20];
	_ =	sdelay $0x4  }
0x67d: {  	v37 =	vld.idx.msk [tilespmem:v37+s21+$0x0], $0xffff;
	v20 =	vor.u32 v50, v20  }
0x67e: {  	v50 =	vld [tilespmem:$0x1FC30];
	v38 =	vor.u32 v38, v20;
	_ =	sdelay $0x3  }
0x67f: {  	[tilespmem:v61+s26+$0x0] =	vst.idx.msk $0xffff, v37  }
0x680: {  	v37 =	vld.idx.msk [tilespmem:v38+s21+$0x0], $0xffff;
	v38 =	vor.u32 v50, v8  }
0x681: {  	v50 =	vld [tilespmem:$0x1FC40];
	_ =	sdelay $0x3  }
0x682: {  	[tilespmem:v38+s26+$0x0] =	vst.idx.msk $0xffff, v37  }
0x683: {  	v38 =	vor.u32 v50, v8;
	v37 =	vld.idx.msk [tilespmem:v43+s21+$0x0], $0xffff  }
0x684: {  	v43 =	vld [tilespmem:$0x1FC50];
	_ =	sdelay $0x3  }
0x685: {  	v22 =	vld [tilespmem:$0x1FC90];
	[tilespmem:v38+s26+$0x0] =	vst.idx.msk $0xffff, v37  }
0x686: {  	v38 =	vor.u32 v43, v8;
	v37 =	vld.idx.msk [tilespmem:v48+s21+$0x0], $0xffff  }
0x687: {  	v48 =	vld [tilespmem:$0x1FC80];
	_ =	sdelay $0x3  }
0x688: {  	v25 =	vld [tilespmem:$0x1FCB0];
	v22 =	vor.u32 v22, v14;
	[tilespmem:v38+s26+$0x0] =	vst.idx.msk $0xffff, v37  }
0x689: {  	v22 =	vand.u32 $0x68, v22;
	v38 =	vor.u32 v48, v8;
	v37 =	vld.idx.msk [tilespmem:v58+s21+$0x0], $0xffff  }
0x68a: {  	v59 =	vor.u32 v22, v15;
	v50 =	vld [tilespmem:$0x1FCA0];
	_ =	sdelay $0x3  }
0x68b: {  	v53 =	vor.u32 v25, v14;
	[tilespmem:v38+s26+$0x0] =	vst.idx.msk $0xffff, v37  }
0x68c: {  	v53 =	vand.u32 $0x68, v53;
	v38 =	vor.u32 v50, v8;
	v37 =	vld.idx.msk [tilespmem:v59+s21+$0x0], $0xffff  }
0x68d: {  	v43 =	vor.u32 v53, v13;
	v50 =	vld [tilespmem:$0x1FCC0];
	_ =	sdelay $0x3  }
0x68e: {  	[tilespmem:v38+s26+$0x0] =	vst.idx.msk $0xffff, v37  }
0x68f: {  	v53 =	vand.u32 $0x68, v60;
	v38 =	vor.u32 v50, v8;
	v37 =	vld.idx.msk [tilespmem:v43+s21+$0x0], $0xffff  }
0x690: {  	v43 =	vor.u32 v53, v12;
	_ =	sdelay $0x3  }
0x691: {  	[tilespmem:v38+s26+$0x0] =	vst.idx.msk $0xffff, v37  }
0x692: {  	v37 =	vld.idx.msk [tilespmem:v43+s21+$0x0], $0xffff  }
0x693: {  	v43 =	vld [tilespmem:$0x1FCE0];
	_ =	sdelay $0x4  }
0x694: {  	v36 =	vand.u32 $0x68, v36;
	v38 =	vor.u32 v43, v8  }
0x695: {  	v36 =	vor.u32 v36, v19;
	v50 =	vld [tilespmem:$0x1FD00];
	_ =	sdelay $0x3  }
0x696: {  	v35 =	vor.u32 v49, v14;
	[tilespmem:v38+s26+$0x0] =	vst.idx.msk $0xffff, v37  }
0x697: {  	v35 =	vand.u32 $0x68, v35;
	v37 =	vor.u32 v50, v8;
	v36 =	vld.idx.msk [tilespmem:v36+s21+$0x0], $0xffff  }
0x698: {  	v35 =	vor.u32 v35, v20;
	v53 =	vld [tilespmem:$0x1FD10];
	_ =	sdelay $0x3  }
0x699: {  	v34 =	vor.u32 v51, v14;
	[tilespmem:v37+s26+$0x0] =	vst.idx.msk $0xffff, v36  }
0x69a: {  	v34 =	vand.u32 $0x68, v34;
	v36 =	vor.u32 v53, v8;
	v35 =	vld.idx.msk [tilespmem:v35+s21+$0x0], $0xffff  }
0x69b: {  	v34 =	vor.u32 v34, v11;
	v48 =	vld [tilespmem:$0x1FF70];
	_ =	sdelay $0x3  }
0x69c: {  	v33 =	vor.u32 v55, v14;
	[tilespmem:v36+s26+$0x0] =	vst.idx.msk $0xffff, v35  }
0x69d: {  	v33 =	vand.u32 $0x68, v33;
	v37 =	vor.u32 v48, v8;
	v34 =	vld.idx.msk [tilespmem:v34+s21+$0x0], $0xffff  }
0x69e: {  	v33 =	vor.u32 v33, v10;
	_ =	sdelay $0x3  }
0x69f: {  	[tilespmem:v37+s26+$0x0] =	vst.idx.msk $0xffff, v34  }
0x6a0: {  	v38 =	vor.u32 v52, v8;
	v33 =	vld.idx.msk [tilespmem:v33+s21+$0x0], $0xffff  }
0x6a1: {  	v43 =	vld [tilespmem:$0x1FD30];
	_ =	sdelay $0x3  }
0x6a2: {  	[tilespmem:v38+s26+$0x0] =	vst.idx.msk $0xffff, v33  }
0x6a3: {  	v33 =	vor.u32 v43, v8;
	v32 =	vld.idx.msk [tilespmem:v32+s21+$0x0], $0xffff  }
0x6a4: {  	v50 =	vld [tilespmem:$0x1FD40];
	_ =	sdelay $0x3  }
0x6a5: {  	[tilespmem:v33+s26+$0x0] =	vst.idx.msk $0xffff, v32  }
0x6a6: {  	v30 =	vand.u32 $0x78, v30;
	v32 =	vor.u32 v50, v8;
	v31 =	vld.idx.msk [tilespmem:v31+s21+$0x0], $0xffff  }
0x6a7: {  	v30 =	vor.u32 v30, v13;
	v53 =	vld [tilespmem:$0x1FD50];
	_ =	sdelay $0x3  }
0x6a8: {  	[tilespmem:v32+s26+$0x0] =	vst.idx.msk $0xffff, v31  }
0x6a9: {  	v29 =	vand.u32 $0x78, v29;
	v31 =	vor.u32 v53, v8;
	v30 =	vld.idx.msk [tilespmem:v30+s21+$0x0], $0xffff  }
0x6aa: {  	v29 =	vor.u32 v29, v12;
	v33 =	vld [tilespmem:$0x1FDA0];
	_ =	sdelay $0x3  }
0x6ab: {  	v28 =	vor.u32 v26, v14;
	[tilespmem:v31+s26+$0x0] =	vst.idx.msk $0xffff, v30  }
0x6ac: {  	v28 =	vand.u32 $0x78, v28;
	v30 =	vor.u32 v33, v8;
	v29 =	vld.idx.msk [tilespmem:v29+s21+$0x0], $0xffff  }
0x6ad: {  	v28 =	vor.u32 v28, v19;
	v34 =	vld [tilespmem:$0x1FDF0];
	_ =	sdelay $0x3  }
0x6ae: {  	v27 =	vor.u32 v23, v14;
	[tilespmem:v30+s26+$0x0] =	vst.idx.msk $0xffff, v29  }
0x6af: {  	v27 =	vand.u32 $0x78, v27;
	v29 =	vor.u32 v34, v8;
	v28 =	vld.idx.msk [tilespmem:v28+s21+$0x0], $0xffff  }
0x6b0: {  	v27 =	vor.u32 v27, v20;
	v35 =	vld [tilespmem:$0x1FE40];
	_ =	sdelay $0x3  }
0x6b1: {  	[tilespmem:v29+s26+$0x0] =	vst.idx.msk $0xffff, v28  }
0x6b2: {  	v28 =	vor.u32 v35, v8;
	v27 =	vld.idx.msk [tilespmem:v27+s21+$0x0], $0xffff;
	_ =	sdelay $0x4  }
0x6b3: {  	v26 =	vor.u32 v16, v11;
	[tilespmem:v28+s26+$0x0] =	vst.idx.msk $0xffff, v27;
	v27 =	vld [tilespmem:$0x1FE50];
	_ =	sdelay $0x4  }
0x6b4: {  	v26 =	vld.idx.msk [tilespmem:v26+s21+$0x0], $0xffff;
	v27 =	vor.u32 v27, v8;
	_ =	sdelay $0x2  }
0x6b5: {  	v25 =	vor.u32 v2, v14  }
0x6b6: {  	v25 =	vand.u32 $0x78, v25  }
0x6b7: {  	v25 =	vor.u32 v25, v10;
	[tilespmem:v27+s26+$0x0] =	vst.idx.msk $0xffff, v26;
	v26 =	vld [tilespmem:$0x1FE60];
	_ =	sdelay $0x4  }
0x6b8: {  	v25 =	vld.idx.msk [tilespmem:v25+s21+$0x0], $0xffff;
	v26 =	vor.u32 v26, v8;
	_ =	sdelay $0x3  }
0x6b9: {  	v24 =	vand.u32 $0x78, v24  }
0x6ba: {  	v24 =	vor.u32 v24, v9;
	[tilespmem:v26+s26+$0x0] =	vst.idx.msk $0xffff, v25;
	v25 =	vld [tilespmem:$0x1FE70];
	_ =	sdelay $0x4  }
0x6bb: {  	v24 =	vld.idx.msk [tilespmem:v24+s21+$0x0], $0xffff;
	v25 =	vor.u32 v25, v8;
	_ =	sdelay $0x4  }
0x6bc: {  	v23 =	vor.u32 v62, v15;
	[tilespmem:v25+s26+$0x0] =	vst.idx.msk $0xffff, v24;
	v24 =	vld [tilespmem:$0x1FE80];
	_ =	sdelay $0x3  }
0x6bd: {  	v22 =	vor.u32 v46, v14  }
0x6be: {  	v22 =	vand.u32 $0x78, v22;
	v23 =	vld.idx.msk [tilespmem:v23+s21+$0x0], $0xffff;
	v24 =	vor.u32 v24, v8  }
0x6bf: {  	v13 =	vor.u32 v22, v13;
	v22 =	vld [tilespmem:$0x1FE90];
	_ =	sdelay $0x3  }
0x6c0: {  	v21 =	vor.u32 v4, v14;
	[tilespmem:v24+s26+$0x0] =	vst.idx.msk $0xffff, v23  }
0x6c1: {  	v21 =	vand.u32 $0x78, v21;
	v22 =	vor.u32 v22, v8;
	v13 =	vld.idx.msk [tilespmem:v13+s21+$0x0], $0xffff  }
0x6c2: {  	v12 =	vor.u32 v21, v12;
	v36 =	vld [tilespmem:$0x1FF80];
	_ =	sdelay $0x3  }
0x6c3: {  	v18 =	vor.u32 v1, v14;
	[tilespmem:v22+s26+$0x0] =	vst.idx.msk $0xffff, v13  }
0x6c4: {  	v18 =	vand.u32 $0x78, v18;
	v13 =	vor.u32 v36, v8;
	v12 =	vld.idx.msk [tilespmem:v12+s21+$0x0], $0xffff  }
0x6c5: {  	v18 =	vor.u32 v18, v19;
	_ =	sdelay $0x3  }
0x6c6: {  	v17 =	vor.u32 v3, v14;
	[tilespmem:v13+s26+$0x0] =	vst.idx.msk $0xffff, v12  }
0x6c7: {  	v17 =	vand.u32 $0x78, v17;
	v37 =	vor.u32 v54, v8;
	v12 =	vld.idx.msk [tilespmem:v18+s21+$0x0], $0xffff  }
0x6c8: {  	v17 =	vor.u32 v17, v20;
	_ =	sdelay $0x3  }
0x6c9: {  	v16 =	vor.u32 v44, v14;
	[tilespmem:v37+s26+$0x0] =	vst.idx.msk $0xffff, v12  }
0x6ca: {  	v16 =	vand.u32 $0x78, v16;
	v38 =	vor.u32 v45, v8;
	v12 =	vld.idx.msk [tilespmem:v17+s21+$0x0], $0xffff  }
0x6cb: {  	v11 =	vor.u32 v16, v11;
	_ =	sdelay $0x3  }
0x6cc: {  	v15 =	vor.u32 v47, v14;
	[tilespmem:v38+s26+$0x0] =	vst.idx.msk $0xffff, v12  }
0x6cd: {  	v43 =	vor.u32 v0, v8;
	v50 =	vand.u32 $0x78, v15;
	v11 =	vld.idx.msk [tilespmem:v11+s21+$0x0], $0xffff  }
0x6ce: {  	v10 =	vor.u32 v50, v10;
	_ =	sdelay $0x3  }
0x6cf: {  	v14 =	vor.u32 v7, v14;
	[tilespmem:v43+s26+$0x0] =	vst.idx.msk $0xffff, v11  }
0x6d0: {  	v53 =	vand.u32 $0x78, v14;
	v11 =	vor.u32 v6, v8;
	v10 =	vld.idx.msk [tilespmem:v10+s21+$0x0], $0xffff  }
0x6d1: {  	p0 =	sne.s32 s10, $0xF0;
	v9 =	vor.u32 v53, v9  }
.Ltmp5:
0x6d2: {  	_ = 	snop;
	(pc) =	sbr.rel @p0 .LBB2_12-.Ltmp5, $3  }
0x6d3: {  	_ =	sdelay $0x1  }
0x6d4: {  	v62 =	vmov v42;
	v61 =	vmov v41;
	v60 =	vmov v40;
	v26 =	vld [tilespmem:$0x1FAD0];
	[tilespmem:v11+s26+$0x0] =	vst.idx.msk $0xffff, v10  }
0x6d5: {  	s10 =	sadd.s32 $0x10, s10;
	v58 =	vmovc v63;
	v59 =	vmovc v39;
	v24 =	vmov v56;
	v23 =	vmov v5;
	v8 =	vor.u32 v57, v8;
	v9 =	vld.idx.msk [tilespmem:v9+s21+$0x0], $0xffff  }
0x6d6: {  	_ =	sdelay $0x3  }
0x6d7: {  	s8 =	simm.s32 $0x100;
	s10 =	rddreg [dreg:$0x8];
	[tilespmem:v8+s26+$0x0] =	vst.idx.msk $0xffff, v9  }
0x6d8: {  	[hbm4b:s10+s8] =	stream.strided.scatter [tilespmem:s26], [sflag:$0x5], $0x2000, s28, s8, $0x38;
	[tilespmem:$0x14400] =	vst v63  }
0x6d9: {  	_ =	swait.ge [sflag:s29], $0x8000  }
0x6da: {  	[sflag:s29] =	ssyncset.done $0x0  }
0x6db: {  	[sflag:s29] =	ssyncadd.s32 $0xFFFF8000  }
0x6dc: {  	_ =	swait.ge [sflag:s2], $0x2000  }
0x6dd: {  	[sflag:s2] =	ssyncset.done $0x0  }
0x6de: {  	[sflag:s2] =	ssyncadd.s32 $0xFFFFE000  }
0x6df: {  	v8 =	vld [tilespmem:s8+$0x0];
	_ =	sdelay $0x4  }
0x6e0: {  	s16 =	simm.s32 $0x0;
	v11 =	vlaneseq.u32;
	v9 =	vshll.u32 v8, $0x5  }
0x6e1: {  	v10 =	vor.u32 s16, v11;
	v8 =	vor.u32 v11, v9;
	v11 =	vld [tilespmem:$0x1FF20];
	_ =	sdelay $0x3  }
0x6e2: {  	v16 =	vshll.u32 v10, $0x7  }
0x6e3: {  	v8 =	vand.u32 $0x68, v8;
	v12 =	vor.u32 v11, v16  }
0x6e4: {  	v11 =	vor.u32 v8, v12;
	_ =	sdelay $0x3  }
0x6e5: {  	v8 =	vand.u32 $0xF8, v10  }
0x6e6: {  	v14 =	vor.u32 v58, v8;
	v11 =	vld.idx.msk [tilespmem:v11+s24+$0x0], $0xffff;
	_ =	sdelay $0x2  }
0x6e7: {  	v13 =	vor.u32 v59, v9  }
0x6e8: {  	v13 =	vand.u32 $0x68, v13;
	v10 =	vor.u32 v60, v16  }
0x6e9: {  	v13 =	vor.u32 v13, v10;
	[tilespmem:v14+s30+$0x0] =	vst.idx.msk $0xffff, v11;
	v11 =	vld [tilespmem:$0x1FBE0];
	_ =	sdelay $0x2  }
0x6ea: {  	v17 =	vld [tilespmem:$0x1FFA0]  }
0x6eb: {  	v35 =	vld [tilespmem:$0x1FBF0];
	v15 =	vor.u32 v62, v9  }
0x6ec: {  	v32 =	vand.u32 $0x68, v15;
	v33 =	vor.u32 v61, v8;
	v13 =	vld.idx.msk [tilespmem:v13+s24+$0x0], $0xffff;
	v11 =	vor.u32 v11, v16  }
0x6ed: {  	v37 =	vld [tilespmem:$0x1FC00];
	v14 =	vor.u32 v32, v11;
	_ =	sdelay $0x2  }
0x6ee: {  	v18 =	vld [tilespmem:$0x1FFB0]  }
0x6ef: {  	v43 =	vld [tilespmem:$0x1FC10];
	v17 =	vor.u32 v17, v9;
	[tilespmem:v33+s30+$0x0] =	vst.idx.msk $0xffff, v13  }
0x6f0: {  	v34 =	vand.u32 $0x68, v17;
	v36 =	vor.u32 v35, v8;
	v15 =	vld.idx.msk [tilespmem:v14+s24+$0x0], $0xffff;
	v14 =	vor.u32 v37, v16  }
0x6f1: {  	v53 =	vld [tilespmem:$0x1FC20];
	v13 =	vor.u32 v34, v14;
	_ =	sdelay $0x1  }
0x6f2: {  	v19 =	vld [tilespmem:$0x1FFD0]  }
0x6f3: {  	v29 =	vld [tilespmem:$0x1FC30]  }
0x6f4: {  	v20 =	vld [tilespmem:$0x1FFE0];
	v18 =	vor.u32 v18, v9;
	[tilespmem:v36+s30+$0x0] =	vst.idx.msk $0xffff, v15  }
0x6f5: {  	v38 =	vand.u32 $0x68, v18;
	v17 =	vor.u32 v53, v16;
	v50 =	vor.u32 v43, v8;
	v13 =	vld.idx.msk [tilespmem:v13+s24+$0x0], $0xffff  }
0x6f6: {  	v18 =	vld [tilespmem:$0x1FFC0];
	v15 =	vor.u32 v38, v17;
	_ =	sdelay $0x3  }
0x6f7: {  	v19 =	vor.u32 v19, v9;
	v20 =	vor.u32 v20, v9;
	[tilespmem:v50+s30+$0x0] =	vst.idx.msk $0xffff, v13  }
0x6f8: {  	v28 =	vand.u32 $0x68, v19;
	v19 =	vor.u32 v29, v8;
	v13 =	vor.u32 v18, v16;
	v15 =	vld.idx.msk [tilespmem:v15+s24+$0x0], $0xffff  }
0x6f9: {  	v30 =	vand.u32 $0x68, v20;
	v20 =	vld [tilespmem:$0x1FC40];
	v18 =	vor.u32 v28, v13;
	_ =	sdelay $0x3  }
0x6fa: {  	[tilespmem:v19+s30+$0x0] =	vst.idx.msk $0xffff, v15  }
0x6fb: {  	v20 =	vor.u32 v20, v8;
	v18 =	vld.idx.msk [tilespmem:v18+s24+$0x0], $0xffff;
	_ =	sdelay $0x3  }
0x6fc: {  	v31 =	vld [tilespmem:$0x1FFF0]  }
0x6fd: {  	[tilespmem:v20+s30+$0x0] =	vst.idx.msk $0xffff, v18;
	v20 =	vld [tilespmem:$0x1FC70];
	_ =	sdelay $0x3  }
0x6fe: {  	v15 =	vor.u32 v31, v16  }
0x6ff: {  	v19 =	vor.u32 v30, v15;
	v16 =	vor.u32 v20, v16;
	v20 =	vld [tilespmem:$0x1FC50];
	_ =	sdelay $0x2  }
0x700: {  	v32 =	vld [tilespmem:$0x1FC60];
	_ =	sdelay $0x1  }
0x701: {  	v19 =	vld.idx.msk [tilespmem:v19+s24+$0x0], $0xffff;
	v20 =	vor.u32 v20, v8;
	_ =	sdelay $0x2  }
0x702: {  	v18 =	vor.u32 v32, v9  }
0x703: {  	v18 =	vand.u32 $0x68, v18  }
0x704: {  	v18 =	vor.u32 v18, v16;
	[tilespmem:v20+s30+$0x0] =	vst.idx.msk $0xffff, v19;
	v20 =	vld [tilespmem:$0x1FC80];
	_ =	sdelay $0x2  }
0x705: {  	v33 =	vld [tilespmem:$0x1FC90];
	_ =	sdelay $0x1  }
0x706: {  	v18 =	vld.idx.msk [tilespmem:v18+s24+$0x0], $0xffff;
	v20 =	vor.u32 v20, v8;
	_ =	sdelay $0x2  }
0x707: {  	v19 =	vor.u32 v33, v9  }
0x708: {  	v19 =	vand.u32 $0x68, v19  }
0x709: {  	v19 =	vor.u32 v19, v12;
	[tilespmem:v20+s30+$0x0] =	vst.idx.msk $0xffff, v18;
	v20 =	vld [tilespmem:$0x1FCA0];
	_ =	sdelay $0x2  }
0x70a: {  	v34 =	vld [tilespmem:$0x1FCB0];
	_ =	sdelay $0x1  }
0x70b: {  	v19 =	vld.idx.msk [tilespmem:v19+s24+$0x0], $0xffff;
	v20 =	vor.u32 v20, v8;
	_ =	sdelay $0x2  }
0x70c: {  	v18 =	vor.u32 v34, v9  }
0x70d: {  	v18 =	vand.u32 $0x68, v18  }
0x70e: {  	v18 =	vor.u32 v18, v10;
	[tilespmem:v20+s30+$0x0] =	vst.idx.msk $0xffff, v19;
	v20 =	vld [tilespmem:$0x1FCC0];
	_ =	sdelay $0x2  }
0x70f: {  	v35 =	vld [tilespmem:$0x1FCD0];
	_ =	sdelay $0x1  }
0x710: {  	v18 =	vld.idx.msk [tilespmem:v18+s24+$0x0], $0xffff;
	v20 =	vor.u32 v20, v8;
	_ =	sdelay $0x2  }
0x711: {  	v19 =	vor.u32 v35, v9  }
0x712: {  	v19 =	vand.u32 $0x68, v19  }
0x713: {  	v19 =	vor.u32 v19, v11;
	[tilespmem:v20+s30+$0x0] =	vst.idx.msk $0xffff, v18;
	v20 =	vld [tilespmem:$0x1FCE0];
	_ =	sdelay $0x2  }
0x714: {  	v36 =	vld [tilespmem:$0x1FCF0];
	_ =	sdelay $0x1  }
0x715: {  	v19 =	vld.idx.msk [tilespmem:v19+s24+$0x0], $0xffff;
	v20 =	vor.u32 v20, v8;
	_ =	sdelay $0x2  }
0x716: {  	v18 =	vor.u32 v36, v9  }
0x717: {  	v18 =	vand.u32 $0x68, v18  }
0x718: {  	v18 =	vor.u32 v18, v14;
	[tilespmem:v20+s30+$0x0] =	vst.idx.msk $0xffff, v19;
	v20 =	vld [tilespmem:$0x1FD00];
	_ =	sdelay $0x4  }
0x719: {  	v18 =	vld.idx.msk [tilespmem:v18+s24+$0x0], $0xffff;
	v20 =	vor.u32 v20, v8;
	_ =	sdelay $0x2  }
0x71a: {  	v37 =	vor.u32 v49, v9  }
0x71b: {  	v19 =	vand.u32 $0x68, v37  }
0x71c: {  	v19 =	vor.u32 v19, v17;
	[tilespmem:v20+s30+$0x0] =	vst.idx.msk $0xffff, v18;
	v20 =	vld [tilespmem:$0x1FD10];
	_ =	sdelay $0x3  }
0x71d: {  	v38 =	vor.u32 v51, v9  }
0x71e: {  	v18 =	vand.u32 $0x68, v38;
	v19 =	vld.idx.msk [tilespmem:v19+s24+$0x0], $0xffff;
	v20 =	vor.u32 v20, v8  }
0x71f: {  	v18 =	vor.u32 v18, v13;
	_ =	sdelay $0x3  }
0x720: {  	v43 =	vor.u32 v55, v9;
	[tilespmem:v20+s30+$0x0] =	vst.idx.msk $0xffff, v19  }
0x721: {  	v20 =	vor.u32 v48, v8;
	v19 =	vand.u32 $0x68, v43;
	v18 =	vld.idx.msk [tilespmem:v18+s24+$0x0], $0xffff  }
0x722: {  	v19 =	vor.u32 v19, v15;
	_ =	sdelay $0x2  }
0x723: {  	v48 =	vld [tilespmem:$0x1FD20]  }
0x724: {  	[tilespmem:v20+s30+$0x0] =	vst.idx.msk $0xffff, v18  }
0x725: {  	v20 =	vor.u32 v52, v8;
	v19 =	vld.idx.msk [tilespmem:v19+s24+$0x0], $0xffff;
	_ =	sdelay $0x2  }
0x726: {  	v18 =	vor.u32 v48, v9  }
0x727: {  	v18 =	vand.u32 $0x68, v18  }
0x728: {  	v18 =	vor.u32 v18, v16;
	[tilespmem:v20+s30+$0x0] =	vst.idx.msk $0xffff, v19;
	v20 =	vld [tilespmem:$0x1FD30];
	_ =	sdelay $0x2  }
0x729: {  	v50 =	vld [tilespmem:$0x1FF30];
	_ =	sdelay $0x1  }
0x72a: {  	v18 =	vld.idx.msk [tilespmem:v18+s24+$0x0], $0xffff;
	v20 =	vor.u32 v20, v8;
	_ =	sdelay $0x2  }
0x72b: {  	v19 =	vor.u32 v50, v9  }
0x72c: {  	v19 =	vand.u32 $0x78, v19  }
0x72d: {  	v19 =	vor.u32 v19, v12;
	[tilespmem:v20+s30+$0x0] =	vst.idx.msk $0xffff, v18;
	v20 =	vld [tilespmem:$0x1FD40];
	_ =	sdelay $0x2  }
0x72e: {  	v53 =	vld [tilespmem:$0x1FF60];
	_ =	sdelay $0x1  }
0x72f: {  	v19 =	vld.idx.msk [tilespmem:v19+s24+$0x0], $0xffff;
	v20 =	vor.u32 v20, v8;
	_ =	sdelay $0x2  }
0x730: {  	v18 =	vor.u32 v53, v9  }
0x731: {  	v18 =	vand.u32 $0x78, v18  }
0x732: {  	v18 =	vor.u32 v18, v10;
	[tilespmem:v20+s30+$0x0] =	vst.idx.msk $0xffff, v19;
	v20 =	vld [tilespmem:$0x1FD50];
	_ =	sdelay $0x2  }
0x733: {  	v28 =	vld [tilespmem:$0x1FA70];
	_ =	sdelay $0x1  }
0x734: {  	v18 =	vld.idx.msk [tilespmem:v18+s24+$0x0], $0xffff;
	v20 =	vor.u32 v20, v8;
	_ =	sdelay $0x2  }
0x735: {  	v19 =	vor.u32 v28, v9  }
0x736: {  	v19 =	vand.u32 $0x78, v19  }
0x737: {  	v19 =	vor.u32 v19, v11;
	[tilespmem:v20+s30+$0x0] =	vst.idx.msk $0xffff, v18;
	v20 =	vld [tilespmem:$0x1FDA0];
	_ =	sdelay $0x4  }
0x738: {  	v19 =	vld.idx.msk [tilespmem:v19+s24+$0x0], $0xffff;
	v20 =	vor.u32 v20, v8;
	_ =	sdelay $0x2  }
0x739: {  	v29 =	vor.u32 v26, v9  }
0x73a: {  	v18 =	vand.u32 $0x78, v29  }
0x73b: {  	v18 =	vor.u32 v18, v14;
	[tilespmem:v20+s30+$0x0] =	vst.idx.msk $0xffff, v19;
	v20 =	vld [tilespmem:$0x1FDF0];
	_ =	sdelay $0x4  }
0x73c: {  	v18 =	vld.idx.msk [tilespmem:v18+s24+$0x0], $0xffff;
	v20 =	vor.u32 v20, v8;
	_ =	sdelay $0x2  }
0x73d: {  	v30 =	vor.u32 v23, v9  }
0x73e: {  	v19 =	vand.u32 $0x78, v30  }
0x73f: {  	v19 =	vor.u32 v19, v17;
	[tilespmem:v20+s30+$0x0] =	vst.idx.msk $0xffff, v18;
	v20 =	vld [tilespmem:$0x1FE40];
	_ =	sdelay $0x4  }
0x740: {  	v19 =	vld.idx.msk [tilespmem:v19+s24+$0x0], $0xffff;
	v20 =	vor.u32 v20, v8;
	_ =	sdelay $0x2  }
0x741: {  	v31 =	vor.u32 v24, v9  }
0x742: {  	v18 =	vand.u32 $0x78, v31  }
0x743: {  	v18 =	vor.u32 v18, v13;
	[tilespmem:v20+s30+$0x0] =	vst.idx.msk $0xffff, v19;
	v20 =	vld [tilespmem:$0x1FE50];
	_ =	sdelay $0x4  }
0x744: {  	v18 =	vld.idx.msk [tilespmem:v18+s24+$0x0], $0xffff;
	v20 =	vor.u32 v20, v8;
	_ =	sdelay $0x2  }
0x745: {  	v32 =	vor.u32 v2, v9  }
0x746: {  	v19 =	vand.u32 $0x78, v32  }
0x747: {  	v19 =	vor.u32 v19, v15;
	[tilespmem:v20+s30+$0x0] =	vst.idx.msk $0xffff, v18;
	v20 =	vld [tilespmem:$0x1FE60];
	_ =	sdelay $0x2  }
0x748: {  	v33 =	vld [tilespmem:$0x1FB50];
	_ =	sdelay $0x1  }
0x749: {  	v19 =	vld.idx.msk [tilespmem:v19+s24+$0x0], $0xffff;
	v20 =	vor.u32 v20, v8;
	_ =	sdelay $0x2  }
0x74a: {  	v18 =	vor.u32 v33, v9  }
0x74b: {  	v34 =	vld [tilespmem:$0x1FB60];
	v18 =	vand.u32 $0x78, v18  }
0x74c: {  	v18 =	vor.u32 v18, v16;
	[tilespmem:v20+s30+$0x0] =	vst.idx.msk $0xffff, v19;
	v20 =	vld [tilespmem:$0x1FE70];
	_ =	sdelay $0x3  }
0x74d: {  	v19 =	vor.u32 v34, v9  }
0x74e: {  	v19 =	vand.u32 $0x78, v19;
	v18 =	vld.idx.msk [tilespmem:v18+s24+$0x0], $0xffff;
	v20 =	vor.u32 v20, v8  }
0x74f: {  	v36 =	vld [tilespmem:$0x1FE80];
	v12 =	vor.u32 v19, v12;
	_ =	sdelay $0x3  }
0x750: {  	v35 =	vor.u32 v46, v9;
	[tilespmem:v20+s30+$0x0] =	vst.idx.msk $0xffff, v18  }
0x751: {  	v19 =	vor.u32 v36, v8;
	v18 =	vand.u32 $0x78, v35;
	v12 =	vld.idx.msk [tilespmem:v12+s24+$0x0], $0xffff  }
0x752: {  	v38 =	vld [tilespmem:$0x1FE90];
	v10 =	vor.u32 v18, v10;
	_ =	sdelay $0x3  }
0x753: {  	v37 =	vor.u32 v4, v9;
	[tilespmem:v19+s30+$0x0] =	vst.idx.msk $0xffff, v12  }
0x754: {  	v18 =	vor.u32 v38, v8;
	v12 =	vand.u32 $0x78, v37;
	v10 =	vld.idx.msk [tilespmem:v10+s24+$0x0], $0xffff  }
0x755: {  	v43 =	vld [tilespmem:$0x1FF80];
	v11 =	vor.u32 v12, v11;
	_ =	sdelay $0x3  }
0x756: {  	[tilespmem:v18+s30+$0x0] =	vst.idx.msk $0xffff, v10;
	v10 =	vor.u32 v1, v9  }
0x757: {  	v12 =	vor.u32 v43, v8;
	v11 =	vld.idx.msk [tilespmem:v11+s24+$0x0], $0xffff;
	v10 =	vand.u32 $0x78, v10  }
0x758: {  	v10 =	vor.u32 v10, v14;
	_ =	sdelay $0x3  }
0x759: {  	[tilespmem:v12+s30+$0x0] =	vst.idx.msk $0xffff, v11;
	v11 =	vor.u32 v3, v9  }
0x75a: {  	v48 =	vor.u32 v54, v8;
	v10 =	vld.idx.msk [tilespmem:v10+s24+$0x0], $0xffff;
	v11 =	vand.u32 $0x78, v11  }
0x75b: {  	v11 =	vor.u32 v11, v17;
	_ =	sdelay $0x3  }
0x75c: {  	[tilespmem:v48+s30+$0x0] =	vst.idx.msk $0xffff, v10;
	v10 =	vor.u32 v44, v9  }
0x75d: {  	v50 =	vor.u32 v45, v8;
	v11 =	vld.idx.msk [tilespmem:v11+s24+$0x0], $0xffff;
	v10 =	vand.u32 $0x78, v10  }
0x75e: {  	v10 =	vor.u32 v10, v13;
	_ =	sdelay $0x3  }
0x75f: {  	[tilespmem:v50+s30+$0x0] =	vst.idx.msk $0xffff, v11;
	v11 =	vor.u32 v47, v9  }
0x760: {  	v53 =	vor.u32 v0, v8;
	v10 =	vld.idx.msk [tilespmem:v10+s24+$0x0], $0xffff;
	v11 =	vand.u32 $0x78, v11  }
0x761: {  	v11 =	vor.u32 v11, v15;
	_ =	sdelay $0x3  }
0x762: {  	v9 =	vor.u32 v7, v9;
	[tilespmem:v53+s30+$0x0] =	vst.idx.msk $0xffff, v10  }
0x763: {  	v9 =	vand.u32 $0x78, v9;
	v10 =	vld.idx.msk [tilespmem:v11+s24+$0x0], $0xffff;
	v11 =	vor.u32 v6, v8  }
0x764: {  	v9 =	vor.u32 v9, v16;
	_ =	sdelay $0x3  }
0x765: {  	[tilespmem:v11+s30+$0x0] =	vst.idx.msk $0xffff, v10  }
0x766: {  	s10 =	simm.s32 $0x10;
	v8 =	vor.u32 v57, v8;
	v9 =	vld.idx.msk [tilespmem:v9+s24+$0x0], $0xffff  }
.LBB2_14:
0x767: {  	_ =	sdelay $0x3  }
0x768: {  	s8 =	sadd.s32 $0x10, s8;
	[tilespmem:v8+s30+$0x0] =	vst.idx.msk $0xffff, v9  }
0x769: {  	v8 =	vld [tilespmem:s8+$0x0];
	_ =	sdelay $0x3  }
0x76a: {  	s11 =	smov.u32 s10;
	v10 =	vlaneseq.u32  }
0x76b: {  	v9 =	vor.u32 s11, v10;
	v14 =	vshll.u32 v8, $0x5  }
0x76c: {  	v11 =	vld [tilespmem:$0x1FF20];
	v20 =	vshll.u32 v9, $0x7;
	v8 =	vor.u32 v10, v14;
	v10 =	vor.u32 v59, v14  }
0x76d: {  	v13 =	vor.u32 v60, v20;
	v10 =	vand.u32 $0x68, v10  }
0x76e: {  	v17 =	vor.u32 v10, v13;
	v10 =	vld [tilespmem:$0x1FBE0];
	_ =	sdelay $0x2  }
0x76f: {  	v15 =	vor.u32 v11, v20;
	v8 =	vand.u32 $0x68, v8  }
0x770: {  	v16 =	vor.u32 v8, v15  }
0x771: {  	v12 =	vor.u32 v10, v20;
	v10 =	vld [tilespmem:$0x1FFA0];
	_ =	sdelay $0x2  }
0x772: {  	v11 =	vld [tilespmem:$0x1FFB0];
	v8 =	vand.u32 $0xF8, v9;
	v9 =	vor.u32 v62, v14  }
0x773: {  	v9 =	vand.u32 $0x68, v9;
	v16 =	vld.idx.msk [tilespmem:v16+s24+$0x0], $0xffff  }
0x774: {  	v21 =	vor.u32 v58, v8;
	v18 =	vor.u32 v9, v12;
	v9 =	vld [tilespmem:$0x1FFD0];
	v10 =	vor.u32 v10, v14  }
0x775: {  	v37 =	vand.u32 $0x68, v10;
	v10 =	vld [tilespmem:$0x1FFC0];
	_ =	sdelay $0x2  }
0x776: {  	v30 =	vld [tilespmem:$0x1FCF0]  }
0x777: {  	v11 =	vor.u32 v11, v14;
	[tilespmem:v21+s30+$0x0] =	vst.idx.msk $0xffff, v16;
	v21 =	vld [tilespmem:$0x1FF60]  }
0x778: {  	v38 =	vand.u32 $0x68, v11;
	v9 =	vor.u32 v9, v14;
	v11 =	vor.u32 v10, v20;
	v10 =	vld [tilespmem:$0x1FFE0]  }
0x779: {  	v9 =	vand.u32 $0x68, v9  }
0x77a: {  	v43 =	vor.u32 v9, v11;
	v9 =	vld [tilespmem:$0x1FC60];
	_ =	sdelay $0x1  }
0x77b: {  	v29 =	vld [tilespmem:$0x1FCD0];
	v36 =	vor.u32 v30, v14  }
0x77c: {  	v30 =	vor.u32 v21, v14;
	v21 =	vor.u32 v61, v8;
	v61 =	vld [tilespmem:$0x1FA70];
	v10 =	vor.u32 v10, v14  }
0x77d: {  	v19 =	vand.u32 $0x68, v10;
	v10 =	vld [tilespmem:$0x1FFF0]  }
0x77e: {  	v28 =	vor.u32 v9, v14;
	v9 =	vld [tilespmem:$0x1FC70]  }
0x77f: {  	v32 =	vld [tilespmem:$0x1FF30]  }
0x780: {  	v31 =	vld [tilespmem:$0x1FD20]  }
0x781: {  	v60 =	vor.u32 v29, v14;
	v29 =	vor.u32 v61, v14;
	v61 =	vld [tilespmem:$0x1FB60]  }
0x782: {  	v10 =	vor.u32 v10, v20  }
0x783: {  	v9 =	vor.u32 v9, v20;
	v48 =	vor.u32 v19, v10;
	v19 =	vand.u32 $0x68, v28  }
0x784: {  	v58 =	vor.u32 v19, v9;
	v19 =	vor.u32 v32, v14  }
0x785: {  	v62 =	vor.u32 v24, v14;
	v16 =	vor.u32 v31, v14;
	v17 =	vld.idx.msk [tilespmem:v17+s24+$0x0], $0xffff;
	v50 =	vand.u32 $0x78, v19  }
0x786: {  	v16 =	vand.u32 $0x68, v16;
	v19 =	vor.u32 v61, v14;
	v31 =	vor.u32 v50, v15;
	v50 =	vld [tilespmem:$0x1FB50]  }
0x787: {  	v32 =	vor.u32 v16, v9;
	v16 =	vand.u32 $0x78, v62;
	v62 =	vand.u32 $0x78, v19;
	v19 =	vld [tilespmem:$0x1FBF0];
	_ =	sdelay $0x3  }
0x788: {  	[tilespmem:v21+s30+$0x0] =	vst.idx.msk $0xffff, v17  }
0x789: {  	v61 =	vld.idx.msk [tilespmem:v18+s24+$0x0], $0xffff;
	v24 =	vor.u32 v50, v14;
	v50 =	vor.u32 v19, v8;
	_ =	sdelay $0x3  }
0x78a: {  	v19 =	vld [tilespmem:$0x1FC00]  }
0x78b: {  	[tilespmem:v50+s30+$0x0] =	vst.idx.msk $0xffff, v61;
	v50 =	vld [tilespmem:$0x1FC10];
	_ =	sdelay $0x3  }
0x78c: {  	v19 =	vor.u32 v19, v20  }
0x78d: {  	v37 =	vor.u32 v37, v19;
	v61 =	vor.u32 v50, v8;
	v50 =	vld [tilespmem:$0x1FC20];
	_ =	sdelay $0x4  }
0x78e: {  	v37 =	vld.idx.msk [tilespmem:v37+s24+$0x0], $0xffff;
	v20 =	vor.u32 v50, v20  }
0x78f: {  	v50 =	vld [tilespmem:$0x1FC30];
	v38 =	vor.u32 v38, v20;
	_ =	sdelay $0x3  }
0x790: {  	[tilespmem:v61+s30+$0x0] =	vst.idx.msk $0xffff, v37  }
0x791: {  	v37 =	vld.idx.msk [tilespmem:v38+s24+$0x0], $0xffff;
	v38 =	vor.u32 v50, v8;
	_ =	sdelay $0x4  }
0x792: {  	[tilespmem:v38+s30+$0x0] =	vst.idx.msk $0xffff, v37  }
0x793: {  	v37 =	vld.idx.msk [tilespmem:v43+s24+$0x0], $0xffff  }
0x794: {  	v43 =	vld [tilespmem:$0x1FC40];
	_ =	sdelay $0x4  }
0x795: {  	v38 =	vor.u32 v43, v8  }
0x796: {  	v50 =	vld [tilespmem:$0x1FC50];
	_ =	sdelay $0x3  }
0x797: {  	v22 =	vld [tilespmem:$0x1FC90];
	[tilespmem:v38+s30+$0x0] =	vst.idx.msk $0xffff, v37  }
0x798: {  	v38 =	vor.u32 v50, v8;
	v37 =	vld.idx.msk [tilespmem:v48+s24+$0x0], $0xffff  }
0x799: {  	v43 =	vld [tilespmem:$0x1FC80];
	_ =	sdelay $0x3  }
0x79a: {  	v25 =	vld [tilespmem:$0x1FCB0];
	v22 =	vor.u32 v22, v14;
	[tilespmem:v38+s30+$0x0] =	vst.idx.msk $0xffff, v37  }
0x79b: {  	v22 =	vand.u32 $0x68, v22;
	v38 =	vor.u32 v43, v8;
	v37 =	vld.idx.msk [tilespmem:v58+s24+$0x0], $0xffff  }
0x79c: {  	v59 =	vor.u32 v22, v15;
	v48 =	vld [tilespmem:$0x1FCA0];
	_ =	sdelay $0x3  }
0x79d: {  	v53 =	vor.u32 v25, v14;
	[tilespmem:v38+s30+$0x0] =	vst.idx.msk $0xffff, v37  }
0x79e: {  	v50 =	vand.u32 $0x68, v53;
	v38 =	vor.u32 v48, v8;
	v37 =	vld.idx.msk [tilespmem:v59+s24+$0x0], $0xffff  }
0x79f: {  	v43 =	vor.u32 v50, v13;
	v48 =	vld [tilespmem:$0x1FCC0];
	_ =	sdelay $0x3  }
0x7a0: {  	[tilespmem:v38+s30+$0x0] =	vst.idx.msk $0xffff, v37  }
0x7a1: {  	v50 =	vand.u32 $0x68, v60;
	v38 =	vor.u32 v48, v8;
	v37 =	vld.idx.msk [tilespmem:v43+s24+$0x0], $0xffff  }
0x7a2: {  	v43 =	vor.u32 v50, v12;
	_ =	sdelay $0x3  }
0x7a3: {  	[tilespmem:v38+s30+$0x0] =	vst.idx.msk $0xffff, v37  }
0x7a4: {  	v37 =	vld.idx.msk [tilespmem:v43+s24+$0x0], $0xffff  }
0x7a5: {  	v43 =	vld [tilespmem:$0x1FCE0];
	_ =	sdelay $0x4  }
0x7a6: {  	v36 =	vand.u32 $0x68, v36;
	v38 =	vor.u32 v43, v8  }
0x7a7: {  	v36 =	vor.u32 v36, v19;
	v48 =	vld [tilespmem:$0x1FD00];
	_ =	sdelay $0x3  }
0x7a8: {  	v35 =	vor.u32 v49, v14;
	[tilespmem:v38+s30+$0x0] =	vst.idx.msk $0xffff, v37  }
0x7a9: {  	v35 =	vand.u32 $0x68, v35;
	v37 =	vor.u32 v48, v8;
	v36 =	vld.idx.msk [tilespmem:v36+s24+$0x0], $0xffff  }
0x7aa: {  	v35 =	vor.u32 v35, v20;
	v50 =	vld [tilespmem:$0x1FD10];
	_ =	sdelay $0x3  }
0x7ab: {  	v34 =	vor.u32 v51, v14;
	[tilespmem:v37+s30+$0x0] =	vst.idx.msk $0xffff, v36  }
0x7ac: {  	v34 =	vand.u32 $0x68, v34;
	v36 =	vor.u32 v50, v8;
	v35 =	vld.idx.msk [tilespmem:v35+s24+$0x0], $0xffff  }
0x7ad: {  	v34 =	vor.u32 v34, v11;
	v53 =	vld [tilespmem:$0x1FF70];
	_ =	sdelay $0x3  }
0x7ae: {  	v33 =	vor.u32 v55, v14;
	[tilespmem:v36+s30+$0x0] =	vst.idx.msk $0xffff, v35  }
0x7af: {  	v33 =	vand.u32 $0x68, v33;
	v37 =	vor.u32 v53, v8;
	v34 =	vld.idx.msk [tilespmem:v34+s24+$0x0], $0xffff  }
0x7b0: {  	v33 =	vor.u32 v33, v10;
	_ =	sdelay $0x3  }
0x7b1: {  	[tilespmem:v37+s30+$0x0] =	vst.idx.msk $0xffff, v34  }
0x7b2: {  	v38 =	vor.u32 v52, v8;
	v33 =	vld.idx.msk [tilespmem:v33+s24+$0x0], $0xffff  }
0x7b3: {  	v43 =	vld [tilespmem:$0x1FD30];
	_ =	sdelay $0x3  }
0x7b4: {  	[tilespmem:v38+s30+$0x0] =	vst.idx.msk $0xffff, v33  }
0x7b5: {  	v33 =	vor.u32 v43, v8;
	v32 =	vld.idx.msk [tilespmem:v32+s24+$0x0], $0xffff  }
0x7b6: {  	v48 =	vld [tilespmem:$0x1FD40];
	_ =	sdelay $0x3  }
0x7b7: {  	[tilespmem:v33+s30+$0x0] =	vst.idx.msk $0xffff, v32  }
0x7b8: {  	v30 =	vand.u32 $0x78, v30;
	v32 =	vor.u32 v48, v8;
	v31 =	vld.idx.msk [tilespmem:v31+s24+$0x0], $0xffff  }
0x7b9: {  	v30 =	vor.u32 v30, v13;
	v50 =	vld [tilespmem:$0x1FD50];
	_ =	sdelay $0x3  }
0x7ba: {  	[tilespmem:v32+s30+$0x0] =	vst.idx.msk $0xffff, v31  }
0x7bb: {  	v29 =	vand.u32 $0x78, v29;
	v31 =	vor.u32 v50, v8;
	v30 =	vld.idx.msk [tilespmem:v30+s24+$0x0], $0xffff  }
0x7bc: {  	v29 =	vor.u32 v29, v12;
	v33 =	vld [tilespmem:$0x1FDA0];
	_ =	sdelay $0x3  }
0x7bd: {  	v28 =	vor.u32 v26, v14;
	[tilespmem:v31+s30+$0x0] =	vst.idx.msk $0xffff, v30  }
0x7be: {  	v28 =	vand.u32 $0x78, v28;
	v30 =	vor.u32 v33, v8;
	v29 =	vld.idx.msk [tilespmem:v29+s24+$0x0], $0xffff  }
0x7bf: {  	v28 =	vor.u32 v28, v19;
	v34 =	vld [tilespmem:$0x1FDF0];
	_ =	sdelay $0x3  }
0x7c0: {  	v27 =	vor.u32 v23, v14;
	[tilespmem:v30+s30+$0x0] =	vst.idx.msk $0xffff, v29  }
0x7c1: {  	v27 =	vand.u32 $0x78, v27;
	v29 =	vor.u32 v34, v8;
	v28 =	vld.idx.msk [tilespmem:v28+s24+$0x0], $0xffff  }
0x7c2: {  	v27 =	vor.u32 v27, v20;
	v35 =	vld [tilespmem:$0x1FE40];
	_ =	sdelay $0x3  }
0x7c3: {  	[tilespmem:v29+s30+$0x0] =	vst.idx.msk $0xffff, v28  }
0x7c4: {  	v28 =	vor.u32 v35, v8;
	v27 =	vld.idx.msk [tilespmem:v27+s24+$0x0], $0xffff;
	_ =	sdelay $0x4  }
0x7c5: {  	v26 =	vor.u32 v16, v11;
	[tilespmem:v28+s30+$0x0] =	vst.idx.msk $0xffff, v27;
	v27 =	vld [tilespmem:$0x1FE50];
	_ =	sdelay $0x4  }
0x7c6: {  	v26 =	vld.idx.msk [tilespmem:v26+s24+$0x0], $0xffff;
	v27 =	vor.u32 v27, v8;
	_ =	sdelay $0x2  }
0x7c7: {  	v25 =	vor.u32 v2, v14  }
0x7c8: {  	v25 =	vand.u32 $0x78, v25  }
0x7c9: {  	v25 =	vor.u32 v25, v10;
	[tilespmem:v27+s30+$0x0] =	vst.idx.msk $0xffff, v26;
	v26 =	vld [tilespmem:$0x1FE60];
	_ =	sdelay $0x4  }
0x7ca: {  	v25 =	vld.idx.msk [tilespmem:v25+s24+$0x0], $0xffff;
	v26 =	vor.u32 v26, v8;
	_ =	sdelay $0x3  }
0x7cb: {  	v24 =	vand.u32 $0x78, v24  }
0x7cc: {  	v24 =	vor.u32 v24, v9;
	[tilespmem:v26+s30+$0x0] =	vst.idx.msk $0xffff, v25;
	v25 =	vld [tilespmem:$0x1FE70];
	_ =	sdelay $0x4  }
0x7cd: {  	v24 =	vld.idx.msk [tilespmem:v24+s24+$0x0], $0xffff;
	v25 =	vor.u32 v25, v8;
	_ =	sdelay $0x4  }
0x7ce: {  	v23 =	vor.u32 v62, v15;
	[tilespmem:v25+s30+$0x0] =	vst.idx.msk $0xffff, v24;
	v24 =	vld [tilespmem:$0x1FE80];
	_ =	sdelay $0x3  }
0x7cf: {  	v22 =	vor.u32 v46, v14  }
0x7d0: {  	v22 =	vand.u32 $0x78, v22;
	v23 =	vld.idx.msk [tilespmem:v23+s24+$0x0], $0xffff;
	v24 =	vor.u32 v24, v8  }
0x7d1: {  	v13 =	vor.u32 v22, v13;
	v22 =	vld [tilespmem:$0x1FE90];
	_ =	sdelay $0x3  }
0x7d2: {  	v21 =	vor.u32 v4, v14;
	[tilespmem:v24+s30+$0x0] =	vst.idx.msk $0xffff, v23  }
0x7d3: {  	v21 =	vand.u32 $0x78, v21;
	v22 =	vor.u32 v22, v8;
	v13 =	vld.idx.msk [tilespmem:v13+s24+$0x0], $0xffff  }
0x7d4: {  	v12 =	vor.u32 v21, v12;
	v36 =	vld [tilespmem:$0x1FF80];
	_ =	sdelay $0x3  }
0x7d5: {  	v18 =	vor.u32 v1, v14;
	[tilespmem:v22+s30+$0x0] =	vst.idx.msk $0xffff, v13  }
0x7d6: {  	v18 =	vand.u32 $0x78, v18;
	v13 =	vor.u32 v36, v8;
	v12 =	vld.idx.msk [tilespmem:v12+s24+$0x0], $0xffff  }
0x7d7: {  	v18 =	vor.u32 v18, v19;
	_ =	sdelay $0x3  }
0x7d8: {  	v17 =	vor.u32 v3, v14;
	[tilespmem:v13+s30+$0x0] =	vst.idx.msk $0xffff, v12  }
0x7d9: {  	v17 =	vand.u32 $0x78, v17;
	v37 =	vor.u32 v54, v8;
	v12 =	vld.idx.msk [tilespmem:v18+s24+$0x0], $0xffff  }
0x7da: {  	v17 =	vor.u32 v17, v20;
	_ =	sdelay $0x3  }
0x7db: {  	v16 =	vor.u32 v44, v14;
	[tilespmem:v37+s30+$0x0] =	vst.idx.msk $0xffff, v12  }
0x7dc: {  	v16 =	vand.u32 $0x78, v16;
	v38 =	vor.u32 v45, v8;
	v12 =	vld.idx.msk [tilespmem:v17+s24+$0x0], $0xffff  }
0x7dd: {  	v11 =	vor.u32 v16, v11;
	_ =	sdelay $0x3  }
0x7de: {  	v15 =	vor.u32 v47, v14;
	[tilespmem:v38+s30+$0x0] =	vst.idx.msk $0xffff, v12  }
0x7df: {  	v43 =	vor.u32 v0, v8;
	v48 =	vand.u32 $0x78, v15;
	v11 =	vld.idx.msk [tilespmem:v11+s24+$0x0], $0xffff  }
0x7e0: {  	v10 =	vor.u32 v48, v10;
	_ =	sdelay $0x3  }
0x7e1: {  	v14 =	vor.u32 v7, v14;
	[tilespmem:v43+s30+$0x0] =	vst.idx.msk $0xffff, v11  }
0x7e2: {  	v50 =	vand.u32 $0x78, v14;
	v11 =	vor.u32 v6, v8;
	v10 =	vld.idx.msk [tilespmem:v10+s24+$0x0], $0xffff  }
0x7e3: {  	p0 =	sne.s32 s10, $0xF0;
	v9 =	vor.u32 v50, v9  }
.Ltmp6:
0x7e4: {  	_ = 	snop;
	(pc) =	sbr.rel @p0 .LBB2_14-.Ltmp6, $3  }
0x7e5: {  	_ =	sdelay $0x1  }
0x7e6: {  	v62 =	vmov v42;
	v61 =	vmov v41;
	v60 =	vmov v40;
	v26 =	vld [tilespmem:$0x1FAD0];
	[tilespmem:v11+s30+$0x0] =	vst.idx.msk $0xffff, v10  }
0x7e7: {  	s10 =	sadd.s32 $0x10, s10;
	v58 =	vmovc v63;
	v59 =	vmovc v39;
	v24 =	vmov v56;
	v23 =	vmov v5;
	v8 =	vor.u32 v57, v8;
	v9 =	vld.idx.msk [tilespmem:v9+s24+$0x0], $0xffff  }
0x7e8: {  	_ =	sdelay $0x3  }
0x7e9: {  	s8 =	rddreg [dreg:$0x9];
	[tilespmem:v8+s30+$0x0] =	vst.idx.msk $0xffff, v9  }
0x7ea: {  	[hbm4b:s8+s19] =	stream.strided.scatter [tilespmem:s30], [sflag:$0x6], $0x2000, s28, s19, $0x38;
	[tilespmem:$0x14400] =	vst v63  }
0x7eb: {  	_ =	swait.ge [sflag:s31], $0x2000  }
0x7ec: {  	[sflag:s31] =	ssyncset.done $0x0  }
0x7ed: {  	[sflag:s31] =	ssyncadd.s32 $0xFFFFE000  }
0x7ee: {  	_ =	swait.ge [sflag:s2], $0x2000  }
0x7ef: {  	s3 =	sadd.s32 $0x1, s3;
	v21 =	vld [tilespmem:$0x1FFA0]  }
0x7f0: {  	p0 =	sne.s32 s3, s17;
	v50 =	vld [tilespmem:$0x1FFB0]  }
.Ltmp7:
0x7f1: {  	v63 =	vld [tilespmem:$0x1FFD0];
	(pc) =	sbr.rel @p0 .LBB2_1-.Ltmp7, $4  }
0x7f2: {  	v42 =	vld [tilespmem:$0x1FFC0]  }
0x7f3: {  	v41 =	vld [tilespmem:$0x1FFE0]  }
0x7f4: {  	[sflag:s2] =	ssyncset.done $0x0;
	v56 =	vld [tilespmem:$0x1FFF0]  }
0x7f5: {  	v43 =	vmovc v49;
	v48 =	vmovc v51;
	v49 =	vmov v55;
	v51 =	vmov v52;
	v7 =	vlaneseq.u32;
	v40 =	vld [tilespmem:$0x1FF80];
	[sflag:s2] =	ssyncadd.s32 $0xFFFFE000  }
0x7f6: {  	_ =	sfence.sel $0x180000  }
0x7f7: {  	[bflag:$0x0] =	sbarrier.arrive $0xFFFF  }
0x7f8: {  	_ =	strace $0x90000047  }
0x7f9: {  	s0 =	stileid.u32;
	[bflag:$0x2] =	sbarrier.arrive $0xFFFF  }
0x7fa: {  	p0 =	sne.s32 s0, $0x0;
	s0 =	rddreg [dreg:$0x3]  }
0x7fb: {  	s0 =	sadd.s32 @!p0 $0x100000, s0  }
0x7fc: {  	[sflag:s0] =	ssyncadd.tile.s32 @!p0 $0x1;
	_ =	shalt  }
.Lfunc_end2:
_tile_overlayer_lowered:
.L_overlay_start_2:
0x7fd: {  	(tag) =	ssettag $0x2  }
0x7fe: {  	s0 =	rddreg [dreg:$0x0];
	s2 =	stileid.u32  }
0x7ff: {  	s1 =	rddreg [dreg:$0x1];
	p0 =	sne.s32 s2, $0x0  }
0x800: {  	s3 =	rddreg [dreg:$0x2];
	[bflag:$0x3] =	sbarrier.arrive $0xFFFF;
	s2 =	simm.s32 @!p0 $0x1C07  }
0x801: {  	[timem:s3], [sflag:s2] =	dma.local @!p0 [hbm:s0], s1  }
0x802: {  	s0 =	simm.s32 @!p0 $0x7  }
0x803: {  	_ =	swait.ge @!p0 [sflag:s0], s1  }
0x804: {  	s1 =	ssub.s32 @!p0 $0x0, s1;
	[sflag:s0] =	ssyncset.done @!p0 $0x0  }
0x805: {  	[sflag:s0] =	ssyncadd.s32 @!p0 s1  }
0x806: {  	[bflag:$0x3] =	sbarrier.arrive $0xFFFF  }
0x807: {  	_ =	shalt  }

</sc_bundles>
